<compile_context>
chip_gen: v7x
topology: tpu7x:2x2x1
jax: 0.10.2.dev20260603
libtpu: 0.0.44.dev20260713+nightly
codegen_flags: <defaults>
</compile_context>

<pallas_src>
import dataclasses
import functools

import jax
import jax.numpy as jnp
from jax import lax
from jax.experimental import pallas as pl
from jax.experimental.pallas import tpu as pltpu
from jax.experimental.pallas import tpu_sc as plsc

N = 10000
D = 128
H = 8
C = 16
HID = 128
NG = 64
E = 320000

NC = 2
NS = 16
NW = NC * NS
EP = 331776
EPW = EP // NW
CHUNK = 48
NCHUNK = EPW // CHUNK
ROW = 144
ACC_R = 10112
ZR = ACC_R // NS

RBLK = 1000
GRID_N = N // RBLK

_EPS_DEN = 1e-16
_EPS_LN = 1e-5


def _compiler_params():
    cp = pltpu.CompilerParams()
    fields = pltpu.CompilerParams.__dataclass_fields__
    if "needs_layout_passes" in fields:
        cp = dataclasses.replace(cp, needs_layout_passes=False)
    if "use_tc_tiling_on_sc" in fields:
        cp = dataclasses.replace(cp, use_tc_tiling_on_sc=False)
    return cp


@functools.lru_cache(maxsize=1)
def _build_sc_edge():
    mesh = plsc.VectorSubcoreMesh(core_axis_name="c", subcore_axis_name="s")
    return pl.kernel(
        _sc_edge_body,
        out_type=jax.ShapeDtypeStruct((NC, ACC_R, ROW), jnp.float32),
        mesh=mesh,
        scratch_types=[
            pltpu.VMEM((CHUNK,), jnp.int32),
            pltpu.VMEM((CHUNK,), jnp.int32),
            pltpu.VMEM((CHUNK, D), jnp.float32),
            pltpu.VMEM((CHUNK, D), jnp.float32),
            pltpu.VMEM((CHUNK,), jnp.int32),
            pltpu.VMEM((CHUNK,), jnp.int32),
            pltpu.VMEM((CHUNK, D), jnp.float32),
            pltpu.VMEM((CHUNK, D), jnp.float32),
            pltpu.VMEM((CHUNK, ROW), jnp.float32),
            pltpu.VMEM((CHUNK, ROW), jnp.float32),
            pltpu.VMEM((CHUNK,), jnp.int32),
            pltpu.VMEM((CHUNK,), jnp.int32),
            pltpu.VMEM((H, C), jnp.float32),
            pltpu.VMEM_SHARED((ACC_R, ROW), jnp.float32),
            pltpu.SemaphoreType.DMA,
            pltpu.SemaphoreType.DMA,
            pltpu.SemaphoreType.DMA,
            pltpu.SemaphoreType.DMA,
            pltpu.SemaphoreType.DMA,
            pltpu.SemaphoreType.DMA,
            pltpu.SemaphoreType.DMA,
            pltpu.SemaphoreType.DMA,
            pltpu.SemaphoreType.DMA,
            pltpu.SemaphoreType.DMA,
        ],
        compiler_params=_compiler_params(),
    )


def _sc_edge(xl, xrp, src, dst, att, zrow):
    return _build_sc_edge()(xl, xrp, src, dst, att, zrow)


def _sc_edge_body(xl_hbm, xr_hbm, src_hbm, dst_hbm, att_hbm, zero_hbm, out_hbm,
                  idx_s0, idx_d0, a0, b0, idx_s1, idx_d1, a1, b1,
                  y0, y1, sd0, sd1, att_v, acc,
                  sa0, sb0, sa1, sb1, so0, so1,
                  si_s0, si_d0, si_s1, si_d1):
    c = lax.axis_index("c")
    s = lax.axis_index("s")
    wid = c * NS + s

    pltpu.sync_copy(att_hbm, att_v)
    pltpu.sync_copy(zero_hbm, acc.at[pl.ds(s * ZR, ZR)])
    plsc.subcore_barrier()

    attv = [att_v[h, :] for h in range(H)]
    lanes = lax.iota(jnp.int32, 16)
    laneh = [lanes == h for h in range(H)]
    sets = ((idx_s0, idx_d0, a0, b0, sa0, sb0, si_s0, si_d0),
            (idx_s1, idx_d1, a1, b1, sa1, sb1, si_s1, si_d1))

    def _fetch_idx(k, st):
        base = wid * EPW + k * CHUNK
        pltpu.async_copy(src_hbm.at[pl.ds(base, CHUNK)], st[0], st[6])
        pltpu.async_copy(dst_hbm.at[pl.ds(base, CHUNK)], st[1], st[7])

    def _gathers(k, st):
        base = wid * EPW + k * CHUNK
        pltpu.make_async_copy(src_hbm.at[pl.ds(base, CHUNK)], st[0], st[6]).wait()
        pltpu.make_async_copy(dst_hbm.at[pl.ds(base, CHUNK)], st[1], st[7]).wait()
        pltpu.async_copy(xl_hbm.at[st[0]], st[2], st[4])
        pltpu.async_copy(xr_hbm.at[st[1]], st[3], st[5])

    def _wait_rows(st):
        pltpu.make_async_copy(xl_hbm.at[st[0]], st[2], st[4]).wait()
        pltpu.make_async_copy(xr_hbm.at[st[1]], st[3], st[5]).wait()

    def _compute(idx_d, a_buf, b_buf, y_buf, sd, so, p, prefetch):
        @pl.when(p > 0)
        def _():
            pltpu.make_async_copy(y_buf, acc.at[sd], so).wait()
        for i in range(CHUNK // 16):
            sd[pl.ds(i * 16, 16)] = idx_d[pl.ds(i * 16, 16)]
        prefetch()

        @plsc.parallel_loop(0, CHUNK)
        def _edge(e):
            den = jnp.zeros((16,), jnp.float32)
            for h in range(H):
                av = a_buf[e, pl.ds(h * C, C)]
                bv = b_buf[e, pl.ds(h * C, C)]
                z = av + bv
                zl = jnp.maximum(z, 0.2 * z)
                logit = jnp.sum(zl * attv[h])
                exb = jnp.exp(jnp.broadcast_to(logit, (16,)))
                y_buf[e, pl.ds(h * C, C)] = av * exb
                den = jnp.where(laneh[h], exb, den)
            y_buf[e, pl.ds(128, 16)] = den

        pltpu.async_copy(y_buf, acc.at[sd], so, add=True)

    _fetch_idx(0, sets[0])
    _fetch_idx(1, sets[1])
    _gathers(0, sets[0])

    @pl.loop(0, NCHUNK // 2)
    def _pair(p):
        k = 2 * p
        more = p + 1 < NCHUNK // 2
        _wait_rows(sets[0])
        _gathers(k + 1, sets[1])

        def _pf0():
            @pl.when(more)
            def _():
                _fetch_idx(k + 2, sets[0])

        _compute(idx_d0, a0, b0, y0, sd0, so0, p, _pf0)
        _wait_rows(sets[1])

        @pl.when(more)
        def _():
            _gathers(k + 2, sets[0])

        def _pf1():
            @pl.when(more)
            def _():
                _fetch_idx(k + 3, sets[1])

        _compute(idx_d1, a1, b1, y1, sd1, so1, p, _pf1)

    pltpu.make_async_copy(y0, acc.at[sd0], so0).wait()
    pltpu.make_async_copy(y1, acc.at[sd1], so1).wait()
    plsc.subcore_barrier()
    pltpu.sync_copy(acc.at[pl.ds(s * ZR, ZR)], out_hbm.at[c, pl.ds(s * ZR, ZR)])


def _mm2_body(x_ref, wl_ref, wr_ref, ol_ref, or_ref):
    xb = x_ref[...]
    ol_ref[...] = jnp.dot(xb, wl_ref[...], preferred_element_type=jnp.float32)
    or_ref[...] = jnp.dot(xb, wr_ref[...], preferred_element_type=jnp.float32)


def _mm2(x, wl, wr):
    return pl.pallas_call(
        _mm2_body,
        grid=(GRID_N,),
        in_specs=[
            pl.BlockSpec((RBLK, D), lambda i: (i, 0)),
            pl.BlockSpec((D, HID), lambda i: (0, 0)),
            pl.BlockSpec((D, HID), lambda i: (0, 0)),
        ],
        out_specs=[
            pl.BlockSpec((RBLK, HID), lambda i: (i, 0)),
            pl.BlockSpec((RBLK, HID), lambda i: (i, 0)),
        ],
        out_shape=[jax.ShapeDtypeStruct((N, HID), jnp.float32)] * 2,
    )(x, wl, wr)


def _node_post(acc_ref, b_ref, g_ref, be_ref):
    p = acc_ref[0] + acc_ref[1]
    y = p[:, 0:128]
    den8 = p[:, 128:136]
    hh = lax.broadcasted_iota(jnp.int32, (H, HID), 0)
    cc = lax.broadcasted_iota(jnp.int32, (H, HID), 1) // C
    sel = (hh == cc).astype(jnp.float32)
    den = jnp.dot(den8, sel, preferred_element_type=jnp.float32)
    hcat = y / (den + _EPS_DEN) + b_ref[...]
    mu = jnp.mean(hcat, axis=1, keepdims=True)
    var = jnp.mean((hcat - mu) ** 2, axis=1, keepdims=True)
    hn = g_ref[...] * (hcat - mu) * lax.rsqrt(var + _EPS_LN) + be_ref[...]
    return hn * jax.nn.sigmoid(hn)


def _post_mm_body(acc_ref, b_ref, g_ref, be_ref, wl_ref, wr_ref, ol_ref, or_ref):
    hs = _node_post(acc_ref, b_ref, g_ref, be_ref)
    ol_ref[...] = jnp.dot(hs, wl_ref[...], preferred_element_type=jnp.float32)
    or_ref[...] = jnp.dot(hs, wr_ref[...], preferred_element_type=jnp.float32)


def _post_mm(acc, b, g, be, wl, wr):
    return pl.pallas_call(
        _post_mm_body,
        grid=(GRID_N,),
        in_specs=[
            pl.BlockSpec((NC, RBLK, ROW), lambda i: (0, i, 0)),
            pl.BlockSpec((1, HID), lambda i: (0, 0)),
            pl.BlockSpec((1, HID), lambda i: (0, 0)),
            pl.BlockSpec((1, HID), lambda i: (0, 0)),
            pl.BlockSpec((D, HID), lambda i: (0, 0)),
            pl.BlockSpec((D, HID), lambda i: (0, 0)),
        ],
        out_specs=[
            pl.BlockSpec((RBLK, HID), lambda i: (i, 0)),
            pl.BlockSpec((RBLK, HID), lambda i: (i, 0)),
        ],
        out_shape=[jax.ShapeDtypeStruct((N, HID), jnp.float32)] * 2,
    )(acc, b, g, be, wl, wr)


def _final_body(acc_ref, b_ref, g_ref, be_ref, batch_ref, o_ref, sums_ref, cnt_ref):
    i = pl.program_id(0)
    hs = _node_post(acc_ref, b_ref, g_ref, be_ref)
    bk = batch_ref[0, 0, :]
    onehot = (bk[:, None] == lax.broadcasted_iota(jnp.int32, (RBLK, NG), 1))
    onehot = onehot.astype(jnp.float32)
    dnums = (((0,), (0,)), ((), ()))

    @pl.when(i == 0)
    def _():
        sums_ref[...] = jnp.zeros_like(sums_ref)
        cnt_ref[...] = jnp.zeros_like(cnt_ref)

    sums_ref[...] += lax.dot_general(onehot, hs, dnums,
                                     preferred_element_type=jnp.float32)
    cnt_ref[...] += lax.dot_general(onehot, jnp.ones((RBLK, HID), jnp.float32),
                                    dnums, preferred_element_type=jnp.float32)

    @pl.when(i == GRID_N - 1)
    def _():
        o_ref[...] = sums_ref[...] / jnp.maximum(cnt_ref[...], 1.0)


def _final(acc, b, g, be, batch3):
    return pl.pallas_call(
        _final_body,
        grid=(GRID_N,),
        in_specs=[
            pl.BlockSpec((NC, RBLK, ROW), lambda i: (0, i, 0)),
            pl.BlockSpec((1, HID), lambda i: (0, 0)),
            pl.BlockSpec((1, HID), lambda i: (0, 0)),
            pl.BlockSpec((1, HID), lambda i: (0, 0)),
            pl.BlockSpec((1, 1, RBLK), lambda i: (i, 0, 0)),
        ],
        out_specs=pl.BlockSpec((NG, HID), lambda i: (0, 0)),
        out_shape=jax.ShapeDtypeStruct((NG, HID), jnp.float32),
        scratch_shapes=[
            pltpu.VMEM((NG, HID), jnp.float32),
            pltpu.VMEM((NG, HID), jnp.float32),
        ],
    )(acc, b, g, be, batch3)


def kernel(x, edge_index, batch, Wl0, Wr0, att0, b0, g0, be0,
           Wl1, Wr1, att1, b1, g1, be1):
    loopi = jnp.arange(N, dtype=jnp.int32)
    npad = EP - (E + N)
    src = jnp.concatenate(
        [edge_index[0].astype(jnp.int32), loopi, jnp.zeros((npad,), jnp.int32)])
    dst = jnp.concatenate(
        [edge_index[1].astype(jnp.int32), loopi, jnp.full((npad,), N, jnp.int32)])
    zrow = jnp.zeros((ZR, ROW), jnp.float32)
    zpad = jnp.zeros((1, HID), jnp.float32)
    b0r, g0r, be0r = b0[None, :], g0[None, :], be0[None, :]
    b1r, g1r, be1r = b1[None, :], g1[None, :], be1[None, :]
    batch3 = batch.astype(jnp.int32).reshape(GRID_N, 1, RBLK)

    xl0, xr0 = _mm2(x, Wl0, Wr0)
    xr0p = jnp.concatenate([xr0, zpad], axis=0)
    acc0 = _sc_edge(xl0, xr0p, src, dst, att0, zrow)
    xl1, xr1 = _post_mm(acc0, b0r, g0r, be0r, Wl1, Wr1)
    xr1p = jnp.concatenate([xr1, zpad], axis=0)
    acc1 = _sc_edge(xl1, xr1p, src, dst, att1, zrow)
    return _final(acc1, b1r, g1r, be1r, batch3)

# --- scband reference (transcript-rebuilt; emitter-appended) ---
"""Pipeline reference for scband-gatv2-backbone-87814901334495 (READ-ONLY COPY).

The authoritative reference and input builder live on the scoring server;
editing this copy changes nothing except your own understanding.
"""

import jax, jax.numpy as jnp
import numpy as np

N = 10000
E = 320000
D = 128
H = 8
C = 16
HID = 128
NG = 64


def setup_inputs(seed: int = 0) -> dict:
    key = jax.random.key(seed)
    ks = jax.random.split(key, 16)
    x = jax.random.normal(ks[0], (N, D), dtype=jnp.float32)
    edge_index = jax.random.randint(ks[1], (2, E), 0, N, dtype=jnp.int32)
    batch = jnp.sort(jax.random.randint(ks[2], (N,), 0, NG, dtype=jnp.int32))

    def glorot(k, shape):
        lim = (6.0 / (shape[0] + shape[-1])) ** 0.5
        return jax.random.uniform(k, shape, dtype=jnp.float32, minval=-lim, maxval=lim)

    dims = [D, HID]
    params = {}
    for i in range(2):
        params['Wl%d' % i] = glorot(ks[3 + 4 * i], (dims[i], HID))
        params['Wr%d' % i] = glorot(ks[4 + 4 * i], (dims[i], HID))
        params['att%d' % i] = glorot(ks[5 + 4 * i], (H, C))
        params['b%d' % i] = jnp.zeros((HID,), dtype=jnp.float32)
        params['g%d' % i] = jnp.ones((HID,), dtype=jnp.float32)
        params['be%d' % i] = jnp.zeros((HID,), dtype=jnp.float32)
    return {'x': x, 'edge_index': edge_index, 'batch': batch, **params}


def _gat_layer(x, src, dst, Wl, Wr, att, b):
    n = x.shape[0]
    h, c = att.shape
    xl = (x @ Wl).reshape(n, h, c)
    xr = (x @ Wr).reshape(n, h, c)
    e = xl[src] + xr[dst]
    e = jnp.where(e > 0, e, 0.2 * e)  # LeakyReLU(0.2), GATv2 default
    logits = jnp.sum(e * att[None, :, :], axis=-1)  # [E, H]
    m = jax.lax.stop_gradient(jax.ops.segment_max(logits, dst, num_segments=n))
    ex = jnp.exp(logits - m[dst])
    den = jax.ops.segment_sum(ex, dst, num_segments=n)
    alpha = ex / (den[dst] + 1e-16)
    out = jax.ops.segment_sum(alpha[:, :, None] * xl[src], dst, num_segments=n)
    return out.reshape(n, h * c) + b


def _ln(x, g, b):
    mu = jnp.mean(x, axis=-1, keepdims=True)
    var = jnp.mean((x - mu) ** 2, axis=-1, keepdims=True)
    return g * (x - mu) / jnp.sqrt(var + 1e-5) + b


def _silu(x):
    return x * jax.nn.sigmoid(x)


def _forward(x, edge_index, batch, Wl0, Wr0, att0, b0, g0, be0, Wl1, Wr1, att1, b1, g1, be1):
    n = x.shape[0]
    loop = jnp.arange(n, dtype=edge_index.dtype)
    src = jnp.concatenate([edge_index[0], loop])  # add_self_loops=True
    dst = jnp.concatenate([edge_index[1], loop])
    h = _gat_layer(x, src, dst, Wl0, Wr0, att0, b0)
    h = _silu(_ln(h, g0, be0))
    h = _gat_layer(h, src, dst, Wl1, Wr1, att1, b1)
    h = _silu(_ln(h, g1, be1))
    sums = jax.ops.segment_sum(h, batch, num_segments=NG)
    counts = jax.ops.segment_sum(jnp.ones((n,), dtype=h.dtype), batch, num_segments=NG)
    return sums / jnp.maximum(counts, 1.0)[:, None]  # global_mean_pool


def reference(x, edge_index, batch, Wl0, Wr0, att0, b0, g0, be0, Wl1, Wr1, att1, b1, g1, be1):
    return _forward(x, edge_index, batch, Wl0, Wr0, att0, b0, g0, be0, Wl1, Wr1, att1, b1, g1, be1)

if __name__ == "__main__":
    import jax
    _d = setup_inputs()
    print(jax.jit(kernel)(*tuple(_d.values())))

</pallas_src>

<mosaic_0001>
#map = affine_map<(d0, d1) -> (0, 0)>
#map1 = affine_map<(d0, d1) -> (0)>
#map2 = affine_map<(d0, d1) -> (0, 0, 0)>
module attributes {stable_mosaic.version = 14 : i64} {
  func.func @_sc_edge_body(%arg0: i32, %arg1: i32, %arg2: memref<10000x128xf32, #tpu.memory_space<hbm>>, %arg3: memref<10001x128xf32, #tpu.memory_space<hbm>>, %arg4: memref<331776xi32, #tpu.memory_space<hbm>>, %arg5: memref<331776xi32, #tpu.memory_space<hbm>>, %arg6: memref<8x16xf32, #tpu.memory_space<hbm>>, %arg7: memref<632x144xf32, #tpu.memory_space<hbm>>, %arg8: memref<2x10112x144xf32, #tpu.memory_space<hbm>>, %arg9: memref<48xi32, #tpu.memory_space<vmem>>, %arg10: memref<48xi32, #tpu.memory_space<vmem>>, %arg11: memref<48x128xf32, #tpu.memory_space<vmem>>, %arg12: memref<48x128xf32, #tpu.memory_space<vmem>>, %arg13: memref<48xi32, #tpu.memory_space<vmem>>, %arg14: memref<48xi32, #tpu.memory_space<vmem>>, %arg15: memref<48x128xf32, #tpu.memory_space<vmem>>, %arg16: memref<48x128xf32, #tpu.memory_space<vmem>>, %arg17: memref<48x144xf32, #tpu.memory_space<vmem>>, %arg18: memref<48x144xf32, #tpu.memory_space<vmem>>, %arg19: memref<48xi32, #tpu.memory_space<vmem>>, %arg20: memref<48xi32, #tpu.memory_space<vmem>>, %arg21: memref<8x16xf32, #tpu.memory_space<vmem>>, %arg22: memref<10112x144xf32, #tpu.memory_space<vmem_shared>>, %arg23: memref<!tpu.dma_semaphore, #tpu.memory_space<semaphore_mem>>, %arg24: memref<!tpu.dma_semaphore, #tpu.memory_space<semaphore_mem>>, %arg25: memref<!tpu.dma_semaphore, #tpu.memory_space<semaphore_mem>>, %arg26: memref<!tpu.dma_semaphore, #tpu.memory_space<semaphore_mem>>, %arg27: memref<!tpu.dma_semaphore, #tpu.memory_space<semaphore_mem>>, %arg28: memref<!tpu.dma_semaphore, #tpu.memory_space<semaphore_mem>>, %arg29: memref<!tpu.dma_semaphore, #tpu.memory_space<semaphore_mem>>, %arg30: memref<!tpu.dma_semaphore, #tpu.memory_space<semaphore_mem>>, %arg31: memref<!tpu.dma_semaphore, #tpu.memory_space<semaphore_mem>>, %arg32: memref<!tpu.dma_semaphore, #tpu.memory_space<semaphore_mem>>) attributes {dimension_semantics = [#tpu.dimension_semantics<core_parallel>, #tpu.dimension_semantics<subcore_parallel>], iteration_bounds = array<i64: 2, 16>, scalar_prefetch = 0 : i64, scratch_operands = 24 : i64, tpu.core_type = #tpu.core_type<sc_vector_subcore>, window_params = [{transform_indices = #map}, {transform_indices = #map}, {transform_indices = #map1}, {transform_indices = #map1}, {transform_indices = #map}, {transform_indices = #map}, {transform_indices = #map2}]} {
    %mul3A = arith.constant 16 : i32
    %mul3A_0 = arith.muli %arg0, %mul3A : i32
    %add3A = arith.addi %mul3A_0, %arg1 : i32
    "tpu.region"() ({
      %run_scoped3A = tpu.sem_alloc : memref<!tpu.dma_semaphore, #tpu.memory_space<semaphore_mem>>
      tpu.enqueue_dma source(%arg6 : memref<8x16xf32, #tpu.memory_space<hbm>>) target(%arg21 : memref<8x16xf32, #tpu.memory_space<vmem>>) target_semaphore(%run_scoped3A : memref<!tpu.dma_semaphore, #tpu.memory_space<semaphore_mem>>)
      tpu.wait_dma2 semaphore(%run_scoped3A : memref<!tpu.dma_semaphore, #tpu.memory_space<semaphore_mem>>) src(%arg6 : memref<8x16xf32, #tpu.memory_space<hbm>>) dst(%arg21 : memref<8x16xf32, #tpu.memory_space<vmem>>)
      tpu.yield
    }) : () -> ()
    %mul3A_1 = arith.constant 632 : i32
    %mul3A_2 = arith.muli %arg1, %mul3A_1 : i32
    "tpu.region"() ({
      %run_scoped3A = tpu.sem_alloc : memref<!tpu.dma_semaphore, #tpu.memory_space<semaphore_mem>>
      %dma_start3A_100 = arith.constant 0 : i32
      %dma_start3A_101 = tpu.memref_slice %arg22[%mul3A_2, %dma_start3A_100] : memref<10112x144xf32, #tpu.memory_space<vmem_shared>> -> memref<632x144xf32, #tpu.memory_space<vmem_shared>>
      tpu.enqueue_dma source(%arg7 : memref<632x144xf32, #tpu.memory_space<hbm>>) target(%dma_start3A_101 : memref<632x144xf32, #tpu.memory_space<vmem_shared>>) target_semaphore(%run_scoped3A : memref<!tpu.dma_semaphore, #tpu.memory_space<semaphore_mem>>)
      %dma_wait3A_102 = arith.constant 0 : i32
      %dma_wait3A_103 = tpu.memref_slice %arg22[%mul3A_2, %dma_wait3A_102] : memref<10112x144xf32, #tpu.memory_space<vmem_shared>> -> memref<632x144xf32, #tpu.memory_space<vmem_shared>>
      tpu.wait_dma2 semaphore(%run_scoped3A : memref<!tpu.dma_semaphore, #tpu.memory_space<semaphore_mem>>) src(%arg7 : memref<632x144xf32, #tpu.memory_space<hbm>>) dst(%dma_wait3A_103 : memref<632x144xf32, #tpu.memory_space<vmem_shared>>)
      tpu.yield
    }) : () -> ()
    %barrier3A = arith.constant 0 : index
    tpu.barrier barrier_id(%barrier3A)
    %get3A = arith.constant 0 : i32
    %get3A_3 = arith.index_cast %get3A : i32 to index
    %get3A_4 = arith.constant 0 : index
    %get3A_5 = tpu.vector_load %arg21[%get3A_3, %get3A_4] {strides = array<i32>} : memref<8x16xf32, #tpu.memory_space<vmem>>, vector<16xf32>,
    %get3A_6 = arith.constant 1 : i32
    %get3A_7 = arith.index_cast %get3A_6 : i32 to index
    %get3A_8 = arith.constant 0 : index
    %get3A_9 = tpu.vector_load %arg21[%get3A_7, %get3A_8] {strides = array<i32>} : memref<8x16xf32, #tpu.memory_space<vmem>>, vector<16xf32>,
    %get3A_10 = arith.constant 2 : i32
    %get3A_11 = arith.index_cast %get3A_10 : i32 to index
    %get3A_12 = arith.constant 0 : index
    %get3A_13 = tpu.vector_load %arg21[%get3A_11, %get3A_12] {strides = array<i32>} : memref<8x16xf32, #tpu.memory_space<vmem>>, vector<16xf32>,
    %get3A_14 = arith.constant 3 : i32
    %get3A_15 = arith.index_cast %get3A_14 : i32 to index
    %get3A_16 = arith.constant 0 : index
    %get3A_17 = tpu.vector_load %arg21[%get3A_15, %get3A_16] {strides = array<i32>} : memref<8x16xf32, #tpu.memory_space<vmem>>, vector<16xf32>,
    %get3A_18 = arith.constant 4 : i32
    %get3A_19 = arith.index_cast %get3A_18 : i32 to index
    %get3A_20 = arith.constant 0 : index
    %get3A_21 = tpu.vector_load %arg21[%get3A_19, %get3A_20] {strides = array<i32>} : memref<8x16xf32, #tpu.memory_space<vmem>>, vector<16xf32>,
    %get3A_22 = arith.constant 5 : i32
    %get3A_23 = arith.index_cast %get3A_22 : i32 to index
    %get3A_24 = arith.constant 0 : index
    %get3A_25 = tpu.vector_load %arg21[%get3A_23, %get3A_24] {strides = array<i32>} : memref<8x16xf32, #tpu.memory_space<vmem>>, vector<16xf32>,
    %get3A_26 = arith.constant 6 : i32
    %get3A_27 = arith.index_cast %get3A_26 : i32 to index
    %get3A_28 = arith.constant 0 : index
    %get3A_29 = tpu.vector_load %arg21[%get3A_27, %get3A_28] {strides = array<i32>} : memref<8x16xf32, #tpu.memory_space<vmem>>, vector<16xf32>,
    %get3A_30 = arith.constant 7 : i32
    %get3A_31 = arith.index_cast %get3A_30 : i32 to index
    %get3A_32 = arith.constant 0 : index
    %get3A_33 = tpu.vector_load %arg21[%get3A_31, %get3A_32] {strides = array<i32>} : memref<8x16xf32, #tpu.memory_space<vmem>>, vector<16xf32>,
    %iota3A = tpu.iota {dimensions = array<i32: 0>} : vector<16xi32>
    %eq3A = arith.constant 0 : i32
    %eq3A_34 = vector.broadcast %eq3A : i32 to vector<16xi32>
    %eq3A_35 = arith.cmpi eq, %iota3A, %eq3A_34 : vector<16xi32>
    %eq3A_36 = arith.constant 1 : i32
    %eq3A_37 = vector.broadcast %eq3A_36 : i32 to vector<16xi32>
    %eq3A_38 = arith.cmpi eq, %iota3A, %eq3A_37 : vector<16xi32>
    %eq3A_39 = arith.constant 2 : i32
    %eq3A_40 = vector.broadcast %eq3A_39 : i32 to vector<16xi32>
    %eq3A_41 = arith.cmpi eq, %iota3A, %eq3A_40 : vector<16xi32>
    %eq3A_42 = arith.constant 3 : i32
    %eq3A_43 = vector.broadcast %eq3A_42 : i32 to vector<16xi32>
    %eq3A_44 = arith.cmpi eq, %iota3A, %eq3A_43 : vector<16xi32>
    %eq3A_45 = arith.constant 4 : i32
    %eq3A_46 = vector.broadcast %eq3A_45 : i32 to vector<16xi32>
    %eq3A_47 = arith.cmpi eq, %iota3A, %eq3A_46 : vector<16xi32>
    %eq3A_48 = arith.constant 5 : i32
    %eq3A_49 = vector.broadcast %eq3A_48 : i32 to vector<16xi32>
    %eq3A_50 = arith.cmpi eq, %iota3A, %eq3A_49 : vector<16xi32>
    %eq3A_51 = arith.constant 6 : i32
    %eq3A_52 = vector.broadcast %eq3A_51 : i32 to vector<16xi32>
    %eq3A_53 = arith.cmpi eq, %iota3A, %eq3A_52 : vector<16xi32>
    %eq3A_54 = arith.constant 7 : i32
    %eq3A_55 = vector.broadcast %eq3A_54 : i32 to vector<16xi32>
    %eq3A_56 = arith.cmpi eq, %iota3A, %eq3A_55 : vector<16xi32>
    %mul3A_57 = arith.constant 10368 : i32
    %mul3A_58 = arith.muli %add3A, %mul3A_57 : i32
    %add3A_59 = arith.constant 0 : i32
    %add3A_60 = arith.addi %mul3A_58, %add3A_59 : i32
    %dma_start3A = tpu.memref_slice %arg4[%add3A_60] : memref<331776xi32, #tpu.memory_space<hbm>> -> memref<48xi32, #tpu.memory_space<hbm>>
    %dma_start3A_61 = tpu.memref_slice %arg4[%add3A_60] : memref<331776xi32, #tpu.memory_space<hbm>> -> memref<48xi32, #tpu.memory_space<hbm>>
    tpu.enqueue_dma source(%dma_start3A_61 : memref<48xi32, #tpu.memory_space<hbm>>) target(%arg9 : memref<48xi32, #tpu.memory_space<vmem>>) target_semaphore(%arg29 : memref<!tpu.dma_semaphore, #tpu.memory_space<semaphore_mem>>)
    %dma_start3A_62 = tpu.memref_slice %arg5[%add3A_60] : memref<331776xi32, #tpu.memory_space<hbm>> -> memref<48xi32, #tpu.memory_space<hbm>>
    %dma_start3A_63 = tpu.memref_slice %arg5[%add3A_60] : memref<331776xi32, #tpu.memory_space<hbm>> -> memref<48xi32, #tpu.memory_space<hbm>>
    tpu.enqueue_dma source(%dma_start3A_63 : memref<48xi32, #tpu.memory_space<hbm>>) target(%arg10 : memref<48xi32, #tpu.memory_space<vmem>>) target_semaphore(%arg30 : memref<!tpu.dma_semaphore, #tpu.memory_space<semaphore_mem>>)
    %mul3A_64 = arith.constant 10368 : i32
    %mul3A_65 = arith.muli %add3A, %mul3A_64 : i32
    %add3A_66 = arith.constant 48 : i32
    %add3A_67 = arith.addi %mul3A_65, %add3A_66 : i32
    %dma_start3A_68 = tpu.memref_slice %arg4[%add3A_67] : memref<331776xi32, #tpu.memory_space<hbm>> -> memref<48xi32, #tpu.memory_space<hbm>>
    %dma_start3A_69 = tpu.memref_slice %arg4[%add3A_67] : memref<331776xi32, #tpu.memory_space<hbm>> -> memref<48xi32, #tpu.memory_space<hbm>>
    tpu.enqueue_dma source(%dma_start3A_69 : memref<48xi32, #tpu.memory_space<hbm>>) target(%arg13 : memref<48xi32, #tpu.memory_space<vmem>>) target_semaphore(%arg31 : memref<!tpu.dma_semaphore, #tpu.memory_space<semaphore_mem>>)
    %dma_start3A_70 = tpu.memref_slice %arg5[%add3A_67] : memref<331776xi32, #tpu.memory_space<hbm>> -> memref<48xi32, #tpu.memory_space<hbm>>
    %dma_start3A_71 = tpu.memref_slice %arg5[%add3A_67] : memref<331776xi32, #tpu.memory_space<hbm>> -> memref<48xi32, #tpu.memory_space<hbm>>
    tpu.enqueue_dma source(%dma_start3A_71 : memref<48xi32, #tpu.memory_space<hbm>>) target(%arg14 : memref<48xi32, #tpu.memory_space<vmem>>) target_semaphore(%arg32 : memref<!tpu.dma_semaphore, #tpu.memory_space<semaphore_mem>>)
    %mul3A_72 = arith.constant 10368 : i32
    %mul3A_73 = arith.muli %add3A, %mul3A_72 : i32
    %add3A_74 = arith.constant 0 : i32
    %add3A_75 = arith.addi %mul3A_73, %add3A_74 : i32
    %dma_wait3A = tpu.memref_slice %arg4[%add3A_75] : memref<331776xi32, #tpu.memory_space<hbm>> -> memref<48xi32, #tpu.memory_space<hbm>>
    %dma_wait3A_76 = tpu.memref_slice %arg4[%add3A_75] : memref<331776xi32, #tpu.memory_space<hbm>> -> memref<48xi32, #tpu.memory_space<hbm>>
    tpu.wait_dma2 semaphore(%arg29 : memref<!tpu.dma_semaphore, #tpu.memory_space<semaphore_mem>>) src(%dma_wait3A_76 : memref<48xi32, #tpu.memory_space<hbm>>) dst(%arg9 : memref<48xi32, #tpu.memory_space<vmem>>)
    %dma_wait3A_77 = tpu.memref_slice %arg5[%add3A_75] : memref<331776xi32, #tpu.memory_space<hbm>> -> memref<48xi32, #tpu.memory_space<hbm>>
    %dma_wait3A_78 = tpu.memref_slice %arg5[%add3A_75] : memref<331776xi32, #tpu.memory_space<hbm>> -> memref<48xi32, #tpu.memory_space<hbm>>
    tpu.wait_dma2 semaphore(%arg30 : memref<!tpu.dma_semaphore, #tpu.memory_space<semaphore_mem>>) src(%dma_wait3A_78 : memref<48xi32, #tpu.memory_space<hbm>>) dst(%arg10 : memref<48xi32, #tpu.memory_space<vmem>>)
    %dma_start3A_79 = arith.constant 0 : i32
    %dma_start3A_80 = arith.constant 0 : i32
    %dma_start3A_81 = tpu.memref_slice %arg2[%dma_start3A_79, %dma_start3A_80] : memref<10000x128xf32, #tpu.memory_space<hbm>> -> memref<10000x128xf32, #tpu.memory_space<hbm>>
    tpu.enqueue_indirect_dma source(%dma_start3A_81 : memref<10000x128xf32, #tpu.memory_space<hbm>>) target(%arg11 : memref<48x128xf32, #tpu.memory_space<vmem>>) offsets(%arg9 : memref<48xi32, #tpu.memory_space<vmem>>) semaphore(%arg23 : memref<!tpu.dma_semaphore, #tpu.memory_space<semaphore_mem>>)
    %dma_start3A_82 = arith.constant 0 : i32
    %dma_start3A_83 = arith.constant 0 : i32
    %dma_start3A_84 = tpu.memref_slice %arg3[%dma_start3A_82, %dma_start3A_83] : memref<10001x128xf32, #tpu.memory_space<hbm>> -> memref<10001x128xf32, #tpu.memory_space<hbm>>
    tpu.enqueue_indirect_dma source(%dma_start3A_84 : memref<10001x128xf32, #tpu.memory_space<hbm>>) target(%arg12 : memref<48x128xf32, #tpu.memory_space<vmem>>) offsets(%arg10 : memref<48xi32, #tpu.memory_space<vmem>>) semaphore(%arg24 : memref<!tpu.dma_semaphore, #tpu.memory_space<semaphore_mem>>)
    %scan3A = arith.constant 0 : i32
    %scan3A_85 = arith.constant 108 : i32
    %scan3A_86 = arith.addi %scan3A, %scan3A_85 : i32
    %scan3A_87 = arith.constant 1 : i32
    scf.for %scan3A_100 = %scan3A to %scan3A_86 step %scan3A_87  : i32 {
      %mul3A_101 = arith.constant 1 : i32
      %mul3A_102 = arith.muli %scan3A_100, %mul3A_101 : i32
      %add3A_103 = arith.constant 0 : i32
      %add3A_104 = arith.addi %add3A_103, %mul3A_102 : i32
      %mul3A_105 = arith.constant 2 : i32
      %mul3A_106 = arith.muli %mul3A_105, %add3A_104 : i32
      %add3A_107 = arith.constant 1 : i32
      %add3A_108 = arith.addi %add3A_104, %add3A_107 : i32
      %lt3A = arith.constant 108 : i32
      %lt3A_109 = arith.cmpi slt, %add3A_108, %lt3A : i32
      %dma_wait3A_110 = arith.constant 0 : i32
      %dma_wait3A_111 = arith.constant 0 : i32
      %dma_wait3A_112 = tpu.memref_slice %arg2[%dma_wait3A_110, %dma_wait3A_111] : memref<10000x128xf32, #tpu.memory_space<hbm>> -> memref<10000x128xf32, #tpu.memory_space<hbm>>
      tpu.wait_indirect_dma semaphore(%arg23 : memref<!tpu.dma_semaphore, #tpu.memory_space<semaphore_mem>>) src(%dma_wait3A_112 : memref<10000x128xf32, #tpu.memory_space<hbm>>) dst(%arg11 : memref<48x128xf32, #tpu.memory_space<vmem>>)
      %dma_wait3A_113 = arith.constant 0 : i32
      %dma_wait3A_114 = arith.constant 0 : i32
      %dma_wait3A_115 = tpu.memref_slice %arg3[%dma_wait3A_113, %dma_wait3A_114] : memref<10001x128xf32, #tpu.memory_space<hbm>> -> memref<10001x128xf32, #tpu.memory_space<hbm>>
      tpu.wait_indirect_dma semaphore(%arg24 : memref<!tpu.dma_semaphore, #tpu.memory_space<semaphore_mem>>) src(%dma_wait3A_115 : memref<10001x128xf32, #tpu.memory_space<hbm>>) dst(%arg12 : memref<48x128xf32, #tpu.memory_space<vmem>>)
      %add3A_116 = arith.constant 1 : i32
      %add3A_117 = arith.addi %mul3A_106, %add3A_116 : i32
      %mul3A_118 = arith.constant 10368 : i32
      %mul3A_119 = arith.muli %add3A, %mul3A_118 : i32
      %mul3A_120 = arith.constant 48 : i32
      %mul3A_121 = arith.muli %add3A_117, %mul3A_120 : i32
      %add3A_122 = arith.addi %mul3A_119, %mul3A_121 : i32
      %dma_wait3A_123 = tpu.memref_slice %arg4[%add3A_122] : memref<331776xi32, #tpu.memory_space<hbm>> -> memref<48xi32, #tpu.memory_space<hbm>>
      %dma_wait3A_124 = tpu.memref_slice %arg4[%add3A_122] : memref<331776xi32, #tpu.memory_space<hbm>> -> memref<48xi32, #tpu.memory_space<hbm>>
      tpu.wait_dma2 semaphore(%arg31 : memref<!tpu.dma_semaphore, #tpu.memory_space<semaphore_mem>>) src(%dma_wait3A_124 : memref<48xi32, #tpu.memory_space<hbm>>) dst(%arg13 : memref<48xi32, #tpu.memory_space<vmem>>)
      %dma_wait3A_125 = tpu.memref_slice %arg5[%add3A_122] : memref<331776xi32, #tpu.memory_space<hbm>> -> memref<48xi32, #tpu.memory_space<hbm>>
      %dma_wait3A_126 = tpu.memref_slice %arg5[%add3A_122] : memref<331776xi32, #tpu.memory_space<hbm>> -> memref<48xi32, #tpu.memory_space<hbm>>
      tpu.wait_dma2 semaphore(%arg32 : memref<!tpu.dma_semaphore, #tpu.memory_space<semaphore_mem>>) src(%dma_wait3A_126 : memref<48xi32, #tpu.memory_space<hbm>>) dst(%arg14 : memref<48xi32, #tpu.memory_space<vmem>>)
      %dma_start3A_127 = arith.constant 0 : i32
      %dma_start3A_128 = arith.constant 0 : i32
      %dma_start3A_129 = tpu.memref_slice %arg2[%dma_start3A_127, %dma_start3A_128] : memref<10000x128xf32, #tpu.memory_space<hbm>> -> memref<10000x128xf32, #tpu.memory_space<hbm>>
      tpu.enqueue_indirect_dma source(%dma_start3A_129 : memref<10000x128xf32, #tpu.memory_space<hbm>>) target(%arg15 : memref<48x128xf32, #tpu.memory_space<vmem>>) offsets(%arg13 : memref<48xi32, #tpu.memory_space<vmem>>) semaphore(%arg25 : memref<!tpu.dma_semaphore, #tpu.memory_space<semaphore_mem>>)
      %dma_start3A_130 = arith.constant 0 : i32
      %dma_start3A_131 = arith.constant 0 : i32
      %dma_start3A_132 = tpu.memref_slice %arg3[%dma_start3A_130, %dma_start3A_131] : memref<10001x128xf32, #tpu.memory_space<hbm>> -> memref<10001x128xf32, #tpu.memory_space<hbm>>
      tpu.enqueue_indirect_dma source(%dma_start3A_132 : memref<10001x128xf32, #tpu.memory_space<hbm>>) target(%arg16 : memref<48x128xf32, #tpu.memory_space<vmem>>) offsets(%arg14 : memref<48xi32, #tpu.memory_space<vmem>>) semaphore(%arg26 : memref<!tpu.dma_semaphore, #tpu.memory_space<semaphore_mem>>)
      %gt3A = arith.constant 0 : i32
      %gt3A_133 = arith.cmpi sgt, %add3A_104, %gt3A : i32
      %convert_element_type3A = arith.extui %gt3A_133 : i1 to i32
      %cond3A = arith.constant 0 : i32
      %cond3A_134 = arith.cmpi ne, %convert_element_type3A, %cond3A : i32
      scf.if %cond3A_134 {
        %dma_wait3A_189 = arith.constant 0 : i32
        %dma_wait3A_190 = arith.constant 0 : i32
        %dma_wait3A_191 = tpu.memref_slice %arg22[%dma_wait3A_189, %dma_wait3A_190] : memref<10112x144xf32, #tpu.memory_space<vmem_shared>> -> memref<10112x144xf32, #tpu.memory_space<vmem_shared>>
        tpu.wait_indirect_dma semaphore(%arg27 : memref<!tpu.dma_semaphore, #tpu.memory_space<semaphore_mem>>) src(%arg17 : memref<48x144xf32, #tpu.memory_space<vmem>>) dst(%dma_wait3A_191 : memref<10112x144xf32, #tpu.memory_space<vmem_shared>>)
      } else {
      }
      %get3A_135 = arith.constant 0 : index
      %get3A_136 = tpu.vector_load %arg10[%get3A_135] {strides = array<i32>} : memref<48xi32, #tpu.memory_space<vmem>>, vector<16xi32>,
      %swap3A = arith.constant 0 : index
      %swap3A_137 = tpu.vector_load %arg19[%swap3A] {strides = array<i32>} : memref<48xi32, #tpu.memory_space<vmem>>, vector<16xi32>,
      tpu.vector_store %arg19[%swap3A], %get3A_136 {strides = array<i32>} : memref<48xi32, #tpu.memory_space<vmem>>, vector<16xi32>,
      %get3A_138 = arith.constant 16 : index
      %get3A_139 = tpu.vector_load %arg10[%get3A_138] {strides = array<i32>} : memref<48xi32, #tpu.memory_space<vmem>>, vector<16xi32>,
      %swap3A_140 = arith.constant 16 : index
      %swap3A_141 = tpu.vector_load %arg19[%swap3A_140] {strides = array<i32>} : memref<48xi32, #tpu.memory_space<vmem>>, vector<16xi32>,
      tpu.vector_store %arg19[%swap3A_140], %get3A_139 {strides = array<i32>} : memref<48xi32, #tpu.memory_space<vmem>>, vector<16xi32>,
      %get3A_142 = arith.constant 32 : index
      %get3A_143 = tpu.vector_load %arg10[%get3A_142] {strides = array<i32>} : memref<48xi32, #tpu.memory_space<vmem>>, vector<16xi32>,
      %swap3A_144 = arith.constant 32 : index
      %swap3A_145 = tpu.vector_load %arg19[%swap3A_144] {strides = array<i32>} : memref<48xi32, #tpu.memory_space<vmem>>, vector<16xi32>,
      tpu.vector_store %arg19[%swap3A_144], %get3A_143 {strides = array<i32>} : memref<48xi32, #tpu.memory_space<vmem>>, vector<16xi32>,
      %convert_element_type3A_146 = arith.extui %lt3A_109 : i1 to i32
      %cond3A_147 = arith.constant 0 : i32
      %cond3A_148 = arith.cmpi ne, %convert_element_type3A_146, %cond3A_147 : i32
      scf.if %cond3A_148 {
        %add3A_189 = arith.constant 2 : i32
        %add3A_190 = arith.addi %mul3A_106, %add3A_189 : i32
        %mul3A_191 = arith.constant 10368 : i32
        %mul3A_192 = arith.muli %add3A, %mul3A_191 : i32
        %mul3A_193 = arith.constant 48 : i32
        %mul3A_194 = arith.muli %add3A_190, %mul3A_193 : i32
        %add3A_195 = arith.addi %mul3A_192, %mul3A_194 : i32
        %dma_start3A_196 = tpu.memref_slice %arg4[%add3A_195] : memref<331776xi32, #tpu.memory_space<hbm>> -> memref<48xi32, #tpu.memory_space<hbm>>
        %dma_start3A_197 = tpu.memref_slice %arg4[%add3A_195] : memref<331776xi32, #tpu.memory_space<hbm>> -> memref<48xi32, #tpu.memory_space<hbm>>
        tpu.enqueue_dma source(%dma_start3A_197 : memref<48xi32, #tpu.memory_space<hbm>>) target(%arg9 : memref<48xi32, #tpu.memory_space<vmem>>) target_semaphore(%arg29 : memref<!tpu.dma_semaphore, #tpu.memory_space<semaphore_mem>>)
        %dma_start3A_198 = tpu.memref_slice %arg5[%add3A_195] : memref<331776xi32, #tpu.memory_space<hbm>> -> memref<48xi32, #tpu.memory_space<hbm>>
        %dma_start3A_199 = tpu.memref_slice %arg5[%add3A_195] : memref<331776xi32, #tpu.memory_space<hbm>> -> memref<48xi32, #tpu.memory_space<hbm>>
        tpu.enqueue_dma source(%dma_start3A_199 : memref<48xi32, #tpu.memory_space<hbm>>) target(%arg10 : memref<48xi32, #tpu.memory_space<vmem>>) target_semaphore(%arg30 : memref<!tpu.dma_semaphore, #tpu.memory_space<semaphore_mem>>)
      } else {
      }
      %parallel_loop3A = arith.constant 0 : i32
      %parallel_loop3A_149 = arith.constant 48 : i32
      %parallel_loop3A_150 = arith.constant 1 : i32
      scf.for %parallel_loop3A_189 = %parallel_loop3A to %parallel_loop3A_149 step %parallel_loop3A_150  : i32 {
        %parallel_loop3A_190 = arith.constant 0.000000e+00 : f32
        %parallel_loop3A_191 = vector.broadcast %parallel_loop3A_190 : f32 to vector<16xf32>
        %parallel_loop3A_192 = arith.index_cast %parallel_loop3A_189 : i32 to index
        %parallel_loop3A_193 = arith.constant 0 : index
        %parallel_loop3A_194 = tpu.vector_load %arg11[%parallel_loop3A_192, %parallel_loop3A_193] {strides = array<i32>} : memref<48x128xf32, #tpu.memory_space<vmem>>, vector<16xf32>,
        %parallel_loop3A_195 = arith.index_cast %parallel_loop3A_189 : i32 to index
        %parallel_loop3A_196 = arith.constant 0 : index
        %parallel_loop3A_197 = tpu.vector_load %arg12[%parallel_loop3A_195, %parallel_loop3A_196] {strides = array<i32>} : memref<48x128xf32, #tpu.memory_space<vmem>>, vector<16xf32>,
        %parallel_loop3A_198 = arith.addf %parallel_loop3A_194, %parallel_loop3A_197 : vector<16xf32>
        %parallel_loop3A_199 = arith.constant 2.000000e-01 : f32
        %parallel_loop3A_200 = vector.broadcast %parallel_loop3A_199 : f32 to vector<16xf32>
        %parallel_loop3A_201 = arith.mulf %parallel_loop3A_200, %parallel_loop3A_198 : vector<16xf32>
        %parallel_loop3A_202 = arith.maximumf %parallel_loop3A_198, %parallel_loop3A_201 : vector<16xf32>
        %parallel_loop3A_203 = arith.mulf %parallel_loop3A_202, %get3A_5 : vector<16xf32>
        %parallel_loop3A_204 = arith.constant true
        %parallel_loop3A_205 = vector.broadcast %parallel_loop3A_204 : i1 to vector<16xi1>
        %parallel_loop3A_206 = tpu.scan <sum>, %parallel_loop3A_203 masked %parallel_loop3A_205 : vector<16xf32>, vector<16xi1> -> vector<16xf32>
        %parallel_loop3A_207 = vector.extract %parallel_loop3A_206[15] : f32 from vector<16xf32>
        %parallel_loop3A_208 = vector.broadcast %parallel_loop3A_207 : f32 to vector<16xf32>
        %parallel_loop3A_209 = math.exp %parallel_loop3A_208 : vector<16xf32>
        %parallel_loop3A_210 = arith.mulf %parallel_loop3A_194, %parallel_loop3A_209 : vector<16xf32>
        %parallel_loop3A_211 = arith.index_cast %parallel_loop3A_189 : i32 to index
        %parallel_loop3A_212 = arith.constant 0 : index
        %parallel_loop3A_213 = tpu.vector_load %arg17[%parallel_loop3A_211, %parallel_loop3A_212] {strides = array<i32>} : memref<48x144xf32, #tpu.memory_space<vmem>>, vector<16xf32>,
        tpu.vector_store %arg17[%parallel_loop3A_211, %parallel_loop3A_212], %parallel_loop3A_210 {strides = array<i32>} : memref<48x144xf32, #tpu.memory_space<vmem>>, vector<16xf32>,
        %parallel_loop3A_214 = arith.select %eq3A_35, %parallel_loop3A_209, %parallel_loop3A_191 : vector<16xi1>, vector<16xf32>
        %parallel_loop3A_215 = arith.index_cast %parallel_loop3A_189 : i32 to index
        %parallel_loop3A_216 = arith.constant 16 : index
        %parallel_loop3A_217 = tpu.vector_load %arg11[%parallel_loop3A_215, %parallel_loop3A_216] {strides = array<i32>} : memref<48x128xf32, #tpu.memory_space<vmem>>, vector<16xf32>,
        %parallel_loop3A_218 = arith.index_cast %parallel_loop3A_189 : i32 to index
        %parallel_loop3A_219 = arith.constant 16 : index
        %parallel_loop3A_220 = tpu.vector_load %arg12[%parallel_loop3A_218, %parallel_loop3A_219] {strides = array<i32>} : memref<48x128xf32, #tpu.memory_space<vmem>>, vector<16xf32>,
        %parallel_loop3A_221 = arith.addf %parallel_loop3A_217, %parallel_loop3A_220 : vector<16xf32>
        %parallel_loop3A_222 = arith.constant 2.000000e-01 : f32
        %parallel_loop3A_223 = vector.broadcast %parallel_loop3A_222 : f32 to vector<16xf32>
        %parallel_loop3A_224 = arith.mulf %parallel_loop3A_223, %parallel_loop3A_221 : vector<16xf32>
        %parallel_loop3A_225 = arith.maximumf %parallel_loop3A_221, %parallel_loop3A_224 : vector<16xf32>
        %parallel_loop3A_226 = arith.mulf %parallel_loop3A_225, %get3A_9 : vector<16xf32>
        %parallel_loop3A_227 = arith.constant true
        %parallel_loop3A_228 = vector.broadcast %parallel_loop3A_227 : i1 to vector<16xi1>
        %parallel_loop3A_229 = tpu.scan <sum>, %parallel_loop3A_226 masked %parallel_loop3A_228 : vector<16xf32>, vector<16xi1> -> vector<16xf32>
        %parallel_loop3A_230 = vector.extract %parallel_loop3A_229[15] : f32 from vector<16xf32>
        %parallel_loop3A_231 = vector.broadcast %parallel_loop3A_230 : f32 to vector<16xf32>
        %parallel_loop3A_232 = math.exp %parallel_loop3A_231 : vector<16xf32>
        %parallel_loop3A_233 = arith.mulf %parallel_loop3A_217, %parallel_loop3A_232 : vector<16xf32>
        %parallel_loop3A_234 = arith.index_cast %parallel_loop3A_189 : i32 to index
        %parallel_loop3A_235 = arith.constant 16 : index
        %parallel_loop3A_236 = tpu.vector_load %arg17[%parallel_loop3A_234, %parallel_loop3A_235] {strides = array<i32>} : memref<48x144xf32, #tpu.memory_space<vmem>>, vector<16xf32>,
        tpu.vector_store %arg17[%parallel_loop3A_234, %parallel_loop3A_235], %parallel_loop3A_233 {strides = array<i32>} : memref<48x144xf32, #tpu.memory_space<vmem>>, vector<16xf32>,
        %parallel_loop3A_237 = arith.select %eq3A_38, %parallel_loop3A_232, %parallel_loop3A_214 : vector<16xi1>, vector<16xf32>
        %parallel_loop3A_238 = arith.index_cast %parallel_loop3A_189 : i32 to index
        %parallel_loop3A_239 = arith.constant 32 : index
        %parallel_loop3A_240 = tpu.vector_load %arg11[%parallel_loop3A_238, %parallel_loop3A_239] {strides = array<i32>} : memref<48x128xf32, #tpu.memory_space<vmem>>, vector<16xf32>,
        %parallel_loop3A_241 = arith.index_cast %parallel_loop3A_189 : i32 to index
        %parallel_loop3A_242 = arith.constant 32 : index
        %parallel_loop3A_243 = tpu.vector_load %arg12[%parallel_loop3A_241, %parallel_loop3A_242] {strides = array<i32>} : memref<48x128xf32, #tpu.memory_space<vmem>>, vector<16xf32>,
        %parallel_loop3A_244 = arith.addf %parallel_loop3A_240, %parallel_loop3A_243 : vector<16xf32>
        %parallel_loop3A_245 = arith.constant 2.000000e-01 : f32
        %parallel_loop3A_246 = vector.broadcast %parallel_loop3A_245 : f32 to vector<16xf32>
        %parallel_loop3A_247 = arith.mulf %parallel_loop3A_246, %parallel_loop3A_244 : vector<16xf32>
        %parallel_loop3A_248 = arith.maximumf %parallel_loop3A_244, %parallel_loop3A_247 : vector<16xf32>
        %parallel_loop3A_249 = arith.mulf %parallel_loop3A_248, %get3A_13 : vector<16xf32>
        %parallel_loop3A_250 = arith.constant true
        %parallel_loop3A_251 = vector.broadcast %parallel_loop3A_250 : i1 to vector<16xi1>
        %parallel_loop3A_252 = tpu.scan <sum>, %parallel_loop3A_249 masked %parallel_loop3A_251 : vector<16xf32>, vector<16xi1> -> vector<16xf32>
        %parallel_loop3A_253 = vector.extract %parallel_loop3A_252[15] : f32 from vector<16xf32>
        %parallel_loop3A_254 = vector.broadcast %parallel_loop3A_253 : f32 to vector<16xf32>
        %parallel_loop3A_255 = math.exp %parallel_loop3A_254 : vector<16xf32>
        %parallel_loop3A_256 = arith.mulf %parallel_loop3A_240, %parallel_loop3A_255 : vector<16xf32>
        %parallel_loop3A_257 = arith.index_cast %parallel_loop3A_189 : i32 to index
        %parallel_loop3A_258 = arith.constant 32 : index
        %parallel_loop3A_259 = tpu.vector_load %arg17[%parallel_loop3A_257, %parallel_loop3A_258] {strides = array<i32>} : memref<48x144xf32, #tpu.memory_space<vmem>>, vector<16xf32>,
        tpu.vector_store %arg17[%parallel_loop3A_257, %parallel_loop3A_258], %parallel_loop3A_256 {strides = array<i32>} : memref<48x144xf32, #tpu.memory_space<vmem>>, vector<16xf32>,
        %parallel_loop3A_260 = arith.select %eq3A_41, %parallel_loop3A_255, %parallel_loop3A_237 : vector<16xi1>, vector<16xf32>
        %parallel_loop3A_261 = arith.index_cast %parallel_loop3A_189 : i32 to index
        %parallel_loop3A_262 = arith.constant 48 : index
        %parallel_loop3A_263 = tpu.vector_load %arg11[%parallel_loop3A_261, %parallel_loop3A_262] {strides = array<i32>} : memref<48x128xf32, #tpu.memory_space<vmem>>, vector<16xf32>,
        %parallel_loop3A_264 = arith.index_cast %parallel_loop3A_189 : i32 to index
        %parallel_loop3A_265 = arith.constant 48 : index
        %parallel_loop3A_266 = tpu.vector_load %arg12[%parallel_loop3A_264, %parallel_loop3A_265] {strides = array<i32>} : memref<48x128xf32, #tpu.memory_space<vmem>>, vector<16xf32>,
        %parallel_loop3A_267 = arith.addf %parallel_loop3A_263, %parallel_loop3A_266 : vector<16xf32>
        %parallel_loop3A_268 = arith.constant 2.000000e-01 : f32
        %parallel_loop3A_269 = vector.broadcast %parallel_loop3A_268 : f32 to vector<16xf32>
        %parallel_loop3A_270 = arith.mulf %parallel_loop3A_269, %parallel_loop3A_267 : vector<16xf32>
        %parallel_loop3A_271 = arith.maximumf %parallel_loop3A_267, %parallel_loop3A_270 : vector<16xf32>
        %parallel_loop3A_272 = arith.mulf %parallel_loop3A_271, %get3A_17 : vector<16xf32>
        %parallel_loop3A_273 = arith.constant true
        %parallel_loop3A_274 = vector.broadcast %parallel_loop3A_273 : i1 to vector<16xi1>
        %parallel_loop3A_275 = tpu.scan <sum>, %parallel_loop3A_272 masked %parallel_loop3A_274 : vector<16xf32>, vector<16xi1> -> vector<16xf32>
        %parallel_loop3A_276 = vector.extract %parallel_loop3A_275[15] : f32 from vector<16xf32>
        %parallel_loop3A_277 = vector.broadcast %parallel_loop3A_276 : f32 to vector<16xf32>
        %parallel_loop3A_278 = math.exp %parallel_loop3A_277 : vector<16xf32>
        %parallel_loop3A_279 = arith.mulf %parallel_loop3A_263, %parallel_loop3A_278 : vector<16xf32>
        %parallel_loop3A_280 = arith.index_cast %parallel_loop3A_189 : i32 to index
        %parallel_loop3A_281 = arith.constant 48 : index
        %parallel_loop3A_282 = tpu.vector_load %arg17[%parallel_loop3A_280, %parallel_loop3A_281] {strides = array<i32>} : memref<48x144xf32, #tpu.memory_space<vmem>>, vector<16xf32>,
        tpu.vector_store %arg17[%parallel_loop3A_280, %parallel_loop3A_281], %parallel_loop3A_279 {strides = array<i32>} : memref<48x144xf32, #tpu.memory_space<vmem>>, vector<16xf32>,
        %parallel_loop3A_283 = arith.select %eq3A_44, %parallel_loop3A_278, %parallel_loop3A_260 : vector<16xi1>, vector<16xf32>
        %parallel_loop3A_284 = arith.index_cast %parallel_loop3A_189 : i32 to index
        %parallel_loop3A_285 = arith.constant 64 : index
        %parallel_loop3A_286 = tpu.vector_load %arg11[%parallel_loop3A_284, %parallel_loop3A_285] {strides = array<i32>} : memref<48x128xf32, #tpu.memory_space<vmem>>, vector<16xf32>,
        %parallel_loop3A_287 = arith.index_cast %parallel_loop3A_189 : i32 to index
        %parallel_loop3A_288 = arith.constant 64 : index
        %parallel_loop3A_289 = tpu.vector_load %arg12[%parallel_loop3A_287, %parallel_loop3A_288] {strides = array<i32>} : memref<48x128xf32, #tpu.memory_space<vmem>>, vector<16xf32>,
        %parallel_loop3A_290 = arith.addf %parallel_loop3A_286, %parallel_loop3A_289 : vector<16xf32>
        %parallel_loop3A_291 = arith.constant 2.000000e-01 : f32
        %parallel_loop3A_292 = vector.broadcast %parallel_loop3A_291 : f32 to vector<16xf32>
        %parallel_loop3A_293 = arith.mulf %parallel_loop3A_292, %parallel_loop3A_290 : vector<16xf32>
        %parallel_loop3A_294 = arith.maximumf %parallel_loop3A_290, %parallel_loop3A_293 : vector<16xf32>
        %parallel_loop3A_295 = arith.mulf %parallel_loop3A_294, %get3A_21 : vector<16xf32>
        %parallel_loop3A_296 = arith.constant true
        %parallel_loop3A_297 = vector.broadcast %parallel_loop3A_296 : i1 to vector<16xi1>
        %parallel_loop3A_298 = tpu.scan <sum>, %parallel_loop3A_295 masked %parallel_loop3A_297 : vector<16xf32>, vector<16xi1> -> vector<16xf32>
        %parallel_loop3A_299 = vector.extract %parallel_loop3A_298[15] : f32 from vector<16xf32>
        %parallel_loop3A_300 = vector.broadcast %parallel_loop3A_299 : f32 to vector<16xf32>
        %parallel_loop3A_301 = math.exp %parallel_loop3A_300 : vector<16xf32>
        %parallel_loop3A_302 = arith.mulf %parallel_loop3A_286, %parallel_loop3A_301 : vector<16xf32>
        %parallel_loop3A_303 = arith.index_cast %parallel_loop3A_189 : i32 to index
        %parallel_loop3A_304 = arith.constant 64 : index
        %parallel_loop3A_305 = tpu.vector_load %arg17[%parallel_loop3A_303, %parallel_loop3A_304] {strides = array<i32>} : memref<48x144xf32, #tpu.memory_space<vmem>>, vector<16xf32>,
        tpu.vector_store %arg17[%parallel_loop3A_303, %parallel_loop3A_304], %parallel_loop3A_302 {strides = array<i32>} : memref<48x144xf32, #tpu.memory_space<vmem>>, vector<16xf32>,
        %parallel_loop3A_306 = arith.select %eq3A_47, %parallel_loop3A_301, %parallel_loop3A_283 : vector<16xi1>, vector<16xf32>
        %parallel_loop3A_307 = arith.index_cast %parallel_loop3A_189 : i32 to index
        %parallel_loop3A_308 = arith.constant 80 : index
        %parallel_loop3A_309 = tpu.vector_load %arg11[%parallel_loop3A_307, %parallel_loop3A_308] {strides = array<i32>} : memref<48x128xf32, #tpu.memory_space<vmem>>, vector<16xf32>,
        %parallel_loop3A_310 = arith.index_cast %parallel_loop3A_189 : i32 to index
        %parallel_loop3A_311 = arith.constant 80 : index
        %parallel_loop3A_312 = tpu.vector_load %arg12[%parallel_loop3A_310, %parallel_loop3A_311] {strides = array<i32>} : memref<48x128xf32, #tpu.memory_space<vmem>>, vector<16xf32>,
        %parallel_loop3A_313 = arith.addf %parallel_loop3A_309, %parallel_loop3A_312 : vector<16xf32>
        %parallel_loop3A_314 = arith.constant 2.000000e-01 : f32
        %parallel_loop3A_315 = vector.broadcast %parallel_loop3A_314 : f32 to vector<16xf32>
        %parallel_loop3A_316 = arith.mulf %parallel_loop3A_315, %parallel_loop3A_313 : vector<16xf32>
        %parallel_loop3A_317 = arith.maximumf %parallel_loop3A_313, %parallel_loop3A_316 : vector<16xf32>
        %parallel_loop3A_318 = arith.mulf %parallel_loop3A_317, %get3A_25 : vector<16xf32>
        %parallel_loop3A_319 = arith.constant true
        %parallel_loop3A_320 = vector.broadcast %parallel_loop3A_319 : i1 to vector<16xi1>
        %parallel_loop3A_321 = tpu.scan <sum>, %parallel_loop3A_318 masked %parallel_loop3A_320 : vector<16xf32>, vector<16xi1> -> vector<16xf32>
        %parallel_loop3A_322 = vector.extract %parallel_loop3A_321[15] : f32 from vector<16xf32>
        %parallel_loop3A_323 = vector.broadcast %parallel_loop3A_322 : f32 to vector<16xf32>
        %parallel_loop3A_324 = math.exp %parallel_loop3A_323 : vector<16xf32>
        %parallel_loop3A_325 = arith.mulf %parallel_loop3A_309, %parallel_loop3A_324 : vector<16xf32>
        %parallel_loop3A_326 = arith.index_cast %parallel_loop3A_189 : i32 to index
        %parallel_loop3A_327 = arith.constant 80 : index
        %parallel_loop3A_328 = tpu.vector_load %arg17[%parallel_loop3A_326, %parallel_loop3A_327] {strides = array<i32>} : memref<48x144xf32, #tpu.memory_space<vmem>>, vector<16xf32>,
        tpu.vector_store %arg17[%parallel_loop3A_326, %parallel_loop3A_327], %parallel_loop3A_325 {strides = array<i32>} : memref<48x144xf32, #tpu.memory_space<vmem>>, vector<16xf32>,
        %parallel_loop3A_329 = arith.select %eq3A_50, %parallel_loop3A_324, %parallel_loop3A_306 : vector<16xi1>, vector<16xf32>
        %parallel_loop3A_330 = arith.index_cast %parallel_loop3A_189 : i32 to index
        %parallel_loop3A_331 = arith.constant 96 : index
        %parallel_loop3A_332 = tpu.vector_load %arg11[%parallel_loop3A_330, %parallel_loop3A_331] {strides = array<i32>} : memref<48x128xf32, #tpu.memory_space<vmem>>, vector<16xf32>,
        %parallel_loop3A_333 = arith.index_cast %parallel_loop3A_189 : i32 to index
        %parallel_loop3A_334 = arith.constant 96 : index
        %parallel_loop3A_335 = tpu.vector_load %arg12[%parallel_loop3A_333, %parallel_loop3A_334] {strides = array<i32>} : memref<48x128xf32, #tpu.memory_space<vmem>>, vector<16xf32>,
        %parallel_loop3A_336 = arith.addf %parallel_loop3A_332, %parallel_loop3A_335 : vector<16xf32>
        %parallel_loop3A_337 = arith.constant 2.000000e-01 : f32
        %parallel_loop3A_338 = vector.broadcast %parallel_loop3A_337 : f32 to vector<16xf32>
        %parallel_loop3A_339 = arith.mulf %parallel_loop3A_338, %parallel_loop3A_336 : vector<16xf32>
        %parallel_loop3A_340 = arith.maximumf %parallel_loop3A_336, %parallel_loop3A_339 : vector<16xf32>
        %parallel_loop3A_341 = arith.mulf %parallel_loop3A_340, %get3A_29 : vector<16xf32>
        %parallel_loop3A_342 = arith.constant true
        %parallel_loop3A_343 = vector.broadcast %parallel_loop3A_342 : i1 to vector<16xi1>
        %parallel_loop3A_344 = tpu.scan <sum>, %parallel_loop3A_341 masked %parallel_loop3A_343 : vector<16xf32>, vector<16xi1> -> vector<16xf32>
        %parallel_loop3A_345 = vector.extract %parallel_loop3A_344[15] : f32 from vector<16xf32>
        %parallel_loop3A_346 = vector.broadcast %parallel_loop3A_345 : f32 to vector<16xf32>
        %parallel_loop3A_347 = math.exp %parallel_loop3A_346 : vector<16xf32>
        %parallel_loop3A_348 = arith.mulf %parallel_loop3A_332, %parallel_loop3A_347 : vector<16xf32>
        %parallel_loop3A_349 = arith.index_cast %parallel_loop3A_189 : i32 to index
        %parallel_loop3A_350 = arith.constant 96 : index
        %parallel_loop3A_351 = tpu.vector_load %arg17[%parallel_loop3A_349, %parallel_loop3A_350] {strides = array<i32>} : memref<48x144xf32, #tpu.memory_space<vmem>>, vector<16xf32>,
        tpu.vector_store %arg17[%parallel_loop3A_349, %parallel_loop3A_350], %parallel_loop3A_348 {strides = array<i32>} : memref<48x144xf32, #tpu.memory_space<vmem>>, vector<16xf32>,
        %parallel_loop3A_352 = arith.select %eq3A_53, %parallel_loop3A_347, %parallel_loop3A_329 : vector<16xi1>, vector<16xf32>
        %parallel_loop3A_353 = arith.index_cast %parallel_loop3A_189 : i32 to index
        %parallel_loop3A_354 = arith.constant 112 : index
        %parallel_loop3A_355 = tpu.vector_load %arg11[%parallel_loop3A_353, %parallel_loop3A_354] {strides = array<i32>} : memref<48x128xf32, #tpu.memory_space<vmem>>, vector<16xf32>,
        %parallel_loop3A_356 = arith.index_cast %parallel_loop3A_189 : i32 to index
        %parallel_loop3A_357 = arith.constant 112 : index
        %parallel_loop3A_358 = tpu.vector_load %arg12[%parallel_loop3A_356, %parallel_loop3A_357] {strides = array<i32>} : memref<48x128xf32, #tpu.memory_space<vmem>>, vector<16xf32>,
        %parallel_loop3A_359 = arith.addf %parallel_loop3A_355, %parallel_loop3A_358 : vector<16xf32>
        %parallel_loop3A_360 = arith.constant 2.000000e-01 : f32
        %parallel_loop3A_361 = vector.broadcast %parallel_loop3A_360 : f32 to vector<16xf32>
        %parallel_loop3A_362 = arith.mulf %parallel_loop3A_361, %parallel_loop3A_359 : vector<16xf32>
        %parallel_loop3A_363 = arith.maximumf %parallel_loop3A_359, %parallel_loop3A_362 : vector<16xf32>
        %parallel_loop3A_364 = arith.mulf %parallel_loop3A_363, %get3A_33 : vector<16xf32>
        %parallel_loop3A_365 = arith.constant true
        %parallel_loop3A_366 = vector.broadcast %parallel_loop3A_365 : i1 to vector<16xi1>
        %parallel_loop3A_367 = tpu.scan <sum>, %parallel_loop3A_364 masked %parallel_loop3A_366 : vector<16xf32>, vector<16xi1> -> vector<16xf32>
        %parallel_loop3A_368 = vector.extract %parallel_loop3A_367[15] : f32 from vector<16xf32>
        %parallel_loop3A_369 = vector.broadcast %parallel_loop3A_368 : f32 to vector<16xf32>
        %parallel_loop3A_370 = math.exp %parallel_loop3A_369 : vector<16xf32>
        %parallel_loop3A_371 = arith.mulf %parallel_loop3A_355, %parallel_loop3A_370 : vector<16xf32>
        %parallel_loop3A_372 = arith.index_cast %parallel_loop3A_189 : i32 to index
        %parallel_loop3A_373 = arith.constant 112 : index
        %parallel_loop3A_374 = tpu.vector_load %arg17[%parallel_loop3A_372, %parallel_loop3A_373] {strides = array<i32>} : memref<48x144xf32, #tpu.memory_space<vmem>>, vector<16xf32>,
        tpu.vector_store %arg17[%parallel_loop3A_372, %parallel_loop3A_373], %parallel_loop3A_371 {strides = array<i32>} : memref<48x144xf32, #tpu.memory_space<vmem>>, vector<16xf32>,
        %parallel_loop3A_375 = arith.select %eq3A_56, %parallel_loop3A_370, %parallel_loop3A_352 : vector<16xi1>, vector<16xf32>
        %parallel_loop3A_376 = arith.index_cast %parallel_loop3A_189 : i32 to index
        %parallel_loop3A_377 = arith.constant 128 : index
        %parallel_loop3A_378 = tpu.vector_load %arg17[%parallel_loop3A_376, %parallel_loop3A_377] {strides = array<i32>} : memref<48x144xf32, #tpu.memory_space<vmem>>, vector<16xf32>,
        tpu.vector_store %arg17[%parallel_loop3A_376, %parallel_loop3A_377], %parallel_loop3A_375 {strides = array<i32>} : memref<48x144xf32, #tpu.memory_space<vmem>>, vector<16xf32>,
      } {sc.loop_unroll_factor = 1 : i64, sc.parallel_access}
      %dma_start3A_151 = arith.constant 0 : i32
      %dma_start3A_152 = arith.constant 0 : i32
      %dma_start3A_153 = tpu.memref_slice %arg22[%dma_start3A_151, %dma_start3A_152] : memref<10112x144xf32, #tpu.memory_space<vmem_shared>> -> memref<10112x144xf32, #tpu.memory_space<vmem_shared>>
      tpu.enqueue_indirect_dma source(%arg17 : memref<48x144xf32, #tpu.memory_space<vmem>>) target(%dma_start3A_153 : memref<10112x144xf32, #tpu.memory_space<vmem_shared>>) offsets(%arg19 : memref<48xi32, #tpu.memory_space<vmem>>) semaphore(%arg27 : memref<!tpu.dma_semaphore, #tpu.memory_space<semaphore_mem>>) {add = true}
      %dma_wait3A_154 = arith.constant 0 : i32
      %dma_wait3A_155 = arith.constant 0 : i32
      %dma_wait3A_156 = tpu.memref_slice %arg2[%dma_wait3A_154, %dma_wait3A_155] : memref<10000x128xf32, #tpu.memory_space<hbm>> -> memref<10000x128xf32, #tpu.memory_space<hbm>>
      tpu.wait_indirect_dma semaphore(%arg25 : memref<!tpu.dma_semaphore, #tpu.memory_space<semaphore_mem>>) src(%dma_wait3A_156 : memref<10000x128xf32, #tpu.memory_space<hbm>>) dst(%arg15 : memref<48x128xf32, #tpu.memory_space<vmem>>)
      %dma_wait3A_157 = arith.constant 0 : i32
      %dma_wait3A_158 = arith.constant 0 : i32
      %dma_wait3A_159 = tpu.memref_slice %arg3[%dma_wait3A_157, %dma_wait3A_158] : memref<10001x128xf32, #tpu.memory_space<hbm>> -> memref<10001x128xf32, #tpu.memory_space<hbm>>
      tpu.wait_indirect_dma semaphore(%arg26 : memref<!tpu.dma_semaphore, #tpu.memory_space<semaphore_mem>>) src(%dma_wait3A_159 : memref<10001x128xf32, #tpu.memory_space<hbm>>) dst(%arg16 : memref<48x128xf32, #tpu.memory_space<vmem>>)
      %convert_element_type3A_160 = arith.extui %lt3A_109 : i1 to i32
      %cond3A_161 = arith.constant 0 : i32
      %cond3A_162 = arith.cmpi ne, %convert_element_type3A_160, %cond3A_161 : i32
      scf.if %cond3A_162 {
        %add3A_189 = arith.constant 2 : i32
        %add3A_190 = arith.addi %mul3A_106, %add3A_189 : i32
        %mul3A_191 = arith.constant 10368 : i32
        %mul3A_192 = arith.muli %add3A, %mul3A_191 : i32
        %mul3A_193 = arith.constant 48 : i32
        %mul3A_194 = arith.muli %add3A_190, %mul3A_193 : i32
        %add3A_195 = arith.addi %mul3A_192, %mul3A_194 : i32
        %dma_wait3A_196 = tpu.memref_slice %arg4[%add3A_195] : memref<331776xi32, #tpu.memory_space<hbm>> -> memref<48xi32, #tpu.memory_space<hbm>>
        %dma_wait3A_197 = tpu.memref_slice %arg4[%add3A_195] : memref<331776xi32, #tpu.memory_space<hbm>> -> memref<48xi32, #tpu.memory_space<hbm>>
        tpu.wait_dma2 semaphore(%arg29 : memref<!tpu.dma_semaphore, #tpu.memory_space<semaphore_mem>>) src(%dma_wait3A_197 : memref<48xi32, #tpu.memory_space<hbm>>) dst(%arg9 : memref<48xi32, #tpu.memory_space<vmem>>)
        %dma_wait3A_198 = tpu.memref_slice %arg5[%add3A_195] : memref<331776xi32, #tpu.memory_space<hbm>> -> memref<48xi32, #tpu.memory_space<hbm>>
        %dma_wait3A_199 = tpu.memref_slice %arg5[%add3A_195] : memref<331776xi32, #tpu.memory_space<hbm>> -> memref<48xi32, #tpu.memory_space<hbm>>
        tpu.wait_dma2 semaphore(%arg30 : memref<!tpu.dma_semaphore, #tpu.memory_space<semaphore_mem>>) src(%dma_wait3A_199 : memref<48xi32, #tpu.memory_space<hbm>>) dst(%arg10 : memref<48xi32, #tpu.memory_space<vmem>>)
        %dma_start3A_200 = arith.constant 0 : i32
        %dma_start3A_201 = arith.constant 0 : i32
        %dma_start3A_202 = tpu.memref_slice %arg2[%dma_start3A_200, %dma_start3A_201] : memref<10000x128xf32, #tpu.memory_space<hbm>> -> memref<10000x128xf32, #tpu.memory_space<hbm>>
        tpu.enqueue_indirect_dma source(%dma_start3A_202 : memref<10000x128xf32, #tpu.memory_space<hbm>>) target(%arg11 : memref<48x128xf32, #tpu.memory_space<vmem>>) offsets(%arg9 : memref<48xi32, #tpu.memory_space<vmem>>) semaphore(%arg23 : memref<!tpu.dma_semaphore, #tpu.memory_space<semaphore_mem>>)
        %dma_start3A_203 = arith.constant 0 : i32
        %dma_start3A_204 = arith.constant 0 : i32
        %dma_start3A_205 = tpu.memref_slice %arg3[%dma_start3A_203, %dma_start3A_204] : memref<10001x128xf32, #tpu.memory_space<hbm>> -> memref<10001x128xf32, #tpu.memory_space<hbm>>
        tpu.enqueue_indirect_dma source(%dma_start3A_205 : memref<10001x128xf32, #tpu.memory_space<hbm>>) target(%arg12 : memref<48x128xf32, #tpu.memory_space<vmem>>) offsets(%arg10 : memref<48xi32, #tpu.memory_space<vmem>>) semaphore(%arg24 : memref<!tpu.dma_semaphore, #tpu.memory_space<semaphore_mem>>)
      } else {
      }
      %gt3A_163 = arith.constant 0 : i32
      %gt3A_164 = arith.cmpi sgt, %add3A_104, %gt3A_163 : i32
      %convert_element_type3A_165 = arith.extui %gt3A_164 : i1 to i32
      %cond3A_166 = arith.constant 0 : i32
      %cond3A_167 = arith.cmpi ne, %convert_element_type3A_165, %cond3A_166 : i32
      scf.if %cond3A_167 {
        %dma_wait3A_189 = arith.constant 0 : i32
        %dma_wait3A_190 = arith.constant 0 : i32
        %dma_wait3A_191 = tpu.memref_slice %arg22[%dma_wait3A_189, %dma_wait3A_190] : memref<10112x144xf32, #tpu.memory_space<vmem_shared>> -> memref<10112x144xf32, #tpu.memory_space<vmem_shared>>
        tpu.wait_indirect_dma semaphore(%arg28 : memref<!tpu.dma_semaphore, #tpu.memory_space<semaphore_mem>>) src(%arg18 : memref<48x144xf32, #tpu.memory_space<vmem>>) dst(%dma_wait3A_191 : memref<10112x144xf32, #tpu.memory_space<vmem_shared>>)
      } else {
      }
      %get3A_168 = arith.constant 0 : index
      %get3A_169 = tpu.vector_load %arg14[%get3A_168] {strides = array<i32>} : memref<48xi32, #tpu.memory_space<vmem>>, vector<16xi32>,
      %swap3A_170 = arith.constant 0 : index
      %swap3A_171 = tpu.vector_load %arg20[%swap3A_170] {strides = array<i32>} : memref<48xi32, #tpu.memory_space<vmem>>, vector<16xi32>,
      tpu.vector_store %arg20[%swap3A_170], %get3A_169 {strides = array<i32>} : memref<48xi32, #tpu.memory_space<vmem>>, vector<16xi32>,
      %get3A_172 = arith.constant 16 : index
      %get3A_173 = tpu.vector_load %arg14[%get3A_172] {strides = array<i32>} : memref<48xi32, #tpu.memory_space<vmem>>, vector<16xi32>,
      %swap3A_174 = arith.constant 16 : index
      %swap3A_175 = tpu.vector_load %arg20[%swap3A_174] {strides = array<i32>} : memref<48xi32, #tpu.memory_space<vmem>>, vector<16xi32>,
      tpu.vector_store %arg20[%swap3A_174], %get3A_173 {strides = array<i32>} : memref<48xi32, #tpu.memory_space<vmem>>, vector<16xi32>,
      %get3A_176 = arith.constant 32 : index
      %get3A_177 = tpu.vector_load %arg14[%get3A_176] {strides = array<i32>} : memref<48xi32, #tpu.memory_space<vmem>>, vector<16xi32>,
      %swap3A_178 = arith.constant 32 : index
      %swap3A_179 = tpu.vector_load %arg20[%swap3A_178] {strides = array<i32>} : memref<48xi32, #tpu.memory_space<vmem>>, vector<16xi32>,
      tpu.vector_store %arg20[%swap3A_178], %get3A_177 {strides = array<i32>} : memref<48xi32, #tpu.memory_space<vmem>>, vector<16xi32>,
      %convert_element_type3A_180 = arith.extui %lt3A_109 : i1 to i32
      %cond3A_181 = arith.constant 0 : i32
      %cond3A_182 = arith.cmpi ne, %convert_element_type3A_180, %cond3A_181 : i32
      scf.if %cond3A_182 {
        %add3A_189 = arith.constant 3 : i32
        %add3A_190 = arith.addi %mul3A_106, %add3A_189 : i32
        %mul3A_191 = arith.constant 10368 : i32
        %mul3A_192 = arith.muli %add3A, %mul3A_191 : i32
        %mul3A_193 = arith.constant 48 : i32
        %mul3A_194 = arith.muli %add3A_190, %mul3A_193 : i32
        %add3A_195 = arith.addi %mul3A_192, %mul3A_194 : i32
        %dma_start3A_196 = tpu.memref_slice %arg4[%add3A_195] : memref<331776xi32, #tpu.memory_space<hbm>> -> memref<48xi32, #tpu.memory_space<hbm>>
        %dma_start3A_197 = tpu.memref_slice %arg4[%add3A_195] : memref<331776xi32, #tpu.memory_space<hbm>> -> memref<48xi32, #tpu.memory_space<hbm>>
        tpu.enqueue_dma source(%dma_start3A_197 : memref<48xi32, #tpu.memory_space<hbm>>) target(%arg13 : memref<48xi32, #tpu.memory_space<vmem>>) target_semaphore(%arg31 : memref<!tpu.dma_semaphore, #tpu.memory_space<semaphore_mem>>)
        %dma_start3A_198 = tpu.memref_slice %arg5[%add3A_195] : memref<331776xi32, #tpu.memory_space<hbm>> -> memref<48xi32, #tpu.memory_space<hbm>>
        %dma_start3A_199 = tpu.memref_slice %arg5[%add3A_195] : memref<331776xi32, #tpu.memory_space<hbm>> -> memref<48xi32, #tpu.memory_space<hbm>>
        tpu.enqueue_dma source(%dma_start3A_199 : memref<48xi32, #tpu.memory_space<hbm>>) target(%arg14 : memref<48xi32, #tpu.memory_space<vmem>>) target_semaphore(%arg32 : memref<!tpu.dma_semaphore, #tpu.memory_space<semaphore_mem>>)
      } else {
      }
      %parallel_loop3A_183 = arith.constant 0 : i32
      %parallel_loop3A_184 = arith.constant 48 : i32
      %parallel_loop3A_185 = arith.constant 1 : i32
      scf.for %parallel_loop3A_189 = %parallel_loop3A_183 to %parallel_loop3A_184 step %parallel_loop3A_185  : i32 {
        %parallel_loop3A_190 = arith.constant 0.000000e+00 : f32
        %parallel_loop3A_191 = vector.broadcast %parallel_loop3A_190 : f32 to vector<16xf32>
        %parallel_loop3A_192 = arith.index_cast %parallel_loop3A_189 : i32 to index
        %parallel_loop3A_193 = arith.constant 0 : index
        %parallel_loop3A_194 = tpu.vector_load %arg15[%parallel_loop3A_192, %parallel_loop3A_193] {strides = array<i32>} : memref<48x128xf32, #tpu.memory_space<vmem>>, vector<16xf32>,
        %parallel_loop3A_195 = arith.index_cast %parallel_loop3A_189 : i32 to index
        %parallel_loop3A_196 = arith.constant 0 : index
        %parallel_loop3A_197 = tpu.vector_load %arg16[%parallel_loop3A_195, %parallel_loop3A_196] {strides = array<i32>} : memref<48x128xf32, #tpu.memory_space<vmem>>, vector<16xf32>,
        %parallel_loop3A_198 = arith.addf %parallel_loop3A_194, %parallel_loop3A_197 : vector<16xf32>
        %parallel_loop3A_199 = arith.constant 2.000000e-01 : f32
        %parallel_loop3A_200 = vector.broadcast %parallel_loop3A_199 : f32 to vector<16xf32>
        %parallel_loop3A_201 = arith.mulf %parallel_loop3A_200, %parallel_loop3A_198 : vector<16xf32>
        %parallel_loop3A_202 = arith.maximumf %parallel_loop3A_198, %parallel_loop3A_201 : vector<16xf32>
        %parallel_loop3A_203 = arith.mulf %parallel_loop3A_202, %get3A_5 : vector<16xf32>
        %parallel_loop3A_204 = arith.constant true
        %parallel_loop3A_205 = vector.broadcast %parallel_loop3A_204 : i1 to vector<16xi1>
        %parallel_loop3A_206 = tpu.scan <sum>, %parallel_loop3A_203 masked %parallel_loop3A_205 : vector<16xf32>, vector<16xi1> -> vector<16xf32>
        %parallel_loop3A_207 = vector.extract %parallel_loop3A_206[15] : f32 from vector<16xf32>
        %parallel_loop3A_208 = vector.broadcast %parallel_loop3A_207 : f32 to vector<16xf32>
        %parallel_loop3A_209 = math.exp %parallel_loop3A_208 : vector<16xf32>
        %parallel_loop3A_210 = arith.mulf %parallel_loop3A_194, %parallel_loop3A_209 : vector<16xf32>
        %parallel_loop3A_211 = arith.index_cast %parallel_loop3A_189 : i32 to index
        %parallel_loop3A_212 = arith.constant 0 : index
        %parallel_loop3A_213 = tpu.vector_load %arg18[%parallel_loop3A_211, %parallel_loop3A_212] {strides = array<i32>} : memref<48x144xf32, #tpu.memory_space<vmem>>, vector<16xf32>,
        tpu.vector_store %arg18[%parallel_loop3A_211, %parallel_loop3A_212], %parallel_loop3A_210 {strides = array<i32>} : memref<48x144xf32, #tpu.memory_space<vmem>>, vector<16xf32>,
        %parallel_loop3A_214 = arith.select %eq3A_35, %parallel_loop3A_209, %parallel_loop3A_191 : vector<16xi1>, vector<16xf32>
        %parallel_loop3A_215 = arith.index_cast %parallel_loop3A_189 : i32 to index
        %parallel_loop3A_216 = arith.constant 16 : index
        %parallel_loop3A_217 = tpu.vector_load %arg15[%parallel_loop3A_215, %parallel_loop3A_216] {strides = array<i32>} : memref<48x128xf32, #tpu.memory_space<vmem>>, vector<16xf32>,
        %parallel_loop3A_218 = arith.index_cast %parallel_loop3A_189 : i32 to index
        %parallel_loop3A_219 = arith.constant 16 : index
        %parallel_loop3A_220 = tpu.vector_load %arg16[%parallel_loop3A_218, %parallel_loop3A_219] {strides = array<i32>} : memref<48x128xf32, #tpu.memory_space<vmem>>, vector<16xf32>,
        %parallel_loop3A_221 = arith.addf %parallel_loop3A_217, %parallel_loop3A_220 : vector<16xf32>
        %parallel_loop3A_222 = arith.constant 2.000000e-01 : f32
        %parallel_loop3A_223 = vector.broadcast %parallel_loop3A_222 : f32 to vector<16xf32>
        %parallel_loop3A_224 = arith.mulf %parallel_loop3A_223, %parallel_loop3A_221 : vector<16xf32>
        %parallel_loop3A_225 = arith.maximumf %parallel_loop3A_221, %parallel_loop3A_224 : vector<16xf32>
        %parallel_loop3A_226 = arith.mulf %parallel_loop3A_225, %get3A_9 : vector<16xf32>
        %parallel_loop3A_227 = arith.constant true
        %parallel_loop3A_228 = vector.broadcast %parallel_loop3A_227 : i1 to vector<16xi1>
        %parallel_loop3A_229 = tpu.scan <sum>, %parallel_loop3A_226 masked %parallel_loop3A_228 : vector<16xf32>, vector<16xi1> -> vector<16xf32>
        %parallel_loop3A_230 = vector.extract %parallel_loop3A_229[15] : f32 from vector<16xf32>
        %parallel_loop3A_231 = vector.broadcast %parallel_loop3A_230 : f32 to vector<16xf32>
        %parallel_loop3A_232 = math.exp %parallel_loop3A_231 : vector<16xf32>
        %parallel_loop3A_233 = arith.mulf %parallel_loop3A_217, %parallel_loop3A_232 : vector<16xf32>
        %parallel_loop3A_234 = arith.index_cast %parallel_loop3A_189 : i32 to index
        %parallel_loop3A_235 = arith.constant 16 : index
        %parallel_loop3A_236 = tpu.vector_load %arg18[%parallel_loop3A_234, %parallel_loop3A_235] {strides = array<i32>} : memref<48x144xf32, #tpu.memory_space<vmem>>, vector<16xf32>,
        tpu.vector_store %arg18[%parallel_loop3A_234, %parallel_loop3A_235], %parallel_loop3A_233 {strides = array<i32>} : memref<48x144xf32, #tpu.memory_space<vmem>>, vector<16xf32>,
        %parallel_loop3A_237 = arith.select %eq3A_38, %parallel_loop3A_232, %parallel_loop3A_214 : vector<16xi1>, vector<16xf32>
        %parallel_loop3A_238 = arith.index_cast %parallel_loop3A_189 : i32 to index
        %parallel_loop3A_239 = arith.constant 32 : index
        %parallel_loop3A_240 = tpu.vector_load %arg15[%parallel_loop3A_238, %parallel_loop3A_239] {strides = array<i32>} : memref<48x128xf32, #tpu.memory_space<vmem>>, vector<16xf32>,
        %parallel_loop3A_241 = arith.index_cast %parallel_loop3A_189 : i32 to index
        %parallel_loop3A_242 = arith.constant 32 : index
        %parallel_loop3A_243 = tpu.vector_load %arg16[%parallel_loop3A_241, %parallel_loop3A_242] {strides = array<i32>} : memref<48x128xf32, #tpu.memory_space<vmem>>, vector<16xf32>,
        %parallel_loop3A_244 = arith.addf %parallel_loop3A_240, %parallel_loop3A_243 : vector<16xf32>
        %parallel_loop3A_245 = arith.constant 2.000000e-01 : f32
        %parallel_loop3A_246 = vector.broadcast %parallel_loop3A_245 : f32 to vector<16xf32>
        %parallel_loop3A_247 = arith.mulf %parallel_loop3A_246, %parallel_loop3A_244 : vector<16xf32>
        %parallel_loop3A_248 = arith.maximumf %parallel_loop3A_244, %parallel_loop3A_247 : vector<16xf32>
        %parallel_loop3A_249 = arith.mulf %parallel_loop3A_248, %get3A_13 : vector<16xf32>
        %parallel_loop3A_250 = arith.constant true
        %parallel_loop3A_251 = vector.broadcast %parallel_loop3A_250 : i1 to vector<16xi1>
        %parallel_loop3A_252 = tpu.scan <sum>, %parallel_loop3A_249 masked %parallel_loop3A_251 : vector<16xf32>, vector<16xi1> -> vector<16xf32>
        %parallel_loop3A_253 = vector.extract %parallel_loop3A_252[15] : f32 from vector<16xf32>
        %parallel_loop3A_254 = vector.broadcast %parallel_loop3A_253 : f32 to vector<16xf32>
        %parallel_loop3A_255 = math.exp %parallel_loop3A_254 : vector<16xf32>
        %parallel_loop3A_256 = arith.mulf %parallel_loop3A_240, %parallel_loop3A_255 : vector<16xf32>
        %parallel_loop3A_257 = arith.index_cast %parallel_loop3A_189 : i32 to index
        %parallel_loop3A_258 = arith.constant 32 : index
        %parallel_loop3A_259 = tpu.vector_load %arg18[%parallel_loop3A_257, %parallel_loop3A_258] {strides = array<i32>} : memref<48x144xf32, #tpu.memory_space<vmem>>, vector<16xf32>,
        tpu.vector_store %arg18[%parallel_loop3A_257, %parallel_loop3A_258], %parallel_loop3A_256 {strides = array<i32>} : memref<48x144xf32, #tpu.memory_space<vmem>>, vector<16xf32>,
        %parallel_loop3A_260 = arith.select %eq3A_41, %parallel_loop3A_255, %parallel_loop3A_237 : vector<16xi1>, vector<16xf32>
        %parallel_loop3A_261 = arith.index_cast %parallel_loop3A_189 : i32 to index
        %parallel_loop3A_262 = arith.constant 48 : index
        %parallel_loop3A_263 = tpu.vector_load %arg15[%parallel_loop3A_261, %parallel_loop3A_262] {strides = array<i32>} : memref<48x128xf32, #tpu.memory_space<vmem>>, vector<16xf32>,
        %parallel_loop3A_264 = arith.index_cast %parallel_loop3A_189 : i32 to index
        %parallel_loop3A_265 = arith.constant 48 : index
        %parallel_loop3A_266 = tpu.vector_load %arg16[%parallel_loop3A_264, %parallel_loop3A_265] {strides = array<i32>} : memref<48x128xf32, #tpu.memory_space<vmem>>, vector<16xf32>,
        %parallel_loop3A_267 = arith.addf %parallel_loop3A_263, %parallel_loop3A_266 : vector<16xf32>
        %parallel_loop3A_268 = arith.constant 2.000000e-01 : f32
        %parallel_loop3A_269 = vector.broadcast %parallel_loop3A_268 : f32 to vector<16xf32>
        %parallel_loop3A_270 = arith.mulf %parallel_loop3A_269, %parallel_loop3A_267 : vector<16xf32>
        %parallel_loop3A_271 = arith.maximumf %parallel_loop3A_267, %parallel_loop3A_270 : vector<16xf32>
        %parallel_loop3A_272 = arith.mulf %parallel_loop3A_271, %get3A_17 : vector<16xf32>
        %parallel_loop3A_273 = arith.constant true
        %parallel_loop3A_274 = vector.broadcast %parallel_loop3A_273 : i1 to vector<16xi1>
        %parallel_loop3A_275 = tpu.scan <sum>, %parallel_loop3A_272 masked %parallel_loop3A_274 : vector<16xf32>, vector<16xi1> -> vector<16xf32>
        %parallel_loop3A_276 = vector.extract %parallel_loop3A_275[15] : f32 from vector<16xf32>
        %parallel_loop3A_277 = vector.broadcast %parallel_loop3A_276 : f32 to vector<16xf32>
        %parallel_loop3A_278 = math.exp %parallel_loop3A_277 : vector<16xf32>
        %parallel_loop3A_279 = arith.mulf %parallel_loop3A_263, %parallel_loop3A_278 : vector<16xf32>
        %parallel_loop3A_280 = arith.index_cast %parallel_loop3A_189 : i32 to index
        %parallel_loop3A_281 = arith.constant 48 : index
        %parallel_loop3A_282 = tpu.vector_load %arg18[%parallel_loop3A_280, %parallel_loop3A_281] {strides = array<i32>} : memref<48x144xf32, #tpu.memory_space<vmem>>, vector<16xf32>,
        tpu.vector_store %arg18[%parallel_loop3A_280, %parallel_loop3A_281], %parallel_loop3A_279 {strides = array<i32>} : memref<48x144xf32, #tpu.memory_space<vmem>>, vector<16xf32>,
        %parallel_loop3A_283 = arith.select %eq3A_44, %parallel_loop3A_278, %parallel_loop3A_260 : vector<16xi1>, vector<16xf32>
        %parallel_loop3A_284 = arith.index_cast %parallel_loop3A_189 : i32 to index
        %parallel_loop3A_285 = arith.constant 64 : index
        %parallel_loop3A_286 = tpu.vector_load %arg15[%parallel_loop3A_284, %parallel_loop3A_285] {strides = array<i32>} : memref<48x128xf32, #tpu.memory_space<vmem>>, vector<16xf32>,
        %parallel_loop3A_287 = arith.index_cast %parallel_loop3A_189 : i32 to index
        %parallel_loop3A_288 = arith.constant 64 : index
        %parallel_loop3A_289 = tpu.vector_load %arg16[%parallel_loop3A_287, %parallel_loop3A_288] {strides = array<i32>} : memref<48x128xf32, #tpu.memory_space<vmem>>, vector<16xf32>,
        %parallel_loop3A_290 = arith.addf %parallel_loop3A_286, %parallel_loop3A_289 : vector<16xf32>
        %parallel_loop3A_291 = arith.constant 2.000000e-01 : f32
        %parallel_loop3A_292 = vector.broadcast %parallel_loop3A_291 : f32 to vector<16xf32>
        %parallel_loop3A_293 = arith.mulf %parallel_loop3A_292, %parallel_loop3A_290 : vector<16xf32>
        %parallel_loop3A_294 = arith.maximumf %parallel_loop3A_290, %parallel_loop3A_293 : vector<16xf32>
        %parallel_loop3A_295 = arith.mulf %parallel_loop3A_294, %get3A_21 : vector<16xf32>
        %parallel_loop3A_296 = arith.constant true
        %parallel_loop3A_297 = vector.broadcast %parallel_loop3A_296 : i1 to vector<16xi1>
        %parallel_loop3A_298 = tpu.scan <sum>, %parallel_loop3A_295 masked %parallel_loop3A_297 : vector<16xf32>, vector<16xi1> -> vector<16xf32>
        %parallel_loop3A_299 = vector.extract %parallel_loop3A_298[15] : f32 from vector<16xf32>
        %parallel_loop3A_300 = vector.broadcast %parallel_loop3A_299 : f32 to vector<16xf32>
        %parallel_loop3A_301 = math.exp %parallel_loop3A_300 : vector<16xf32>
        %parallel_loop3A_302 = arith.mulf %parallel_loop3A_286, %parallel_loop3A_301 : vector<16xf32>
        %parallel_loop3A_303 = arith.index_cast %parallel_loop3A_189 : i32 to index
        %parallel_loop3A_304 = arith.constant 64 : index
        %parallel_loop3A_305 = tpu.vector_load %arg18[%parallel_loop3A_303, %parallel_loop3A_304] {strides = array<i32>} : memref<48x144xf32, #tpu.memory_space<vmem>>, vector<16xf32>,
        tpu.vector_store %arg18[%parallel_loop3A_303, %parallel_loop3A_304], %parallel_loop3A_302 {strides = array<i32>} : memref<48x144xf32, #tpu.memory_space<vmem>>, vector<16xf32>,
        %parallel_loop3A_306 = arith.select %eq3A_47, %parallel_loop3A_301, %parallel_loop3A_283 : vector<16xi1>, vector<16xf32>
        %parallel_loop3A_307 = arith.index_cast %parallel_loop3A_189 : i32 to index
        %parallel_loop3A_308 = arith.constant 80 : index
        %parallel_loop3A_309 = tpu.vector_load %arg15[%parallel_loop3A_307, %parallel_loop3A_308] {strides = array<i32>} : memref<48x128xf32, #tpu.memory_space<vmem>>, vector<16xf32>,
        %parallel_loop3A_310 = arith.index_cast %parallel_loop3A_189 : i32 to index
        %parallel_loop3A_311 = arith.constant 80 : index
        %parallel_loop3A_312 = tpu.vector_load %arg16[%parallel_loop3A_310, %parallel_loop3A_311] {strides = array<i32>} : memref<48x128xf32, #tpu.memory_space<vmem>>, vector<16xf32>,
        %parallel_loop3A_313 = arith.addf %parallel_loop3A_309, %parallel_loop3A_312 : vector<16xf32>
        %parallel_loop3A_314 = arith.constant 2.000000e-01 : f32
        %parallel_loop3A_315 = vector.broadcast %parallel_loop3A_314 : f32 to vector<16xf32>
        %parallel_loop3A_316 = arith.mulf %parallel_loop3A_315, %parallel_loop3A_313 : vector<16xf32>
        %parallel_loop3A_317 = arith.maximumf %parallel_loop3A_313, %parallel_loop3A_316 : vector<16xf32>
        %parallel_loop3A_318 = arith.mulf %parallel_loop3A_317, %get3A_25 : vector<16xf32>
        %parallel_loop3A_319 = arith.constant true
        %parallel_loop3A_320 = vector.broadcast %parallel_loop3A_319 : i1 to vector<16xi1>
        %parallel_loop3A_321 = tpu.scan <sum>, %parallel_loop3A_318 masked %parallel_loop3A_320 : vector<16xf32>, vector<16xi1> -> vector<16xf32>
        %parallel_loop3A_322 = vector.extract %parallel_loop3A_321[15] : f32 from vector<16xf32>
        %parallel_loop3A_323 = vector.broadcast %parallel_loop3A_322 : f32 to vector<16xf32>
        %parallel_loop3A_324 = math.exp %parallel_loop3A_323 : vector<16xf32>
        %parallel_loop3A_325 = arith.mulf %parallel_loop3A_309, %parallel_loop3A_324 : vector<16xf32>
        %parallel_loop3A_326 = arith.index_cast %parallel_loop3A_189 : i32 to index
        %parallel_loop3A_327 = arith.constant 80 : index
        %parallel_loop3A_328 = tpu.vector_load %arg18[%parallel_loop3A_326, %parallel_loop3A_327] {strides = array<i32>} : memref<48x144xf32, #tpu.memory_space<vmem>>, vector<16xf32>,
        tpu.vector_store %arg18[%parallel_loop3A_326, %parallel_loop3A_327], %parallel_loop3A_325 {strides = array<i32>} : memref<48x144xf32, #tpu.memory_space<vmem>>, vector<16xf32>,
        %parallel_loop3A_329 = arith.select %eq3A_50, %parallel_loop3A_324, %parallel_loop3A_306 : vector<16xi1>, vector<16xf32>
        %parallel_loop3A_330 = arith.index_cast %parallel_loop3A_189 : i32 to index
        %parallel_loop3A_331 = arith.constant 96 : index
        %parallel_loop3A_332 = tpu.vector_load %arg15[%parallel_loop3A_330, %parallel_loop3A_331] {strides = array<i32>} : memref<48x128xf32, #tpu.memory_space<vmem>>, vector<16xf32>,
        %parallel_loop3A_333 = arith.index_cast %parallel_loop3A_189 : i32 to index
        %parallel_loop3A_334 = arith.constant 96 : index
        %parallel_loop3A_335 = tpu.vector_load %arg16[%parallel_loop3A_333, %parallel_loop3A_334] {strides = array<i32>} : memref<48x128xf32, #tpu.memory_space<vmem>>, vector<16xf32>,
        %parallel_loop3A_336 = arith.addf %parallel_loop3A_332, %parallel_loop3A_335 : vector<16xf32>
        %parallel_loop3A_337 = arith.constant 2.000000e-01 : f32
        %parallel_loop3A_338 = vector.broadcast %parallel_loop3A_337 : f32 to vector<16xf32>
        %parallel_loop3A_339 = arith.mulf %parallel_loop3A_338, %parallel_loop3A_336 : vector<16xf32>
        %parallel_loop3A_340 = arith.maximumf %parallel_loop3A_336, %parallel_loop3A_339 : vector<16xf32>
        %parallel_loop3A_341 = arith.mulf %parallel_loop3A_340, %get3A_29 : vector<16xf32>
        %parallel_loop3A_342 = arith.constant true
        %parallel_loop3A_343 = vector.broadcast %parallel_loop3A_342 : i1 to vector<16xi1>
        %parallel_loop3A_344 = tpu.scan <sum>, %parallel_loop3A_341 masked %parallel_loop3A_343 : vector<16xf32>, vector<16xi1> -> vector<16xf32>
        %parallel_loop3A_345 = vector.extract %parallel_loop3A_344[15] : f32 from vector<16xf32>
        %parallel_loop3A_346 = vector.broadcast %parallel_loop3A_345 : f32 to vector<16xf32>
        %parallel_loop3A_347 = math.exp %parallel_loop3A_346 : vector<16xf32>
        %parallel_loop3A_348 = arith.mulf %parallel_loop3A_332, %parallel_loop3A_347 : vector<16xf32>
        %parallel_loop3A_349 = arith.index_cast %parallel_loop3A_189 : i32 to index
        %parallel_loop3A_350 = arith.constant 96 : index
        %parallel_loop3A_351 = tpu.vector_load %arg18[%parallel_loop3A_349, %parallel_loop3A_350] {strides = array<i32>} : memref<48x144xf32, #tpu.memory_space<vmem>>, vector<16xf32>,
        tpu.vector_store %arg18[%parallel_loop3A_349, %parallel_loop3A_350], %parallel_loop3A_348 {strides = array<i32>} : memref<48x144xf32, #tpu.memory_space<vmem>>, vector<16xf32>,
        %parallel_loop3A_352 = arith.select %eq3A_53, %parallel_loop3A_347, %parallel_loop3A_329 : vector<16xi1>, vector<16xf32>
        %parallel_loop3A_353 = arith.index_cast %parallel_loop3A_189 : i32 to index
        %parallel_loop3A_354 = arith.constant 112 : index
        %parallel_loop3A_355 = tpu.vector_load %arg15[%parallel_loop3A_353, %parallel_loop3A_354] {strides = array<i32>} : memref<48x128xf32, #tpu.memory_space<vmem>>, vector<16xf32>,
        %parallel_loop3A_356 = arith.index_cast %parallel_loop3A_189 : i32 to index
        %parallel_loop3A_357 = arith.constant 112 : index
        %parallel_loop3A_358 = tpu.vector_load %arg16[%parallel_loop3A_356, %parallel_loop3A_357] {strides = array<i32>} : memref<48x128xf32, #tpu.memory_space<vmem>>, vector<16xf32>,
        %parallel_loop3A_359 = arith.addf %parallel_loop3A_355, %parallel_loop3A_358 : vector<16xf32>
        %parallel_loop3A_360 = arith.constant 2.000000e-01 : f32
        %parallel_loop3A_361 = vector.broadcast %parallel_loop3A_360 : f32 to vector<16xf32>
        %parallel_loop3A_362 = arith.mulf %parallel_loop3A_361, %parallel_loop3A_359 : vector<16xf32>
        %parallel_loop3A_363 = arith.maximumf %parallel_loop3A_359, %parallel_loop3A_362 : vector<16xf32>
        %parallel_loop3A_364 = arith.mulf %parallel_loop3A_363, %get3A_33 : vector<16xf32>
        %parallel_loop3A_365 = arith.constant true
        %parallel_loop3A_366 = vector.broadcast %parallel_loop3A_365 : i1 to vector<16xi1>
        %parallel_loop3A_367 = tpu.scan <sum>, %parallel_loop3A_364 masked %parallel_loop3A_366 : vector<16xf32>, vector<16xi1> -> vector<16xf32>
        %parallel_loop3A_368 = vector.extract %parallel_loop3A_367[15] : f32 from vector<16xf32>
        %parallel_loop3A_369 = vector.broadcast %parallel_loop3A_368 : f32 to vector<16xf32>
        %parallel_loop3A_370 = math.exp %parallel_loop3A_369 : vector<16xf32>
        %parallel_loop3A_371 = arith.mulf %parallel_loop3A_355, %parallel_loop3A_370 : vector<16xf32>
        %parallel_loop3A_372 = arith.index_cast %parallel_loop3A_189 : i32 to index
        %parallel_loop3A_373 = arith.constant 112 : index
        %parallel_loop3A_374 = tpu.vector_load %arg18[%parallel_loop3A_372, %parallel_loop3A_373] {strides = array<i32>} : memref<48x144xf32, #tpu.memory_space<vmem>>, vector<16xf32>,
        tpu.vector_store %arg18[%parallel_loop3A_372, %parallel_loop3A_373], %parallel_loop3A_371 {strides = array<i32>} : memref<48x144xf32, #tpu.memory_space<vmem>>, vector<16xf32>,
        %parallel_loop3A_375 = arith.select %eq3A_56, %parallel_loop3A_370, %parallel_loop3A_352 : vector<16xi1>, vector<16xf32>
        %parallel_loop3A_376 = arith.index_cast %parallel_loop3A_189 : i32 to index
        %parallel_loop3A_377 = arith.constant 128 : index
        %parallel_loop3A_378 = tpu.vector_load %arg18[%parallel_loop3A_376, %parallel_loop3A_377] {strides = array<i32>} : memref<48x144xf32, #tpu.memory_space<vmem>>, vector<16xf32>,
        tpu.vector_store %arg18[%parallel_loop3A_376, %parallel_loop3A_377], %parallel_loop3A_375 {strides = array<i32>} : memref<48x144xf32, #tpu.memory_space<vmem>>, vector<16xf32>,
      } {sc.loop_unroll_factor = 1 : i64, sc.parallel_access}
      %dma_start3A_186 = arith.constant 0 : i32
      %dma_start3A_187 = arith.constant 0 : i32
      %dma_start3A_188 = tpu.memref_slice %arg22[%dma_start3A_186, %dma_start3A_187] : memref<10112x144xf32, #tpu.memory_space<vmem_shared>> -> memref<10112x144xf32, #tpu.memory_space<vmem_shared>>
      tpu.enqueue_indirect_dma source(%arg18 : memref<48x144xf32, #tpu.memory_space<vmem>>) target(%dma_start3A_188 : memref<10112x144xf32, #tpu.memory_space<vmem_shared>>) offsets(%arg20 : memref<48xi32, #tpu.memory_space<vmem>>) semaphore(%arg28 : memref<!tpu.dma_semaphore, #tpu.memory_space<semaphore_mem>>) {add = true}
    }
    %scan3A_88 = arith.constant 108 : i32
    %dma_wait3A_89 = arith.constant 0 : i32
    %dma_wait3A_90 = arith.constant 0 : i32
    %dma_wait3A_91 = tpu.memref_slice %arg22[%dma_wait3A_89, %dma_wait3A_90] : memref<10112x144xf32, #tpu.memory_space<vmem_shared>> -> memref<10112x144xf32, #tpu.memory_space<vmem_shared>>
    tpu.wait_indirect_dma semaphore(%arg27 : memref<!tpu.dma_semaphore, #tpu.memory_space<semaphore_mem>>) src(%arg17 : memref<48x144xf32, #tpu.memory_space<vmem>>) dst(%dma_wait3A_91 : memref<10112x144xf32, #tpu.memory_space<vmem_shared>>)
    %dma_wait3A_92 = arith.constant 0 : i32
    %dma_wait3A_93 = arith.constant 0 : i32
    %dma_wait3A_94 = tpu.memref_slice %arg22[%dma_wait3A_92, %dma_wait3A_93] : memref<10112x144xf32, #tpu.memory_space<vmem_shared>> -> memref<10112x144xf32, #tpu.memory_space<vmem_shared>>
    tpu.wait_indirect_dma semaphore(%arg28 : memref<!tpu.dma_semaphore, #tpu.memory_space<semaphore_mem>>) src(%arg18 : memref<48x144xf32, #tpu.memory_space<vmem>>) dst(%dma_wait3A_94 : memref<10112x144xf32, #tpu.memory_space<vmem_shared>>)
    %barrier3A_95 = arith.constant 0 : index
    tpu.barrier barrier_id(%barrier3A_95)
    %mul3A_96 = arith.constant 632 : i32
    %mul3A_97 = arith.muli %arg1, %mul3A_96 : i32
    %mul3A_98 = arith.constant 632 : i32
    %mul3A_99 = arith.muli %arg1, %mul3A_98 : i32
    "tpu.region"() ({
      %run_scoped3A = tpu.sem_alloc : memref<!tpu.dma_semaphore, #tpu.memory_space<semaphore_mem>>
      %dma_start3A_100 = arith.constant 0 : i32
      %dma_start3A_101 = tpu.memref_slice %arg8[%arg0, %mul3A_99, %dma_start3A_100] : memref<2x10112x144xf32, #tpu.memory_space<hbm>> -> memref<1x632x144xf32, #tpu.memory_space<hbm>>
      %dma_start3A_102 = tpu.memref_squeeze %dma_start3A_101 : memref<1x632x144xf32, #tpu.memory_space<hbm>> -> memref<632x144xf32, #tpu.memory_space<hbm>>
      %dma_start3A_103 = arith.constant 0 : i32
      %dma_start3A_104 = tpu.memref_slice %arg22[%mul3A_97, %dma_start3A_103] : memref<10112x144xf32, #tpu.memory_space<vmem_shared>> -> memref<632x144xf32, #tpu.memory_space<vmem_shared>>
      tpu.enqueue_dma source(%dma_start3A_104 : memref<632x144xf32, #tpu.memory_space<vmem_shared>>) target(%dma_start3A_102 : memref<632x144xf32, #tpu.memory_space<hbm>>) target_semaphore(%run_scoped3A : memref<!tpu.dma_semaphore, #tpu.memory_space<semaphore_mem>>)
      %dma_wait3A_105 = arith.constant 0 : i32
      %dma_wait3A_106 = tpu.memref_slice %arg8[%arg0, %mul3A_99, %dma_wait3A_105] : memref<2x10112x144xf32, #tpu.memory_space<hbm>> -> memref<1x632x144xf32, #tpu.memory_space<hbm>>
      %dma_wait3A_107 = tpu.memref_squeeze %dma_wait3A_106 : memref<1x632x144xf32, #tpu.memory_space<hbm>> -> memref<632x144xf32, #tpu.memory_space<hbm>>
      %dma_wait3A_108 = arith.constant 0 : i32
      %dma_wait3A_109 = tpu.memref_slice %arg22[%mul3A_97, %dma_wait3A_108] : memref<10112x144xf32, #tpu.memory_space<vmem_shared>> -> memref<632x144xf32, #tpu.memory_space<vmem_shared>>
      tpu.wait_dma2 semaphore(%run_scoped3A : memref<!tpu.dma_semaphore, #tpu.memory_space<semaphore_mem>>) src(%dma_wait3A_109 : memref<632x144xf32, #tpu.memory_space<vmem_shared>>) dst(%dma_wait3A_107 : memref<632x144xf32, #tpu.memory_space<hbm>>)
      tpu.yield
    }) : () -> ()
    return
  }
}

#map = affine_map<(d0, d1) -> (0, 0)>
#map1 = affine_map<(d0, d1) -> (0)>
#map2 = affine_map<(d0, d1) -> (0, 0, 0)>
module attributes {stable_mosaic.version = 14 : i64} {
  func.func @_sc_edge_body(%arg0: i32, %arg1: i32, %arg2: memref<10000x128xf32, #tpu.memory_space<hbm>>, %arg3: memref<10001x128xf32, #tpu.memory_space<hbm>>, %arg4: memref<331776xi32, #tpu.memory_space<hbm>>, %arg5: memref<331776xi32, #tpu.memory_space<hbm>>, %arg6: memref<8x16xf32, #tpu.memory_space<hbm>>, %arg7: memref<632x144xf32, #tpu.memory_space<hbm>>, %arg8: memref<2x10112x144xf32, #tpu.memory_space<hbm>>, %arg9: memref<48xi32, #tpu.memory_space<vmem>>, %arg10: memref<48xi32, #tpu.memory_space<vmem>>, %arg11: memref<48x128xf32, #tpu.memory_space<vmem>>, %arg12: memref<48x128xf32, #tpu.memory_space<vmem>>, %arg13: memref<48xi32, #tpu.memory_space<vmem>>, %arg14: memref<48xi32, #tpu.memory_space<vmem>>, %arg15: memref<48x128xf32, #tpu.memory_space<vmem>>, %arg16: memref<48x128xf32, #tpu.memory_space<vmem>>, %arg17: memref<48x144xf32, #tpu.memory_space<vmem>>, %arg18: memref<48x144xf32, #tpu.memory_space<vmem>>, %arg19: memref<48xi32, #tpu.memory_space<vmem>>, %arg20: memref<48xi32, #tpu.memory_space<vmem>>, %arg21: memref<8x16xf32, #tpu.memory_space<vmem>>, %arg22: memref<10112x144xf32, #tpu.memory_space<vmem_shared>>, %arg23: memref<!tpu.dma_semaphore, #tpu.memory_space<semaphore_mem>>, %arg24: memref<!tpu.dma_semaphore, #tpu.memory_space<semaphore_mem>>, %arg25: memref<!tpu.dma_semaphore, #tpu.memory_space<semaphore_mem>>, %arg26: memref<!tpu.dma_semaphore, #tpu.memory_space<semaphore_mem>>, %arg27: memref<!tpu.dma_semaphore, #tpu.memory_space<semaphore_mem>>, %arg28: memref<!tpu.dma_semaphore, #tpu.memory_space<semaphore_mem>>, %arg29: memref<!tpu.dma_semaphore, #tpu.memory_space<semaphore_mem>>, %arg30: memref<!tpu.dma_semaphore, #tpu.memory_space<semaphore_mem>>, %arg31: memref<!tpu.dma_semaphore, #tpu.memory_space<semaphore_mem>>, %arg32: memref<!tpu.dma_semaphore, #tpu.memory_space<semaphore_mem>>) attributes {dimension_semantics = [#tpu.dimension_semantics<core_parallel>, #tpu.dimension_semantics<subcore_parallel>], iteration_bounds = array<i64: 2, 16>, scalar_prefetch = 0 : i64, scratch_operands = 24 : i64, tpu.core_type = #tpu.core_type<sc_vector_subcore>, window_params = [{transform_indices = #map}, {transform_indices = #map}, {transform_indices = #map1}, {transform_indices = #map1}, {transform_indices = #map}, {transform_indices = #map}, {transform_indices = #map2}]} {
    %mul3A = arith.constant 16 : i32
    %mul3A_0 = arith.muli %arg0, %mul3A : i32
    %add3A = arith.addi %mul3A_0, %arg1 : i32
    "tpu.region"() ({
      %run_scoped3A = tpu.sem_alloc : memref<!tpu.dma_semaphore, #tpu.memory_space<semaphore_mem>>
      tpu.enqueue_dma source(%arg6 : memref<8x16xf32, #tpu.memory_space<hbm>>) target(%arg21 : memref<8x16xf32, #tpu.memory_space<vmem>>) target_semaphore(%run_scoped3A : memref<!tpu.dma_semaphore, #tpu.memory_space<semaphore_mem>>)
      tpu.wait_dma2 semaphore(%run_scoped3A : memref<!tpu.dma_semaphore, #tpu.memory_space<semaphore_mem>>) src(%arg6 : memref<8x16xf32, #tpu.memory_space<hbm>>) dst(%arg21 : memref<8x16xf32, #tpu.memory_space<vmem>>)
      tpu.yield
    }) : () -> ()
    %mul3A_1 = arith.constant 632 : i32
    %mul3A_2 = arith.muli %arg1, %mul3A_1 : i32
    "tpu.region"() ({
      %run_scoped3A = tpu.sem_alloc : memref<!tpu.dma_semaphore, #tpu.memory_space<semaphore_mem>>
      %dma_start3A_100 = arith.constant 0 : i32
      %dma_start3A_101 = tpu.memref_slice %arg22[%mul3A_2, %dma_start3A_100] : memref<10112x144xf32, #tpu.memory_space<vmem_shared>> -> memref<632x144xf32, #tpu.memory_space<vmem_shared>>
      tpu.enqueue_dma source(%arg7 : memref<632x144xf32, #tpu.memory_space<hbm>>) target(%dma_start3A_101 : memref<632x144xf32, #tpu.memory_space<vmem_shared>>) target_semaphore(%run_scoped3A : memref<!tpu.dma_semaphore, #tpu.memory_space<semaphore_mem>>)
      %dma_wait3A_102 = arith.constant 0 : i32
      %dma_wait3A_103 = tpu.memref_slice %arg22[%mul3A_2, %dma_wait3A_102] : memref<10112x144xf32, #tpu.memory_space<vmem_shared>> -> memref<632x144xf32, #tpu.memory_space<vmem_shared>>
      tpu.wait_dma2 semaphore(%run_scoped3A : memref<!tpu.dma_semaphore, #tpu.memory_space<semaphore_mem>>) src(%arg7 : memref<632x144xf32, #tpu.memory_space<hbm>>) dst(%dma_wait3A_103 : memref<632x144xf32, #tpu.memory_space<vmem_shared>>)
      tpu.yield
    }) : () -> ()
    %barrier3A = arith.constant 0 : index
    tpu.barrier barrier_id(%barrier3A)
    %get3A = arith.constant 0 : i32
    %get3A_3 = arith.index_cast %get3A : i32 to index
    %get3A_4 = arith.constant 0 : index
    %get3A_5 = tpu.vector_load %arg21[%get3A_3, %get3A_4] {strides = array<i32>} : memref<8x16xf32, #tpu.memory_space<vmem>>, vector<16xf32>,
    %get3A_6 = arith.constant 1 : i32
    %get3A_7 = arith.index_cast %get3A_6 : i32 to index
    %get3A_8 = arith.constant 0 : index
    %get3A_9 = tpu.vector_load %arg21[%get3A_7, %get3A_8] {strides = array<i32>} : memref<8x16xf32, #tpu.memory_space<vmem>>, vector<16xf32>,
    %get3A_10 = arith.constant 2 : i32
    %get3A_11 = arith.index_cast %get3A_10 : i32 to index
    %get3A_12 = arith.constant 0 : index
    %get3A_13 = tpu.vector_load %arg21[%get3A_11, %get3A_12] {strides = array<i32>} : memref<8x16xf32, #tpu.memory_space<vmem>>, vector<16xf32>,
    %get3A_14 = arith.constant 3 : i32
    %get3A_15 = arith.index_cast %get3A_14 : i32 to index
    %get3A_16 = arith.constant 0 : index
    %get3A_17 = tpu.vector_load %arg21[%get3A_15, %get3A_16] {strides = array<i32>} : memref<8x16xf32, #tpu.memory_space<vmem>>, vector<16xf32>,
    %get3A_18 = arith.constant 4 : i32
    %get3A_19 = arith.index_cast %get3A_18 : i32 to index
    %get3A_20 = arith.constant 0 : index
    %get3A_21 = tpu.vector_load %arg21[%get3A_19, %get3A_20] {strides = array<i32>} : memref<8x16xf32, #tpu.memory_space<vmem>>, vector<16xf32>,
    %get3A_22 = arith.constant 5 : i32
    %get3A_23 = arith.index_cast %get3A_22 : i32 to index
    %get3A_24 = arith.constant 0 : index
    %get3A_25 = tpu.vector_load %arg21[%get3A_23, %get3A_24] {strides = array<i32>} : memref<8x16xf32, #tpu.memory_space<vmem>>, vector<16xf32>,
    %get3A_26 = arith.constant 6 : i32
    %get3A_27 = arith.index_cast %get3A_26 : i32 to index
    %get3A_28 = arith.constant 0 : index
    %get3A_29 = tpu.vector_load %arg21[%get3A_27, %get3A_28] {strides = array<i32>} : memref<8x16xf32, #tpu.memory_space<vmem>>, vector<16xf32>,
    %get3A_30 = arith.constant 7 : i32
    %get3A_31 = arith.index_cast %get3A_30 : i32 to index
    %get3A_32 = arith.constant 0 : index
    %get3A_33 = tpu.vector_load %arg21[%get3A_31, %get3A_32] {strides = array<i32>} : memref<8x16xf32, #tpu.memory_space<vmem>>, vector<16xf32>,
    %iota3A = tpu.iota {dimensions = array<i32: 0>} : vector<16xi32>
    %eq3A = arith.constant 0 : i32
    %eq3A_34 = vector.broadcast %eq3A : i32 to vector<16xi32>
    %eq3A_35 = arith.cmpi eq, %iota3A, %eq3A_34 : vector<16xi32>
    %eq3A_36 = arith.constant 1 : i32
    %eq3A_37 = vector.broadcast %eq3A_36 : i32 to vector<16xi32>
    %eq3A_38 = arith.cmpi eq, %iota3A, %eq3A_37 : vector<16xi32>
    %eq3A_39 = arith.constant 2 : i32
    %eq3A_40 = vector.broadcast %eq3A_39 : i32 to vector<16xi32>
    %eq3A_41 = arith.cmpi eq, %iota3A, %eq3A_40 : vector<16xi32>
    %eq3A_42 = arith.constant 3 : i32
    %eq3A_43 = vector.broadcast %eq3A_42 : i32 to vector<16xi32>
    %eq3A_44 = arith.cmpi eq, %iota3A, %eq3A_43 : vector<16xi32>
    %eq3A_45 = arith.constant 4 : i32
    %eq3A_46 = vector.broadcast %eq3A_45 : i32 to vector<16xi32>
    %eq3A_47 = arith.cmpi eq, %iota3A, %eq3A_46 : vector<16xi32>
    %eq3A_48 = arith.constant 5 : i32
    %eq3A_49 = vector.broadcast %eq3A_48 : i32 to vector<16xi32>
    %eq3A_50 = arith.cmpi eq, %iota3A, %eq3A_49 : vector<16xi32>
    %eq3A_51 = arith.constant 6 : i32
    %eq3A_52 = vector.broadcast %eq3A_51 : i32 to vector<16xi32>
    %eq3A_53 = arith.cmpi eq, %iota3A, %eq3A_52 : vector<16xi32>
    %eq3A_54 = arith.constant 7 : i32
    %eq3A_55 = vector.broadcast %eq3A_54 : i32 to vector<16xi32>
    %eq3A_56 = arith.cmpi eq, %iota3A, %eq3A_55 : vector<16xi32>
    %mul3A_57 = arith.constant 10368 : i32
    %mul3A_58 = arith.muli %add3A, %mul3A_57 : i32
    %add3A_59 = arith.constant 0 : i32
    %add3A_60 = arith.addi %mul3A_58, %add3A_59 : i32
    %dma_start3A = tpu.memref_slice %arg4[%add3A_60] : memref<331776xi32, #tpu.memory_space<hbm>> -> memref<48xi32, #tpu.memory_space<hbm>>
    %dma_start3A_61 = tpu.memref_slice %arg4[%add3A_60] : memref<331776xi32, #tpu.memory_space<hbm>> -> memref<48xi32, #tpu.memory_space<hbm>>
    tpu.enqueue_dma source(%dma_start3A_61 : memref<48xi32, #tpu.memory_space<hbm>>) target(%arg9 : memref<48xi32, #tpu.memory_space<vmem>>) target_semaphore(%arg29 : memref<!tpu.dma_semaphore, #tpu.memory_space<semaphore_mem>>)
    %dma_start3A_62 = tpu.memref_slice %arg5[%add3A_60] : memref<331776xi32, #tpu.memory_space<hbm>> -> memref<48xi32, #tpu.memory_space<hbm>>
    %dma_start3A_63 = tpu.memref_slice %arg5[%add3A_60] : memref<331776xi32, #tpu.memory_space<hbm>> -> memref<48xi32, #tpu.memory_space<hbm>>
    tpu.enqueue_dma source(%dma_start3A_63 : memref<48xi32, #tpu.memory_space<hbm>>) target(%arg10 : memref<48xi32, #tpu.memory_space<vmem>>) target_semaphore(%arg30 : memref<!tpu.dma_semaphore, #tpu.memory_space<semaphore_mem>>)
    %mul3A_64 = arith.constant 10368 : i32
    %mul3A_65 = arith.muli %add3A, %mul3A_64 : i32
    %add3A_66 = arith.constant 48 : i32
    %add3A_67 = arith.addi %mul3A_65, %add3A_66 : i32
    %dma_start3A_68 = tpu.memref_slice %arg4[%add3A_67] : memref<331776xi32, #tpu.memory_space<hbm>> -> memref<48xi32, #tpu.memory_space<hbm>>
    %dma_start3A_69 = tpu.memref_slice %arg4[%add3A_67] : memref<331776xi32, #tpu.memory_space<hbm>> -> memref<48xi32, #tpu.memory_space<hbm>>
    tpu.enqueue_dma source(%dma_start3A_69 : memref<48xi32, #tpu.memory_space<hbm>>) target(%arg13 : memref<48xi32, #tpu.memory_space<vmem>>) target_semaphore(%arg31 : memref<!tpu.dma_semaphore, #tpu.memory_space<semaphore_mem>>)
    %dma_start3A_70 = tpu.memref_slice %arg5[%add3A_67] : memref<331776xi32, #tpu.memory_space<hbm>> -> memref<48xi32, #tpu.memory_space<hbm>>
    %dma_start3A_71 = tpu.memref_slice %arg5[%add3A_67] : memref<331776xi32, #tpu.memory_space<hbm>> -> memref<48xi32, #tpu.memory_space<hbm>>
    tpu.enqueue_dma source(%dma_start3A_71 : memref<48xi32, #tpu.memory_space<hbm>>) target(%arg14 : memref<48xi32, #tpu.memory_space<vmem>>) target_semaphore(%arg32 : memref<!tpu.dma_semaphore, #tpu.memory_space<semaphore_mem>>)
    %mul3A_72 = arith.constant 10368 : i32
    %mul3A_73 = arith.muli %add3A, %mul3A_72 : i32
    %add3A_74 = arith.constant 0 : i32
    %add3A_75 = arith.addi %mul3A_73, %add3A_74 : i32
    %dma_wait3A = tpu.memref_slice %arg4[%add3A_75] : memref<331776xi32, #tpu.memory_space<hbm>> -> memref<48xi32, #tpu.memory_space<hbm>>
    %dma_wait3A_76 = tpu.memref_slice %arg4[%add3A_75] : memref<331776xi32, #tpu.memory_space<hbm>> -> memref<48xi32, #tpu.memory_space<hbm>>
    tpu.wait_dma2 semaphore(%arg29 : memref<!tpu.dma_semaphore, #tpu.memory_space<semaphore_mem>>) src(%dma_wait3A_76 : memref<48xi32, #tpu.memory_space<hbm>>) dst(%arg9 : memref<48xi32, #tpu.memory_space<vmem>>)
    %dma_wait3A_77 = tpu.memref_slice %arg5[%add3A_75] : memref<331776xi32, #tpu.memory_space<hbm>> -> memref<48xi32, #tpu.memory_space<hbm>>
    %dma_wait3A_78 = tpu.memref_slice %arg5[%add3A_75] : memref<331776xi32, #tpu.memory_space<hbm>> -> memref<48xi32, #tpu.memory_space<hbm>>
    tpu.wait_dma2 semaphore(%arg30 : memref<!tpu.dma_semaphore, #tpu.memory_space<semaphore_mem>>) src(%dma_wait3A_78 : memref<48xi32, #tpu.memory_space<hbm>>) dst(%arg10 : memref<48xi32, #tpu.memory_space<vmem>>)
    %dma_start3A_79 = arith.constant 0 : i32
    %dma_start3A_80 = arith.constant 0 : i32
    %dma_start3A_81 = tpu.memref_slice %arg2[%dma_start3A_79, %dma_start3A_80] : memref<10000x128xf32, #tpu.memory_space<hbm>> -> memref<10000x128xf32, #tpu.memory_space<hbm>>
    tpu.enqueue_indirect_dma source(%dma_start3A_81 : memref<10000x128xf32, #tpu.memory_space<hbm>>) target(%arg11 : memref<48x128xf32, #tpu.memory_space<vmem>>) offsets(%arg9 : memref<48xi32, #tpu.memory_space<vmem>>) semaphore(%arg23 : memref<!tpu.dma_semaphore, #tpu.memory_space<semaphore_mem>>)
    %dma_start3A_82 = arith.constant 0 : i32
    %dma_start3A_83 = arith.constant 0 : i32
    %dma_start3A_84 = tpu.memref_slice %arg3[%dma_start3A_82, %dma_start3A_83] : memref<10001x128xf32, #tpu.memory_space<hbm>> -> memref<10001x128xf32, #tpu.memory_space<hbm>>
    tpu.enqueue_indirect_dma source(%dma_start3A_84 : memref<10001x128xf32, #tpu.memory_space<hbm>>) target(%arg12 : memref<48x128xf32, #tpu.memory_space<vmem>>) offsets(%arg10 : memref<48xi32, #tpu.memory_space<vmem>>) semaphore(%arg24 : memref<!tpu.dma_semaphore, #tpu.memory_space<semaphore_mem>>)
    %scan3A = arith.constant 0 : i32
    %scan3A_85 = arith.constant 108 : i32
    %scan3A_86 = arith.addi %scan3A, %scan3A_85 : i32
    %scan3A_87 = arith.constant 1 : i32
    scf.for %scan3A_100 = %scan3A to %scan3A_86 step %scan3A_87  : i32 {
      %mul3A_101 = arith.constant 1 : i32
      %mul3A_102 = arith.muli %scan3A_100, %mul3A_101 : i32
      %add3A_103 = arith.constant 0 : i32
      %add3A_104 = arith.addi %add3A_103, %mul3A_102 : i32
      %mul3A_105 = arith.constant 2 : i32
      %mul3A_106 = arith.muli %mul3A_105, %add3A_104 : i32
      %add3A_107 = arith.constant 1 : i32
      %add3A_108 = arith.addi %add3A_104, %add3A_107 : i32
      %lt3A = arith.constant 108 : i32
      %lt3A_109 = arith.cmpi slt, %add3A_108, %lt3A : i32
      %dma_wait3A_110 = arith.constant 0 : i32
      %dma_wait3A_111 = arith.constant 0 : i32
      %dma_wait3A_112 = tpu.memref_slice %arg2[%dma_wait3A_110, %dma_wait3A_111] : memref<10000x128xf32, #tpu.memory_space<hbm>> -> memref<10000x128xf32, #tpu.memory_space<hbm>>
      tpu.wait_indirect_dma semaphore(%arg23 : memref<!tpu.dma_semaphore, #tpu.memory_space<semaphore_mem>>) src(%dma_wait3A_112 : memref<10000x128xf32, #tpu.memory_space<hbm>>) dst(%arg11 : memref<48x128xf32, #tpu.memory_space<vmem>>)
      %dma_wait3A_113 = arith.constant 0 : i32
      %dma_wait3A_114 = arith.constant 0 : i32
      %dma_wait3A_115 = tpu.memref_slice %arg3[%dma_wait3A_113, %dma_wait3A_114] : memref<10001x128xf32, #tpu.memory_space<hbm>> -> memref<10001x128xf32, #tpu.memory_space<hbm>>
      tpu.wait_indirect_dma semaphore(%arg24 : memref<!tpu.dma_semaphore, #tpu.memory_space<semaphore_mem>>) src(%dma_wait3A_115 : memref<10001x128xf32, #tpu.memory_space<hbm>>) dst(%arg12 : memref<48x128xf32, #tpu.memory_space<vmem>>)
      %add3A_116 = arith.constant 1 : i32
      %add3A_117 = arith.addi %mul3A_106, %add3A_116 : i32
      %mul3A_118 = arith.constant 10368 : i32
      %mul3A_119 = arith.muli %add3A, %mul3A_118 : i32
      %mul3A_120 = arith.constant 48 : i32
      %mul3A_121 = arith.muli %add3A_117, %mul3A_120 : i32
      %add3A_122 = arith.addi %mul3A_119, %mul3A_121 : i32
      %dma_wait3A_123 = tpu.memref_slice %arg4[%add3A_122] : memref<331776xi32, #tpu.memory_space<hbm>> -> memref<48xi32, #tpu.memory_space<hbm>>
      %dma_wait3A_124 = tpu.memref_slice %arg4[%add3A_122] : memref<331776xi32, #tpu.memory_space<hbm>> -> memref<48xi32, #tpu.memory_space<hbm>>
      tpu.wait_dma2 semaphore(%arg31 : memref<!tpu.dma_semaphore, #tpu.memory_space<semaphore_mem>>) src(%dma_wait3A_124 : memref<48xi32, #tpu.memory_space<hbm>>) dst(%arg13 : memref<48xi32, #tpu.memory_space<vmem>>)
      %dma_wait3A_125 = tpu.memref_slice %arg5[%add3A_122] : memref<331776xi32, #tpu.memory_space<hbm>> -> memref<48xi32, #tpu.memory_space<hbm>>
      %dma_wait3A_126 = tpu.memref_slice %arg5[%add3A_122] : memref<331776xi32, #tpu.memory_space<hbm>> -> memref<48xi32, #tpu.memory_space<hbm>>
      tpu.wait_dma2 semaphore(%arg32 : memref<!tpu.dma_semaphore, #tpu.memory_space<semaphore_mem>>) src(%dma_wait3A_126 : memref<48xi32, #tpu.memory_space<hbm>>) dst(%arg14 : memref<48xi32, #tpu.memory_space<vmem>>)
      %dma_start3A_127 = arith.constant 0 : i32
      %dma_start3A_128 = arith.constant 0 : i32
      %dma_start3A_129 = tpu.memref_slice %arg2[%dma_start3A_127, %dma_start3A_128] : memref<10000x128xf32, #tpu.memory_space<hbm>> -> memref<10000x128xf32, #tpu.memory_space<hbm>>
      tpu.enqueue_indirect_dma source(%dma_start3A_129 : memref<10000x128xf32, #tpu.memory_space<hbm>>) target(%arg15 : memref<48x128xf32, #tpu.memory_space<vmem>>) offsets(%arg13 : memref<48xi32, #tpu.memory_space<vmem>>) semaphore(%arg25 : memref<!tpu.dma_semaphore, #tpu.memory_space<semaphore_mem>>)
      %dma_start3A_130 = arith.constant 0 : i32
      %dma_start3A_131 = arith.constant 0 : i32
      %dma_start3A_132 = tpu.memref_slice %arg3[%dma_start3A_130, %dma_start3A_131] : memref<10001x128xf32, #tpu.memory_space<hbm>> -> memref<10001x128xf32, #tpu.memory_space<hbm>>
      tpu.enqueue_indirect_dma source(%dma_start3A_132 : memref<10001x128xf32, #tpu.memory_space<hbm>>) target(%arg16 : memref<48x128xf32, #tpu.memory_space<vmem>>) offsets(%arg14 : memref<48xi32, #tpu.memory_space<vmem>>) semaphore(%arg26 : memref<!tpu.dma_semaphore, #tpu.memory_space<semaphore_mem>>)
      %gt3A = arith.constant 0 : i32
      %gt3A_133 = arith.cmpi sgt, %add3A_104, %gt3A : i32
      %convert_element_type3A = arith.extui %gt3A_133 : i1 to i32
      %cond3A = arith.constant 0 : i32
      %cond3A_134 = arith.cmpi ne, %convert_element_type3A, %cond3A : i32
      scf.if %cond3A_134 {
        %dma_wait3A_189 = arith.constant 0 : i32
        %dma_wait3A_190 = arith.constant 0 : i32
        %dma_wait3A_191 = tpu.memref_slice %arg22[%dma_wait3A_189, %dma_wait3A_190] : memref<10112x144xf32, #tpu.memory_space<vmem_shared>> -> memref<10112x144xf32, #tpu.memory_space<vmem_shared>>
        tpu.wait_indirect_dma semaphore(%arg27 : memref<!tpu.dma_semaphore, #tpu.memory_space<semaphore_mem>>) src(%arg17 : memref<48x144xf32, #tpu.memory_space<vmem>>) dst(%dma_wait3A_191 : memref<10112x144xf32, #tpu.memory_space<vmem_shared>>)
      } else {
      }
      %get3A_135 = arith.constant 0 : index
      %get3A_136 = tpu.vector_load %arg10[%get3A_135] {strides = array<i32>} : memref<48xi32, #tpu.memory_space<vmem>>, vector<16xi32>,
      %swap3A = arith.constant 0 : index
      %swap3A_137 = tpu.vector_load %arg19[%swap3A] {strides = array<i32>} : memref<48xi32, #tpu.memory_space<vmem>>, vector<16xi32>,
      tpu.vector_store %arg19[%swap3A], %get3A_136 {strides = array<i32>} : memref<48xi32, #tpu.memory_space<vmem>>, vector<16xi32>,
      %get3A_138 = arith.constant 16 : index
      %get3A_139 = tpu.vector_load %arg10[%get3A_138] {strides = array<i32>} : memref<48xi32, #tpu.memory_space<vmem>>, vector<16xi32>,
      %swap3A_140 = arith.constant 16 : index
      %swap3A_141 = tpu.vector_load %arg19[%swap3A_140] {strides = array<i32>} : memref<48xi32, #tpu.memory_space<vmem>>, vector<16xi32>,
      tpu.vector_store %arg19[%swap3A_140], %get3A_139 {strides = array<i32>} : memref<48xi32, #tpu.memory_space<vmem>>, vector<16xi32>,
      %get3A_142 = arith.constant 32 : index
      %get3A_143 = tpu.vector_load %arg10[%get3A_142] {strides = array<i32>} : memref<48xi32, #tpu.memory_space<vmem>>, vector<16xi32>,
      %swap3A_144 = arith.constant 32 : index
      %swap3A_145 = tpu.vector_load %arg19[%swap3A_144] {strides = array<i32>} : memref<48xi32, #tpu.memory_space<vmem>>, vector<16xi32>,
      tpu.vector_store %arg19[%swap3A_144], %get3A_143 {strides = array<i32>} : memref<48xi32, #tpu.memory_space<vmem>>, vector<16xi32>,
      %convert_element_type3A_146 = arith.extui %lt3A_109 : i1 to i32
      %cond3A_147 = arith.constant 0 : i32
      %cond3A_148 = arith.cmpi ne, %convert_element_type3A_146, %cond3A_147 : i32
      scf.if %cond3A_148 {
        %add3A_189 = arith.constant 2 : i32
        %add3A_190 = arith.addi %mul3A_106, %add3A_189 : i32
        %mul3A_191 = arith.constant 10368 : i32
        %mul3A_192 = arith.muli %add3A, %mul3A_191 : i32
        %mul3A_193 = arith.constant 48 : i32
        %mul3A_194 = arith.muli %add3A_190, %mul3A_193 : i32
        %add3A_195 = arith.addi %mul3A_192, %mul3A_194 : i32
        %dma_start3A_196 = tpu.memref_slice %arg4[%add3A_195] : memref<331776xi32, #tpu.memory_space<hbm>> -> memref<48xi32, #tpu.memory_space<hbm>>
        %dma_start3A_197 = tpu.memref_slice %arg4[%add3A_195] : memref<331776xi32, #tpu.memory_space<hbm>> -> memref<48xi32, #tpu.memory_space<hbm>>
        tpu.enqueue_dma source(%dma_start3A_197 : memref<48xi32, #tpu.memory_space<hbm>>) target(%arg9 : memref<48xi32, #tpu.memory_space<vmem>>) target_semaphore(%arg29 : memref<!tpu.dma_semaphore, #tpu.memory_space<semaphore_mem>>)
        %dma_start3A_198 = tpu.memref_slice %arg5[%add3A_195] : memref<331776xi32, #tpu.memory_space<hbm>> -> memref<48xi32, #tpu.memory_space<hbm>>
        %dma_start3A_199 = tpu.memref_slice %arg5[%add3A_195] : memref<331776xi32, #tpu.memory_space<hbm>> -> memref<48xi32, #tpu.memory_space<hbm>>
        tpu.enqueue_dma source(%dma_start3A_199 : memref<48xi32, #tpu.memory_space<hbm>>) target(%arg10 : memref<48xi32, #tpu.memory_space<vmem>>) target_semaphore(%arg30 : memref<!tpu.dma_semaphore, #tpu.memory_space<semaphore_mem>>)
      } else {
      }
      %parallel_loop3A = arith.constant 0 : i32
      %parallel_loop3A_149 = arith.constant 48 : i32
      %parallel_loop3A_150 = arith.constant 1 : i32
      scf.for %parallel_loop3A_189 = %parallel_loop3A to %parallel_loop3A_149 step %parallel_loop3A_150  : i32 {
        %parallel_loop3A_190 = arith.constant 0.000000e+00 : f32
        %parallel_loop3A_191 = vector.broadcast %parallel_loop3A_190 : f32 to vector<16xf32>
        %parallel_loop3A_192 = arith.index_cast %parallel_loop3A_189 : i32 to index
        %parallel_loop3A_193 = arith.constant 0 : index
        %parallel_loop3A_194 = tpu.vector_load %arg11[%parallel_loop3A_192, %parallel_loop3A_193] {strides = array<i32>} : memref<48x128xf32, #tpu.memory_space<vmem>>, vector<16xf32>,
        %parallel_loop3A_195 = arith.index_cast %parallel_loop3A_189 : i32 to index
        %parallel_loop3A_196 = arith.constant 0 : index
        %parallel_loop3A_197 = tpu.vector_load %arg12[%parallel_loop3A_195, %parallel_loop3A_196] {strides = array<i32>} : memref<48x128xf32, #tpu.memory_space<vmem>>, vector<16xf32>,
        %parallel_loop3A_198 = arith.addf %parallel_loop3A_194, %parallel_loop3A_197 : vector<16xf32>
        %parallel_loop3A_199 = arith.constant 2.000000e-01 : f32
        %parallel_loop3A_200 = vector.broadcast %parallel_loop3A_199 : f32 to vector<16xf32>
        %parallel_loop3A_201 = arith.mulf %parallel_loop3A_200, %parallel_loop3A_198 : vector<16xf32>
        %parallel_loop3A_202 = arith.maximumf %parallel_loop3A_198, %parallel_loop3A_201 : vector<16xf32>
        %parallel_loop3A_203 = arith.mulf %parallel_loop3A_202, %get3A_5 : vector<16xf32>
        %parallel_loop3A_204 = arith.constant true
        %parallel_loop3A_205 = vector.broadcast %parallel_loop3A_204 : i1 to vector<16xi1>
        %parallel_loop3A_206 = tpu.scan <sum>, %parallel_loop3A_203 masked %parallel_loop3A_205 : vector<16xf32>, vector<16xi1> -> vector<16xf32>
        %parallel_loop3A_207 = vector.extract %parallel_loop3A_206[15] : f32 from vector<16xf32>
        %parallel_loop3A_208 = vector.broadcast %parallel_loop3A_207 : f32 to vector<16xf32>
        %parallel_loop3A_209 = math.exp %parallel_loop3A_208 : vector<16xf32>
        %parallel_loop3A_210 = arith.mulf %parallel_loop3A_194, %parallel_loop3A_209 : vector<16xf32>
        %parallel_loop3A_211 = arith.index_cast %parallel_loop3A_189 : i32 to index
        %parallel_loop3A_212 = arith.constant 0 : index
        %parallel_loop3A_213 = tpu.vector_load %arg17[%parallel_loop3A_211, %parallel_loop3A_212] {strides = array<i32>} : memref<48x144xf32, #tpu.memory_space<vmem>>, vector<16xf32>,
        tpu.vector_store %arg17[%parallel_loop3A_211, %parallel_loop3A_212], %parallel_loop3A_210 {strides = array<i32>} : memref<48x144xf32, #tpu.memory_space<vmem>>, vector<16xf32>,
        %parallel_loop3A_214 = arith.select %eq3A_35, %parallel_loop3A_209, %parallel_loop3A_191 : vector<16xi1>, vector<16xf32>
        %parallel_loop3A_215 = arith.index_cast %parallel_loop3A_189 : i32 to index
        %parallel_loop3A_216 = arith.constant 16 : index
        %parallel_loop3A_217 = tpu.vector_load %arg11[%parallel_loop3A_215, %parallel_loop3A_216] {strides = array<i32>} : memref<48x128xf32, #tpu.memory_space<vmem>>, vector<16xf32>,
        %parallel_loop3A_218 = arith.index_cast %parallel_loop3A_189 : i32 to index
        %parallel_loop3A_219 = arith.constant 16 : index
        %parallel_loop3A_220 = tpu.vector_load %arg12[%parallel_loop3A_218, %parallel_loop3A_219] {strides = array<i32>} : memref<48x128xf32, #tpu.memory_space<vmem>>, vector<16xf32>,
        %parallel_loop3A_221 = arith.addf %parallel_loop3A_217, %parallel_loop3A_220 : vector<16xf32>
        %parallel_loop3A_222 = arith.constant 2.000000e-01 : f32
        %parallel_loop3A_223 = vector.broadcast %parallel_loop3A_222 : f32 to vector<16xf32>
        %parallel_loop3A_224 = arith.mulf %parallel_loop3A_223, %parallel_loop3A_221 : vector<16xf32>
        %parallel_loop3A_225 = arith.maximumf %parallel_loop3A_221, %parallel_loop3A_224 : vector<16xf32>
        %parallel_loop3A_226 = arith.mulf %parallel_loop3A_225, %get3A_9 : vector<16xf32>
        %parallel_loop3A_227 = arith.constant true
        %parallel_loop3A_228 = vector.broadcast %parallel_loop3A_227 : i1 to vector<16xi1>
        %parallel_loop3A_229 = tpu.scan <sum>, %parallel_loop3A_226 masked %parallel_loop3A_228 : vector<16xf32>, vector<16xi1> -> vector<16xf32>
        %parallel_loop3A_230 = vector.extract %parallel_loop3A_229[15] : f32 from vector<16xf32>
        %parallel_loop3A_231 = vector.broadcast %parallel_loop3A_230 : f32 to vector<16xf32>
        %parallel_loop3A_232 = math.exp %parallel_loop3A_231 : vector<16xf32>
        %parallel_loop3A_233 = arith.mulf %parallel_loop3A_217, %parallel_loop3A_232 : vector<16xf32>
        %parallel_loop3A_234 = arith.index_cast %parallel_loop3A_189 : i32 to index
        %parallel_loop3A_235 = arith.constant 16 : index
        %parallel_loop3A_236 = tpu.vector_load %arg17[%parallel_loop3A_234, %parallel_loop3A_235] {strides = array<i32>} : memref<48x144xf32, #tpu.memory_space<vmem>>, vector<16xf32>,
        tpu.vector_store %arg17[%parallel_loop3A_234, %parallel_loop3A_235], %parallel_loop3A_233 {strides = array<i32>} : memref<48x144xf32, #tpu.memory_space<vmem>>, vector<16xf32>,
        %parallel_loop3A_237 = arith.select %eq3A_38, %parallel_loop3A_232, %parallel_loop3A_214 : vector<16xi1>, vector<16xf32>
        %parallel_loop3A_238 = arith.index_cast %parallel_loop3A_189 : i32 to index
        %parallel_loop3A_239 = arith.constant 32 : index
        %parallel_loop3A_240 = tpu.vector_load %arg11[%parallel_loop3A_238, %parallel_loop3A_239] {strides = array<i32>} : memref<48x128xf32, #tpu.memory_space<vmem>>, vector<16xf32>,
        %parallel_loop3A_241 = arith.index_cast %parallel_loop3A_189 : i32 to index
        %parallel_loop3A_242 = arith.constant 32 : index
        %parallel_loop3A_243 = tpu.vector_load %arg12[%parallel_loop3A_241, %parallel_loop3A_242] {strides = array<i32>} : memref<48x128xf32, #tpu.memory_space<vmem>>, vector<16xf32>,
        %parallel_loop3A_244 = arith.addf %parallel_loop3A_240, %parallel_loop3A_243 : vector<16xf32>
        %parallel_loop3A_245 = arith.constant 2.000000e-01 : f32
        %parallel_loop3A_246 = vector.broadcast %parallel_loop3A_245 : f32 to vector<16xf32>
        %parallel_loop3A_247 = arith.mulf %parallel_loop3A_246, %parallel_loop3A_244 : vector<16xf32>
        %parallel_loop3A_248 = arith.maximumf %parallel_loop3A_244, %parallel_loop3A_247 : vector<16xf32>
        %parallel_loop3A_249 = arith.mulf %parallel_loop3A_248, %get3A_13 : vector<16xf32>
        %parallel_loop3A_250 = arith.constant true
        %parallel_loop3A_251 = vector.broadcast %parallel_loop3A_250 : i1 to vector<16xi1>
        %parallel_loop3A_252 = tpu.scan <sum>, %parallel_loop3A_249 masked %parallel_loop3A_251 : vector<16xf32>, vector<16xi1> -> vector<16xf32>
        %parallel_loop3A_253 = vector.extract %parallel_loop3A_252[15] : f32 from vector<16xf32>
        %parallel_loop3A_254 = vector.broadcast %parallel_loop3A_253 : f32 to vector<16xf32>
        %parallel_loop3A_255 = math.exp %parallel_loop3A_254 : vector<16xf32>
        %parallel_loop3A_256 = arith.mulf %parallel_loop3A_240, %parallel_loop3A_255 : vector<16xf32>
        %parallel_loop3A_257 = arith.index_cast %parallel_loop3A_189 : i32 to index
        %parallel_loop3A_258 = arith.constant 32 : index
        %parallel_loop3A_259 = tpu.vector_load %arg17[%parallel_loop3A_257, %parallel_loop3A_258] {strides = array<i32>} : memref<48x144xf32, #tpu.memory_space<vmem>>, vector<16xf32>,
        tpu.vector_store %arg17[%parallel_loop3A_257, %parallel_loop3A_258], %parallel_loop3A_256 {strides = array<i32>} : memref<48x144xf32, #tpu.memory_space<vmem>>, vector<16xf32>,
        %parallel_loop3A_260 = arith.select %eq3A_41, %parallel_loop3A_255, %parallel_loop3A_237 : vector<16xi1>, vector<16xf32>
        %parallel_loop3A_261 = arith.index_cast %parallel_loop3A_189 : i32 to index
        %parallel_loop3A_262 = arith.constant 48 : index
        %parallel_loop3A_263 = tpu.vector_load %arg11[%parallel_loop3A_261, %parallel_loop3A_262] {strides = array<i32>} : memref<48x128xf32, #tpu.memory_space<vmem>>, vector<16xf32>,
        %parallel_loop3A_264 = arith.index_cast %parallel_loop3A_189 : i32 to index
        %parallel_loop3A_265 = arith.constant 48 : index
        %parallel_loop3A_266 = tpu.vector_load %arg12[%parallel_loop3A_264, %parallel_loop3A_265] {strides = array<i32>} : memref<48x128xf32, #tpu.memory_space<vmem>>, vector<16xf32>,
        %parallel_loop3A_267 = arith.addf %parallel_loop3A_263, %parallel_loop3A_266 : vector<16xf32>
        %parallel_loop3A_268 = arith.constant 2.000000e-01 : f32
        %parallel_loop3A_269 = vector.broadcast %parallel_loop3A_268 : f32 to vector<16xf32>
        %parallel_loop3A_270 = arith.mulf %parallel_loop3A_269, %parallel_loop3A_267 : vector<16xf32>
        %parallel_loop3A_271 = arith.maximumf %parallel_loop3A_267, %parallel_loop3A_270 : vector<16xf32>
        %parallel_loop3A_272 = arith.mulf %parallel_loop3A_271, %get3A_17 : vector<16xf32>
        %parallel_loop3A_273 = arith.constant true
        %parallel_loop3A_274 = vector.broadcast %parallel_loop3A_273 : i1 to vector<16xi1>
        %parallel_loop3A_275 = tpu.scan <sum>, %parallel_loop3A_272 masked %parallel_loop3A_274 : vector<16xf32>, vector<16xi1> -> vector<16xf32>
        %parallel_loop3A_276 = vector.extract %parallel_loop3A_275[15] : f32 from vector<16xf32>
        %parallel_loop3A_277 = vector.broadcast %parallel_loop3A_276 : f32 to vector<16xf32>
        %parallel_loop3A_278 = math.exp %parallel_loop3A_277 : vector<16xf32>
        %parallel_loop3A_279 = arith.mulf %parallel_loop3A_263, %parallel_loop3A_278 : vector<16xf32>
        %parallel_loop3A_280 = arith.index_cast %parallel_loop3A_189 : i32 to index
        %parallel_loop3A_281 = arith.constant 48 : index
        %parallel_loop3A_282 = tpu.vector_load %arg17[%parallel_loop3A_280, %parallel_loop3A_281] {strides = array<i32>} : memref<48x144xf32, #tpu.memory_space<vmem>>, vector<16xf32>,
        tpu.vector_store %arg17[%parallel_loop3A_280, %parallel_loop3A_281], %parallel_loop3A_279 {strides = array<i32>} : memref<48x144xf32, #tpu.memory_space<vmem>>, vector<16xf32>,
        %parallel_loop3A_283 = arith.select %eq3A_44, %parallel_loop3A_278, %parallel_loop3A_260 : vector<16xi1>, vector<16xf32>
        %parallel_loop3A_284 = arith.index_cast %parallel_loop3A_189 : i32 to index
        %parallel_loop3A_285 = arith.constant 64 : index
        %parallel_loop3A_286 = tpu.vector_load %arg11[%parallel_loop3A_284, %parallel_loop3A_285] {strides = array<i32>} : memref<48x128xf32, #tpu.memory_space<vmem>>, vector<16xf32>,
        %parallel_loop3A_287 = arith.index_cast %parallel_loop3A_189 : i32 to index
        %parallel_loop3A_288 = arith.constant 64 : index
        %parallel_loop3A_289 = tpu.vector_load %arg12[%parallel_loop3A_287, %parallel_loop3A_288] {strides = array<i32>} : memref<48x128xf32, #tpu.memory_space<vmem>>, vector<16xf32>,
        %parallel_loop3A_290 = arith.addf %parallel_loop3A_286, %parallel_loop3A_289 : vector<16xf32>
        %parallel_loop3A_291 = arith.constant 2.000000e-01 : f32
        %parallel_loop3A_292 = vector.broadcast %parallel_loop3A_291 : f32 to vector<16xf32>
        %parallel_loop3A_293 = arith.mulf %parallel_loop3A_292, %parallel_loop3A_290 : vector<16xf32>
        %parallel_loop3A_294 = arith.maximumf %parallel_loop3A_290, %parallel_loop3A_293 : vector<16xf32>
        %parallel_loop3A_295 = arith.mulf %parallel_loop3A_294, %get3A_21 : vector<16xf32>
        %parallel_loop3A_296 = arith.constant true
        %parallel_loop3A_297 = vector.broadcast %parallel_loop3A_296 : i1 to vector<16xi1>
        %parallel_loop3A_298 = tpu.scan <sum>, %parallel_loop3A_295 masked %parallel_loop3A_297 : vector<16xf32>, vector<16xi1> -> vector<16xf32>
        %parallel_loop3A_299 = vector.extract %parallel_loop3A_298[15] : f32 from vector<16xf32>
        %parallel_loop3A_300 = vector.broadcast %parallel_loop3A_299 : f32 to vector<16xf32>
        %parallel_loop3A_301 = math.exp %parallel_loop3A_300 : vector<16xf32>
        %parallel_loop3A_302 = arith.mulf %parallel_loop3A_286, %parallel_loop3A_301 : vector<16xf32>
        %parallel_loop3A_303 = arith.index_cast %parallel_loop3A_189 : i32 to index
        %parallel_loop3A_304 = arith.constant 64 : index
        %parallel_loop3A_305 = tpu.vector_load %arg17[%parallel_loop3A_303, %parallel_loop3A_304] {strides = array<i32>} : memref<48x144xf32, #tpu.memory_space<vmem>>, vector<16xf32>,
        tpu.vector_store %arg17[%parallel_loop3A_303, %parallel_loop3A_304], %parallel_loop3A_302 {strides = array<i32>} : memref<48x144xf32, #tpu.memory_space<vmem>>, vector<16xf32>,
        %parallel_loop3A_306 = arith.select %eq3A_47, %parallel_loop3A_301, %parallel_loop3A_283 : vector<16xi1>, vector<16xf32>
        %parallel_loop3A_307 = arith.index_cast %parallel_loop3A_189 : i32 to index
        %parallel_loop3A_308 = arith.constant 80 : index
        %parallel_loop3A_309 = tpu.vector_load %arg11[%parallel_loop3A_307, %parallel_loop3A_308] {strides = array<i32>} : memref<48x128xf32, #tpu.memory_space<vmem>>, vector<16xf32>,
        %parallel_loop3A_310 = arith.index_cast %parallel_loop3A_189 : i32 to index
        %parallel_loop3A_311 = arith.constant 80 : index
        %parallel_loop3A_312 = tpu.vector_load %arg12[%parallel_loop3A_310, %parallel_loop3A_311] {strides = array<i32>} : memref<48x128xf32, #tpu.memory_space<vmem>>, vector<16xf32>,
        %parallel_loop3A_313 = arith.addf %parallel_loop3A_309, %parallel_loop3A_312 : vector<16xf32>
        %parallel_loop3A_314 = arith.constant 2.000000e-01 : f32
        %parallel_loop3A_315 = vector.broadcast %parallel_loop3A_314 : f32 to vector<16xf32>
        %parallel_loop3A_316 = arith.mulf %parallel_loop3A_315, %parallel_loop3A_313 : vector<16xf32>
        %parallel_loop3A_317 = arith.maximumf %parallel_loop3A_313, %parallel_loop3A_316 : vector<16xf32>
        %parallel_loop3A_318 = arith.mulf %parallel_loop3A_317, %get3A_25 : vector<16xf32>
        %parallel_loop3A_319 = arith.constant true
        %parallel_loop3A_320 = vector.broadcast %parallel_loop3A_319 : i1 to vector<16xi1>
        %parallel_loop3A_321 = tpu.scan <sum>, %parallel_loop3A_318 masked %parallel_loop3A_320 : vector<16xf32>, vector<16xi1> -> vector<16xf32>
        %parallel_loop3A_322 = vector.extract %parallel_loop3A_321[15] : f32 from vector<16xf32>
        %parallel_loop3A_323 = vector.broadcast %parallel_loop3A_322 : f32 to vector<16xf32>
        %parallel_loop3A_324 = math.exp %parallel_loop3A_323 : vector<16xf32>
        %parallel_loop3A_325 = arith.mulf %parallel_loop3A_309, %parallel_loop3A_324 : vector<16xf32>
        %parallel_loop3A_326 = arith.index_cast %parallel_loop3A_189 : i32 to index
        %parallel_loop3A_327 = arith.constant 80 : index
        %parallel_loop3A_328 = tpu.vector_load %arg17[%parallel_loop3A_326, %parallel_loop3A_327] {strides = array<i32>} : memref<48x144xf32, #tpu.memory_space<vmem>>, vector<16xf32>,
        tpu.vector_store %arg17[%parallel_loop3A_326, %parallel_loop3A_327], %parallel_loop3A_325 {strides = array<i32>} : memref<48x144xf32, #tpu.memory_space<vmem>>, vector<16xf32>,
        %parallel_loop3A_329 = arith.select %eq3A_50, %parallel_loop3A_324, %parallel_loop3A_306 : vector<16xi1>, vector<16xf32>
        %parallel_loop3A_330 = arith.index_cast %parallel_loop3A_189 : i32 to index
        %parallel_loop3A_331 = arith.constant 96 : index
        %parallel_loop3A_332 = tpu.vector_load %arg11[%parallel_loop3A_330, %parallel_loop3A_331] {strides = array<i32>} : memref<48x128xf32, #tpu.memory_space<vmem>>, vector<16xf32>,
        %parallel_loop3A_333 = arith.index_cast %parallel_loop3A_189 : i32 to index
        %parallel_loop3A_334 = arith.constant 96 : index
        %parallel_loop3A_335 = tpu.vector_load %arg12[%parallel_loop3A_333, %parallel_loop3A_334] {strides = array<i32>} : memref<48x128xf32, #tpu.memory_space<vmem>>, vector<16xf32>,
        %parallel_loop3A_336 = arith.addf %parallel_loop3A_332, %parallel_loop3A_335 : vector<16xf32>
        %parallel_loop3A_337 = arith.constant 2.000000e-01 : f32
        %parallel_loop3A_338 = vector.broadcast %parallel_loop3A_337 : f32 to vector<16xf32>
        %parallel_loop3A_339 = arith.mulf %parallel_loop3A_338, %parallel_loop3A_336 : vector<16xf32>
        %parallel_loop3A_340 = arith.maximumf %parallel_loop3A_336, %parallel_loop3A_339 : vector<16xf32>
        %parallel_loop3A_341 = arith.mulf %parallel_loop3A_340, %get3A_29 : vector<16xf32>
        %parallel_loop3A_342 = arith.constant true
        %parallel_loop3A_343 = vector.broadcast %parallel_loop3A_342 : i1 to vector<16xi1>
        %parallel_loop3A_344 = tpu.scan <sum>, %parallel_loop3A_341 masked %parallel_loop3A_343 : vector<16xf32>, vector<16xi1> -> vector<16xf32>
        %parallel_loop3A_345 = vector.extract %parallel_loop3A_344[15] : f32 from vector<16xf32>
        %parallel_loop3A_346 = vector.broadcast %parallel_loop3A_345 : f32 to vector<16xf32>
        %parallel_loop3A_347 = math.exp %parallel_loop3A_346 : vector<16xf32>
        %parallel_loop3A_348 = arith.mulf %parallel_loop3A_332, %parallel_loop3A_347 : vector<16xf32>
        %parallel_loop3A_349 = arith.index_cast %parallel_loop3A_189 : i32 to index
        %parallel_loop3A_350 = arith.constant 96 : index
        %parallel_loop3A_351 = tpu.vector_load %arg17[%parallel_loop3A_349, %parallel_loop3A_350] {strides = array<i32>} : memref<48x144xf32, #tpu.memory_space<vmem>>, vector<16xf32>,
        tpu.vector_store %arg17[%parallel_loop3A_349, %parallel_loop3A_350], %parallel_loop3A_348 {strides = array<i32>} : memref<48x144xf32, #tpu.memory_space<vmem>>, vector<16xf32>,
        %parallel_loop3A_352 = arith.select %eq3A_53, %parallel_loop3A_347, %parallel_loop3A_329 : vector<16xi1>, vector<16xf32>
        %parallel_loop3A_353 = arith.index_cast %parallel_loop3A_189 : i32 to index
        %parallel_loop3A_354 = arith.constant 112 : index
        %parallel_loop3A_355 = tpu.vector_load %arg11[%parallel_loop3A_353, %parallel_loop3A_354] {strides = array<i32>} : memref<48x128xf32, #tpu.memory_space<vmem>>, vector<16xf32>,
        %parallel_loop3A_356 = arith.index_cast %parallel_loop3A_189 : i32 to index
        %parallel_loop3A_357 = arith.constant 112 : index
        %parallel_loop3A_358 = tpu.vector_load %arg12[%parallel_loop3A_356, %parallel_loop3A_357] {strides = array<i32>} : memref<48x128xf32, #tpu.memory_space<vmem>>, vector<16xf32>,
        %parallel_loop3A_359 = arith.addf %parallel_loop3A_355, %parallel_loop3A_358 : vector<16xf32>
        %parallel_loop3A_360 = arith.constant 2.000000e-01 : f32
        %parallel_loop3A_361 = vector.broadcast %parallel_loop3A_360 : f32 to vector<16xf32>
        %parallel_loop3A_362 = arith.mulf %parallel_loop3A_361, %parallel_loop3A_359 : vector<16xf32>
        %parallel_loop3A_363 = arith.maximumf %parallel_loop3A_359, %parallel_loop3A_362 : vector<16xf32>
        %parallel_loop3A_364 = arith.mulf %parallel_loop3A_363, %get3A_33 : vector<16xf32>
        %parallel_loop3A_365 = arith.constant true
        %parallel_loop3A_366 = vector.broadcast %parallel_loop3A_365 : i1 to vector<16xi1>
        %parallel_loop3A_367 = tpu.scan <sum>, %parallel_loop3A_364 masked %parallel_loop3A_366 : vector<16xf32>, vector<16xi1> -> vector<16xf32>
        %parallel_loop3A_368 = vector.extract %parallel_loop3A_367[15] : f32 from vector<16xf32>
        %parallel_loop3A_369 = vector.broadcast %parallel_loop3A_368 : f32 to vector<16xf32>
        %parallel_loop3A_370 = math.exp %parallel_loop3A_369 : vector<16xf32>
        %parallel_loop3A_371 = arith.mulf %parallel_loop3A_355, %parallel_loop3A_370 : vector<16xf32>
        %parallel_loop3A_372 = arith.index_cast %parallel_loop3A_189 : i32 to index
        %parallel_loop3A_373 = arith.constant 112 : index
        %parallel_loop3A_374 = tpu.vector_load %arg17[%parallel_loop3A_372, %parallel_loop3A_373] {strides = array<i32>} : memref<48x144xf32, #tpu.memory_space<vmem>>, vector<16xf32>,
        tpu.vector_store %arg17[%parallel_loop3A_372, %parallel_loop3A_373], %parallel_loop3A_371 {strides = array<i32>} : memref<48x144xf32, #tpu.memory_space<vmem>>, vector<16xf32>,
        %parallel_loop3A_375 = arith.select %eq3A_56, %parallel_loop3A_370, %parallel_loop3A_352 : vector<16xi1>, vector<16xf32>
        %parallel_loop3A_376 = arith.index_cast %parallel_loop3A_189 : i32 to index
        %parallel_loop3A_377 = arith.constant 128 : index
        %parallel_loop3A_378 = tpu.vector_load %arg17[%parallel_loop3A_376, %parallel_loop3A_377] {strides = array<i32>} : memref<48x144xf32, #tpu.memory_space<vmem>>, vector<16xf32>,
        tpu.vector_store %arg17[%parallel_loop3A_376, %parallel_loop3A_377], %parallel_loop3A_375 {strides = array<i32>} : memref<48x144xf32, #tpu.memory_space<vmem>>, vector<16xf32>,
      } {sc.loop_unroll_factor = 1 : i64, sc.parallel_access}
      %dma_start3A_151 = arith.constant 0 : i32
      %dma_start3A_152 = arith.constant 0 : i32
      %dma_start3A_153 = tpu.memref_slice %arg22[%dma_start3A_151, %dma_start3A_152] : memref<10112x144xf32, #tpu.memory_space<vmem_shared>> -> memref<10112x144xf32, #tpu.memory_space<vmem_shared>>
      tpu.enqueue_indirect_dma source(%arg17 : memref<48x144xf32, #tpu.memory_space<vmem>>) target(%dma_start3A_153 : memref<10112x144xf32, #tpu.memory_space<vmem_shared>>) offsets(%arg19 : memref<48xi32, #tpu.memory_space<vmem>>) semaphore(%arg27 : memref<!tpu.dma_semaphore, #tpu.memory_space<semaphore_mem>>) {add = true}
      %dma_wait3A_154 = arith.constant 0 : i32
      %dma_wait3A_155 = arith.constant 0 : i32
      %dma_wait3A_156 = tpu.memref_slice %arg2[%dma_wait3A_154, %dma_wait3A_155] : memref<10000x128xf32, #tpu.memory_space<hbm>> -> memref<10000x128xf32, #tpu.memory_space<hbm>>
      tpu.wait_indirect_dma semaphore(%arg25 : memref<!tpu.dma_semaphore, #tpu.memory_space<semaphore_mem>>) src(%dma_wait3A_156 : memref<10000x128xf32, #tpu.memory_space<hbm>>) dst(%arg15 : memref<48x128xf32, #tpu.memory_space<vmem>>)
      %dma_wait3A_157 = arith.constant 0 : i32
      %dma_wait3A_158 = arith.constant 0 : i32
      %dma_wait3A_159 = tpu.memref_slice %arg3[%dma_wait3A_157, %dma_wait3A_158] : memref<10001x128xf32, #tpu.memory_space<hbm>> -> memref<10001x128xf32, #tpu.memory_space<hbm>>
      tpu.wait_indirect_dma semaphore(%arg26 : memref<!tpu.dma_semaphore, #tpu.memory_space<semaphore_mem>>) src(%dma_wait3A_159 : memref<10001x128xf32, #tpu.memory_space<hbm>>) dst(%arg16 : memref<48x128xf32, #tpu.memory_space<vmem>>)
      %convert_element_type3A_160 = arith.extui %lt3A_109 : i1 to i32
      %cond3A_161 = arith.constant 0 : i32
      %cond3A_162 = arith.cmpi ne, %convert_element_type3A_160, %cond3A_161 : i32
      scf.if %cond3A_162 {
        %add3A_189 = arith.constant 2 : i32
        %add3A_190 = arith.addi %mul3A_106, %add3A_189 : i32
        %mul3A_191 = arith.constant 10368 : i32
        %mul3A_192 = arith.muli %add3A, %mul3A_191 : i32
        %mul3A_193 = arith.constant 48 : i32
        %mul3A_194 = arith.muli %add3A_190, %mul3A_193 : i32
        %add3A_195 = arith.addi %mul3A_192, %mul3A_194 : i32
        %dma_wait3A_196 = tpu.memref_slice %arg4[%add3A_195] : memref<331776xi32, #tpu.memory_space<hbm>> -> memref<48xi32, #tpu.memory_space<hbm>>
        %dma_wait3A_197 = tpu.memref_slice %arg4[%add3A_195] : memref<331776xi32, #tpu.memory_space<hbm>> -> memref<48xi32, #tpu.memory_space<hbm>>
        tpu.wait_dma2 semaphore(%arg29 : memref<!tpu.dma_semaphore, #tpu.memory_space<semaphore_mem>>) src(%dma_wait3A_197 : memref<48xi32, #tpu.memory_space<hbm>>) dst(%arg9 : memref<48xi32, #tpu.memory_space<vmem>>)
        %dma_wait3A_198 = tpu.memref_slice %arg5[%add3A_195] : memref<331776xi32, #tpu.memory_space<hbm>> -> memref<48xi32, #tpu.memory_space<hbm>>
        %dma_wait3A_199 = tpu.memref_slice %arg5[%add3A_195] : memref<331776xi32, #tpu.memory_space<hbm>> -> memref<48xi32, #tpu.memory_space<hbm>>
        tpu.wait_dma2 semaphore(%arg30 : memref<!tpu.dma_semaphore, #tpu.memory_space<semaphore_mem>>) src(%dma_wait3A_199 : memref<48xi32, #tpu.memory_space<hbm>>) dst(%arg10 : memref<48xi32, #tpu.memory_space<vmem>>)
        %dma_start3A_200 = arith.constant 0 : i32
        %dma_start3A_201 = arith.constant 0 : i32
        %dma_start3A_202 = tpu.memref_slice %arg2[%dma_start3A_200, %dma_start3A_201] : memref<10000x128xf32, #tpu.memory_space<hbm>> -> memref<10000x128xf32, #tpu.memory_space<hbm>>
        tpu.enqueue_indirect_dma source(%dma_start3A_202 : memref<10000x128xf32, #tpu.memory_space<hbm>>) target(%arg11 : memref<48x128xf32, #tpu.memory_space<vmem>>) offsets(%arg9 : memref<48xi32, #tpu.memory_space<vmem>>) semaphore(%arg23 : memref<!tpu.dma_semaphore, #tpu.memory_space<semaphore_mem>>)
        %dma_start3A_203 = arith.constant 0 : i32
        %dma_start3A_204 = arith.constant 0 : i32
        %dma_start3A_205 = tpu.memref_slice %arg3[%dma_start3A_203, %dma_start3A_204] : memref<10001x128xf32, #tpu.memory_space<hbm>> -> memref<10001x128xf32, #tpu.memory_space<hbm>>
        tpu.enqueue_indirect_dma source(%dma_start3A_205 : memref<10001x128xf32, #tpu.memory_space<hbm>>) target(%arg12 : memref<48x128xf32, #tpu.memory_space<vmem>>) offsets(%arg10 : memref<48xi32, #tpu.memory_space<vmem>>) semaphore(%arg24 : memref<!tpu.dma_semaphore, #tpu.memory_space<semaphore_mem>>)
      } else {
      }
      %gt3A_163 = arith.constant 0 : i32
      %gt3A_164 = arith.cmpi sgt, %add3A_104, %gt3A_163 : i32
      %convert_element_type3A_165 = arith.extui %gt3A_164 : i1 to i32
      %cond3A_166 = arith.constant 0 : i32
      %cond3A_167 = arith.cmpi ne, %convert_element_type3A_165, %cond3A_166 : i32
      scf.if %cond3A_167 {
        %dma_wait3A_189 = arith.constant 0 : i32
        %dma_wait3A_190 = arith.constant 0 : i32
        %dma_wait3A_191 = tpu.memref_slice %arg22[%dma_wait3A_189, %dma_wait3A_190] : memref<10112x144xf32, #tpu.memory_space<vmem_shared>> -> memref<10112x144xf32, #tpu.memory_space<vmem_shared>>
        tpu.wait_indirect_dma semaphore(%arg28 : memref<!tpu.dma_semaphore, #tpu.memory_space<semaphore_mem>>) src(%arg18 : memref<48x144xf32, #tpu.memory_space<vmem>>) dst(%dma_wait3A_191 : memref<10112x144xf32, #tpu.memory_space<vmem_shared>>)
      } else {
      }
      %get3A_168 = arith.constant 0 : index
      %get3A_169 = tpu.vector_load %arg14[%get3A_168] {strides = array<i32>} : memref<48xi32, #tpu.memory_space<vmem>>, vector<16xi32>,
      %swap3A_170 = arith.constant 0 : index
      %swap3A_171 = tpu.vector_load %arg20[%swap3A_170] {strides = array<i32>} : memref<48xi32, #tpu.memory_space<vmem>>, vector<16xi32>,
      tpu.vector_store %arg20[%swap3A_170], %get3A_169 {strides = array<i32>} : memref<48xi32, #tpu.memory_space<vmem>>, vector<16xi32>,
      %get3A_172 = arith.constant 16 : index
      %get3A_173 = tpu.vector_load %arg14[%get3A_172] {strides = array<i32>} : memref<48xi32, #tpu.memory_space<vmem>>, vector<16xi32>,
      %swap3A_174 = arith.constant 16 : index
      %swap3A_175 = tpu.vector_load %arg20[%swap3A_174] {strides = array<i32>} : memref<48xi32, #tpu.memory_space<vmem>>, vector<16xi32>,
      tpu.vector_store %arg20[%swap3A_174], %get3A_173 {strides = array<i32>} : memref<48xi32, #tpu.memory_space<vmem>>, vector<16xi32>,
      %get3A_176 = arith.constant 32 : index
      %get3A_177 = tpu.vector_load %arg14[%get3A_176] {strides = array<i32>} : memref<48xi32, #tpu.memory_space<vmem>>, vector<16xi32>,
      %swap3A_178 = arith.constant 32 : index
      %swap3A_179 = tpu.vector_load %arg20[%swap3A_178] {strides = array<i32>} : memref<48xi32, #tpu.memory_space<vmem>>, vector<16xi32>,
      tpu.vector_store %arg20[%swap3A_178], %get3A_177 {strides = array<i32>} : memref<48xi32, #tpu.memory_space<vmem>>, vector<16xi32>,
      %convert_element_type3A_180 = arith.extui %lt3A_109 : i1 to i32
      %cond3A_181 = arith.constant 0 : i32
      %cond3A_182 = arith.cmpi ne, %convert_element_type3A_180, %cond3A_181 : i32
      scf.if %cond3A_182 {
        %add3A_189 = arith.constant 3 : i32
        %add3A_190 = arith.addi %mul3A_106, %add3A_189 : i32
        %mul3A_191 = arith.constant 10368 : i32
        %mul3A_192 = arith.muli %add3A, %mul3A_191 : i32
        %mul3A_193 = arith.constant 48 : i32
        %mul3A_194 = arith.muli %add3A_190, %mul3A_193 : i32
        %add3A_195 = arith.addi %mul3A_192, %mul3A_194 : i32
        %dma_start3A_196 = tpu.memref_slice %arg4[%add3A_195] : memref<331776xi32, #tpu.memory_space<hbm>> -> memref<48xi32, #tpu.memory_space<hbm>>
        %dma_start3A_197 = tpu.memref_slice %arg4[%add3A_195] : memref<331776xi32, #tpu.memory_space<hbm>> -> memref<48xi32, #tpu.memory_space<hbm>>
        tpu.enqueue_dma source(%dma_start3A_197 : memref<48xi32, #tpu.memory_space<hbm>>) target(%arg13 : memref<48xi32, #tpu.memory_space<vmem>>) target_semaphore(%arg31 : memref<!tpu.dma_semaphore, #tpu.memory_space<semaphore_mem>>)
        %dma_start3A_198 = tpu.memref_slice %arg5[%add3A_195] : memref<331776xi32, #tpu.memory_space<hbm>> -> memref<48xi32, #tpu.memory_space<hbm>>
        %dma_start3A_199 = tpu.memref_slice %arg5[%add3A_195] : memref<331776xi32, #tpu.memory_space<hbm>> -> memref<48xi32, #tpu.memory_space<hbm>>
        tpu.enqueue_dma source(%dma_start3A_199 : memref<48xi32, #tpu.memory_space<hbm>>) target(%arg14 : memref<48xi32, #tpu.memory_space<vmem>>) target_semaphore(%arg32 : memref<!tpu.dma_semaphore, #tpu.memory_space<semaphore_mem>>)
      } else {
      }
      %parallel_loop3A_183 = arith.constant 0 : i32
      %parallel_loop3A_184 = arith.constant 48 : i32
      %parallel_loop3A_185 = arith.constant 1 : i32
      scf.for %parallel_loop3A_189 = %parallel_loop3A_183 to %parallel_loop3A_184 step %parallel_loop3A_185  : i32 {
        %parallel_loop3A_190 = arith.constant 0.000000e+00 : f32
        %parallel_loop3A_191 = vector.broadcast %parallel_loop3A_190 : f32 to vector<16xf32>
        %parallel_loop3A_192 = arith.index_cast %parallel_loop3A_189 : i32 to index
        %parallel_loop3A_193 = arith.constant 0 : index
        %parallel_loop3A_194 = tpu.vector_load %arg15[%parallel_loop3A_192, %parallel_loop3A_193] {strides = array<i32>} : memref<48x128xf32, #tpu.memory_space<vmem>>, vector<16xf32>,
        %parallel_loop3A_195 = arith.index_cast %parallel_loop3A_189 : i32 to index
        %parallel_loop3A_196 = arith.constant 0 : index
        %parallel_loop3A_197 = tpu.vector_load %arg16[%parallel_loop3A_195, %parallel_loop3A_196] {strides = array<i32>} : memref<48x128xf32, #tpu.memory_space<vmem>>, vector<16xf32>,
        %parallel_loop3A_198 = arith.addf %parallel_loop3A_194, %parallel_loop3A_197 : vector<16xf32>
        %parallel_loop3A_199 = arith.constant 2.000000e-01 : f32
        %parallel_loop3A_200 = vector.broadcast %parallel_loop3A_199 : f32 to vector<16xf32>
        %parallel_loop3A_201 = arith.mulf %parallel_loop3A_200, %parallel_loop3A_198 : vector<16xf32>
        %parallel_loop3A_202 = arith.maximumf %parallel_loop3A_198, %parallel_loop3A_201 : vector<16xf32>
        %parallel_loop3A_203 = arith.mulf %parallel_loop3A_202, %get3A_5 : vector<16xf32>
        %parallel_loop3A_204 = arith.constant true
        %parallel_loop3A_205 = vector.broadcast %parallel_loop3A_204 : i1 to vector<16xi1>
        %parallel_loop3A_206 = tpu.scan <sum>, %parallel_loop3A_203 masked %parallel_loop3A_205 : vector<16xf32>, vector<16xi1> -> vector<16xf32>
        %parallel_loop3A_207 = vector.extract %parallel_loop3A_206[15] : f32 from vector<16xf32>
        %parallel_loop3A_208 = vector.broadcast %parallel_loop3A_207 : f32 to vector<16xf32>
        %parallel_loop3A_209 = math.exp %parallel_loop3A_208 : vector<16xf32>
        %parallel_loop3A_210 = arith.mulf %parallel_loop3A_194, %parallel_loop3A_209 : vector<16xf32>
        %parallel_loop3A_211 = arith.index_cast %parallel_loop3A_189 : i32 to index
        %parallel_loop3A_212 = arith.constant 0 : index
        %parallel_loop3A_213 = tpu.vector_load %arg18[%parallel_loop3A_211, %parallel_loop3A_212] {strides = array<i32>} : memref<48x144xf32, #tpu.memory_space<vmem>>, vector<16xf32>,
        tpu.vector_store %arg18[%parallel_loop3A_211, %parallel_loop3A_212], %parallel_loop3A_210 {strides = array<i32>} : memref<48x144xf32, #tpu.memory_space<vmem>>, vector<16xf32>,
        %parallel_loop3A_214 = arith.select %eq3A_35, %parallel_loop3A_209, %parallel_loop3A_191 : vector<16xi1>, vector<16xf32>
        %parallel_loop3A_215 = arith.index_cast %parallel_loop3A_189 : i32 to index
        %parallel_loop3A_216 = arith.constant 16 : index
        %parallel_loop3A_217 = tpu.vector_load %arg15[%parallel_loop3A_215, %parallel_loop3A_216] {strides = array<i32>} : memref<48x128xf32, #tpu.memory_space<vmem>>, vector<16xf32>,
        %parallel_loop3A_218 = arith.index_cast %parallel_loop3A_189 : i32 to index
        %parallel_loop3A_219 = arith.constant 16 : index
        %parallel_loop3A_220 = tpu.vector_load %arg16[%parallel_loop3A_218, %parallel_loop3A_219] {strides = array<i32>} : memref<48x128xf32, #tpu.memory_space<vmem>>, vector<16xf32>,
        %parallel_loop3A_221 = arith.addf %parallel_loop3A_217, %parallel_loop3A_220 : vector<16xf32>
        %parallel_loop3A_222 = arith.constant 2.000000e-01 : f32
        %parallel_loop3A_223 = vector.broadcast %parallel_loop3A_222 : f32 to vector<16xf32>
        %parallel_loop3A_224 = arith.mulf %parallel_loop3A_223, %parallel_loop3A_221 : vector<16xf32>
        %parallel_loop3A_225 = arith.maximumf %parallel_loop3A_221, %parallel_loop3A_224 : vector<16xf32>
        %parallel_loop3A_226 = arith.mulf %parallel_loop3A_225, %get3A_9 : vector<16xf32>
        %parallel_loop3A_227 = arith.constant true
        %parallel_loop3A_228 = vector.broadcast %parallel_loop3A_227 : i1 to vector<16xi1>
        %parallel_loop3A_229 = tpu.scan <sum>, %parallel_loop3A_226 masked %parallel_loop3A_228 : vector<16xf32>, vector<16xi1> -> vector<16xf32>
        %parallel_loop3A_230 = vector.extract %parallel_loop3A_229[15] : f32 from vector<16xf32>
        %parallel_loop3A_231 = vector.broadcast %parallel_loop3A_230 : f32 to vector<16xf32>
        %parallel_loop3A_232 = math.exp %parallel_loop3A_231 : vector<16xf32>
        %parallel_loop3A_233 = arith.mulf %parallel_loop3A_217, %parallel_loop3A_232 : vector<16xf32>
        %parallel_loop3A_234 = arith.index_cast %parallel_loop3A_189 : i32 to index
        %parallel_loop3A_235 = arith.constant 16 : index
        %parallel_loop3A_236 = tpu.vector_load %arg18[%parallel_loop3A_234, %parallel_loop3A_235] {strides = array<i32>} : memref<48x144xf32, #tpu.memory_space<vmem>>, vector<16xf32>,
        tpu.vector_store %arg18[%parallel_loop3A_234, %parallel_loop3A_235], %parallel_loop3A_233 {strides = array<i32>} : memref<48x144xf32, #tpu.memory_space<vmem>>, vector<16xf32>,
        %parallel_loop3A_237 = arith.select %eq3A_38, %parallel_loop3A_232, %parallel_loop3A_214 : vector<16xi1>, vector<16xf32>
        %parallel_loop3A_238 = arith.index_cast %parallel_loop3A_189 : i32 to index
        %parallel_loop3A_239 = arith.constant 32 : index
        %parallel_loop3A_240 = tpu.vector_load %arg15[%parallel_loop3A_238, %parallel_loop3A_239] {strides = array<i32>} : memref<48x128xf32, #tpu.memory_space<vmem>>, vector<16xf32>,
        %parallel_loop3A_241 = arith.index_cast %parallel_loop3A_189 : i32 to index
        %parallel_loop3A_242 = arith.constant 32 : index
        %parallel_loop3A_243 = tpu.vector_load %arg16[%parallel_loop3A_241, %parallel_loop3A_242] {strides = array<i32>} : memref<48x128xf32, #tpu.memory_space<vmem>>, vector<16xf32>,
        %parallel_loop3A_244 = arith.addf %parallel_loop3A_240, %parallel_loop3A_243 : vector<16xf32>
        %parallel_loop3A_245 = arith.constant 2.000000e-01 : f32
        %parallel_loop3A_246 = vector.broadcast %parallel_loop3A_245 : f32 to vector<16xf32>
        %parallel_loop3A_247 = arith.mulf %parallel_loop3A_246, %parallel_loop3A_244 : vector<16xf32>
        %parallel_loop3A_248 = arith.maximumf %parallel_loop3A_244, %parallel_loop3A_247 : vector<16xf32>
        %parallel_loop3A_249 = arith.mulf %parallel_loop3A_248, %get3A_13 : vector<16xf32>
        %parallel_loop3A_250 = arith.constant true
        %parallel_loop3A_251 = vector.broadcast %parallel_loop3A_250 : i1 to vector<16xi1>
        %parallel_loop3A_252 = tpu.scan <sum>, %parallel_loop3A_249 masked %parallel_loop3A_251 : vector<16xf32>, vector<16xi1> -> vector<16xf32>
        %parallel_loop3A_253 = vector.extract %parallel_loop3A_252[15] : f32 from vector<16xf32>
        %parallel_loop3A_254 = vector.broadcast %parallel_loop3A_253 : f32 to vector<16xf32>
        %parallel_loop3A_255 = math.exp %parallel_loop3A_254 : vector<16xf32>
        %parallel_loop3A_256 = arith.mulf %parallel_loop3A_240, %parallel_loop3A_255 : vector<16xf32>
        %parallel_loop3A_257 = arith.index_cast %parallel_loop3A_189 : i32 to index
        %parallel_loop3A_258 = arith.constant 32 : index
        %parallel_loop3A_259 = tpu.vector_load %arg18[%parallel_loop3A_257, %parallel_loop3A_258] {strides = array<i32>} : memref<48x144xf32, #tpu.memory_space<vmem>>, vector<16xf32>,
        tpu.vector_store %arg18[%parallel_loop3A_257, %parallel_loop3A_258], %parallel_loop3A_256 {strides = array<i32>} : memref<48x144xf32, #tpu.memory_space<vmem>>, vector<16xf32>,
        %parallel_loop3A_260 = arith.select %eq3A_41, %parallel_loop3A_255, %parallel_loop3A_237 : vector<16xi1>, vector<16xf32>
        %parallel_loop3A_261 = arith.index_cast %parallel_loop3A_189 : i32 to index
        %parallel_loop3A_262 = arith.constant 48 : index
        %parallel_loop3A_263 = tpu.vector_load %arg15[%parallel_loop3A_261, %parallel_loop3A_262] {strides = array<i32>} : memref<48x128xf32, #tpu.memory_space<vmem>>, vector<16xf32>,
        %parallel_loop3A_264 = arith.index_cast %parallel_loop3A_189 : i32 to index
        %parallel_loop3A_265 = arith.constant 48 : index
        %parallel_loop3A_266 = tpu.vector_load %arg16[%parallel_loop3A_264, %parallel_loop3A_265] {strides = array<i32>} : memref<48x128xf32, #tpu.memory_space<vmem>>, vector<16xf32>,
        %parallel_loop3A_267 = arith.addf %parallel_loop3A_263, %parallel_loop3A_266 : vector<16xf32>
        %parallel_loop3A_268 = arith.constant 2.000000e-01 : f32
        %parallel_loop3A_269 = vector.broadcast %parallel_loop3A_268 : f32 to vector<16xf32>
        %parallel_loop3A_270 = arith.mulf %parallel_loop3A_269, %parallel_loop3A_267 : vector<16xf32>
        %parallel_loop3A_271 = arith.maximumf %parallel_loop3A_267, %parallel_loop3A_270 : vector<16xf32>
        %parallel_loop3A_272 = arith.mulf %parallel_loop3A_271, %get3A_17 : vector<16xf32>
        %parallel_loop3A_273 = arith.constant true
        %parallel_loop3A_274 = vector.broadcast %parallel_loop3A_273 : i1 to vector<16xi1>
        %parallel_loop3A_275 = tpu.scan <sum>, %parallel_loop3A_272 masked %parallel_loop3A_274 : vector<16xf32>, vector<16xi1> -> vector<16xf32>
        %parallel_loop3A_276 = vector.extract %parallel_loop3A_275[15] : f32 from vector<16xf32>
        %parallel_loop3A_277 = vector.broadcast %parallel_loop3A_276 : f32 to vector<16xf32>
        %parallel_loop3A_278 = math.exp %parallel_loop3A_277 : vector<16xf32>
        %parallel_loop3A_279 = arith.mulf %parallel_loop3A_263, %parallel_loop3A_278 : vector<16xf32>
        %parallel_loop3A_280 = arith.index_cast %parallel_loop3A_189 : i32 to index
        %parallel_loop3A_281 = arith.constant 48 : index
        %parallel_loop3A_282 = tpu.vector_load %arg18[%parallel_loop3A_280, %parallel_loop3A_281] {strides = array<i32>} : memref<48x144xf32, #tpu.memory_space<vmem>>, vector<16xf32>,
        tpu.vector_store %arg18[%parallel_loop3A_280, %parallel_loop3A_281], %parallel_loop3A_279 {strides = array<i32>} : memref<48x144xf32, #tpu.memory_space<vmem>>, vector<16xf32>,
        %parallel_loop3A_283 = arith.select %eq3A_44, %parallel_loop3A_278, %parallel_loop3A_260 : vector<16xi1>, vector<16xf32>
        %parallel_loop3A_284 = arith.index_cast %parallel_loop3A_189 : i32 to index
        %parallel_loop3A_285 = arith.constant 64 : index
        %parallel_loop3A_286 = tpu.vector_load %arg15[%parallel_loop3A_284, %parallel_loop3A_285] {strides = array<i32>} : memref<48x128xf32, #tpu.memory_space<vmem>>, vector<16xf32>,
        %parallel_loop3A_287 = arith.index_cast %parallel_loop3A_189 : i32 to index
        %parallel_loop3A_288 = arith.constant 64 : index
        %parallel_loop3A_289 = tpu.vector_load %arg16[%parallel_loop3A_287, %parallel_loop3A_288] {strides = array<i32>} : memref<48x128xf32, #tpu.memory_space<vmem>>, vector<16xf32>,
        %parallel_loop3A_290 = arith.addf %parallel_loop3A_286, %parallel_loop3A_289 : vector<16xf32>
        %parallel_loop3A_291 = arith.constant 2.000000e-01 : f32
        %parallel_loop3A_292 = vector.broadcast %parallel_loop3A_291 : f32 to vector<16xf32>
        %parallel_loop3A_293 = arith.mulf %parallel_loop3A_292, %parallel_loop3A_290 : vector<16xf32>
        %parallel_loop3A_294 = arith.maximumf %parallel_loop3A_290, %parallel_loop3A_293 : vector<16xf32>
        %parallel_loop3A_295 = arith.mulf %parallel_loop3A_294, %get3A_21 : vector<16xf32>
        %parallel_loop3A_296 = arith.constant true
        %parallel_loop3A_297 = vector.broadcast %parallel_loop3A_296 : i1 to vector<16xi1>
        %parallel_loop3A_298 = tpu.scan <sum>, %parallel_loop3A_295 masked %parallel_loop3A_297 : vector<16xf32>, vector<16xi1> -> vector<16xf32>
        %parallel_loop3A_299 = vector.extract %parallel_loop3A_298[15] : f32 from vector<16xf32>
        %parallel_loop3A_300 = vector.broadcast %parallel_loop3A_299 : f32 to vector<16xf32>
        %parallel_loop3A_301 = math.exp %parallel_loop3A_300 : vector<16xf32>
        %parallel_loop3A_302 = arith.mulf %parallel_loop3A_286, %parallel_loop3A_301 : vector<16xf32>
        %parallel_loop3A_303 = arith.index_cast %parallel_loop3A_189 : i32 to index
        %parallel_loop3A_304 = arith.constant 64 : index
        %parallel_loop3A_305 = tpu.vector_load %arg18[%parallel_loop3A_303, %parallel_loop3A_304] {strides = array<i32>} : memref<48x144xf32, #tpu.memory_space<vmem>>, vector<16xf32>,
        tpu.vector_store %arg18[%parallel_loop3A_303, %parallel_loop3A_304], %parallel_loop3A_302 {strides = array<i32>} : memref<48x144xf32, #tpu.memory_space<vmem>>, vector<16xf32>,
        %parallel_loop3A_306 = arith.select %eq3A_47, %parallel_loop3A_301, %parallel_loop3A_283 : vector<16xi1>, vector<16xf32>
        %parallel_loop3A_307 = arith.index_cast %parallel_loop3A_189 : i32 to index
        %parallel_loop3A_308 = arith.constant 80 : index
        %parallel_loop3A_309 = tpu.vector_load %arg15[%parallel_loop3A_307, %parallel_loop3A_308] {strides = array<i32>} : memref<48x128xf32, #tpu.memory_space<vmem>>, vector<16xf32>,
        %parallel_loop3A_310 = arith.index_cast %parallel_loop3A_189 : i32 to index
        %parallel_loop3A_311 = arith.constant 80 : index
        %parallel_loop3A_312 = tpu.vector_load %arg16[%parallel_loop3A_310, %parallel_loop3A_311] {strides = array<i32>} : memref<48x128xf32, #tpu.memory_space<vmem>>, vector<16xf32>,
        %parallel_loop3A_313 = arith.addf %parallel_loop3A_309, %parallel_loop3A_312 : vector<16xf32>
        %parallel_loop3A_314 = arith.constant 2.000000e-01 : f32
        %parallel_loop3A_315 = vector.broadcast %parallel_loop3A_314 : f32 to vector<16xf32>
        %parallel_loop3A_316 = arith.mulf %parallel_loop3A_315, %parallel_loop3A_313 : vector<16xf32>
        %parallel_loop3A_317 = arith.maximumf %parallel_loop3A_313, %parallel_loop3A_316 : vector<16xf32>
        %parallel_loop3A_318 = arith.mulf %parallel_loop3A_317, %get3A_25 : vector<16xf32>
        %parallel_loop3A_319 = arith.constant true
        %parallel_loop3A_320 = vector.broadcast %parallel_loop3A_319 : i1 to vector<16xi1>
        %parallel_loop3A_321 = tpu.scan <sum>, %parallel_loop3A_318 masked %parallel_loop3A_320 : vector<16xf32>, vector<16xi1> -> vector<16xf32>
        %parallel_loop3A_322 = vector.extract %parallel_loop3A_321[15] : f32 from vector<16xf32>
        %parallel_loop3A_323 = vector.broadcast %parallel_loop3A_322 : f32 to vector<16xf32>
        %parallel_loop3A_324 = math.exp %parallel_loop3A_323 : vector<16xf32>
        %parallel_loop3A_325 = arith.mulf %parallel_loop3A_309, %parallel_loop3A_324 : vector<16xf32>
        %parallel_loop3A_326 = arith.index_cast %parallel_loop3A_189 : i32 to index
        %parallel_loop3A_327 = arith.constant 80 : index
        %parallel_loop3A_328 = tpu.vector_load %arg18[%parallel_loop3A_326, %parallel_loop3A_327] {strides = array<i32>} : memref<48x144xf32, #tpu.memory_space<vmem>>, vector<16xf32>,
        tpu.vector_store %arg18[%parallel_loop3A_326, %parallel_loop3A_327], %parallel_loop3A_325 {strides = array<i32>} : memref<48x144xf32, #tpu.memory_space<vmem>>, vector<16xf32>,
        %parallel_loop3A_329 = arith.select %eq3A_50, %parallel_loop3A_324, %parallel_loop3A_306 : vector<16xi1>, vector<16xf32>
        %parallel_loop3A_330 = arith.index_cast %parallel_loop3A_189 : i32 to index
        %parallel_loop3A_331 = arith.constant 96 : index
        %parallel_loop3A_332 = tpu.vector_load %arg15[%parallel_loop3A_330, %parallel_loop3A_331] {strides = array<i32>} : memref<48x128xf32, #tpu.memory_space<vmem>>, vector<16xf32>,
        %parallel_loop3A_333 = arith.index_cast %parallel_loop3A_189 : i32 to index
        %parallel_loop3A_334 = arith.constant 96 : index
        %parallel_loop3A_335 = tpu.vector_load %arg16[%parallel_loop3A_333, %parallel_loop3A_334] {strides = array<i32>} : memref<48x128xf32, #tpu.memory_space<vmem>>, vector<16xf32>,
        %parallel_loop3A_336 = arith.addf %parallel_loop3A_332, %parallel_loop3A_335 : vector<16xf32>
        %parallel_loop3A_337 = arith.constant 2.000000e-01 : f32
        %parallel_loop3A_338 = vector.broadcast %parallel_loop3A_337 : f32 to vector<16xf32>
        %parallel_loop3A_339 = arith.mulf %parallel_loop3A_338, %parallel_loop3A_336 : vector<16xf32>
        %parallel_loop3A_340 = arith.maximumf %parallel_loop3A_336, %parallel_loop3A_339 : vector<16xf32>
        %parallel_loop3A_341 = arith.mulf %parallel_loop3A_340, %get3A_29 : vector<16xf32>
        %parallel_loop3A_342 = arith.constant true
        %parallel_loop3A_343 = vector.broadcast %parallel_loop3A_342 : i1 to vector<16xi1>
        %parallel_loop3A_344 = tpu.scan <sum>, %parallel_loop3A_341 masked %parallel_loop3A_343 : vector<16xf32>, vector<16xi1> -> vector<16xf32>
        %parallel_loop3A_345 = vector.extract %parallel_loop3A_344[15] : f32 from vector<16xf32>
        %parallel_loop3A_346 = vector.broadcast %parallel_loop3A_345 : f32 to vector<16xf32>
        %parallel_loop3A_347 = math.exp %parallel_loop3A_346 : vector<16xf32>
        %parallel_loop3A_348 = arith.mulf %parallel_loop3A_332, %parallel_loop3A_347 : vector<16xf32>
        %parallel_loop3A_349 = arith.index_cast %parallel_loop3A_189 : i32 to index
        %parallel_loop3A_350 = arith.constant 96 : index
        %parallel_loop3A_351 = tpu.vector_load %arg18[%parallel_loop3A_349, %parallel_loop3A_350] {strides = array<i32>} : memref<48x144xf32, #tpu.memory_space<vmem>>, vector<16xf32>,
        tpu.vector_store %arg18[%parallel_loop3A_349, %parallel_loop3A_350], %parallel_loop3A_348 {strides = array<i32>} : memref<48x144xf32, #tpu.memory_space<vmem>>, vector<16xf32>,
        %parallel_loop3A_352 = arith.select %eq3A_53, %parallel_loop3A_347, %parallel_loop3A_329 : vector<16xi1>, vector<16xf32>
        %parallel_loop3A_353 = arith.index_cast %parallel_loop3A_189 : i32 to index
        %parallel_loop3A_354 = arith.constant 112 : index
        %parallel_loop3A_355 = tpu.vector_load %arg15[%parallel_loop3A_353, %parallel_loop3A_354] {strides = array<i32>} : memref<48x128xf32, #tpu.memory_space<vmem>>, vector<16xf32>,
        %parallel_loop3A_356 = arith.index_cast %parallel_loop3A_189 : i32 to index
        %parallel_loop3A_357 = arith.constant 112 : index
        %parallel_loop3A_358 = tpu.vector_load %arg16[%parallel_loop3A_356, %parallel_loop3A_357] {strides = array<i32>} : memref<48x128xf32, #tpu.memory_space<vmem>>, vector<16xf32>,
        %parallel_loop3A_359 = arith.addf %parallel_loop3A_355, %parallel_loop3A_358 : vector<16xf32>
        %parallel_loop3A_360 = arith.constant 2.000000e-01 : f32
        %parallel_loop3A_361 = vector.broadcast %parallel_loop3A_360 : f32 to vector<16xf32>
        %parallel_loop3A_362 = arith.mulf %parallel_loop3A_361, %parallel_loop3A_359 : vector<16xf32>
        %parallel_loop3A_363 = arith.maximumf %parallel_loop3A_359, %parallel_loop3A_362 : vector<16xf32>
        %parallel_loop3A_364 = arith.mulf %parallel_loop3A_363, %get3A_33 : vector<16xf32>
        %parallel_loop3A_365 = arith.constant true
        %parallel_loop3A_366 = vector.broadcast %parallel_loop3A_365 : i1 to vector<16xi1>
        %parallel_loop3A_367 = tpu.scan <sum>, %parallel_loop3A_364 masked %parallel_loop3A_366 : vector<16xf32>, vector<16xi1> -> vector<16xf32>
        %parallel_loop3A_368 = vector.extract %parallel_loop3A_367[15] : f32 from vector<16xf32>
        %parallel_loop3A_369 = vector.broadcast %parallel_loop3A_368 : f32 to vector<16xf32>
        %parallel_loop3A_370 = math.exp %parallel_loop3A_369 : vector<16xf32>
        %parallel_loop3A_371 = arith.mulf %parallel_loop3A_355, %parallel_loop3A_370 : vector<16xf32>
        %parallel_loop3A_372 = arith.index_cast %parallel_loop3A_189 : i32 to index
        %parallel_loop3A_373 = arith.constant 112 : index
        %parallel_loop3A_374 = tpu.vector_load %arg18[%parallel_loop3A_372, %parallel_loop3A_373] {strides = array<i32>} : memref<48x144xf32, #tpu.memory_space<vmem>>, vector<16xf32>,
        tpu.vector_store %arg18[%parallel_loop3A_372, %parallel_loop3A_373], %parallel_loop3A_371 {strides = array<i32>} : memref<48x144xf32, #tpu.memory_space<vmem>>, vector<16xf32>,
        %parallel_loop3A_375 = arith.select %eq3A_56, %parallel_loop3A_370, %parallel_loop3A_352 : vector<16xi1>, vector<16xf32>
        %parallel_loop3A_376 = arith.index_cast %parallel_loop3A_189 : i32 to index
        %parallel_loop3A_377 = arith.constant 128 : index
        %parallel_loop3A_378 = tpu.vector_load %arg18[%parallel_loop3A_376, %parallel_loop3A_377] {strides = array<i32>} : memref<48x144xf32, #tpu.memory_space<vmem>>, vector<16xf32>,
        tpu.vector_store %arg18[%parallel_loop3A_376, %parallel_loop3A_377], %parallel_loop3A_375 {strides = array<i32>} : memref<48x144xf32, #tpu.memory_space<vmem>>, vector<16xf32>,
      } {sc.loop_unroll_factor = 1 : i64, sc.parallel_access}
      %dma_start3A_186 = arith.constant 0 : i32
      %dma_start3A_187 = arith.constant 0 : i32
      %dma_start3A_188 = tpu.memref_slice %arg22[%dma_start3A_186, %dma_start3A_187] : memref<10112x144xf32, #tpu.memory_space<vmem_shared>> -> memref<10112x144xf32, #tpu.memory_space<vmem_shared>>
      tpu.enqueue_indirect_dma source(%arg18 : memref<48x144xf32, #tpu.memory_space<vmem>>) target(%dma_start3A_188 : memref<10112x144xf32, #tpu.memory_space<vmem_shared>>) offsets(%arg20 : memref<48xi32, #tpu.memory_space<vmem>>) semaphore(%arg28 : memref<!tpu.dma_semaphore, #tpu.memory_space<semaphore_mem>>) {add = true}
    }
    %scan3A_88 = arith.constant 108 : i32
    %dma_wait3A_89 = arith.constant 0 : i32
    %dma_wait3A_90 = arith.constant 0 : i32
    %dma_wait3A_91 = tpu.memref_slice %arg22[%dma_wait3A_89, %dma_wait3A_90] : memref<10112x144xf32, #tpu.memory_space<vmem_shared>> -> memref<10112x144xf32, #tpu.memory_space<vmem_shared>>
    tpu.wait_indirect_dma semaphore(%arg27 : memref<!tpu.dma_semaphore, #tpu.memory_space<semaphore_mem>>) src(%arg17 : memref<48x144xf32, #tpu.memory_space<vmem>>) dst(%dma_wait3A_91 : memref<10112x144xf32, #tpu.memory_space<vmem_shared>>)
    %dma_wait3A_92 = arith.constant 0 : i32
    %dma_wait3A_93 = arith.constant 0 : i32
    %dma_wait3A_94 = tpu.memref_slice %arg22[%dma_wait3A_92, %dma_wait3A_93] : memref<10112x144xf32, #tpu.memory_space<vmem_shared>> -> memref<10112x144xf32, #tpu.memory_space<vmem_shared>>
    tpu.wait_indirect_dma semaphore(%arg28 : memref<!tpu.dma_semaphore, #tpu.memory_space<semaphore_mem>>) src(%arg18 : memref<48x144xf32, #tpu.memory_space<vmem>>) dst(%dma_wait3A_94 : memref<10112x144xf32, #tpu.memory_space<vmem_shared>>)
    %barrier3A_95 = arith.constant 0 : index
    tpu.barrier barrier_id(%barrier3A_95)
    %mul3A_96 = arith.constant 632 : i32
    %mul3A_97 = arith.muli %arg1, %mul3A_96 : i32
    %mul3A_98 = arith.constant 632 : i32
    %mul3A_99 = arith.muli %arg1, %mul3A_98 : i32
    "tpu.region"() ({
      %run_scoped3A = tpu.sem_alloc : memref<!tpu.dma_semaphore, #tpu.memory_space<semaphore_mem>>
      %dma_start3A_100 = arith.constant 0 : i32
      %dma_start3A_101 = tpu.memref_slice %arg8[%arg0, %mul3A_99, %dma_start3A_100] : memref<2x10112x144xf32, #tpu.memory_space<hbm>> -> memref<1x632x144xf32, #tpu.memory_space<hbm>>
      %dma_start3A_102 = tpu.memref_squeeze %dma_start3A_101 : memref<1x632x144xf32, #tpu.memory_space<hbm>> -> memref<632x144xf32, #tpu.memory_space<hbm>>
      %dma_start3A_103 = arith.constant 0 : i32
      %dma_start3A_104 = tpu.memref_slice %arg22[%mul3A_97, %dma_start3A_103] : memref<10112x144xf32, #tpu.memory_space<vmem_shared>> -> memref<632x144xf32, #tpu.memory_space<vmem_shared>>
      tpu.enqueue_dma source(%dma_start3A_104 : memref<632x144xf32, #tpu.memory_space<vmem_shared>>) target(%dma_start3A_102 : memref<632x144xf32, #tpu.memory_space<hbm>>) target_semaphore(%run_scoped3A : memref<!tpu.dma_semaphore, #tpu.memory_space<semaphore_mem>>)
      %dma_wait3A_105 = arith.constant 0 : i32
      %dma_wait3A_106 = tpu.memref_slice %arg8[%arg0, %mul3A_99, %dma_wait3A_105] : memref<2x10112x144xf32, #tpu.memory_space<hbm>> -> memref<1x632x144xf32, #tpu.memory_space<hbm>>
      %dma_wait3A_107 = tpu.memref_squeeze %dma_wait3A_106 : memref<1x632x144xf32, #tpu.memory_space<hbm>> -> memref<632x144xf32, #tpu.memory_space<hbm>>
      %dma_wait3A_108 = arith.constant 0 : i32
      %dma_wait3A_109 = tpu.memref_slice %arg22[%mul3A_97, %dma_wait3A_108] : memref<10112x144xf32, #tpu.memory_space<vmem_shared>> -> memref<632x144xf32, #tpu.memory_space<vmem_shared>>
      tpu.wait_dma2 semaphore(%run_scoped3A : memref<!tpu.dma_semaphore, #tpu.memory_space<semaphore_mem>>) src(%dma_wait3A_109 : memref<632x144xf32, #tpu.memory_space<vmem_shared>>) dst(%dma_wait3A_107 : memref<632x144xf32, #tpu.memory_space<hbm>>)
      tpu.yield
    }) : () -> ()
    return
  }
}

module attributes {stable_mosaic.version = 14 : i64} {
  func.func @_mm2_body(%arg0: i32, %arg1: memref<1000x128xf32, #tpu.memory_space<vmem>>, %arg2: memref<128x128xf32, #tpu.memory_space<vmem>>, %arg3: memref<128x128xf32, #tpu.memory_space<vmem>>, %arg4: memref<1000x128xf32, #tpu.memory_space<vmem>>, %arg5: memref<1000x128xf32, #tpu.memory_space<vmem>>) attributes {dimension_semantics = [#tpu.dimension_semantics<arbitrary>], iteration_bounds = array<i64: 10>, scalar_prefetch = 0 : i64, scratch_operands = 0 : i64, tpu.core_type = #tpu.core_type<tc>, window_params = [{transform_indices = @transform_0, window_bounds = array<i64: 1000, 128>}, {pipeline_mode = #tpu.pipeline_mode<synchronous>, transform_indices = @transform_1, window_bounds = array<i64: 128, 128>}, {pipeline_mode = #tpu.pipeline_mode<synchronous>, transform_indices = @transform_2, window_bounds = array<i64: 128, 128>}, {transform_indices = @transform_3, window_bounds = array<i64: 1000, 128>}, {transform_indices = @transform_4, window_bounds = array<i64: 1000, 128>}]} {
    %get3A = arith.constant 0 : index
    %get3A_0 = arith.constant 0 : index
    %get3A_1 = vector.load %arg1[%get3A, %get3A_0] : memref<1000x128xf32, #tpu.memory_space<vmem>>, vector<1000x128xf32>
    %get3A_2 = arith.constant 0 : index
    %get3A_3 = arith.constant 0 : index
    %get3A_4 = vector.load %arg2[%get3A_2, %get3A_3] : memref<128x128xf32, #tpu.memory_space<vmem>>, vector<128x128xf32>
    %dot_general3A = arith.constant dense<0.000000e+00> : vector<1000x128xf32>
    %dot_general3A_5 = tpu.matmul %get3A_1, %get3A_4, %dot_general3A {dimension_numbers = #tpu.dot_dimension_numbers<[1], [0], [0], [1], [0, 0, 1, 1], [], []>, transpose_lhs_hint = false} : vector<1000x128xf32>, vector<128x128xf32>, vector<1000x128xf32> -> vector<1000x128xf32>
    %swap3A = arith.constant 0 : index
    %swap3A_6 = arith.constant 0 : index
    %swap3A_7 = vector.load %arg4[%swap3A, %swap3A_6] : memref<1000x128xf32, #tpu.memory_space<vmem>>, vector<1000x128xf32>
    tpu.vector_store %arg4[%swap3A, %swap3A_6], %dot_general3A_5 {strides = array<i32>} : memref<1000x128xf32, #tpu.memory_space<vmem>>, vector<1000x128xf32>,
    %get3A_8 = arith.constant 0 : index
    %get3A_9 = arith.constant 0 : index
    %get3A_10 = vector.load %arg3[%get3A_8, %get3A_9] : memref<128x128xf32, #tpu.memory_space<vmem>>, vector<128x128xf32>
    %dot_general3A_11 = arith.constant dense<0.000000e+00> : vector<1000x128xf32>
    %dot_general3A_12 = tpu.matmul %get3A_1, %get3A_10, %dot_general3A_11 {dimension_numbers = #tpu.dot_dimension_numbers<[1], [0], [0], [1], [0, 0, 1, 1], [], []>, transpose_lhs_hint = false} : vector<1000x128xf32>, vector<128x128xf32>, vector<1000x128xf32> -> vector<1000x128xf32>
    %swap3A_13 = arith.constant 0 : index
    %swap3A_14 = arith.constant 0 : index
    %swap3A_15 = vector.load %arg5[%swap3A_13, %swap3A_14] : memref<1000x128xf32, #tpu.memory_space<vmem>>, vector<1000x128xf32>
    tpu.vector_store %arg5[%swap3A_13, %swap3A_14], %dot_general3A_12 {strides = array<i32>} : memref<1000x128xf32, #tpu.memory_space<vmem>>, vector<1000x128xf32>,
    return
  }
  func.func @transform_0(%arg0: i32) -> (i32, i32) {
    %c0_i32 = arith.constant 0 : i32
    %c0_i32_0 = arith.constant 0 : i32
    return %arg0, %c0_i32 : i32, i32
  }
  func.func @transform_1(%arg0: i32) -> (i32, i32) {
    %c0_i32 = arith.constant 0 : i32
    %c0_i32_0 = arith.constant 0 : i32
    %c0_i32_1 = arith.constant 0 : i32
    return %c0_i32, %c0_i32_0 : i32, i32
  }
  func.func @transform_2(%arg0: i32) -> (i32, i32) {
    %c0_i32 = arith.constant 0 : i32
    %c0_i32_0 = arith.constant 0 : i32
    %c0_i32_1 = arith.constant 0 : i32
    return %c0_i32, %c0_i32_0 : i32, i32
  }
  func.func @transform_3(%arg0: i32) -> (i32, i32) {
    %c0_i32 = arith.constant 0 : i32
    %c0_i32_0 = arith.constant 0 : i32
    return %arg0, %c0_i32 : i32, i32
  }
  func.func @transform_4(%arg0: i32) -> (i32, i32) {
    %c0_i32 = arith.constant 0 : i32
    %c0_i32_0 = arith.constant 0 : i32
    return %arg0, %c0_i32 : i32, i32
  }
}

module attributes {stable_mosaic.version = 14 : i64} {
  func.func @_post_mm_body(%arg0: i32, %arg1: memref<2x1000x144xf32, #tpu.memory_space<vmem>>, %arg2: memref<1x128xf32, #tpu.memory_space<vmem>>, %arg3: memref<1x128xf32, #tpu.memory_space<vmem>>, %arg4: memref<1x128xf32, #tpu.memory_space<vmem>>, %arg5: memref<128x128xf32, #tpu.memory_space<vmem>>, %arg6: memref<128x128xf32, #tpu.memory_space<vmem>>, %arg7: memref<1000x128xf32, #tpu.memory_space<vmem>>, %arg8: memref<1000x128xf32, #tpu.memory_space<vmem>>) attributes {dimension_semantics = [#tpu.dimension_semantics<arbitrary>], iteration_bounds = array<i64: 10>, scalar_prefetch = 0 : i64, scratch_operands = 0 : i64, tpu.core_type = #tpu.core_type<tc>, window_params = [{transform_indices = @transform_0, window_bounds = array<i64: 2, 1000, 144>}, {pipeline_mode = #tpu.pipeline_mode<synchronous>, transform_indices = @transform_1, window_bounds = array<i64: 1, 128>}, {pipeline_mode = #tpu.pipeline_mode<synchronous>, transform_indices = @transform_2, window_bounds = array<i64: 1, 128>}, {pipeline_mode = #tpu.pipeline_mode<synchronous>, transform_indices = @transform_3, window_bounds = array<i64: 1, 128>}, {pipeline_mode = #tpu.pipeline_mode<synchronous>, transform_indices = @transform_4, window_bounds = array<i64: 128, 128>}, {pipeline_mode = #tpu.pipeline_mode<synchronous>, transform_indices = @transform_5, window_bounds = array<i64: 128, 128>}, {transform_indices = @transform_6, window_bounds = array<i64: 1000, 128>}, {transform_indices = @transform_7, window_bounds = array<i64: 1000, 128>}]} {
    %get3A = arith.constant 0 : index
    %get3A_0 = arith.constant 0 : index
    %get3A_1 = arith.constant 0 : index
    %get3A_2 = vector.load %arg1[%get3A, %get3A_0, %get3A_1] : memref<2x1000x144xf32, #tpu.memory_space<vmem>>, vector<1x1000x144xf32>
    %get3A_3 = vector.shape_cast %get3A_2 : vector<1x1000x144xf32> to vector<1000x144xf32>
    %get3A_4 = arith.constant 1 : index
    %get3A_5 = arith.constant 0 : index
    %get3A_6 = arith.constant 0 : index
    %get3A_7 = vector.load %arg1[%get3A_4, %get3A_5, %get3A_6] : memref<2x1000x144xf32, #tpu.memory_space<vmem>>, vector<1x1000x144xf32>
    %get3A_8 = vector.shape_cast %get3A_7 : vector<1x1000x144xf32> to vector<1000x144xf32>
    %add3A = arith.addf %get3A_3, %get3A_8 : vector<1000x144xf32>
    %slice3A = vector.extract_strided_slice %add3A {offsets = [0, 0], sizes = [1000, 128], strides = [1, 1]} : vector<1000x144xf32> to vector<1000x128xf32>
    %slice3A_9 = vector.extract_strided_slice %add3A {offsets = [0, 128], sizes = [1000, 8], strides = [1, 1]} : vector<1000x144xf32> to vector<1000x8xf32>
    %iota3A = tpu.iota {dimensions = array<i32: 0>} : vector<8x128xi32>
    %iota3A_10 = tpu.iota {dimensions = array<i32: 1>} : vector<8x128xi32>
    %jit3A = arith.constant 16 : i32
    %div3A = vector.broadcast %jit3A : i32 to vector<8x128xi32>
    %div3A_11 = arith.divsi %iota3A_10, %div3A : vector<8x128xi32>
    %sign3A = arith.constant 0 : i32
    %sign3A_12 = vector.broadcast %sign3A : i32 to vector<8x128xi32>
    %sign3A_13 = arith.cmpi sgt, %iota3A_10, %sign3A_12 : vector<8x128xi32>
    %sign3A_14 = arith.extui %sign3A_13 : vector<8x128xi1> to vector<8x128xi32>
    %sign3A_15 = arith.constant 0 : i32
    %sign3A_16 = vector.broadcast %sign3A_15 : i32 to vector<8x128xi32>
    %sign3A_17 = arith.cmpi slt, %iota3A_10, %sign3A_16 : vector<8x128xi32>
    %sign3A_18 = arith.extui %sign3A_17 : vector<8x128xi1> to vector<8x128xi32>
    %sign3A_19 = arith.subi %sign3A_14, %sign3A_18 : vector<8x128xi32>
    %sign3A_20 = arith.constant 0 : i32
    %sign3A_21 = arith.cmpi sgt, %jit3A, %sign3A_20 : i32
    %sign3A_22 = arith.extui %sign3A_21 : i1 to i32
    %sign3A_23 = arith.constant 0 : i32
    %sign3A_24 = arith.cmpi slt, %jit3A, %sign3A_23 : i32
    %sign3A_25 = arith.extui %sign3A_24 : i1 to i32
    %sign3A_26 = arith.subi %sign3A_22, %sign3A_25 : i32
    %ne3A = vector.broadcast %sign3A_26 : i32 to vector<8x128xi32>
    %ne3A_27 = arith.cmpi ne, %sign3A_19, %ne3A : vector<8x128xi32>
    %rem3A = vector.broadcast %jit3A : i32 to vector<8x128xi32>
    %rem3A_28 = arith.remsi %iota3A_10, %rem3A : vector<8x128xi32>
    %ne3A_29 = arith.constant 0 : i32
    %ne3A_30 = vector.broadcast %ne3A_29 : i32 to vector<8x128xi32>
    %ne3A_31 = arith.cmpi ne, %rem3A_28, %ne3A_30 : vector<8x128xi32>
    %and3A = arith.andi %ne3A_27, %ne3A_31 : vector<8x128xi1>
    %sub3A = arith.constant 1 : i32
    %sub3A_32 = vector.broadcast %sub3A : i32 to vector<8x128xi32>
    %sub3A_33 = arith.subi %div3A_11, %sub3A_32 : vector<8x128xi32>
    %select_n3A = arith.select %and3A, %sub3A_33, %div3A_11 : vector<8x128xi1>, vector<8x128xi32>
    %eq3A = arith.cmpi eq, %iota3A, %select_n3A : vector<8x128xi32>
    %convert_element_type3A = arith.extui %eq3A : vector<8x128xi1> to vector<8x128xi32>
    %convert_element_type3A_34 = arith.sitofp %convert_element_type3A : vector<8x128xi32> to vector<8x128xf32>
    %dot_general3A = arith.constant dense<0.000000e+00> : vector<1000x128xf32>
    %dot_general3A_35 = tpu.matmul %slice3A_9, %convert_element_type3A_34, %dot_general3A {dimension_numbers = #tpu.dot_dimension_numbers<[1], [0], [0], [1], [0, 0, 1, 1], [], []>, transpose_lhs_hint = false} : vector<1000x8xf32>, vector<8x128xf32>, vector<1000x128xf32> -> vector<1000x128xf32>
    %add3A_36 = arith.constant 1.000000e-16 : f32
    %add3A_37 = vector.broadcast %add3A_36 : f32 to vector<1000x128xf32>
    %add3A_38 = arith.addf %dot_general3A_35, %add3A_37 : vector<1000x128xf32>
    %div3A_39 = arith.divf %slice3A, %add3A_38 : vector<1000x128xf32>
    %get3A_40 = arith.constant 0 : index
    %get3A_41 = arith.constant 0 : index
    %get3A_42 = vector.load %arg2[%get3A_40, %get3A_41] : memref<1x128xf32, #tpu.memory_space<vmem>>, vector<1x128xf32>
    %add3A_43 = vector.broadcast %get3A_42 : vector<1x128xf32> to vector<1000x128xf32>
    %add3A_44 = arith.addf %div3A_39, %add3A_43 : vector<1000x128xf32>
    %reduce_sum3A = arith.constant dense<0.000000e+00> : vector<1000xf32>
    %reduce_sum3A_45 = vector.multi_reduction <add>, %add3A_44, %reduce_sum3A [1] : vector<1000x128xf32> to vector<1000xf32>
    %broadcast_in_dim3A = vector.shape_cast %reduce_sum3A_45 : vector<1000xf32> to vector<1000x1xf32>
    %div3A_46 = arith.constant 1.280000e+02 : f32
    %div3A_47 = vector.broadcast %div3A_46 : f32 to vector<1000x1xf32>
    %div3A_48 = arith.divf %broadcast_in_dim3A, %div3A_47 : vector<1000x1xf32>
    %sub3A_49 = vector.broadcast %div3A_48 : vector<1000x1xf32> to vector<1000x128xf32>
    %sub3A_50 = arith.subf %add3A_44, %sub3A_49 : vector<1000x128xf32>
    %integer_pow3A = arith.mulf %sub3A_50, %sub3A_50 : vector<1000x128xf32>
    %reduce_sum3A_51 = arith.constant dense<0.000000e+00> : vector<1000xf32>
    %reduce_sum3A_52 = vector.multi_reduction <add>, %integer_pow3A, %reduce_sum3A_51 [1] : vector<1000x128xf32> to vector<1000xf32>
    %broadcast_in_dim3A_53 = vector.shape_cast %reduce_sum3A_52 : vector<1000xf32> to vector<1000x1xf32>
    %div3A_54 = arith.constant 1.280000e+02 : f32
    %div3A_55 = vector.broadcast %div3A_54 : f32 to vector<1000x1xf32>
    %div3A_56 = arith.divf %broadcast_in_dim3A_53, %div3A_55 : vector<1000x1xf32>
    %get3A_57 = arith.constant 0 : index
    %get3A_58 = arith.constant 0 : index
    %get3A_59 = vector.load %arg3[%get3A_57, %get3A_58] : memref<1x128xf32, #tpu.memory_space<vmem>>, vector<1x128xf32>
    %sub3A_60 = vector.broadcast %div3A_48 : vector<1000x1xf32> to vector<1000x128xf32>
    %sub3A_61 = arith.subf %add3A_44, %sub3A_60 : vector<1000x128xf32>
    %mul3A = vector.broadcast %get3A_59 : vector<1x128xf32> to vector<1000x128xf32>
    %mul3A_62 = arith.mulf %mul3A, %sub3A_61 : vector<1000x128xf32>
    %add3A_63 = arith.constant 9.99999974E-6 : f32
    %add3A_64 = vector.broadcast %add3A_63 : f32 to vector<1000x1xf32>
    %add3A_65 = arith.addf %div3A_56, %add3A_64 : vector<1000x1xf32>
    %rsqrt3A = math.rsqrt %add3A_65 : vector<1000x1xf32>
    %mul3A_66 = vector.broadcast %rsqrt3A : vector<1000x1xf32> to vector<1000x128xf32>
    %mul3A_67 = arith.mulf %mul3A_62, %mul3A_66 : vector<1000x128xf32>
    %get3A_68 = arith.constant 0 : index
    %get3A_69 = arith.constant 0 : index
    %get3A_70 = vector.load %arg4[%get3A_68, %get3A_69] : memref<1x128xf32, #tpu.memory_space<vmem>>, vector<1x128xf32>
    %add3A_71 = vector.broadcast %get3A_70 : vector<1x128xf32> to vector<1000x128xf32>
    %add3A_72 = arith.addf %mul3A_67, %add3A_71 : vector<1000x128xf32>
    %logistic3A = arith.negf %add3A_72 : vector<1000x128xf32>
    %logistic3A_73 = math.exp %logistic3A : vector<1000x128xf32>
    %logistic3A_74 = arith.constant 1.000000e+00 : f32
    %logistic3A_75 = vector.broadcast %logistic3A_74 : f32 to vector<1000x128xf32>
    %logistic3A_76 = arith.addf %logistic3A_75, %logistic3A_73 : vector<1000x128xf32>
    %logistic3A_77 = arith.divf %logistic3A_75, %logistic3A_76 : vector<1000x128xf32>
    %mul3A_78 = arith.mulf %add3A_72, %logistic3A_77 : vector<1000x128xf32>
    %get3A_79 = arith.constant 0 : index
    %get3A_80 = arith.constant 0 : index
    %get3A_81 = vector.load %arg5[%get3A_79, %get3A_80] : memref<128x128xf32, #tpu.memory_space<vmem>>, vector<128x128xf32>
    %dot_general3A_82 = arith.constant dense<0.000000e+00> : vector<1000x128xf32>
    %dot_general3A_83 = tpu.matmul %mul3A_78, %get3A_81, %dot_general3A_82 {dimension_numbers = #tpu.dot_dimension_numbers<[1], [0], [0], [1], [0, 0, 1, 1], [], []>, transpose_lhs_hint = false} : vector<1000x128xf32>, vector<128x128xf32>, vector<1000x128xf32> -> vector<1000x128xf32>
    %swap3A = arith.constant 0 : index
    %swap3A_84 = arith.constant 0 : index
    %swap3A_85 = vector.load %arg7[%swap3A, %swap3A_84] : memref<1000x128xf32, #tpu.memory_space<vmem>>, vector<1000x128xf32>
    tpu.vector_store %arg7[%swap3A, %swap3A_84], %dot_general3A_83 {strides = array<i32>} : memref<1000x128xf32, #tpu.memory_space<vmem>>, vector<1000x128xf32>,
    %get3A_86 = arith.constant 0 : index
    %get3A_87 = arith.constant 0 : index
    %get3A_88 = vector.load %arg6[%get3A_86, %get3A_87] : memref<128x128xf32, #tpu.memory_space<vmem>>, vector<128x128xf32>
    %dot_general3A_89 = arith.constant dense<0.000000e+00> : vector<1000x128xf32>
    %dot_general3A_90 = tpu.matmul %mul3A_78, %get3A_88, %dot_general3A_89 {dimension_numbers = #tpu.dot_dimension_numbers<[1], [0], [0], [1], [0, 0, 1, 1], [], []>, transpose_lhs_hint = false} : vector<1000x128xf32>, vector<128x128xf32>, vector<1000x128xf32> -> vector<1000x128xf32>
    %swap3A_91 = arith.constant 0 : index
    %swap3A_92 = arith.constant 0 : index
    %swap3A_93 = vector.load %arg8[%swap3A_91, %swap3A_92] : memref<1000x128xf32, #tpu.memory_space<vmem>>, vector<1000x128xf32>
    tpu.vector_store %arg8[%swap3A_91, %swap3A_92], %dot_general3A_90 {strides = array<i32>} : memref<1000x128xf32, #tpu.memory_space<vmem>>, vector<1000x128xf32>,
    return
  }
  func.func @transform_0(%arg0: i32) -> (i32, i32, i32) {
    %c0_i32 = arith.constant 0 : i32
    %c0_i32_0 = arith.constant 0 : i32
    %c0_i32_1 = arith.constant 0 : i32
    return %c0_i32, %arg0, %c0_i32_0 : i32, i32, i32
  }
  func.func @transform_1(%arg0: i32) -> (i32, i32) {
    %c0_i32 = arith.constant 0 : i32
    %c0_i32_0 = arith.constant 0 : i32
    %c0_i32_1 = arith.constant 0 : i32
    return %c0_i32, %c0_i32_0 : i32, i32
  }
  func.func @transform_2(%arg0: i32) -> (i32, i32) {
    %c0_i32 = arith.constant 0 : i32
    %c0_i32_0 = arith.constant 0 : i32
    %c0_i32_1 = arith.constant 0 : i32
    return %c0_i32, %c0_i32_0 : i32, i32
  }
  func.func @transform_3(%arg0: i32) -> (i32, i32) {
    %c0_i32 = arith.constant 0 : i32
    %c0_i32_0 = arith.constant 0 : i32
    %c0_i32_1 = arith.constant 0 : i32
    return %c0_i32, %c0_i32_0 : i32, i32
  }
  func.func @transform_4(%arg0: i32) -> (i32, i32) {
    %c0_i32 = arith.constant 0 : i32
    %c0_i32_0 = arith.constant 0 : i32
    %c0_i32_1 = arith.constant 0 : i32
    return %c0_i32, %c0_i32_0 : i32, i32
  }
  func.func @transform_5(%arg0: i32) -> (i32, i32) {
    %c0_i32 = arith.constant 0 : i32
    %c0_i32_0 = arith.constant 0 : i32
    %c0_i32_1 = arith.constant 0 : i32
    return %c0_i32, %c0_i32_0 : i32, i32
  }
  func.func @transform_6(%arg0: i32) -> (i32, i32) {
    %c0_i32 = arith.constant 0 : i32
    %c0_i32_0 = arith.constant 0 : i32
    return %arg0, %c0_i32 : i32, i32
  }
  func.func @transform_7(%arg0: i32) -> (i32, i32) {
    %c0_i32 = arith.constant 0 : i32
    %c0_i32_0 = arith.constant 0 : i32
    return %arg0, %c0_i32 : i32, i32
  }
}

module attributes {stable_mosaic.version = 14 : i64} {
  func.func @_final_body(%arg0: i32, %arg1: memref<2x1000x144xf32, #tpu.memory_space<vmem>>, %arg2: memref<1x128xf32, #tpu.memory_space<vmem>>, %arg3: memref<1x128xf32, #tpu.memory_space<vmem>>, %arg4: memref<1x128xf32, #tpu.memory_space<vmem>>, %arg5: memref<1x1x1000xi32, #tpu.memory_space<vmem>>, %arg6: memref<64x128xf32, #tpu.memory_space<vmem>>, %arg7: memref<64x128xf32, #tpu.memory_space<vmem>>, %arg8: memref<64x128xf32, #tpu.memory_space<vmem>>) attributes {dimension_semantics = [#tpu.dimension_semantics<arbitrary>], iteration_bounds = array<i64: 10>, scalar_prefetch = 0 : i64, scratch_operands = 2 : i64, tpu.core_type = #tpu.core_type<tc>, window_params = [{transform_indices = @transform_0, window_bounds = array<i64: 2, 1000, 144>}, {pipeline_mode = #tpu.pipeline_mode<synchronous>, transform_indices = @transform_1, window_bounds = array<i64: 1, 128>}, {pipeline_mode = #tpu.pipeline_mode<synchronous>, transform_indices = @transform_2, window_bounds = array<i64: 1, 128>}, {pipeline_mode = #tpu.pipeline_mode<synchronous>, transform_indices = @transform_3, window_bounds = array<i64: 1, 128>}, {transform_indices = @transform_4, window_bounds = array<i64: 1, 1, 1000>}, {pipeline_mode = #tpu.pipeline_mode<synchronous>, transform_indices = @transform_5, window_bounds = array<i64: 64, 128>}]} {
    %get3A = arith.constant 0 : index
    %get3A_0 = arith.constant 0 : index
    %get3A_1 = arith.constant 0 : index
    %get3A_2 = vector.load %arg1[%get3A, %get3A_0, %get3A_1] : memref<2x1000x144xf32, #tpu.memory_space<vmem>>, vector<1x1000x144xf32>
    %get3A_3 = vector.shape_cast %get3A_2 : vector<1x1000x144xf32> to vector<1000x144xf32>
    %get3A_4 = arith.constant 1 : index
    %get3A_5 = arith.constant 0 : index
    %get3A_6 = arith.constant 0 : index
    %get3A_7 = vector.load %arg1[%get3A_4, %get3A_5, %get3A_6] : memref<2x1000x144xf32, #tpu.memory_space<vmem>>, vector<1x1000x144xf32>
    %get3A_8 = vector.shape_cast %get3A_7 : vector<1x1000x144xf32> to vector<1000x144xf32>
    %add3A = arith.addf %get3A_3, %get3A_8 : vector<1000x144xf32>
    %slice3A = vector.extract_strided_slice %add3A {offsets = [0, 0], sizes = [1000, 128], strides = [1, 1]} : vector<1000x144xf32> to vector<1000x128xf32>
    %slice3A_9 = vector.extract_strided_slice %add3A {offsets = [0, 128], sizes = [1000, 8], strides = [1, 1]} : vector<1000x144xf32> to vector<1000x8xf32>
    %iota3A = tpu.iota {dimensions = array<i32: 0>} : vector<8x128xi32>
    %iota3A_10 = tpu.iota {dimensions = array<i32: 1>} : vector<8x128xi32>
    %jit3A = arith.constant 16 : i32
    %div3A = vector.broadcast %jit3A : i32 to vector<8x128xi32>
    %div3A_11 = arith.divsi %iota3A_10, %div3A : vector<8x128xi32>
    %sign3A = arith.constant 0 : i32
    %sign3A_12 = vector.broadcast %sign3A : i32 to vector<8x128xi32>
    %sign3A_13 = arith.cmpi sgt, %iota3A_10, %sign3A_12 : vector<8x128xi32>
    %sign3A_14 = arith.extui %sign3A_13 : vector<8x128xi1> to vector<8x128xi32>
    %sign3A_15 = arith.constant 0 : i32
    %sign3A_16 = vector.broadcast %sign3A_15 : i32 to vector<8x128xi32>
    %sign3A_17 = arith.cmpi slt, %iota3A_10, %sign3A_16 : vector<8x128xi32>
    %sign3A_18 = arith.extui %sign3A_17 : vector<8x128xi1> to vector<8x128xi32>
    %sign3A_19 = arith.subi %sign3A_14, %sign3A_18 : vector<8x128xi32>
    %sign3A_20 = arith.constant 0 : i32
    %sign3A_21 = arith.cmpi sgt, %jit3A, %sign3A_20 : i32
    %sign3A_22 = arith.extui %sign3A_21 : i1 to i32
    %sign3A_23 = arith.constant 0 : i32
    %sign3A_24 = arith.cmpi slt, %jit3A, %sign3A_23 : i32
    %sign3A_25 = arith.extui %sign3A_24 : i1 to i32
    %sign3A_26 = arith.subi %sign3A_22, %sign3A_25 : i32
    %ne3A = vector.broadcast %sign3A_26 : i32 to vector<8x128xi32>
    %ne3A_27 = arith.cmpi ne, %sign3A_19, %ne3A : vector<8x128xi32>
    %rem3A = vector.broadcast %jit3A : i32 to vector<8x128xi32>
    %rem3A_28 = arith.remsi %iota3A_10, %rem3A : vector<8x128xi32>
    %ne3A_29 = arith.constant 0 : i32
    %ne3A_30 = vector.broadcast %ne3A_29 : i32 to vector<8x128xi32>
    %ne3A_31 = arith.cmpi ne, %rem3A_28, %ne3A_30 : vector<8x128xi32>
    %and3A = arith.andi %ne3A_27, %ne3A_31 : vector<8x128xi1>
    %sub3A = arith.constant 1 : i32
    %sub3A_32 = vector.broadcast %sub3A : i32 to vector<8x128xi32>
    %sub3A_33 = arith.subi %div3A_11, %sub3A_32 : vector<8x128xi32>
    %select_n3A = arith.select %and3A, %sub3A_33, %div3A_11 : vector<8x128xi1>, vector<8x128xi32>
    %eq3A = arith.cmpi eq, %iota3A, %select_n3A : vector<8x128xi32>
    %convert_element_type3A = arith.extui %eq3A : vector<8x128xi1> to vector<8x128xi32>
    %convert_element_type3A_34 = arith.sitofp %convert_element_type3A : vector<8x128xi32> to vector<8x128xf32>
    %dot_general3A = arith.constant dense<0.000000e+00> : vector<1000x128xf32>
    %dot_general3A_35 = tpu.matmul %slice3A_9, %convert_element_type3A_34, %dot_general3A {dimension_numbers = #tpu.dot_dimension_numbers<[1], [0], [0], [1], [0, 0, 1, 1], [], []>, transpose_lhs_hint = false} : vector<1000x8xf32>, vector<8x128xf32>, vector<1000x128xf32> -> vector<1000x128xf32>
    %add3A_36 = arith.constant 1.000000e-16 : f32
    %add3A_37 = vector.broadcast %add3A_36 : f32 to vector<1000x128xf32>
    %add3A_38 = arith.addf %dot_general3A_35, %add3A_37 : vector<1000x128xf32>
    %div3A_39 = arith.divf %slice3A, %add3A_38 : vector<1000x128xf32>
    %get3A_40 = arith.constant 0 : index
    %get3A_41 = arith.constant 0 : index
    %get3A_42 = vector.load %arg2[%get3A_40, %get3A_41] : memref<1x128xf32, #tpu.memory_space<vmem>>, vector<1x128xf32>
    %add3A_43 = vector.broadcast %get3A_42 : vector<1x128xf32> to vector<1000x128xf32>
    %add3A_44 = arith.addf %div3A_39, %add3A_43 : vector<1000x128xf32>
    %reduce_sum3A = arith.constant dense<0.000000e+00> : vector<1000xf32>
    %reduce_sum3A_45 = vector.multi_reduction <add>, %add3A_44, %reduce_sum3A [1] : vector<1000x128xf32> to vector<1000xf32>
    %broadcast_in_dim3A = vector.shape_cast %reduce_sum3A_45 : vector<1000xf32> to vector<1000x1xf32>
    %div3A_46 = arith.constant 1.280000e+02 : f32
    %div3A_47 = vector.broadcast %div3A_46 : f32 to vector<1000x1xf32>
    %div3A_48 = arith.divf %broadcast_in_dim3A, %div3A_47 : vector<1000x1xf32>
    %sub3A_49 = vector.broadcast %div3A_48 : vector<1000x1xf32> to vector<1000x128xf32>
    %sub3A_50 = arith.subf %add3A_44, %sub3A_49 : vector<1000x128xf32>
    %integer_pow3A = arith.mulf %sub3A_50, %sub3A_50 : vector<1000x128xf32>
    %reduce_sum3A_51 = arith.constant dense<0.000000e+00> : vector<1000xf32>
    %reduce_sum3A_52 = vector.multi_reduction <add>, %integer_pow3A, %reduce_sum3A_51 [1] : vector<1000x128xf32> to vector<1000xf32>
    %broadcast_in_dim3A_53 = vector.shape_cast %reduce_sum3A_52 : vector<1000xf32> to vector<1000x1xf32>
    %div3A_54 = arith.constant 1.280000e+02 : f32
    %div3A_55 = vector.broadcast %div3A_54 : f32 to vector<1000x1xf32>
    %div3A_56 = arith.divf %broadcast_in_dim3A_53, %div3A_55 : vector<1000x1xf32>
    %get3A_57 = arith.constant 0 : index
    %get3A_58 = arith.constant 0 : index
    %get3A_59 = vector.load %arg3[%get3A_57, %get3A_58] : memref<1x128xf32, #tpu.memory_space<vmem>>, vector<1x128xf32>
    %sub3A_60 = vector.broadcast %div3A_48 : vector<1000x1xf32> to vector<1000x128xf32>
    %sub3A_61 = arith.subf %add3A_44, %sub3A_60 : vector<1000x128xf32>
    %mul3A = vector.broadcast %get3A_59 : vector<1x128xf32> to vector<1000x128xf32>
    %mul3A_62 = arith.mulf %mul3A, %sub3A_61 : vector<1000x128xf32>
    %add3A_63 = arith.constant 9.99999974E-6 : f32
    %add3A_64 = vector.broadcast %add3A_63 : f32 to vector<1000x1xf32>
    %add3A_65 = arith.addf %div3A_56, %add3A_64 : vector<1000x1xf32>
    %rsqrt3A = math.rsqrt %add3A_65 : vector<1000x1xf32>
    %mul3A_66 = vector.broadcast %rsqrt3A : vector<1000x1xf32> to vector<1000x128xf32>
    %mul3A_67 = arith.mulf %mul3A_62, %mul3A_66 : vector<1000x128xf32>
    %get3A_68 = arith.constant 0 : index
    %get3A_69 = arith.constant 0 : index
    %get3A_70 = vector.load %arg4[%get3A_68, %get3A_69] : memref<1x128xf32, #tpu.memory_space<vmem>>, vector<1x128xf32>
    %add3A_71 = vector.broadcast %get3A_70 : vector<1x128xf32> to vector<1000x128xf32>
    %add3A_72 = arith.addf %mul3A_67, %add3A_71 : vector<1000x128xf32>
    %logistic3A = arith.negf %add3A_72 : vector<1000x128xf32>
    %logistic3A_73 = math.exp %logistic3A : vector<1000x128xf32>
    %logistic3A_74 = arith.constant 1.000000e+00 : f32
    %logistic3A_75 = vector.broadcast %logistic3A_74 : f32 to vector<1000x128xf32>
    %logistic3A_76 = arith.addf %logistic3A_75, %logistic3A_73 : vector<1000x128xf32>
    %logistic3A_77 = arith.divf %logistic3A_75, %logistic3A_76 : vector<1000x128xf32>
    %mul3A_78 = arith.mulf %add3A_72, %logistic3A_77 : vector<1000x128xf32>
    %get3A_79 = arith.constant 0 : index
    %get3A_80 = arith.constant 0 : index
    %get3A_81 = arith.constant 0 : index
    %get3A_82 = vector.load %arg5[%get3A_79, %get3A_80, %get3A_81] : memref<1x1x1000xi32, #tpu.memory_space<vmem>>, vector<1x1x1000xi32>
    %get3A_83 = vector.shape_cast %get3A_82 : vector<1x1x1000xi32> to vector<1000xi32>
    %broadcast_in_dim3A_84 = vector.shape_cast %get3A_83 : vector<1000xi32> to vector<1000x1xi32>
    %iota3A_85 = tpu.iota {dimensions = array<i32: 1>} : vector<1000x64xi32>
    %eq3A_86 = vector.broadcast %broadcast_in_dim3A_84 : vector<1000x1xi32> to vector<1000x64xi32>
    %eq3A_87 = arith.cmpi eq, %eq3A_86, %iota3A_85 : vector<1000x64xi32>
    %convert_element_type3A_88 = arith.extui %eq3A_87 : vector<1000x64xi1> to vector<1000x64xi32>
    %convert_element_type3A_89 = arith.sitofp %convert_element_type3A_88 : vector<1000x64xi32> to vector<1000x64xf32>
    %eq3A_90 = arith.constant 0 : i32
    %eq3A_91 = arith.cmpi eq, %arg0, %eq3A_90 : i32
    %convert_element_type3A_92 = arith.extui %eq3A_91 : i1 to i32
    %cond3A = arith.constant 0 : i32
    %cond3A_93 = arith.cmpi ne, %convert_element_type3A_92, %cond3A : i32
    scf.if %cond3A_93 {
      %broadcast_in_dim3A_118 = arith.constant 0.000000e+00 : f32
      %broadcast_in_dim3A_119 = vector.broadcast %broadcast_in_dim3A_118 : f32 to vector<64x128xf32>
      %swap3A_120 = arith.constant 0 : index
      %swap3A_121 = arith.constant 0 : index
      %swap3A_122 = vector.load %arg7[%swap3A_120, %swap3A_121] : memref<64x128xf32, #tpu.memory_space<vmem>>, vector<64x128xf32>
      tpu.vector_store %arg7[%swap3A_120, %swap3A_121], %broadcast_in_dim3A_119 {strides = array<i32>} : memref<64x128xf32, #tpu.memory_space<vmem>>, vector<64x128xf32>,
      %broadcast_in_dim3A_123 = arith.constant 0.000000e+00 : f32
      %broadcast_in_dim3A_124 = vector.broadcast %broadcast_in_dim3A_123 : f32 to vector<64x128xf32>
      %swap3A_125 = arith.constant 0 : index
      %swap3A_126 = arith.constant 0 : index
      %swap3A_127 = vector.load %arg8[%swap3A_125, %swap3A_126] : memref<64x128xf32, #tpu.memory_space<vmem>>, vector<64x128xf32>
      tpu.vector_store %arg8[%swap3A_125, %swap3A_126], %broadcast_in_dim3A_124 {strides = array<i32>} : memref<64x128xf32, #tpu.memory_space<vmem>>, vector<64x128xf32>,
    } else {
    }
    %get3A_94 = arith.constant 0 : index
    %get3A_95 = arith.constant 0 : index
    %get3A_96 = vector.load %arg7[%get3A_94, %get3A_95] : memref<64x128xf32, #tpu.memory_space<vmem>>, vector<64x128xf32>
    %dot_general3A_97 = arith.constant dense<0.000000e+00> : vector<64x128xf32>
    %dot_general3A_98 = tpu.matmul %convert_element_type3A_89, %mul3A_78, %dot_general3A_97 {dimension_numbers = #tpu.dot_dimension_numbers<[0], [0], [1], [1], [0, 1, 1, 1], [], []>, transpose_lhs_hint = false} : vector<1000x64xf32>, vector<1000x128xf32>, vector<64x128xf32> -> vector<64x128xf32>
    %add3A_99 = arith.addf %get3A_96, %dot_general3A_98 : vector<64x128xf32>
    %swap3A = arith.constant 0 : index
    %swap3A_100 = arith.constant 0 : index
    %swap3A_101 = vector.load %arg7[%swap3A, %swap3A_100] : memref<64x128xf32, #tpu.memory_space<vmem>>, vector<64x128xf32>
    tpu.vector_store %arg7[%swap3A, %swap3A_100], %add3A_99 {strides = array<i32>} : memref<64x128xf32, #tpu.memory_space<vmem>>, vector<64x128xf32>,
    %get3A_102 = arith.constant 0 : index
    %get3A_103 = arith.constant 0 : index
    %get3A_104 = vector.load %arg8[%get3A_102, %get3A_103] : memref<64x128xf32, #tpu.memory_space<vmem>>, vector<64x128xf32>
    %broadcast_in_dim3A_105 = arith.constant 1.000000e+00 : f32
    %broadcast_in_dim3A_106 = vector.broadcast %broadcast_in_dim3A_105 : f32 to vector<1000x128xf32>
    %dot_general3A_107 = arith.constant dense<0.000000e+00> : vector<64x128xf32>
    %dot_general3A_108 = tpu.matmul %convert_element_type3A_89, %broadcast_in_dim3A_106, %dot_general3A_107 {dimension_numbers = #tpu.dot_dimension_numbers<[0], [0], [1], [1], [0, 1, 1, 1], [], []>, transpose_lhs_hint = false} : vector<1000x64xf32>, vector<1000x128xf32>, vector<64x128xf32> -> vector<64x128xf32>
    %add3A_109 = arith.addf %get3A_104, %dot_general3A_108 : vector<64x128xf32>
    %swap3A_110 = arith.constant 0 : index
    %swap3A_111 = arith.constant 0 : index
    %swap3A_112 = vector.load %arg8[%swap3A_110, %swap3A_111] : memref<64x128xf32, #tpu.memory_space<vmem>>, vector<64x128xf32>
    tpu.vector_store %arg8[%swap3A_110, %swap3A_111], %add3A_109 {strides = array<i32>} : memref<64x128xf32, #tpu.memory_space<vmem>>, vector<64x128xf32>,
    %eq3A_113 = arith.constant 9 : i32
    %eq3A_114 = arith.cmpi eq, %arg0, %eq3A_113 : i32
    %convert_element_type3A_115 = arith.extui %eq3A_114 : i1 to i32
    %cond3A_116 = arith.constant 0 : i32
    %cond3A_117 = arith.cmpi ne, %convert_element_type3A_115, %cond3A_116 : i32
    scf.if %cond3A_117 {
      %get3A_118 = arith.constant 0 : index
      %get3A_119 = arith.constant 0 : index
      %get3A_120 = vector.load %arg7[%get3A_118, %get3A_119] : memref<64x128xf32, #tpu.memory_space<vmem>>, vector<64x128xf32>
      %get3A_121 = arith.constant 0 : index
      %get3A_122 = arith.constant 0 : index
      %get3A_123 = vector.load %arg8[%get3A_121, %get3A_122] : memref<64x128xf32, #tpu.memory_space<vmem>>, vector<64x128xf32>
      %max3A = arith.constant 1.000000e+00 : f32
      %max3A_124 = vector.broadcast %max3A : f32 to vector<64x128xf32>
      %max3A_125 = arith.maximumf %get3A_123, %max3A_124 : vector<64x128xf32>
      %div3A_126 = arith.divf %get3A_120, %max3A_125 : vector<64x128xf32>
      %swap3A_127 = arith.constant 0 : index
      %swap3A_128 = arith.constant 0 : index
      %swap3A_129 = vector.load %arg6[%swap3A_127, %swap3A_128] : memref<64x128xf32, #tpu.memory_space<vmem>>, vector<64x128xf32>
      tpu.vector_store %arg6[%swap3A_127, %swap3A_128], %div3A_126 {strides = array<i32>} : memref<64x128xf32, #tpu.memory_space<vmem>>, vector<64x128xf32>,
    } else {
    }
    return
  }
  func.func @transform_0(%arg0: i32) -> (i32, i32, i32) {
    %c0_i32 = arith.constant 0 : i32
    %c0_i32_0 = arith.constant 0 : i32
    %c0_i32_1 = arith.constant 0 : i32
    return %c0_i32, %arg0, %c0_i32_0 : i32, i32, i32
  }
  func.func @transform_1(%arg0: i32) -> (i32, i32) {
    %c0_i32 = arith.constant 0 : i32
    %c0_i32_0 = arith.constant 0 : i32
    %c0_i32_1 = arith.constant 0 : i32
    return %c0_i32, %c0_i32_0 : i32, i32
  }
  func.func @transform_2(%arg0: i32) -> (i32, i32) {
    %c0_i32 = arith.constant 0 : i32
    %c0_i32_0 = arith.constant 0 : i32
    %c0_i32_1 = arith.constant 0 : i32
    return %c0_i32, %c0_i32_0 : i32, i32
  }
  func.func @transform_3(%arg0: i32) -> (i32, i32) {
    %c0_i32 = arith.constant 0 : i32
    %c0_i32_0 = arith.constant 0 : i32
    %c0_i32_1 = arith.constant 0 : i32
    return %c0_i32, %c0_i32_0 : i32, i32
  }
  func.func @transform_4(%arg0: i32) -> (i32, i32, i32) {
    %c0_i32 = arith.constant 0 : i32
    %c0_i32_0 = arith.constant 0 : i32
    %c0_i32_1 = arith.constant 0 : i32
    return %arg0, %c0_i32, %c0_i32_0 : i32, i32, i32
  }
  func.func @transform_5(%arg0: i32) -> (i32, i32) {
    %c0_i32 = arith.constant 0 : i32
    %c0_i32_0 = arith.constant 0 : i32
    %c0_i32_1 = arith.constant 0 : i32
    return %c0_i32, %c0_i32_0 : i32, i32
  }
}

</mosaic_0001>

<sc_bundles>
// kernel: kernel.10.cloned.1.call-start
scs
__scs_entry_jumppad:
0x0: {  	(pc) =	sbr.rel $0x88, $3  }
0x1: {  	(tag) =	ssettag $0x0;
	lr =	simm.s32 $0x1  }
0x2: {  	[smem:$0x3F92] =	sst lr;
	_ =	strace $0xD0000000  }
0x3: {  	_ = 	snop  }
0x4: {  	_ = 	snop  }
0x5: {  	_ = 	snop  }
0x6: {  	_ = 	snop  }
0x7: {  	_ = 	snop  }
__scs_overlays_trampoline_lowered:
0x8: {  	[smem:$0x3FA1] =	sst s0  }
0x9: {  	[smem:$0x3FA2] =	sst s1  }
0xa: {  	[smem:$0x3FA3] =	sst s2  }
0xb: {  	[smem:$0x3FA4] =	sst s3  }
0xc: {  	[smem:$0x3FA5] =	sst s4  }
0xd: {  	[smem:$0x3FA6] =	sst s5  }
0xe: {  	[smem:$0x3FA7] =	sst s6  }
0xf: {  	[smem:$0x3FA8] =	sst s7  }
0x10: {  	[smem:$0x3FA9] =	sst s8  }
0x11: {  	[smem:$0x3FAA] =	sst s9;
	s0 =	simm.s32 @!p0 $0x0  }
0x12: {  	s1 =	sld [smem:$0x3F90];
	s0 =	simm.s32 @p0 $0x1  }
0x13: {  	[smem:$0x3FAB] =	sst s0;
	s0 =	simm.s32 @!p1 $0x0  }
0x14: {  	s2 =	sld [smem:$0x3F8F];
	s0 =	simm.s32 @p1 $0x1  }
0x15: {  	[smem:$0x3FAC] =	sst s0;
	s0 =	simm.s32 @!p2 $0x0  }
0x16: {  	s3 =	sld [smem:$0x3FDB];
	s0 =	simm.s32 @p2 $0x1  }
0x17: {  	s4 =	simm.s32 $0x1BF5;
	[smem:$0x3FAE] =	sst s0  }
0x18: {  	s0 =	sld [smem:$0x3F91];
	_ =	swait.ge [sflag:s4], $0x0  }
0x19: {  	s7 =	sld [smem:$0x3F92]  }
0x1a: {  	s8 =	sadd.s32 $0xFFFFE003, lr  }
0x1b: {  	s9 =	sadd.s32 $0xFFFFFEF7, lr;
	s5 =	simm.s32 $0xFFFFFFFF;
	p2 =	slt.u32 s8, $0xFFFFF086  }
0x1c: {  	p1 =	slt.u32 s9, $0xF7A;
	s5 =	simm.s32 @!p2 $0x0  }
0x1d: {  	s5 =	simm.s32 @p1 $0x1;
	p0 =	seq.s32 s7, s2  }
0x1e: {  	s7 =	smul.u32 @!p0 $0xF7A, s2;
	p2 =	seq.s32 @!p0 s5, $0x0  }
0x1f: {  	s9 =	smul.u32 $0xF7A, s1;
	s8 =	simm.s32 @!p0 $0x1BF5;
	p2 =	por !p2, p0  }
0x20: {  	[sflag:s8] =	ssyncset.s32 @!p0 $0xFFFFF086;
	s6 =	sadd.s32 @!p0 s3, s7;
	s7 =	simm.s32 @!p0 $0x108  }
0x21: {  	s3 =	sadd.s32 s3, s9;
	s6 =	sadd.s32 @!p0 $0x88, s6;
	s7 =	simm.s32 @p2 $0x1082  }
0x22: {  	[simem:s7], [sflag:s8] =	dma.local @!p0 [hbm:s6], $0xF7A  }
0x23: {  	s9 =	sor.u32 $0xD0000000, s2;
	s6 =	simm.s32 $0x108;
	_ =	swait.ge @!p0 [sflag:s8], $0x0  }
0x24: {  	s3 =	sadd.s32 $0x88, s3;
	s6 =	simm.s32 @!p1 $0x1082;
	[sflag:s4] =	ssyncset.s32 $0xFFFFF086  }
0x25: {  	[simem:s6], [sflag:s4] =	dma.local [hbm:s3], $0xF7A  }
0x26: {  	[smem:$0x3F92] =	sst s1;
	(tag) =	ssettag s2;
	_ =	strace s9  }
0x27: {  	s1 =	sld [smem:$0x3FA2]  }
0x28: {  	s2 =	sld [smem:$0x3FA3]  }
0x29: {  	s4 =	sld [smem:$0x3FA5]  }
0x2a: {  	p0 =	seq.s32 s5, $0x0;
	s5 =	sld [smem:$0x3FA6]  }
0x2b: {  	s6 =	sld [smem:$0x3FA7]  }
0x2c: {  	s7 =	sld [smem:$0x3FA8]  }
0x2d: {  	s3 =	simm.s32 $0x108;
	s8 =	sld [smem:$0x3FA9]  }
0x2e: {  	s3 =	simm.s32 @!p0 $0x1082;
	s9 =	sld [smem:$0x3FAA]  }
0x2f: {  	lr =	sadd.s32 s0, s3;
	s0 =	sld [smem:$0x3FA1]  }
0x30: {  	s3 =	sld [smem:$0x3FA4]  }
0x31: {  	[smem:$0x3FAD] =	sst s10  }
0x32: {  	s10 =	sld [smem:$0x3FAB];
	_ =	sdelay $0x3  }
0x33: {  	p0 =	seq.s32 s10, $0x1;
	s10 =	sld [smem:$0x3FAD];
	_ =	sdelay $0x3  }
0x34: {  	[smem:$0x3FAD] =	sst s10  }
0x35: {  	s10 =	sld [smem:$0x3FAC];
	_ =	sdelay $0x3  }
0x36: {  	p1 =	seq.s32 s10, $0x1;
	s10 =	sld [smem:$0x3FAD];
	_ =	sdelay $0x3  }
0x37: {  	[smem:$0x3FAD] =	sst s10  }
0x38: {  	s10 =	sld [smem:$0x3FAE]  }
0x39: {  	_ = 	snop;
	(pc) =	sbr.ind lr, $3  }
0x3a: {  	_ = 	snop  }
0x3b: {  	_ = 	snop  }
0x3c: {  	p2 =	seq.s32 s10, $0x1;
	s10 =	sld [smem:$0x3FAD]  }
0x3d: {  	_ =	shalt  }
0x3e: {  	_ =	shalt  }
0x3f: {  	_ =	shalt  }
0x40: {  	_ =	shalt  }
0x41: {  	_ =	shalt  }
0x42: {  	_ =	shalt  }
0x43: {  	_ =	shalt  }
0x44: {  	_ =	shalt  }
0x45: {  	_ =	shalt  }
0x46: {  	_ =	shalt  }
0x47: {  	_ =	shalt  }
0x48: {  	_ =	shalt  }
0x49: {  	_ =	shalt  }
0x4a: {  	_ =	shalt  }
0x4b: {  	_ =	shalt  }
0x4c: {  	_ =	shalt  }
0x4d: {  	_ =	shalt  }
0x4e: {  	_ =	shalt  }
0x4f: {  	_ =	shalt  }
0x50: {  	_ =	shalt  }
0x51: {  	_ =	shalt  }
0x52: {  	_ =	shalt  }
0x53: {  	_ =	shalt  }
0x54: {  	_ =	shalt  }
0x55: {  	_ =	shalt  }
0x56: {  	_ =	shalt  }
0x57: {  	_ =	shalt  }
0x58: {  	_ =	shalt  }
0x59: {  	_ =	shalt  }
0x5a: {  	_ =	shalt  }
0x5b: {  	_ =	shalt  }
0x5c: {  	_ =	shalt  }
0x5d: {  	_ =	shalt  }
0x5e: {  	_ =	shalt  }
0x5f: {  	_ =	shalt  }
0x60: {  	_ =	shalt  }
0x61: {  	_ =	shalt  }
0x62: {  	_ =	shalt  }
0x63: {  	_ =	shalt  }
0x64: {  	_ =	shalt  }
0x65: {  	_ =	shalt  }
0x66: {  	_ =	shalt  }
0x67: {  	_ =	shalt  }
0x68: {  	_ =	shalt  }
0x69: {  	_ =	shalt  }
0x6a: {  	_ =	shalt  }
0x6b: {  	_ =	shalt  }
0x6c: {  	_ =	shalt  }
0x6d: {  	_ =	shalt  }
0x6e: {  	_ =	shalt  }
0x6f: {  	_ =	shalt  }
0x70: {  	_ =	shalt  }
0x71: {  	_ =	shalt  }
0x72: {  	_ =	shalt  }
0x73: {  	_ =	shalt  }
0x74: {  	_ =	shalt  }
0x75: {  	_ =	shalt  }
0x76: {  	_ =	shalt  }
0x77: {  	_ =	shalt  }
0x78: {  	_ =	shalt  }
0x79: {  	_ =	shalt  }
0x7a: {  	_ =	shalt  }
0x7b: {  	_ =	shalt  }
0x7c: {  	_ =	shalt  }
0x7d: {  	_ =	shalt  }
0x7e: {  	_ =	shalt  }
0x7f: {  	_ =	shalt  }
0x80: {  	_ =	shalt  }
0x81: {  	_ =	shalt  }
0x82: {  	_ =	shalt  }
0x83: {  	_ =	shalt  }
0x84: {  	_ =	shalt  }
0x85: {  	_ =	shalt  }
0x86: {  	_ =	shalt  }
0x87: {  	_ =	shalt  }
.Lfunc_end0:
.L_simem_size_0:
called_computation.1_lowered:
.L_overlay_start_0:
0x88: {  	s2 =	sld [smem:$0x3FD9]  }
0x89: {  	s3 =	sld [smem:$0x3FFE];
	_ =	sdelay $0x1  }
0x8a: {  	s1 =	srdreg.scid  }
0x8b: {  	s0 =	sand.u32 $0x1, s1  }
0x8c: {  	s16 =	sshll.u32 s0, $0xA;
	s2 =	sadd.s32 s3, s2  }
0x8d: {  	s2 =	sadd.s32 s2, s16  }
0x8e: {  	[smem:$0x3FB9] =	sst s2  }
0x8f: {  	_ = 	snop  }
0x90: {  	(tm) =	ssettm $0x1  }
0x91: {  	s17 =	sld [smem:$0x3FFB];
	_ =	sdelay $0x3  }
0x92: {  	_ =	strace s17  }
0x93: {  	s2 =	sld [smem:$0x3FFC];
	_ =	sdelay $0x3  }
0x94: {  	_ =	strace s2  }
0x95: {  	s2 =	sld [smem:$0x3FFD];
	_ =	sdelay $0x3  }
0x96: {  	_ =	strace s2  }
0x97: {  	_ =	strace $0x8FFFFFFF  }
0x98: {  	s18 =	sld [smem:$0x3FDB];
	_ =	sdelay $0x1  }
0x99: {  	s19 =	simm.s32 $_scs_section_size  }
0x9a: {  	s4 =	simm.s32 $_size__tile_overlayer_lowered;
	s5 =	simm.s32 $_tile_overlayer_lowered  }
0x9b: {  	s22 =	simm.s32 $0x1BFF;
	s21 =	sshll.u32 s5, $0x1;
	s2 =	sadd.s32 s19, s18  }
0x9c: {  	s6 =	simm.s32 $0x0;
	s20 =	sshll.u32 s4, $0x1;
	s4 =	sadd.s32 s21, s2  }
0x9d: {  	[timem:s6], [sflag:s22] =	dma.local [hbm:s4], s20  }
0x9e: {  	_ =	swait.ge [sflag:s22], s20  }
0x9f: {  	s3 =	ssub.s32 $0x0, s20;
	[sflag:s22] =	ssyncset.done $0x0  }
0xa0: {  	[sflag:s22] =	ssyncadd.s32 s3;
	_ =	sdelay $0x1  }
0xa1: {  	s23 =	simm.s32 $0x1B8B  }
0xa2: {  	_ =	swait.ge [sflag:s23], $0x1  }
0xa3: {  	[sflag:s23] =	ssyncset.done $0x0  }
0xa4: {  	s25 =	simm.s32 $0x1B8E;
	s24 =	sld [smem:$0x3FFE];
	[sflag:s23] =	ssyncadd.s32 $0xFFFFFFFF  }
0xa5: {  	s26 =	simm.s32 $execute0_lowered;
	[smem:$0x3FD2] =	sst s25  }
0xa6: {  	s4 =	sshll.u32 s26, $0x1;
	_ =	strace $0x80000049;
	[dreg:$0x1] =	wrdreg $0xFFFFFFFF  }
0xa7: {  	s28 =	simm.s32 $_size_execute0_lowered;
	s2 =	sadd.s32 s2, s4;
	[dreg:$0x0] =	wrdreg $0x0  }
0xa8: {  	s4 =	sshll.u32 s28, $0x1;
	[dreg:$0x2] =	wrdreg s2  }
0xa9: {  	[dreg:$0x3] =	wrdreg s4  }
0xaa: {  	[dreg:$0x4] =	wrdreg $0xC0  }
0xab: {  	_ =	task [dreg:s6], $0x5FFFF  }
0xac: {  	[dreg:$0x1] =	wrdreg $0xFFFFFFFF  }
0xad: {  	[dreg:$0x0] =	wrdreg $0x60  }
0xae: {  	[dreg:$0x2] =	wrdreg s24  }
0xaf: {  	[dreg:$0x3] =	wrdreg $0x97A00  }
0xb0: {  	[dreg:$0x4] =	wrdreg $0x9  }
0xb1: {  	_ =	task.clear_ibuf [dreg:s6], $0x5FFFF;
	_ =	strace $0x90000049  }
0xb2: {  	s29 =	simm.s32 $0x9;
	_ =	strace $0x8000004B  }
0xb3: {  	_ =	swait.ge [sflag:s29], $0x1  }
0xb4: {  	[sflag:s29] =	ssyncadd.s32 $0xFFFFFFFF  }
0xb5: {  	_ =	strace $0x9000004B  }
0xb6: {  	_ =	sfence  }
0xb7: {  	s30 =	sld [smem:$0x0];
	_ =	sdelay $0x2  }
0xb8: {  	s31 =	sshll.u32 s1, $0xD;
	s1 =	sshrl.u32 s1, $0x2  }
0xb9: {  	s3 =	sand.u32 $0x4000, s31;
	s1 =	sadd.s32 s1, s30  }
0xba: {  	s0 =	sor.u32 s3, s0;
	s1 =	sshll.u32 s1, $0x11  }
0xbb: {  	s0 =	sor.u32 s1, s0  }
0xbc: {  	s0 =	sadd.s32 $0x8F2B, s0  }
0xbd: {  	[sflag:s0] =	ssyncadd.remote.s32 $0x1  }
0xbe: {  	_ =	sfence.sel $0xFFFF  }
0xbf: {  	[dreg:$0x0] =	wrdreg $0xFFFFFFFF;
	(pc) =	sbr.abs _section_cstart, $3  }
0xc0: {  	[dreg:$0x1] =	wrdreg $0xFFFFFFFF  }
0xc1: {  	_ =	task.clear_ibuf [dreg:s6], $0x2FFFF;
	_ =	strace $0x9FFFFFFF  }
0xc2: {  	(tm) =	ssettm $0x7FFFFFFF  }
0xc3: {  	_ =	shalt  }
tec
execute0_lowered:
.L_overlay_start_1:
0x0: {  	(tag) =	ssettag $0x1  }
0x1: {  	s0 =	rddreg [dreg:$0x0]  }
0x2: {  	s9 =	rddreg [dreg:$0x1];
	s1 =	simm.s32 $0x0;
	s20 =	srdreg.scid  }
0x3: {  	s10 =	stileid.u32;
	[smem:$0x7FF] =	sst s1  }
0x4: {  	s1 =	sand.u32 $0x1, s20;
	s2 =	smul.u32 $0x16380, s10;
	s4 =	sadd.s32 $0x16800, s0  }
0x5: {  	s5 =	sadd.s32 $0x3DA00, s0;
	s6 =	sadd.s32 $0xC600, s0;
	s7 =	sadd.s32 $0x2400, s0  }
0x6: {  	s11 =	sadd.s32 $0xC0800, s0;
	s21 =	sadd.s32 $0x64C00, s0;
	s31 =	sshll.u32 s10, $0x6  }
0x7: {  	_ =	strace $0x8000004A;
	s3 =	smul.u32 $0x163800, s1;
	[dreg:$0x3] =	wrdreg s11  }
0x8: {  	s8 =	sshll.u32 s1, $0x4;
	s1 =	ssub.s32 $0x2, s1;
	[dreg:$0x4] =	wrdreg s21  }
0x9: {  	s11 =	sor.u32 $0x1C0B, s31;
	s8 =	sor.u32 s10, s8;
	s22 =	sshrl.u32 s1, $0x1  }
0xa: {  	[dreg:$0xd] =	wrdreg s11;
	s3 =	sadd.s32 s2, s3;
	s1 =	ssub.s32 s1, s22  }
0xb: {  	s8 =	smul.u32 $0x2880, s8;
	s2 =	sadd.s32 s2, s9;
	s30 =	smax.u32 s1, $0x1  }
0xc: {  	s10 =	simm.s32 $0x4;
	s12 =	sshrl.u32 s2, $0x3;
	[dreg:$0xc] =	wrdreg s30  }
0xd: {  	s22 =	simm.s32 $0x30;
	s28 =	sor.u32 $0x60, s8;
	[dreg:$0xe] =	wrdreg s12  }
0xe: {  	s23 =	sshrl.u32 s8, $0x3;
	s29 =	sadd.s32 $0x90, s8;
	[dreg:$0x9] =	wrdreg s28  }
0xf: {  	s3 =	sshrl.u32 s3, $0x3;
	s24 =	sadd.s32 s6, s23;
	[dreg:$0xa] =	wrdreg s29  }
0x10: {  	s0 =	sadd.s32 s3, s0;
	s25 =	sadd.s32 s7, s23;
	[dreg:$0x5] =	wrdreg s24  }
0x11: {  	s3 =	sor.u32 $0x6, s23;
	s0 =	sadd.s32 $0x67A00, s0;
	[dreg:$0x6] =	wrdreg s25  }
0x12: {  	vm0 =	vmmov $0x1;
	vm1 =	vcmask $0x320;
	s9 =	simm.s32 $0x3;
	s26 =	sadd.s32 s6, s3;
	[dreg:$0xb] =	wrdreg s0  }
0x13: {  	vm2 =	vcmask $0x720;
	vm3 =	vcmask $0xB20;
	vm4 =	vcmask $0xF20;
	s2 =	simm.s32 $0xA;
	s3 =	sadd.s32 s7, s3;
	[dreg:$0x7] =	wrdreg s26  }
0x14: {  	vm5 =	vcmask $0x1320;
	vm6 =	vcmask $0x1720;
	vm7 =	vcmask $0x1B20;
	s1 =	simm.s32 $0x0;
	s8 =	simm.s32 $0xB;
	[dreg:$0x8] =	wrdreg s3  }
.LBB2_1:
0x15: {  	[dreg:$0xf] =	wrdreg s1  }
0x16: {  	s0 =	simm.s32 $0x0;
	s18 =	rddreg [dreg:$0x3];
	s3 =	simm.s32 $0x9720  }
0x17: {  	[tilespmem:s3], [sflag:$0xB] =	stream.linear.gather [hbm4b:s18+s0], $0x80, $0x38;
	[tilespmem:$0x1FB20] =	vst v63  }
0x18: {  	_ =	swait.ge [sflag:s8], $0x80  }
0x19: {  	[sflag:s8] =	ssyncset.done $0x0  }
0x1a: {  	s19 =	rddreg [dreg:$0x4];
	[sflag:s8] =	ssyncadd.s32 $0xFFFFFF80  }
0x1b: {  	[spmem:s12], [sflag:s11] =	dma.local [hbm:s19], $0x2C70  }
0x1c: {  	_ =	swait.ge [sflag:s8], $0x2C70  }
0x1d: {  	[sflag:s8] =	ssyncset.done $0x0  }
0x1e: {  	[sflag:s8] =	ssyncadd.s32 $0xFFFFD390  }
0x1f: {  	[bflag:$0x0] =	sbarrier.arrive $0xFFFF  }
0x20: {  	v0 =	vld [tilespmem:$0x9720]  }
0x21: {  	v1 =	vld [tilespmem:$0x9730]  }
0x22: {  	v2 =	vld [tilespmem:$0x9740]  }
0x23: {  	v3 =	vld [tilespmem:$0x9750]  }
0x24: {  	v4 =	vld [tilespmem:$0x9760]  }
0x25: {  	v5 =	vld [tilespmem:$0x9770]  }
0x26: {  	v6 =	vld [tilespmem:$0x9780];
	s20 =	rddreg [dreg:$0x5]  }
0x27: {  	v7 =	vld [tilespmem:$0x9790];
	[tilespmem:s0], [sflag:$0x7] =	stream.linear.gather [hbm4b:s20+s0], $0x30, $0x38  }
0x28: {  	s21 =	rddreg [dreg:$0x6]  }
0x29: {  	[tilespmem:s22], [sflag:$0x8] =	stream.linear.gather [hbm4b:s21+s0], $0x30, $0x38;
	[tilespmem:$0x1FB20] =	vst v63  }
0x2a: {  	s24 =	simm.s32 $0x3060;
	s23 =	rddreg [dreg:$0x7]  }
0x2b: {  	[tilespmem:s24], [sflag:$0x9] =	stream.linear.gather [hbm4b:s23+s0], $0x30, $0x38;
	[tilespmem:$0x1FB20] =	vst v63  }
0x2c: {  	s26 =	simm.s32 $0x3090;
	s28 =	simm.s32 $0x7;
	s25 =	rddreg [dreg:$0x8]  }
0x2d: {  	[tilespmem:s26], [sflag:$0xA] =	stream.linear.gather [hbm4b:s25+s0], $0x30, $0x38;
	[tilespmem:$0x1FB20] =	vst v63  }
0x2e: {  	_ =	swait.ge [sflag:s28], $0x30  }
0x2f: {  	[sflag:s28] =	ssyncset.done $0x0  }
0x30: {  	s29 =	simm.s32 $0x8;
	[sflag:s28] =	ssyncadd.s32 $0xFFFFFFD0  }
0x31: {  	_ =	swait.ge [sflag:s29], $0x30  }
0x32: {  	[sflag:s29] =	ssyncset.done $0x0  }
0x33: {  	s30 =	simm.s32 $0x60;
	[sflag:s29] =	ssyncadd.s32 $0xFFFFFFD0  }
0x34: {  	[tilespmem:s30], [sflag:$0x1] =	stream.indirect.gather [hbm4b:s4+s22], $0x80, s0, s22, $0xb8;
	[tilespmem:$0x1FB20] =	vst v63  }
0x35: {  	s31 =	simm.s32 $0x1860;
	s25 =	simm.s32 $0x0  }
0x36: {  	[tilespmem:s31], [sflag:$0x2] =	stream.indirect.gather [hbm4b:s5+s22], $0x80, s22, s22, $0xb8;
	[tilespmem:$0x1FB20] =	vst v63  }
.LBB2_2:
0x37: {  	s0 =	simm.s32 $0x1  }
0x38: {  	_ =	swait.ge [sflag:s0], $0x1800  }
0x39: {  	[sflag:s0] =	ssyncset.done $0x0  }
0x3a: {  	s26 =	simm.s32 $0x2;
	[sflag:s0] =	ssyncadd.s32 $0xFFFFE800  }
0x3b: {  	_ =	swait.ge [sflag:s26], $0x1800  }
0x3c: {  	[sflag:s26] =	ssyncset.done $0x0  }
0x3d: {  	s28 =	simm.s32 $0x9;
	[sflag:s26] =	ssyncadd.s32 $0xFFFFE800  }
0x3e: {  	_ =	swait.ge [sflag:s28], $0x30  }
0x3f: {  	[sflag:s28] =	ssyncset.done $0x0  }
0x40: {  	[sflag:s28] =	ssyncadd.s32 $0xFFFFFFD0  }
0x41: {  	p0 =	sne.s32 s25, $0x0;
	_ =	swait.ge [sflag:s2], $0x30  }
.Ltmp0:
0x42: {  	[sflag:s2] =	ssyncset.done $0x0;
	(pc) =	sbr.rel @!p0 .LBB2_3-.Ltmp0, $4  }
0x43: {  	s29 =	simm.s32 $0x3060;
	s1 =	simm.s32 $0x30C0;
	[sflag:s2] =	ssyncadd.s32 $0xFFFFFFD0  }
0x44: {  	[tilespmem:s1], [sflag:$0x3] =	stream.indirect.gather [hbm4b:s4+s22], $0x80, s29, s22, $0xb8;
	[tilespmem:$0x1FB20] =	vst v63  }
0x45: {  	s30 =	simm.s32 $0x3090;
	s31 =	simm.s32 $0x48C0  }
0x46: {  	[tilespmem:s31], [sflag:$0x4] =	stream.indirect.gather [hbm4b:s5+s22], $0x80, s30, s22, $0xb8;
	[tilespmem:$0x1FB20] =	vst v63  }
0x47: {  	s0 =	simm.s32 $0x5  }
0x48: {  	_ =	swait.ge [sflag:s0], $0x1B00  }
0x49: {  	[sflag:s0] =	ssyncset.done $0x0  }
0x4a: {  	[sflag:s0] =	ssyncadd.s32 $0xFFFFE500  }
0x4b: {  	v8 =	vld [tilespmem:$0x30]  }
0x4c: {  	v9 =	vld [tilespmem:$0x40]  }
0x4d: {  	p0 =	seq.s32 s25, $0x6B;
	v10 =	vld [tilespmem:$0x50]  }
.Ltmp1:
0x4e: {  	_ = 	snop;
	(pc) =	sbr.rel @p0 .LBB2_6-.Ltmp1, $4  }
.Ltmp2:
0x4f: {  	_ = 	snop;
	(pc) =	sbr.rel @!p0 .LBB2_5-.Ltmp2, $4  }
0x50: {  	[tilespmem:$0x96C0] =	vst v8  }
0x51: {  	[tilespmem:$0x96D0] =	vst v9  }
0x52: {  	[tilespmem:$0x96E0] =	vst v10  }
0x53: {  	_ = 	snop  }
.LBB2_3:
0x54: {  	v8 =	vld [tilespmem:$0x30]  }
0x55: {  	v9 =	vld [tilespmem:$0x40]  }
0x56: {  	v10 =	vld [tilespmem:$0x50];
	_ =	sdelay $0x2  }
0x57: {  	[tilespmem:$0x96C0] =	vst v8  }
0x58: {  	[tilespmem:$0x96D0] =	vst v9  }
0x59: {  	[tilespmem:$0x96E0] =	vst v10  }
.LBB2_5:
0x5a: {  	s0 =	smul.u32 $0x60, s25  }
0x5b: {  	s1 =	rddreg [dreg:$0x9]  }
0x5c: {  	s0 =	sadd.s32 s0, s1  }
0x5d: {  	s0 =	sshrl.u32 s0, $0x3  }
0x5e: {  	s3 =	simm.s32 $0x0;
	s31 =	sadd.s32 s6, s0  }
0x5f: {  	[tilespmem:s3], [sflag:$0x7] =	stream.linear.gather [hbm4b:s31+s3], $0x30, $0x38;
	[tilespmem:$0x1FB20] =	vst v63  }
0x60: {  	s0 =	sadd.s32 s7, s0  }
0x61: {  	[tilespmem:s22], [sflag:$0x8] =	stream.linear.gather [hbm4b:s0+s3], $0x30, $0x38;
	[tilespmem:$0x1FB20] =	vst v63  }
.LBB2_6:
0x62: {  	s15 =	simm.s32 $0x0  }
0x63: {  	v9 =	vld [tilespmem:s15+$0x60]  }
0x64: {  	v8 =	vld [tilespmem:s15+$0x1860];
	_ =	sdelay $0x4  }
0x65: {  	v8 =	vadd.f32 v8, v9;
	_ =	sdelay $0x1  }
0x66: {  	v10 =	vmul.f32 $2.000000030e-01, v8;
	_ =	sdelay $0x1  }
0x67: {  	v8 =	vmax.f32 v8, v10  }
0x68: {  	v8 =	vmul.f32 v8, v0;
	_ =	sdelay $0x1  }
0x69: {  	(xrf2) =	vadd.scan.msk.f32 $0xffff, v8;
	_ =	sdelay $0x9  }
0x6a: {  	v8, _, _ =	vpop (xrf2)  }
0x6b: {  	v8 =	vmul.f32 $1.442695020e+00, v8;
	_ =	sdelay $0x1  }
0x6c: {  	v8 =	vbroadcast v8, $0xF;
	_ =	sdelay $0x1  }
0x6d: {  	(erf) = vpow2.f32 v8  }
0x6e: {  	s26 =	simm.s32 $0x80  }
0x6f: {  	v10 =	vld [tilespmem:s26+$0x60]  }
0x70: {  	v8 =	vld [tilespmem:s26+$0x1860];
	_ =	sdelay $0x4  }
0x71: {  	v11 =	vadd.f32 v8, v10  }
0x72: {  	v8 =	vpop (erf)  }
0x73: {  	v12 =	vmul.f32 $2.000000030e-01, v11;
	v9 =	vmul.f32 v8, v9  }
0x74: {  	s18 =	simm.s32 $0x6100  }
0x75: {  	[tilespmem:s18+$0xFFFFFFC0] =	vst v9;
	v9 =	vmax.f32 v11, v12  }
0x76: {  	v11 =	vld [tilespmem:s15+$0x70];
	v9 =	vmul.f32 v9, v0  }
0x77: {  	v12 =	vld [tilespmem:s15+$0x1870]  }
0x78: {  	(xrf2) =	vadd.scan.msk.f32 $0xffff, v9;
	_ =	sdelay $0x3  }
0x79: {  	v9 =	vadd.f32 v12, v11;
	_ =	sdelay $0x1  }
0x7a: {  	v12 =	vmul.f32 $2.000000030e-01, v9;
	_ =	sdelay $0x1  }
0x7b: {  	v9 =	vmax.f32 v9, v12  }
0x7c: {  	v9 =	vmul.f32 v9, v1  }
0x7d: {  	v12, _, _ =	vpop (xrf2)  }
0x7e: {  	(xrf2) =	vadd.scan.msk.f32 $0xffff, v9;
	v9 =	vmul.f32 $1.442695020e+00, v12;
	_ =	sdelay $0x1  }
0x7f: {  	v9 =	vbroadcast v9, $0xF;
	_ =	sdelay $0x1  }
0x80: {  	(erf) = vpow2.f32 v9;
	_ =	sdelay $0x1  }
0x81: {  	s13 =	simm.s32 $0x100  }
0x82: {  	v12 =	vld [tilespmem:s13+$0x60]  }
0x83: {  	v9 =	vld [tilespmem:s13+$0x1860];
	_ =	sdelay $0x1  }
0x84: {  	v13, _, _ =	vpop (xrf2)  }
0x85: {  	v13 =	vmul.f32 $1.442695020e+00, v13;
	_ =	sdelay $0x1  }
0x86: {  	v14 =	vadd.f32 v9, v12;
	v13 =	vbroadcast v13, $0xF;
	v9 =	vpop (erf)  }
0x87: {  	v10 =	vmul.f32 v9, v10  }
0x88: {  	s20 =	simm.s32 $0x6190;
	(erf) = vpow2.f32 v13;
	v13 =	vmul.f32 $2.000000030e-01, v14  }
0x89: {  	[tilespmem:s20+$0xFFFFFFC0] =	vst v10  }
0x8a: {  	v10 =	vmax.f32 v14, v13;
	v14 =	vld [tilespmem:s26+$0x70]  }
0x8b: {  	v13 =	vld [tilespmem:s26+$0x1870]  }
0x8c: {  	v10 =	vmul.f32 v10, v0;
	_ =	sdelay $0x1  }
0x8d: {  	(xrf2) =	vadd.scan.msk.f32 $0xffff, v10;
	_ =	sdelay $0x1  }
0x8e: {  	s14 =	simm.s32 $0x180;
	v13 =	vadd.f32 v13, v14  }
0x8f: {  	v16 =	vld [tilespmem:s14+$0x60];
	v10 =	vpop (erf)  }
0x90: {  	v17 =	vld [tilespmem:s14+$0x1860];
	v11 =	vmul.f32 v10, v11;
	v15 =	vmul.f32 $2.000000030e-01, v13;
	_ =	sdelay $0x1  }
0x91: {  	[tilespmem:s18+$0xFFFFFFD0] =	vst v11;
	v11 =	vmax.f32 v13, v15  }
0x92: {  	v15 =	vld [tilespmem:s15+$0x80];
	v11 =	vmul.f32 v11, v1  }
0x93: {  	v13 =	vld [tilespmem:s15+$0x1880]  }
0x94: {  	v17 =	vadd.f32 v17, v16;
	(xrf2) =	vadd.scan.msk.f32 $0xffff, v11  }
0x95: {  	v18, _, _ =	vpop (xrf2)  }
0x96: {  	v11 =	vmul.f32 $1.442695020e+00, v18;
	v18 =	vmul.f32 $2.000000030e-01, v17;
	_ =	sdelay $0x1  }
0x97: {  	v11 =	vbroadcast v11, $0xF;
	v13 =	vadd.f32 v13, v15;
	v17 =	vmax.f32 v17, v18  }
0x98: {  	v17 =	vmul.f32 v17, v0  }
0x99: {  	(erf) = vpow2.f32 v11;
	v11 =	vmul.f32 $2.000000030e-01, v13;
	_ =	sdelay $0x1  }
0x9a: {  	(xrf2) =	vadd.scan.msk.f32 $0xffff, v17;
	v11 =	vmax.f32 v13, v11  }
0x9b: {  	v11 =	vmul.f32 v11, v2  }
0x9c: {  	v13, _, _ =	vpop (xrf2)  }
0x9d: {  	(xrf2) =	vadd.scan.msk.f32 $0xffff, v11;
	v11 =	vmul.f32 $1.442695020e+00, v13;
	_ =	sdelay $0x2  }
0x9e: {  	v13 =	vbroadcast v11, $0xF  }
0x9f: {  	v11 =	vpop (erf)  }
0xa0: {  	(erf) = vpow2.f32 v13;
	v12 =	vmul.f32 v11, v12  }
0xa1: {  	s28 =	simm.s32 $0x6220  }
0xa2: {  	v13, _, _ =	vpop (xrf2);
	[tilespmem:s28+$0xFFFFFFC0] =	vst v12  }
0xa3: {  	v13 =	vmul.f32 $1.442695020e+00, v13;
	v17 =	vld [tilespmem:s13+$0x70]  }
0xa4: {  	v12 =	vld [tilespmem:s13+$0x1870]  }
0xa5: {  	v18, _, _ =	vpop (xrf2);
	v13 =	vbroadcast v13, $0xF  }
0xa6: {  	v18 =	vmul.f32 $1.442695020e+00, v18;
	_ =	sdelay $0x1  }
0xa7: {  	v18 =	vbroadcast v18, $0xF  }
0xa8: {  	(erf) = vpow2.f32 v13;
	v12 =	vadd.f32 v12, v17;
	v13 =	vpop (erf)  }
0xa9: {  	s23 =	simm.s32 $0x200;
	v14 =	vmul.f32 v13, v14;
	(erf) = vpow2.f32 v18  }
0xaa: {  	v19 =	vld [tilespmem:s23+$0x60];
	v18 =	vmul.f32 $2.000000030e-01, v12  }
0xab: {  	v20 =	vld [tilespmem:s23+$0x1860];
	[tilespmem:s20+$0xFFFFFFD0] =	vst v14  }
0xac: {  	v12 =	vmax.f32 v12, v18;
	v21 =	vld [tilespmem:s26+$0x80]  }
0xad: {  	v14 =	vld [tilespmem:s26+$0x1880];
	v12 =	vmul.f32 v12, v1;
	_ =	sdelay $0x1  }
0xae: {  	(xrf2) =	vadd.scan.msk.f32 $0xffff, v12  }
0xaf: {  	v18 =	vadd.f32 v20, v19  }
0xb0: {  	v12 =	vpop (erf)  }
0xb1: {  	v22 =	vmul.f32 $2.000000030e-01, v18;
	v20 =	vadd.f32 v14, v21;
	v14 =	vpop (erf)  }
0xb2: {  	v15 =	vmul.f32 v14, v15  }
0xb3: {  	v18 =	vmax.f32 v18, v22;
	v23 =	vmul.f32 $2.000000030e-01, v20  }
0xb4: {  	[tilespmem:s18+$0xFFFFFFE0] =	vst v15;
	v15 =	vmul.f32 v18, v0  }
0xb5: {  	v18 =	vmax.f32 v20, v23;
	v20 =	vld [tilespmem:s15+$0x90]  }
0xb6: {  	v22 =	vld [tilespmem:s15+$0x1890]  }
0xb7: {  	(xrf2) =	vadd.scan.msk.f32 $0xffff, v15  }
0xb8: {  	v18 =	vmul.f32 v18, v2;
	v15, _, _ =	vpop (xrf2)  }
0xb9: {  	v15 =	vmul.f32 $1.442695020e+00, v15  }
0xba: {  	(xrf2) =	vadd.scan.msk.f32 $0xffff, v18  }
0xbb: {  	v18 =	vadd.f32 v22, v20;
	v15 =	vbroadcast v15, $0xF  }
0xbc: {  	v16 =	vmul.f32 v12, v16  }
0xbd: {  	(erf) = vpow2.f32 v15;
	v15 =	vmul.f32 $2.000000030e-01, v18;
	_ =	sdelay $0x1  }
0xbe: {  	v15 =	vmax.f32 v18, v15  }
0xbf: {  	s12 =	simm.s32 $0x62B0;
	v15 =	vmul.f32 v15, v3  }
0xc0: {  	[tilespmem:s12+$0xFFFFFFC0] =	vst v16;
	v16, _, _ =	vpop (xrf2)  }
0xc1: {  	v22 =	vld [tilespmem:s14+$0x70];
	v16 =	vmul.f32 $1.442695020e+00, v16  }
0xc2: {  	v18 =	vld [tilespmem:s14+$0x1870]  }
0xc3: {  	(xrf2) =	vadd.scan.msk.f32 $0xffff, v15;
	v16 =	vbroadcast v16, $0xF;
	v15, _, _ =	vpop (xrf2)  }
0xc4: {  	v15 =	vmul.f32 $1.442695020e+00, v15;
	_ =	sdelay $0x1  }
0xc5: {  	v15 =	vbroadcast v15, $0xF  }
0xc6: {  	v18 =	vadd.f32 v18, v22;
	(erf) = vpow2.f32 v16;
	v16 =	vpop (erf)  }
0xc7: {  	s21 =	simm.s32 $0x280;
	v17 =	vmul.f32 v16, v17;
	(erf) = vpow2.f32 v15  }
0xc8: {  	v24 =	vld [tilespmem:s21+$0x1860];
	v15 =	vmul.f32 $2.000000030e-01, v18  }
0xc9: {  	v23 =	vld [tilespmem:s21+$0x60];
	[tilespmem:s28+$0xFFFFFFD0] =	vst v17  }
0xca: {  	v17 =	vld [tilespmem:s13+$0x80];
	v15 =	vmax.f32 v18, v15  }
0xcb: {  	v18 =	vld [tilespmem:s13+$0x1880];
	v15 =	vmul.f32 v15, v1;
	_ =	sdelay $0x1  }
0xcc: {  	v25, _, _ =	vpop (xrf2)  }
0xcd: {  	v25 =	vmul.f32 $1.442695020e+00, v25  }
0xce: {  	(xrf2) =	vadd.scan.msk.f32 $0xffff, v15;
	v15 =	vpop (erf)  }
0xcf: {  	v24 =	vadd.f32 v24, v23;
	v25 =	vbroadcast v25, $0xF;
	v27 =	vadd.f32 v18, v17;
	v18 =	vpop (erf)  }
0xd0: {  	v21 =	vmul.f32 v18, v21  }
0xd1: {  	v26 =	vmul.f32 $2.000000030e-01, v24;
	(erf) = vpow2.f32 v25  }
0xd2: {  	v25 =	vmul.f32 $2.000000030e-01, v27;
	[tilespmem:s20+$0xFFFFFFE0] =	vst v21  }
0xd3: {  	v24 =	vmax.f32 v24, v26;
	v26 =	vld [tilespmem:s26+$0x90]  }
0xd4: {  	v21 =	vmul.f32 v24, v0;
	v24 =	vmax.f32 v27, v25;
	v25 =	vld [tilespmem:s26+$0x1890];
	_ =	sdelay $0x1  }
0xd5: {  	v24 =	vmul.f32 v24, v2  }
0xd6: {  	(xrf2) =	vadd.scan.msk.f32 $0xffff, v21  }
0xd7: {  	(xrf2) =	vadd.scan.msk.f32 $0xffff, v24  }
0xd8: {  	v24 =	vmul.f32 v15, v19;
	v21, _, _ =	vpop (xrf2);
	v25 =	vadd.f32 v25, v26  }
0xd9: {  	s16 =	simm.s32 $0x6340;
	v21 =	vmul.f32 $1.442695020e+00, v21;
	v19 =	vpop (erf)  }
0xda: {  	[tilespmem:s16+$0xFFFFFFC0] =	vst v24;
	v20 =	vmul.f32 v19, v20;
	v24 =	vmul.f32 $2.000000030e-01, v25  }
0xdb: {  	v21 =	vbroadcast v21, $0xF  }
0xdc: {  	v28 =	vld [tilespmem:s23+$0x70];
	[tilespmem:s18+$0xFFFFFFF0] =	vst v20;
	v20 =	vmax.f32 v25, v24  }
0xdd: {  	v27 =	vld [tilespmem:s23+$0x1870];
	(erf) = vpow2.f32 v21;
	v20 =	vmul.f32 v20, v3  }
0xde: {  	v29 =	vld [tilespmem:s15+$0xA0]  }
0xdf: {  	v21 =	vld [tilespmem:s15+$0x18A0]  }
0xe0: {  	v24, _, _ =	vpop (xrf2)  }
0xe1: {  	v24 =	vmul.f32 $1.442695020e+00, v24;
	(xrf2) =	vadd.scan.msk.f32 $0xffff, v20;
	v20, _, _ =	vpop (xrf2)  }
0xe2: {  	v25 =	vadd.f32 v27, v28;
	v20 =	vmul.f32 $1.442695020e+00, v20  }
0xe3: {  	v24 =	vbroadcast v24, $0xF  }
0xe4: {  	v30 =	vmul.f32 $2.000000030e-01, v25;
	v27 =	vadd.f32 v21, v29;
	v20 =	vbroadcast v20, $0xF  }
0xe5: {  	(erf) = vpow2.f32 v24  }
0xe6: {  	v24 =	vmul.f32 $2.000000030e-01, v27;
	v21 =	vpop (erf);
	(erf) = vpow2.f32 v20;
	v20 =	vmax.f32 v25, v30  }
0xe7: {  	s11 =	simm.s32 $0x300;
	v22 =	vmul.f32 v21, v22;
	v20 =	vmul.f32 v20, v1  }
0xe8: {  	v24 =	vmax.f32 v27, v24;
	v30 =	vld [tilespmem:s11+$0x60]  }
0xe9: {  	v25 =	vld [tilespmem:s11+$0x1860];
	[tilespmem:s12+$0xFFFFFFD0] =	vst v22;
	v22 =	vmul.f32 v24, v4  }
0xea: {  	v31 =	vld [tilespmem:s14+$0x80];
	(xrf2) =	vadd.scan.msk.f32 $0xffff, v20  }
0xeb: {  	v27 =	vld [tilespmem:s14+$0x1880];
	(xrf2) =	vadd.scan.msk.f32 $0xffff, v22;
	v20, _, _ =	vpop (xrf2)  }
0xec: {  	v22 =	vmul.f32 $1.442695020e+00, v20;
	_ =	sdelay $0x1  }
0xed: {  	v25 =	vadd.f32 v25, v30;
	v22 =	vbroadcast v22, $0xF  }
0xee: {  	v20 =	vpop (erf)  }
0xef: {  	v27 =	vadd.f32 v27, v31;
	v24 =	vpop (erf);
	(erf) = vpow2.f32 v22;
	v22 =	vmul.f32 $2.000000030e-01, v25  }
0xf0: {  	v17 =	vmul.f32 v24, v17  }
0xf1: {  	v32 =	vmul.f32 $2.000000030e-01, v27  }
0xf2: {  	[tilespmem:s28+$0xFFFFFFE0] =	vst v17;
	v17 =	vmax.f32 v25, v22  }
0xf3: {  	v25 =	vmax.f32 v27, v32;
	v33 =	vld [tilespmem:s13+$0x90];
	v17 =	vmul.f32 v17, v0;
	v22, _, _ =	vpop (xrf2)  }
0xf4: {  	v27 =	vld [tilespmem:s13+$0x1890];
	v25 =	vmul.f32 v25, v2;
	v53, _, _ =	vpop (xrf2)  }
0xf5: {  	(xrf2) =	vadd.scan.msk.f32 $0xffff, v17;
	v17 =	vmul.f32 $1.442695020e+00, v53  }
0xf6: {  	v23 =	vmul.f32 v20, v23;
	(xrf2) =	vadd.scan.msk.f32 $0xffff, v25  }
0xf7: {  	v22 =	vmul.f32 $1.442695020e+00, v22;
	v17 =	vbroadcast v17, $0xF  }
0xf8: {  	s19 =	simm.s32 $0x63D0  }
0xf9: {  	[tilespmem:s19+$0xFFFFFFC0] =	vst v23;
	v22 =	vbroadcast v22, $0xF;
	v27 =	vadd.f32 v27, v33;
	v25 =	vpop (erf);
	(erf) = vpow2.f32 v17  }
0xfa: {  	v34 =	vld [tilespmem:s21+$0x70];
	v23 =	vmul.f32 v25, v26  }
0xfb: {  	v17 =	vmul.f32 $2.000000030e-01, v27;
	(erf) = vpow2.f32 v22;
	v22 =	vld [tilespmem:s21+$0x1870];
	_ =	sdelay $0x1  }
0xfc: {  	[tilespmem:s20+$0xFFFFFFF0] =	vst v23;
	v17 =	vmax.f32 v27, v17  }
0xfd: {  	v35 =	vld [tilespmem:s26+$0xA0];
	v17 =	vmul.f32 v17, v3  }
0xfe: {  	v23 =	vld [tilespmem:s26+$0x18A0];
	v26, _, _ =	vpop (xrf2)  }
0xff: {  	(xrf2) =	vadd.scan.msk.f32 $0xffff, v17;
	v17 =	vadd.f32 v22, v34;
	v22 =	vmul.f32 $1.442695020e+00, v26;
	v26, _, _ =	vpop (xrf2)  }
0x100: {  	v54 =	vmul.f32 $1.442695020e+00, v26  }
0x101: {  	v22 =	vbroadcast v22, $0xF;
	v26 =	vpop (erf)  }
0x102: {  	s8 =	simm.s32 $0x380;
	v32 =	vbroadcast v54, $0xF;
	v29 =	vmul.f32 v26, v29  }
0x103: {  	v37 =	vld [tilespmem:s8+$0x1860];
	v36 =	vmul.f32 $2.000000030e-01, v17;
	v23 =	vadd.f32 v23, v35;
	v27 =	vpop (erf);
	(erf) = vpow2.f32 v22  }
0x104: {  	v22 =	vld [tilespmem:s8+$0x60];
	v28 =	vmul.f32 v27, v28;
	(erf) = vpow2.f32 v32;
	[tilespmem:s18+$0x0] =	vst v29  }
0x105: {  	v38 =	vmul.f32 $2.000000030e-01, v23;
	v17 =	vmax.f32 v17, v36;
	v36 =	vld [tilespmem:s15+$0xB0]  }
0x106: {  	v17 =	vmul.f32 v17, v1;
	[tilespmem:s16+$0xFFFFFFD0] =	vst v28;
	v28 =	vld [tilespmem:s15+$0x18B0]  }
0x107: {  	v23 =	vmax.f32 v23, v38;
	v38 =	vld [tilespmem:s23+$0x80]  }
0x108: {  	v23 =	vmul.f32 v23, v4;
	(xrf2) =	vadd.scan.msk.f32 $0xffff, v17;
	v17 =	vld [tilespmem:s23+$0x1880]  }
0x109: {  	v29, _, _ =	vpop (xrf2)  }
0x10a: {  	(xrf2) =	vadd.scan.msk.f32 $0xffff, v23;
	v55 =	vadd.f32 v37, v22;
	v23 =	vmul.f32 $1.442695020e+00, v29  }
0x10b: {  	v56 =	vadd.f32 v28, v36  }
0x10c: {  	v39 =	vmul.f32 $2.000000030e-01, v55;
	v23 =	vbroadcast v23, $0xF;
	v28 =	vpop (erf)  }
0x10d: {  	v17 =	vadd.f32 v17, v38;
	v40 =	vmul.f32 $2.000000030e-01, v56;
	v29 =	vpop (erf)  }
0x10e: {  	(erf) = vpow2.f32 v23;
	v23 =	vmax.f32 v55, v39;
	v31 =	vmul.f32 v29, v31  }
0x10f: {  	v23 =	vmul.f32 v23, v0  }
0x110: {  	v57 =	vmul.f32 $2.000000030e-01, v17;
	v37 =	vmax.f32 v56, v40;
	[tilespmem:s12+$0xFFFFFFE0] =	vst v31  }
0x111: {  	v37 =	vmul.f32 v37, v5;
	v39 =	vld [tilespmem:s14+$0x90]  }
0x112: {  	(xrf2) =	vadd.scan.msk.f32 $0xffff, v23;
	v17 =	vmax.f32 v17, v57;
	v31 =	vld [tilespmem:s14+$0x1890]  }
0x113: {  	v17 =	vmul.f32 v17, v2;
	v23, _, _ =	vpop (xrf2);
	(xrf2) =	vadd.scan.msk.f32 $0xffff, v37  }
0x114: {  	v58, _, _ =	vpop (xrf2)  }
0x115: {  	(xrf2) =	vadd.scan.msk.f32 $0xffff, v17;
	v17 =	vmul.f32 v28, v30;
	v32 =	vmul.f32 $1.442695020e+00, v58  }
0x116: {  	s17 =	simm.s32 $0x6460  }
0x117: {  	[tilespmem:s17+$0xFFFFFFC0] =	vst v17;
	v32 =	vbroadcast v32, $0xF;
	v30 =	vpop (erf);
	v17 =	vadd.f32 v31, v39  }
0x118: {  	v59 =	vmul.f32 $1.442695020e+00, v23;
	v31 =	vmul.f32 v30, v33  }
0x119: {  	(erf) = vpow2.f32 v32;
	v62 =	vmul.f32 $2.000000030e-01, v17  }
0x11a: {  	v60 =	vbroadcast v59, $0xF;
	v23 =	vld [tilespmem:s11+$0x70]  }
0x11b: {  	v61 =	vld [tilespmem:s11+$0x1870];
	[tilespmem:s28+$0xFFFFFFF0] =	vst v31;
	v17 =	vmax.f32 v17, v62  }
0x11c: {  	(erf) = vpow2.f32 v60;
	v40 =	vld [tilespmem:s13+$0xA0];
	v31, _, _ =	vpop (xrf2);
	v17 =	vmul.f32 v17, v3  }
0x11d: {  	v63 =	vld [tilespmem:s13+$0x18A0];
	v45, _, _ =	vpop (xrf2);
	v31 =	vmul.f32 $1.442695020e+00, v31  }
0x11e: {  	v37 =	vmul.f32 $1.442695020e+00, v45  }
0x11f: {  	v31 =	vbroadcast v31, $0xF  }
0x120: {  	v41 =	vadd.f32 v61, v23;
	(xrf2) =	vadd.scan.msk.f32 $0xffff, v17;
	v17, _, _ =	vpop (xrf2);
	v37 =	vbroadcast v37, $0xF  }
0x121: {  	v17 =	vmul.f32 $1.442695020e+00, v17;
	(erf) = vpow2.f32 v31  }
0x122: {  	v42 =	vmul.f32 $2.000000030e-01, v41;
	v31 =	vadd.f32 v63, v40;
	v32 =	vpop (erf);
	(erf) = vpow2.f32 v37  }
0x123: {  	s24 =	simm.s32 $0x400;
	v46 =	vbroadcast v17, $0xF;
	v35 =	vmul.f32 v32, v35  }
0x124: {  	v47 =	vld [tilespmem:s24+$0x1860];
	v43 =	vmul.f32 $2.000000030e-01, v31  }
0x125: {  	v41 =	vmax.f32 v41, v42;
	v17 =	vld [tilespmem:s24+$0x60];
	v33 =	vpop (erf);
	(erf) = vpow2.f32 v46;
	[tilespmem:s20+$0x0] =	vst v35  }
0x126: {  	v51 =	vmul.f32 v41, v1;
	v34 =	vmul.f32 v33, v34;
	v31 =	vmax.f32 v31, v43;
	v41 =	vld [tilespmem:s26+$0xB0]  }
0x127: {  	v31 =	vmul.f32 v31, v4;
	v35 =	vld [tilespmem:s26+$0x18B0]  }
0x128: {  	(xrf2) =	vadd.scan.msk.f32 $0xffff, v51;
	[tilespmem:s19+$0xFFFFFFD0] =	vst v34  }
0x129: {  	v49 =	vld [tilespmem:s21+$0x80];
	(xrf2) =	vadd.scan.msk.f32 $0xffff, v31  }
0x12a: {  	v53 =	vld [tilespmem:s21+$0x1880];
	v54, _, _ =	vpop (xrf2)  }
0x12b: {  	v52 =	vadd.f32 v47, v17;
	v31 =	vpop (erf)  }
0x12c: {  	v44 =	vmul.f32 $1.442695020e+00, v54;
	v34 =	vpop (erf);
	v45 =	vadd.f32 v35, v41  }
0x12d: {  	v55 =	vmul.f32 $2.000000030e-01, v52;
	v36 =	vmul.f32 v34, v36  }
0x12e: {  	v56 =	vbroadcast v44, $0xF;
	v57 =	vmul.f32 $2.000000030e-01, v45;
	v35 =	vpop (erf)  }
0x12f: {  	v37 =	vmax.f32 v52, v55;
	v42 =	vadd.f32 v53, v49;
	[tilespmem:s18+$0x10] =	vst v36;
	v58 =	vmul.f32 v35, v38  }
0x130: {  	v37 =	vmul.f32 v37, v0;
	(erf) = vpow2.f32 v56;
	v50 =	vld [tilespmem:s15+$0xC0];
	v60 =	vmax.f32 v45, v57  }
0x131: {  	v61 =	vld [tilespmem:s15+$0x18C0];
	v63 =	vmul.f32 v60, v5;
	[tilespmem:s16+$0xFFFFFFE0] =	vst v58  }
0x132: {  	v62, _, _ =	vpop (xrf2);
	v59 =	vmul.f32 $2.000000030e-01, v42;
	(xrf2) =	vadd.scan.msk.f32 $0xffff, v37;
	v51 =	vld [tilespmem:s23+$0x90]  }
0x133: {  	v45 =	vld [tilespmem:s23+$0x1890];
	v46, _, _ =	vpop (xrf2);
	(xrf2) =	vadd.scan.msk.f32 $0xffff, v63  }
0x134: {  	v38 =	vmax.f32 v42, v59  }
0x135: {  	v47 =	vmul.f32 v38, v2;
	v48 =	vmul.f32 $1.442695020e+00, v46;
	_ =	sdelay $0x1  }
0x136: {  	(xrf2) =	vadd.scan.msk.f32 $0xffff, v47;
	v52 =	vadd.f32 v61, v50;
	v53 =	vbroadcast v48, $0xF  }
0x137: {  	v22 =	vmul.f32 v31, v22;
	v36 =	vmul.f32 $1.442695020e+00, v62;
	v42 =	vadd.f32 v45, v51  }
0x138: {  	s29 =	simm.s32 $0x64F0;
	v54 =	vmul.f32 $2.000000030e-01, v52;
	v37 =	vpop (erf);
	(erf) = vpow2.f32 v53  }
0x139: {  	[tilespmem:s29+$0xFFFFFFC0] =	vst v22;
	v22 =	vmul.f32 v37, v39;
	v55 =	vmul.f32 $2.000000030e-01, v42  }
0x13a: {  	v36 =	vbroadcast v36, $0xF;
	v38 =	vmax.f32 v52, v54  }
0x13b: {  	v44 =	vld [tilespmem:s8+$0x70];
	v38 =	vmul.f32 v38, v6;
	v57, _, _ =	vpop (xrf2);
	[tilespmem:s12+$0xFFFFFFF0] =	vst v22;
	v22 =	vmax.f32 v42, v55  }
0x13c: {  	v56 =	vld [tilespmem:s8+$0x1870];
	(erf) = vpow2.f32 v36;
	v22 =	vmul.f32 v22, v3;
	v60, _, _ =	vpop (xrf2)  }
0x13d: {  	v58 =	vmul.f32 $1.442695020e+00, v57;
	(xrf2) =	vadd.scan.msk.f32 $0xffff, v38;
	v38 =	vmul.f32 $1.442695020e+00, v60;
	_ =	sdelay $0x1  }
0x13e: {  	v48 =	vld [tilespmem:s14+$0xA0];
	v36 =	vbroadcast v58, $0xF  }
0x13f: {  	v59 =	vld [tilespmem:s14+$0x18A0];
	(xrf2) =	vadd.scan.msk.f32 $0xffff, v22;
	v22, _, _ =	vpop (xrf2)  }
0x140: {  	v62 =	vadd.f32 v56, v44;
	(erf) = vpow2.f32 v36;
	v61 =	vbroadcast v38, $0xF;
	v38 =	vpop (erf)  }
0x141: {  	v22 =	vmul.f32 $1.442695020e+00, v22;
	v40 =	vmul.f32 v38, v40  }
0x142: {  	s1 =	simm.s32 $0x480;
	v52 =	vmul.f32 $2.000000030e-01, v62;
	(erf) = vpow2.f32 v61  }
0x143: {  	v46 =	vld [tilespmem:s1+$0x1860];
	v22 =	vbroadcast v22, $0xF  }
0x144: {  	v39 =	vld [tilespmem:s1+$0x60];
	v36 =	vmax.f32 v62, v52;
	v63 =	vadd.f32 v59, v48;
	[tilespmem:s28+$0x0] =	vst v40  }
0x145: {  	v36 =	vmul.f32 v36, v1;
	v45 =	vld [tilespmem:s13+$0xB0];
	v40 =	vpop (erf);
	(erf) = vpow2.f32 v22  }
0x146: {  	v47 =	vmul.f32 $2.000000030e-01, v63;
	v54, _, _ =	vpop (xrf2);
	v22 =	vld [tilespmem:s13+$0x18B0];
	v23 =	vmul.f32 v40, v23  }
0x147: {  	v43 =	vmul.f32 $1.442695020e+00, v54  }
0x148: {  	v53 =	vmax.f32 v63, v47;
	[tilespmem:s17+$0xFFFFFFD0] =	vst v23  }
0x149: {  	v42 =	vmul.f32 v53, v4;
	v55, _, _ =	vpop (xrf2);
	v23 =	vadd.f32 v46, v39;
	v46 =	vld [tilespmem:s11+$0x80]  }
0x14a: {  	(xrf2) =	vadd.scan.msk.f32 $0xffff, v36;
	v36 =	vpop (erf);
	v57 =	vmul.f32 $1.442695020e+00, v55;
	v52 =	vld [tilespmem:s11+$0x1880]  }
0x14b: {  	(xrf2) =	vadd.scan.msk.f32 $0xffff, v42;
	v56 =	vbroadcast v43, $0xF;
	v43 =	vpop (erf);
	v53 =	vmul.f32 $2.000000030e-01, v23;
	v22 =	vadd.f32 v22, v45  }
0x14c: {  	v58 =	vbroadcast v57, $0xF;
	v41 =	vmul.f32 v43, v41  }
0x14d: {  	(erf) = vpow2.f32 v56;
	v54 =	vmul.f32 $2.000000030e-01, v22;
	v23 =	vmax.f32 v23, v53  }
0x14e: {  	[tilespmem:s20+$0x10] =	vst v41;
	v23 =	vmul.f32 v23, v0;
	v47 =	vpop (erf);
	(erf) = vpow2.f32 v58  }
0x14f: {  	v42 =	vld [tilespmem:s26+$0xC0];
	v22 =	vmax.f32 v22, v54;
	v52 =	vadd.f32 v52, v46  }
0x150: {  	v22 =	vmul.f32 v22, v5;
	(xrf2) =	vadd.scan.msk.f32 $0xffff, v23;
	v23 =	vld [tilespmem:s26+$0x18C0]  }
0x151: {  	v60 =	vmul.f32 $2.000000030e-01, v52;
	_ =	sdelay $0x1  }
0x152: {  	v59 =	vmul.f32 v47, v49;
	v49 =	vmax.f32 v52, v60  }
0x153: {  	(xrf2) =	vadd.scan.msk.f32 $0xffff, v22;
	v22, _, _ =	vpop (xrf2)  }
0x154: {  	v17 =	vmul.f32 v36, v17;
	[tilespmem:s19+$0xFFFFFFE0] =	vst v59;
	v63 =	vmul.f32 v49, v2;
	v62, _, _ =	vpop (xrf2);
	v23 =	vadd.f32 v23, v42  }
0x155: {  	s3 =	simm.s32 $0x6580;
	v8 =	vnsel vm0, $0x0, v8;
	v41 =	vld [tilespmem:s21+$0x90];
	v53 =	vmul.f32 $1.442695020e+00, v62;
	v49 =	vpop (erf)  }
0x156: {  	[tilespmem:s3+$0xFFFFFFC0] =	vst v17;
	v61 =	vld [tilespmem:s21+$0x1890];
	v22 =	vmul.f32 $1.442695020e+00, v22;
	(xrf2) =	vadd.scan.msk.f32 $0xffff, v63;
	v57 =	vmul.f32 $2.000000030e-01, v23;
	v58 =	vpop (erf)  }
0x157: {  	v8 =	vsel vm1, v8, v10;
	v17 =	vld [tilespmem:s24+$0x70];
	v53 =	vbroadcast v53, $0xF;
	v51 =	vmul.f32 v58, v51  }
0x158: {  	v9 =	vnsel vm0, $0x0, v9;
	v8 =	vsel vm2, v8, v14;
	v10 =	vld [tilespmem:s24+$0x1870];
	v50 =	vmul.f32 v49, v50  }
0x159: {  	v22 =	vbroadcast v22, $0xF;
	v23 =	vmax.f32 v23, v57;
	(erf) = vpow2.f32 v53;
	v14, _, _ =	vpop (xrf2);
	[tilespmem:s16+$0xFFFFFFF0] =	vst v51  }
0x15a: {  	v11 =	vnsel vm0, $0x0, v11;
	v55 =	vmul.f32 v23, v6;
	v14 =	vmul.f32 $1.442695020e+00, v14;
	v23 =	vld [tilespmem:s23+$0xA0]  }
0x15b: {  	v11 =	vsel vm1, v11, v16;
	v52 =	vadd.f32 v61, v41;
	[tilespmem:s18+$0x20] =	vst v50;
	(erf) = vpow2.f32 v22;
	v16 =	vld [tilespmem:s23+$0x18A0]  }
0x15c: {  	v9 =	vsel vm1, v9, v13;
	v13 =	vld [tilespmem:s15+$0xD0];
	(xrf2) =	vadd.scan.msk.f32 $0xffff, v55;
	v14 =	vbroadcast v14, $0xF  }
0x15d: {  	v10 =	vadd.f32 v10, v17;
	v59 =	vld [tilespmem:s15+$0x18D0];
	v60 =	vmul.f32 $2.000000030e-01, v52  }
0x15e: {  	v12 =	vnsel vm0, $0x0, v12  }
0x15f: {  	v9 =	vsel vm2, v9, v18;
	v62 =	vmul.f32 $2.000000030e-01, v10;
	v22, _, _ =	vpop (xrf2);
	v61 =	vmax.f32 v52, v60  }
0x160: {  	v22 =	vmul.f32 $1.442695020e+00, v22;
	(erf) = vpow2.f32 v14;
	v14, _, _ =	vpop (xrf2);
	v16 =	vadd.f32 v16, v23  }
0x161: {  	v9 =	vsel vm3, v9, v25;
	v51 =	vmul.f32 v61, v3;
	v14 =	vmul.f32 $1.442695020e+00, v14  }
0x162: {  	v53 =	vadd.f32 v59, v13;
	v22 =	vbroadcast v22, $0xF;
	v25 =	vmul.f32 $2.000000030e-01, v16  }
0x163: {  	v8 =	vsel vm3, v8, v19;
	v12 =	vsel vm1, v12, v21;
	v19 =	vpop (erf);
	v14 =	vbroadcast v14, $0xF  }
0x164: {  	v10 =	vmax.f32 v10, v62;
	(xrf2) =	vadd.scan.msk.f32 $0xffff, v51;
	v18 =	vmul.f32 $2.000000030e-01, v53;
	(erf) = vpow2.f32 v22;
	v21 =	vpop (erf)  }
0x165: {  	(erf) = vpow2.f32 v14;
	v14 =	vnsel vm0, $0x0, v15;
	v15 =	vmul.f32 v21, v44  }
0x166: {  	s30 =	simm.s32 $0x500;
	v10 =	vmul.f32 v10, v1;
	v48 =	vmul.f32 v19, v48;
	v16 =	vmax.f32 v16, v25;
	v25, _, _ =	vpop (xrf2)  }
0x167: {  	v22 =	vld [tilespmem:s30+$0x60];
	v18 =	vmax.f32 v53, v18;
	[tilespmem:s29+$0xFFFFFFD0] =	vst v15;
	v15 =	vmul.f32 v16, v4;
	v16 =	vmul.f32 $1.442695020e+00, v25  }
0x168: {  	(xrf2) =	vadd.scan.msk.f32 $0xffff, v10;
	v10 =	vld [tilespmem:s30+$0x1860];
	v18 =	vmul.f32 v18, v7;
	[tilespmem:s12+$0x0] =	vst v48  }
0x169: {  	v11 =	vsel vm2, v11, v24;
	v24 =	vld [tilespmem:s14+$0xB0];
	v16 =	vbroadcast v16, $0xF  }
0x16a: {  	(xrf2) =	vadd.scan.msk.f32 $0xffff, v18;
	v18 =	vld [tilespmem:s14+$0x18B0]  }
0x16b: {  	v20 =	vnsel vm0, $0x0, v20  }
0x16c: {  	v8 =	vsel vm4, v8, v26;
	v12 =	vsel vm2, v12, v29;
	v28 =	vnsel vm0, $0x0, v28;
	v29 =	vpop (erf)  }
0x16d: {  	v11 =	vsel vm3, v11, v30;
	v10 =	vadd.f32 v10, v22;
	v26 =	vld [tilespmem:s8+$0x80];
	(erf) = vpow2.f32 v16;
	v16 =	vpop (erf)  }
0x16e: {  	v9 =	vsel vm4, v9, v32;
	v14 =	vsel vm1, v14, v27;
	v25 =	vld [tilespmem:s8+$0x1880];
	(xrf2) =	vadd.scan.msk.f32 $0xffff, v15;
	v15, _, _ =	vpop (xrf2);
	v30 =	vmul.f32 v16, v45  }
0x16f: {  	v27 =	vmul.f32 $2.000000030e-01, v10;
	v18 =	vadd.f32 v18, v24;
	v15 =	vmul.f32 $1.442695020e+00, v15  }
0x170: {  	v20 =	vsel vm1, v20, v33;
	v8 =	vsel vm5, v8, v34;
	v12 =	vsel vm3, v12, v37  }
0x171: {  	v10 =	vmax.f32 v10, v27;
	v27 =	vmul.f32 $2.000000030e-01, v18;
	v15 =	vbroadcast v15, $0xF  }
0x172: {  	v11 =	vsel vm4, v11, v38;
	v54 =	vsel vm6, v8, v49;
	v10 =	vmul.f32 v10, v0;
	[tilespmem:s28+$0x10] =	vst v30;
	v30 =	vpop (erf)  }
0x173: {  	v44 =	vadd.f32 v25, v26;
	(erf) = vpow2.f32 v15;
	v15 =	vmul.f32 v30, v46  }
0x174: {  	v53 =	vsel vm2, v20, v47;
	v63, _, _ =	vpop (xrf2);
	v45 =	vmul.f32 v29, v39;
	v18 =	vmax.f32 v18, v27;
	v25 =	vld [tilespmem:s13+$0xC0]  }
0x175: {  	(xrf2) =	vadd.scan.msk.f32 $0xffff, v10;
	v10 =	vmul.f32 $2.000000030e-01, v44;
	v18 =	vmul.f32 v18, v5;
	v27, _, _ =	vpop (xrf2);
	v51 =	vld [tilespmem:s13+$0x18C0];
	[tilespmem:s17+$0xFFFFFFE0] =	vst v15  }
0x176: {  	s15 =	simm.s32 $0x6610;
	v48 =	vsel vm1, v28, v40;
	v14 =	vsel vm2, v14, v35;
	v52 =	vmul.f32 $1.442695020e+00, v27;
	v27 =	vld [tilespmem:s11+$0x90]  }
0x177: {  	[tilespmem:s15+$0xFFFFFFC0] =	vst v45;
	v10 =	vmax.f32 v44, v10;
	(xrf2) =	vadd.scan.msk.f32 $0xffff, v18;
	v18 =	vnsel vm0, $0x0, v31;
	v31 =	vld [tilespmem:s11+$0x1890]  }
0x178: {  	v28 =	vld [tilespmem:s1+$0x70];
	v10 =	vmul.f32 v10, v2;
	v20, _, _ =	vpop (xrf2);
	v15 =	vsel vm5, v9, v43;
	v9 =	vbroadcast v52, $0xF  }
0x179: {  	v19 =	vsel vm4, v12, v19;
	v8 =	vsel vm3, v14, v58;
	v14 =	vld [tilespmem:s1+$0x1870];
	v20 =	vmul.f32 $1.442695020e+00, v20  }
0x17a: {  	(xrf2) =	vadd.scan.msk.f32 $0xffff, v10;
	v10 =	vsel vm2, v48, v30;
	v12 =	vadd.f32 v51, v25;
	(erf) = vpow2.f32 v9  }
0x17b: {  	v55 =	vpop (erf);
	v9 =	vsel vm1, v18, v21;
	v18 =	vsel vm5, v11, v16;
	v11 =	vmul.f32 $1.442695020e+00, v63  }
0x17c: {  	v21 =	vmul.f32 v55, v42;
	v16 =	vbroadcast v20, $0xF;
	v31 =	vadd.f32 v31, v27  }
0x17d: {  	v20 =	vsel vm6, v15, v55;
	v56 =	vmul.f32 $2.000000030e-01, v12;
	v15 =	vbroadcast v11, $0xF  }
0x17e: {  	v14 =	vadd.f32 v14, v28;
	[tilespmem:s20+$0x20] =	vst v21;
	v30 =	vpop (erf);
	(erf) = vpow2.f32 v16;
	v16 =	vmul.f32 $2.000000030e-01, v31  }
0x17f: {  	v21 =	vld [tilespmem:s26+$0xD0];
	v57 =	vmul.f32 v30, v41;
	v32 =	vmax.f32 v12, v56;
	v12 =	vnsel vm0, $0x0, v29  }
0x180: {  	v58 =	vld [tilespmem:s26+$0x18D0];
	(erf) = vpow2.f32 v15;
	v29 =	vmul.f32 v32, v6;
	v16 =	vmax.f32 v31, v16  }
0x181: {  	[tilespmem:s19+$0xFFFFFFF0] =	vst v57;
	v16 =	vmul.f32 v16, v3  }
0x182: {  	v59 =	vmul.f32 $2.000000030e-01, v14;
	v15, _, _ =	vpop (xrf2);
	(xrf2) =	vadd.scan.msk.f32 $0xffff, v29;
	v29 =	vld [tilespmem:s21+$0xA0]  }
0x183: {  	v31, _, _ =	vpop (xrf2);
	(xrf2) =	vadd.scan.msk.f32 $0xffff, v16;
	v16 =	vld [tilespmem:s21+$0x18A0]  }
0x184: {  	v11 =	vnsel vm0, $0x0, v36;
	v14 =	vmax.f32 v14, v59;
	v60 =	vmul.f32 $1.442695020e+00, v15;
	v61 =	vpop (erf)  }
0x185: {  	v15 =	vadd.f32 v58, v21;
	v62 =	vmul.f32 $1.442695020e+00, v31;
	v63 =	vmul.f32 v61, v13  }
0x186: {  	v31 =	vbroadcast v60, $0xF;
	v13 =	vsel vm3, v53, v30;
	v30 =	vmul.f32 v14, v1  }
0x187: {  	s31 =	simm.s32 $0x1600;
	s26 =	sadd.s32 $0x1, s25;
	v35 =	vsel vm7, v54, v61;
	v14, _, _ =	vpop (xrf2);
	v33 =	vmul.f32 $2.000000030e-01, v15;
	v32 =	vbroadcast v62, $0xF;
	[tilespmem:s18+$0x30] =	vst v63  }
.LBB2_7:
0x188: {  	s0 =	sshra.s32 s31, $0x2;
	p0 =	sne.s32 s31, $0x5E00;
	(erf) = vpow2.f32 v31;
	v14 =	vmul.f32 $1.442695020e+00, v14;
	v16 =	vadd.f32 v16, v29;
	v31 =	vpop (erf);
	[tilespmem:s18+$0x40] =	vst v35;
	s18 =	smov.u32 s20  }
0x189: {  	s20 =	smov.u32 s28;
	s28 =	smov.u32 s12;
	s12 =	smov.u32 s16;
	v34 =	vld [tilespmem:s0+$0x60];
	(xrf2) =	vadd.scan.msk.f32 $0xffff, v30;
	v30 =	vpop (erf);
	v35 =	vmul.f32 v31, v23;
	(erf) = vpow2.f32 v32;
	v15 =	vmax.f32 v15, v33  }
0x18a: {  	s16 =	smov.u32 s19;
	s19 =	smov.u32 s17;
	s17 =	smov.u32 s29;
	v23 =	vmovc v29;
	v32 =	vld [tilespmem:s0+$0x1860];
	v33 =	vsel vm1, v11, v30;
	v14 =	vbroadcast v14, $0xF;
	v36 =	vmul.f32 v15, v7;
	v11 =	vmovc v12  }
0x18b: {  	s29 =	smov.u32 s3;
	s3 =	smov.u32 s15;
	v12 =	vmul.f32 v30, v17;
	v29 =	vmul.f32 $2.000000030e-01, v16;
	v30 =	vsel vm4, v8, v31;
	v17 =	vmovc v28;
	[tilespmem:s12+$0x0] =	vst v35  }
0x18c: {  	v8 =	vmov v13;
	(erf) = vpow2.f32 v14;
	v14 =	vld [tilespmem:s23+$0xB0];
	(xrf2) =	vadd.scan.msk.f32 $0xffff, v36  }
0x18d: {  	[tilespmem:s29+$0xFFFFFFD0] =	vst v12;
	v12 =	vmax.f32 v16, v29;
	v13 =	vld [tilespmem:s23+$0x18B0];
	v15, _, _ =	vpop (xrf2)  }
0x18e: {  	v16 =	vld [tilespmem:s24+$0x80];
	v12 =	vmul.f32 v12, v4;
	v15 =	vmul.f32 $1.442695020e+00, v15  }
0x18f: {  	v28 =	vadd.f32 v32, v34;
	v29 =	vld [tilespmem:s24+$0x1880]  }
0x190: {  	v31, _, _ =	vpop (xrf2);
	(xrf2) =	vadd.scan.msk.f32 $0xffff, v12;
	v15 =	vbroadcast v15, $0xF  }
0x191: {  	v37 =	vmul.f32 $2.000000030e-01, v28;
	v35 =	vpop (erf);
	v31 =	vmul.f32 $1.442695020e+00, v31  }
0x192: {  	v12 =	vnsel vm0, $0x0, v35;
	v13 =	vadd.f32 v13, v14;
	v36 =	vpop (erf);
	(erf) = vpow2.f32 v15  }
0x193: {  	v15 =	vmax.f32 v28, v37;
	v32, _, _ =	vpop (xrf2);
	v28 =	vbroadcast v31, $0xF;
	v31 =	vmul.f32 v36, v24  }
0x194: {  	v24 =	vmovc v14;
	v15 =	vmul.f32 v15, v0;
	v29 =	vadd.f32 v29, v16;
	v37 =	vmul.f32 $2.000000030e-01, v13  }
0x195: {  	v14 =	vmul.f32 v35, v22;
	v22 =	vpop (erf);
	(erf) = vpow2.f32 v28;
	[tilespmem:s28+$0x10] =	vst v31;
	v31 =	vsel vm5, v19, v36  }
0x196: {  	s15 =	sadd.s32 $0x90, s15;
	(xrf2) =	vadd.scan.msk.f32 $0xffff, v15;
	v15 =	vmul.f32 $2.000000030e-01, v29;
	v38 =	vmul.f32 v22, v26;
	v13 =	vmax.f32 v13, v37;
	v35 =	vld [tilespmem:s14+$0xC0];
	v26, _, _ =	vpop (xrf2)  }
0x197: {  	[tilespmem:s15+$0xFFFFFFC0] =	vst v14;
	v14 =	vsel vm2, v9, v22;
	v13 =	vmul.f32 v13, v5;
	v36 =	vld [tilespmem:s14+$0x18C0];
	v37 =	vmul.f32 $1.442695020e+00, v26;
	v22 =	vmovc v34  }
0x198: {  	v19 =	vmov v30;
	v9 =	vmov v33;
	v26 =	vmov v16;
	v28 =	vld [tilespmem:s30+$0x70];
	[tilespmem:s17+$0xFFFFFFE0] =	vst v38  }
0x199: {  	v15 =	vmax.f32 v29, v15;
	v16 =	vld [tilespmem:s8+$0x90];
	(xrf2) =	vadd.scan.msk.f32 $0xffff, v13;
	v13 =	vbroadcast v37, $0xF  }
0x19a: {  	v15 =	vmul.f32 v15, v2;
	v29 =	vld [tilespmem:s8+$0x1890];
	v30, _, _ =	vpop (xrf2)  }
0x19b: {  	v33 =	vld [tilespmem:s30+$0x1870];
	v37 =	vmul.f32 $1.442695020e+00, v30;
	v34 =	vpop (erf);
	(erf) = vpow2.f32 v13  }
0x19c: {  	v13 =	vmul.f32 $1.442695020e+00, v32;
	v32 =	vadd.f32 v36, v35;
	v36 =	vmul.f32 v34, v25;
	v25 =	vmovc v35  }
0x19d: {  	v34 =	vsel vm6, v18, v34;
	v18 =	vmovc v31;
	(xrf2) =	vadd.scan.msk.f32 $0xffff, v15;
	v37 =	vbroadcast v37, $0xF  }
0x19e: {  	v13 =	vbroadcast v13, $0xF;
	v30 =	vpop (erf);
	v31 =	vmul.f32 $2.000000030e-01, v32;
	[tilespmem:s20+$0x20] =	vst v36  }
0x19f: {  	v35 =	vadd.f32 v29, v16;
	v29 =	vmul.f32 v30, v27;
	(erf) = vpow2.f32 v37;
	v36 =	vld [tilespmem:s13+$0xD0];
	v27 =	vmovc v16  }
0x1a0: {  	v15, _, _ =	vpop (xrf2);
	v33 =	vadd.f32 v33, v28;
	(erf) = vpow2.f32 v13;
	v16 =	vmax.f32 v32, v31;
	v31 =	vld [tilespmem:s13+$0x18D0];
	s13 =	smov.u32 s14;
	s14 =	smov.u32 s23;
	s23 =	smov.u32 s21  }
0x1a1: {  	v13 =	vsel vm3, v10, v30;
	v10 =	vmovc v14;
	s21 =	smov.u32 s11;
	s11 =	smov.u32 s8;
	s8 =	smov.u32 s24;
	v32 =	vmul.f32 $2.000000030e-01, v35;
	[tilespmem:s19+$0xFFFFFFF0] =	vst v29;
	v30 =	vmul.f32 v16, v6  }
0x1a2: {  	s24 =	smov.u32 s1;
	s1 =	smov.u32 s30;
	s30 =	smov.u32 s0;
	v14 =	vmul.f32 $2.000000030e-01, v33;
	v29 =	vld [tilespmem:s21+$0xA0]  }
.Ltmp3:
0x1a3: {  	v32 =	vmax.f32 v35, v32;
	v16 =	vld [tilespmem:s21+$0x18A0];
	v35, _, _ =	vpop (xrf2);
	(xrf2) =	vadd.scan.msk.f32 $0xffff, v30;
	(pc) =	sbr.rel @p0 .LBB2_7-.Ltmp3, $4  }
0x1a4: {  	v30 =	vmul.f32 $1.442695020e+00, v15;
	v14 =	vmax.f32 v33, v14;
	v32 =	vmul.f32 v32, v3;
	v33 =	vpop (erf)  }
0x1a5: {  	v37 =	vmul.f32 $1.442695020e+00, v35;
	v15 =	vadd.f32 v31, v36;
	v38 =	vmul.f32 v33, v21;
	v21 =	vmovc v36  }
0x1a6: {  	v31 =	vbroadcast v30, $0xF;
	v30 =	vmul.f32 v14, v1;
	v35 =	vsel vm7, v20, v33;
	v20 =	vmovc v34;
	(xrf2) =	vadd.scan.msk.f32 $0xffff, v32  }
0x1a7: {  	s31 =	sadd.s32 $0x200, s31;
	v32 =	vbroadcast v37, $0xF;
	v14, _, _ =	vpop (xrf2);
	v33 =	vmul.f32 $2.000000030e-01, v15;
	[tilespmem:s18+$0x30] =	vst v38  }
0x1a8: {  	v34 =	vmul.f32 $1.442695020e+00, v14;
	v14 =	vpop (erf)  }
0x1a9: {  	(erf) = vpow2.f32 v31;
	v16 =	vadd.f32 v16, v29;
	v23 =	vmul.f32 v14, v23  }
0x1aa: {  	(erf) = vpow2.f32 v32;
	v31 =	vmax.f32 v15, v33;
	v57 =	vbroadcast v34, $0xF  }
0x1ab: {  	(xrf2) =	vadd.scan.msk.f32 $0xffff, v30;
	v15 =	vpop (erf);
	v30 =	vmul.f32 v31, v7;
	v31 =	vmul.f32 $2.000000030e-01, v16  }
0x1ac: {  	v17 =	vmul.f32 v15, v17;
	[tilespmem:s16+$0x0] =	vst v23  }
0x1ad: {  	(erf) = vpow2.f32 v57;
	v58 =	vld [tilespmem:s23+$0xB0];
	v16 =	vmax.f32 v16, v31  }
0x1ae: {  	[tilespmem:s3+$0xFFFFFFD0] =	vst v17;
	v17 =	vld [tilespmem:s23+$0x18B0];
	v16 =	vmul.f32 v16, v4  }
0x1af: {  	(xrf2) =	vadd.scan.msk.f32 $0xffff, v30;
	v23, _, _ =	vpop (xrf2)  }
0x1b0: {  	v23 =	vmul.f32 $1.442695020e+00, v23;
	_ =	sdelay $0x1  }
0x1b1: {  	v31 =	vld [tilespmem:s24+$0x80];
	(xrf2) =	vadd.scan.msk.f32 $0xffff, v16;
	v23 =	vbroadcast v23, $0xF;
	v16, _, _ =	vpop (xrf2)  }
0x1b2: {  	v30 =	vld [tilespmem:s24+$0x1880];
	v60 =	vadd.f32 v17, v58;
	v59 =	vmul.f32 $1.442695020e+00, v16;
	v16 =	vpop (erf)  }
0x1b3: {  	(erf) = vpow2.f32 v23;
	v36 =	vpop (erf)  }
0x1b4: {  	v37 =	vmul.f32 $2.000000030e-01, v60;
	v24 =	vmul.f32 v36, v24  }
0x1b5: {  	v23 =	vbroadcast v59, $0xF;
	v17 =	vpop (erf)  }
0x1b6: {  	[tilespmem:s12+$0x10] =	vst v24;
	v24 =	vmul.f32 v17, v26;
	v26 =	vmax.f32 v60, v37  }
0x1b7: {  	v61, _, _ =	vpop (xrf2);
	v30 =	vadd.f32 v30, v31;
	(erf) = vpow2.f32 v23;
	v26 =	vmul.f32 v26, v5  }
0x1b8: {  	v62, _, _ =	vpop (xrf2)  }
0x1b9: {  	v23 =	vmul.f32 $2.000000030e-01, v30;
	v41 =	vld [tilespmem:s14+$0xC0];
	v34 =	vmul.f32 $1.442695020e+00, v62  }
0x1ba: {  	v22 =	vmul.f32 v16, v22;
	v38 =	vld [tilespmem:s14+$0x18C0]  }
0x1bb: {  	[tilespmem:s29+$0xFFFFFFE0] =	vst v24;
	v23 =	vmax.f32 v30, v23;
	(xrf2) =	vadd.scan.msk.f32 $0xffff, v26;
	v24 =	vbroadcast v34, $0xF;
	v26, _, _ =	vpop (xrf2)  }
0x1bc: {  	v63 =	vld [tilespmem:s8+$0x90];
	v23 =	vmul.f32 v23, v2;
	v26 =	vmul.f32 $1.442695020e+00, v26  }
0x1bd: {  	s31 =	sadd.s32 $0x90, s15;
	v39 =	vld [tilespmem:s8+$0x1890];
	v37 =	vpop (erf);
	(erf) = vpow2.f32 v24;
	v24 =	vmul.f32 $1.442695020e+00, v61  }
0x1be: {  	[tilespmem:s31+$0xFFFFFFC0] =	vst v22;
	(xrf2) =	vadd.scan.msk.f32 $0xffff, v23;
	v25 =	vmul.f32 v37, v25;
	v23 =	vbroadcast v26, $0xF  }
0x1bf: {  	v46 =	vld [tilespmem:s30+$0x1870];
	v26 =	vadd.f32 v38, v41  }
0x1c0: {  	v30 =	vld [tilespmem:s30+$0x70];
	v24 =	vbroadcast v24, $0xF;
	[tilespmem:s28+$0x20] =	vst v25;
	v22 =	vpop (erf);
	(erf) = vpow2.f32 v23  }
0x1c1: {  	v38 =	vld [tilespmem:s13+$0xD0];
	v23 =	vmul.f32 $2.000000030e-01, v26;
	v25 =	vmul.f32 v22, v27  }
0x1c2: {  	v39 =	vadd.f32 v39, v63;
	v27 =	vld [tilespmem:s13+$0x18D0]  }
0x1c3: {  	(erf) = vpow2.f32 v24;
	v23 =	vmax.f32 v26, v23;
	[tilespmem:s17+$0xFFFFFFF0] =	vst v25  }
0x1c4: {  	v24 =	vmul.f32 $2.000000030e-01, v39;
	v23 =	vmul.f32 v23, v6;
	v42 =	vld [tilespmem:s11+$0xA0]  }
0x1c5: {  	v25 =	vadd.f32 v46, v30;
	v26 =	vld [tilespmem:s11+$0x18A0];
	v47, _, _ =	vpop (xrf2)  }
0x1c6: {  	v24 =	vmax.f32 v39, v24;
	(xrf2) =	vadd.scan.msk.f32 $0xffff, v23;
	v23 =	vmul.f32 $1.442695020e+00, v47  }
0x1c7: {  	v48 =	vmul.f32 $2.000000030e-01, v25;
	v24 =	vmul.f32 v24, v3;
	v27 =	vadd.f32 v27, v38  }
0x1c8: {  	v40, _, _ =	vpop (xrf2)  }
0x1c9: {  	v39 =	vpop (erf);
	v25 =	vmax.f32 v25, v48;
	(xrf2) =	vadd.scan.msk.f32 $0xffff, v24;
	v49 =	vmul.f32 $1.442695020e+00, v40;
	v24 =	vmul.f32 $2.000000030e-01, v27  }
0x1ca: {  	v43 =	vbroadcast v23, $0xF;
	v25 =	vmul.f32 v25, v1;
	v26 =	vadd.f32 v26, v42;
	v23 =	vpop (erf)  }
0x1cb: {  	v33 =	vbroadcast v49, $0xF;
	v27 =	vmax.f32 v27, v24;
	v29 =	vmul.f32 v23, v29  }
0x1cc: {  	(xrf2) =	vadd.scan.msk.f32 $0xffff, v25;
	v25 =	vmul.f32 v27, v7;
	v27 =	vmul.f32 $2.000000030e-01, v26  }
0x1cd: {  	(erf) = vpow2.f32 v43  }
0x1ce: {  	(erf) = vpow2.f32 v33;
	v24 =	vpop (erf);
	[tilespmem:s19+$0x0] =	vst v29;
	(xrf2) =	vadd.scan.msk.f32 $0xffff, v25;
	v25 =	vmax.f32 v26, v27  }
0x1cf: {  	v28 =	vmul.f32 v24, v28;
	v33 =	vld [tilespmem:s21+$0xB0];
	v25 =	vmul.f32 v25, v4  }
0x1d0: {  	v26 =	vld [tilespmem:s21+$0x18B0]  }
0x1d1: {  	[tilespmem:s15+$0xFFFFFFD0] =	vst v28;
	v27, _, _ =	vpop (xrf2)  }
0x1d2: {  	v43 =	vld [tilespmem:s1+$0x80];
	(xrf2) =	vadd.scan.msk.f32 $0xffff, v25;
	v27 =	vmul.f32 $1.442695020e+00, v27  }
0x1d3: {  	v28 =	vld [tilespmem:s1+$0x1880];
	v25, _, _ =	vpop (xrf2)  }
0x1d4: {  	v27 =	vbroadcast v27, $0xF;
	v29 =	vmul.f32 $1.442695020e+00, v25  }
0x1d5: {  	v50 =	vadd.f32 v26, v33  }
0x1d6: {  	v25 =	vpop (erf);
	(erf) = vpow2.f32 v27;
	v29 =	vbroadcast v29, $0xF  }
0x1d7: {  	v32 =	vmul.f32 v25, v58;
	v26 =	vpop (erf);
	v44 =	vmul.f32 $2.000000030e-01, v50  }
0x1d8: {  	v28 =	vadd.f32 v28, v43;
	v31 =	vmul.f32 v26, v31;
	(erf) = vpow2.f32 v29  }
0x1d9: {  	[tilespmem:s16+$0x10] =	vst v32;
	v40 =	vmax.f32 v50, v44  }
0x1da: {  	v27, _, _ =	vpop (xrf2);
	v29 =	vmul.f32 $2.000000030e-01, v28;
	v44 =	vld [tilespmem:s23+$0xC0];
	v40 =	vmul.f32 v40, v5  }
0x1db: {  	v45 =	vld [tilespmem:s23+$0x18C0];
	[tilespmem:s3+$0xFFFFFFE0] =	vst v31;
	v51, _, _ =	vpop (xrf2)  }
0x1dc: {  	v46 =	vld [tilespmem:s24+$0x90];
	v27 =	vmul.f32 $1.442695020e+00, v27;
	v32 =	vmul.f32 $1.442695020e+00, v51;
	v28 =	vmax.f32 v28, v29;
	v31, _, _ =	vpop (xrf2);
	(xrf2) =	vadd.scan.msk.f32 $0xffff, v40  }
0x1dd: {  	v52 =	vld [tilespmem:s24+$0x1890];
	v28 =	vmul.f32 v28, v2;
	v31 =	vmul.f32 $1.442695020e+00, v31  }
0x1de: {  	v29 =	vbroadcast v32, $0xF  }
0x1df: {  	(xrf2) =	vadd.scan.msk.f32 $0xffff, v28;
	v28 =	vbroadcast v31, $0xF;
	v40 =	vpop (erf)  }
0x1e0: {  	(erf) = vpow2.f32 v29;
	v29 =	vadd.f32 v45, v44;
	v31 =	vmul.f32 v40, v41  }
0x1e1: {  	(erf) = vpow2.f32 v28;
	v28 =	vbroadcast v27, $0xF;
	v27 =	vpop (erf)  }
0x1e2: {  	v32 =	vadd.f32 v52, v46;
	v53 =	vmul.f32 $2.000000030e-01, v29;
	[tilespmem:s12+$0x20] =	vst v31;
	v31 =	vmul.f32 v27, v63;
	_ =	sdelay $0x1  }
0x1e3: {  	(erf) = vpow2.f32 v28;
	v28 =	vmax.f32 v29, v53;
	v29 =	vmul.f32 $2.000000030e-01, v32  }
0x1e4: {  	v45 =	vld [tilespmem:s14+$0xD0];
	v28 =	vmul.f32 v28, v6  }
0x1e5: {  	v54 =	vld [tilespmem:s14+$0x18D0];
	[tilespmem:s29+$0xFFFFFFF0] =	vst v31;
	v29 =	vmax.f32 v32, v29;
	v31, _, _ =	vpop (xrf2)  }
0x1e6: {  	(xrf2) =	vadd.scan.msk.f32 $0xffff, v28;
	v47 =	vld [tilespmem:s8+$0xA0];
	v28 =	vmul.f32 v29, v3;
	v29 =	vmul.f32 $1.442695020e+00, v31  }
0x1e7: {  	v31 =	vld [tilespmem:s8+$0x18A0]  }
0x1e8: {  	v55, _, _ =	vpop (xrf2);
	(xrf2) =	vadd.scan.msk.f32 $0xffff, v28;
	v29 =	vbroadcast v29, $0xF  }
0x1e9: {  	v48 =	vpop (erf);
	v32 =	vmul.f32 $1.442695020e+00, v55  }
0x1ea: {  	v34 =	vadd.f32 v54, v45;
	v28 =	vpop (erf)  }
0x1eb: {  	v56 =	vmul.f32 v28, v42;
	v32 =	vbroadcast v32, $0xF  }
0x1ec: {  	v57 =	vmul.f32 $2.000000030e-01, v34;
	(erf) = vpow2.f32 v29;
	v31 =	vadd.f32 v31, v47;
	v29 =	vpop (erf)  }
0x1ed: {  	[tilespmem:s17+$0x0] =	vst v56;
	v30 =	vmul.f32 v29, v30  }
0x1ee: {  	(erf) = vpow2.f32 v32;
	v58 =	vmax.f32 v34, v57;
	v49 =	vld [tilespmem:s11+$0xB0];
	v59 =	vmul.f32 $2.000000030e-01, v31  }
0x1ef: {  	v32 =	vmul.f32 v58, v7;
	[tilespmem:s31+$0xFFFFFFD0] =	vst v30;
	v30 =	vld [tilespmem:s11+$0x18B0]  }
0x1f0: {  	v31 =	vmax.f32 v31, v59;
	v50 =	vld [tilespmem:s30+$0x80]  }
0x1f1: {  	v60, _, _ =	vpop (xrf2);
	(xrf2) =	vadd.scan.msk.f32 $0xffff, v32;
	v62 =	vld [tilespmem:s30+$0x1880];
	v31 =	vmul.f32 v31, v4  }
0x1f2: {  	v63, _, _ =	vpop (xrf2)  }
0x1f3: {  	v61 =	vmul.f32 $1.442695020e+00, v60;
	(xrf2) =	vadd.scan.msk.f32 $0xffff, v31;
	v31 =	vmul.f32 $1.442695020e+00, v63  }
0x1f4: {  	v51 =	vadd.f32 v30, v49  }
0x1f5: {  	v32 =	vbroadcast v61, $0xF;
	v30 =	vpop (erf)  }
0x1f6: {  	v52 =	vmul.f32 v30, v33;
	v34 =	vadd.f32 v62, v50;
	v54 =	vmul.f32 $2.000000030e-01, v51  }
0x1f7: {  	(erf) = vpow2.f32 v32;
	v53 =	vbroadcast v31, $0xF;
	v31 =	vpop (erf)  }
0x1f8: {  	[tilespmem:s19+$0x10] =	vst v52;
	v55 =	vmul.f32 v31, v43;
	v56 =	vmul.f32 $2.000000030e-01, v34;
	v42 =	vmax.f32 v51, v54  }
0x1f9: {  	(erf) = vpow2.f32 v53;
	v41 =	vld [tilespmem:s21+$0xC0];
	v57 =	vmul.f32 v42, v5  }
0x1fa: {  	v51 =	vld [tilespmem:s21+$0x18C0];
	[tilespmem:s15+$0xFFFFFFE0] =	vst v55;
	v58 =	vmax.f32 v34, v56  }
0x1fb: {  	v59, _, _ =	vpop (xrf2);
	v42 =	vld [tilespmem:s1+$0x90];
	v32 =	vmul.f32 v58, v2;
	(xrf2) =	vadd.scan.msk.f32 $0xffff, v57  }
0x1fc: {  	v33 =	vmul.f32 $1.442695020e+00, v59;
	v60 =	vld [tilespmem:s1+$0x1890]  }
0x1fd: {  	(xrf2) =	vadd.scan.msk.f32 $0xffff, v32  }
0x1fe: {  	v33 =	vbroadcast v33, $0xF  }
0x1ff: {  	v61, _, _ =	vpop (xrf2)  }
0x200: {  	v62 =	vmul.f32 $1.442695020e+00, v61;
	v51 =	vadd.f32 v51, v41;
	v32 =	vpop (erf)  }
0x201: {  	(erf) = vpow2.f32 v33;
	v44 =	vmul.f32 v32, v44;
	v52 =	vadd.f32 v60, v42  }
0x202: {  	v63 =	vbroadcast v62, $0xF;
	v33 =	vpop (erf);
	v53 =	vmul.f32 $2.000000030e-01, v51  }
0x203: {  	v54 =	vmul.f32 v33, v46;
	[tilespmem:s16+$0x20] =	vst v44;
	v55 =	vmul.f32 $2.000000030e-01, v52  }
0x204: {  	v43 =	vmax.f32 v51, v53;
	v34 =	vld [tilespmem:s23+$0xD0]  }
0x205: {  	(erf) = vpow2.f32 v63;
	v56 =	vld [tilespmem:s23+$0x18D0];
	[tilespmem:s3+$0xFFFFFFF0] =	vst v54;
	v43 =	vmul.f32 v43, v6;
	v57 =	vmax.f32 v52, v55;
	v58, _, _ =	vpop (xrf2)  }
0x206: {  	v46 =	vld [tilespmem:s24+$0xA0];
	v44 =	vmul.f32 v57, v3;
	v59 =	vmul.f32 $1.442695020e+00, v58  }
0x207: {  	v53 =	vld [tilespmem:s24+$0x18A0];
	(xrf2) =	vadd.scan.msk.f32 $0xffff, v43;
	v60, _, _ =	vpop (xrf2)  }
0x208: {  	(xrf2) =	vadd.scan.msk.f32 $0xffff, v44;
	v44 =	vmul.f32 $1.442695020e+00, v60;
	v43 =	vbroadcast v59, $0xF;
	_ =	sdelay $0x1  }
0x209: {  	v61 =	vadd.f32 v56, v34;
	v62 =	vbroadcast v44, $0xF;
	(erf) = vpow2.f32 v43  }
0x20a: {  	v21 =	vmul.f32 v39, v21;
	v20 =	vsel vm7, v20, v39  }
0x20b: {  	[tilespmem:s20+$0x40] =	vst v20;
	v51 =	vadd.f32 v53, v46;
	v20 =	vmul.f32 $2.000000030e-01, v61;
	(erf) = vpow2.f32 v62  }
0x20c: {  	[tilespmem:s20+$0x30] =	vst v21;
	v21 =	vmul.f32 v48, v38;
	v63 =	vpop (erf)  }
0x20d: {  	v37 =	vsel vm6, v18, v37;
	v18 =	vpop (erf);
	v52 =	vmul.f32 $2.000000030e-01, v51;
	v20 =	vmax.f32 v61, v20  }
0x20e: {  	[tilespmem:s28+$0x30] =	vst v21;
	v21 =	vmul.f32 v18, v47;
	v20 =	vmul.f32 v20, v7  }
0x20f: {  	[tilespmem:s18+$0x40] =	vst v35;
	v19 =	vsel vm5, v19, v36  }
0x210: {  	v19 =	vsel vm6, v19, v40;
	v37 =	vsel vm7, v37, v48;
	[tilespmem:s29+$0x0] =	vst v21;
	v21 =	vmax.f32 v51, v52  }
0x211: {  	[tilespmem:s28+$0x40] =	vst v37;
	v19 =	vsel vm7, v19, v63;
	v53 =	vmul.f32 v63, v45;
	v37 =	vld [tilespmem:s8+$0xB0];
	v54, _, _ =	vpop (xrf2);
	v21 =	vmul.f32 v21, v4  }
0x212: {  	[tilespmem:s12+$0x40] =	vst v19;
	(xrf2) =	vadd.scan.msk.f32 $0xffff, v20;
	v55 =	vld [tilespmem:s8+$0x18B0];
	v20 =	vpop (erf)  }
0x213: {  	[tilespmem:s12+$0x30] =	vst v53;
	v56, _, _ =	vpop (xrf2);
	(xrf2) =	vadd.scan.msk.f32 $0xffff, v21;
	v21 =	vmul.f32 v20, v49  }
0x214: {  	v19 =	vpop (erf)  }
0x215: {  	[tilespmem:s17+$0x10] =	vst v21;
	v21 =	vmul.f32 v19, v50  }
0x216: {  	v57 =	vld [tilespmem:s11+$0xC0]  }
0x217: {  	v58 =	vld [tilespmem:s11+$0x18C0];
	[tilespmem:s31+$0xFFFFFFE0] =	vst v21;
	v21 =	vadd.f32 v55, v37  }
0x218: {  	v44 =	vld [tilespmem:s30+$0x90]  }
0x219: {  	v59 =	vld [tilespmem:s30+$0x1890];
	v60 =	vmul.f32 $2.000000030e-01, v21;
	_ =	sdelay $0x1  }
0x21a: {  	v21 =	vmax.f32 v21, v60  }
0x21b: {  	v39 =	vadd.f32 v58, v57;
	v21 =	vmul.f32 v21, v5;
	_ =	sdelay $0x1  }
0x21c: {  	v61 =	vmul.f32 $2.000000030e-01, v39;
	v36 =	vadd.f32 v59, v44;
	(xrf2) =	vadd.scan.msk.f32 $0xffff, v21;
	_ =	sdelay $0x1  }
0x21d: {  	v21 =	vmax.f32 v39, v61;
	v62 =	vmul.f32 $2.000000030e-01, v36  }
0x21e: {  	v21 =	vmul.f32 v21, v6  }
0x21f: {  	v36 =	vmax.f32 v36, v62  }
0x220: {  	v35 =	vmul.f32 $1.442695020e+00, v54;
	(xrf2) =	vadd.scan.msk.f32 $0xffff, v21;
	v21 =	vmul.f32 v36, v3;
	_ =	sdelay $0x1  }
0x221: {  	(xrf2) =	vadd.scan.msk.f32 $0xffff, v21;
	v21 =	vbroadcast v35, $0xF  }
0x222: {  	v63 =	vmul.f32 $1.442695020e+00, v56;
	v40, _, _ =	vpop (xrf2)  }
0x223: {  	v45, _, _ =	vpop (xrf2);
	(erf) = vpow2.f32 v21;
	v21 =	vmul.f32 $1.442695020e+00, v40  }
0x224: {  	v35 =	vbroadcast v63, $0xF;
	v47, _, _ =	vpop (xrf2)  }
0x225: {  	v21 =	vbroadcast v21, $0xF;
	v38 =	vmul.f32 $1.442695020e+00, v47  }
0x226: {  	v36 =	vmul.f32 $1.442695020e+00, v45;
	(erf) = vpow2.f32 v35  }
0x227: {  	(erf) = vpow2.f32 v21;
	v21 =	vbroadcast v38, $0xF  }
0x228: {  	v48 =	vbroadcast v36, $0xF;
	_ =	sdelay $0x1  }
0x229: {  	(erf) = vpow2.f32 v48;
	v49, _, _ =	vpop (xrf2)  }
0x22a: {  	v50 =	vmul.f32 $1.442695020e+00, v49;
	(erf) = vpow2.f32 v21;
	v21, _, _ =	vpop (xrf2)  }
0x22b: {  	v21 =	vmul.f32 $1.442695020e+00, v21  }
0x22c: {  	v35 =	vbroadcast v50, $0xF  }
0x22d: {  	v21 =	vbroadcast v21, $0xF  }
0x22e: {  	(erf) = vpow2.f32 v35  }
0x22f: {  	v36 =	vpop (erf)  }
0x230: {  	v51 =	vmul.f32 v36, v41;
	(erf) = vpow2.f32 v21  }
0x231: {  	v21 =	vpop (erf)  }
0x232: {  	[tilespmem:s19+$0x20] =	vst v51;
	v52 =	vmul.f32 v21, v42;
	v41 =	vpop (erf)  }
0x233: {  	v40 =	vld [tilespmem:s21+$0xD0];
	v35 =	vpop (erf)  }
0x234: {  	v53 =	vld [tilespmem:s21+$0x18D0];
	[tilespmem:s15+$0xFFFFFFF0] =	vst v52;
	v54 =	vmul.f32 v35, v46;
	v38 =	vpop (erf)  }
0x235: {  	v46 =	vld [tilespmem:s1+$0xA0];
	v37 =	vmul.f32 v38, v37  }
0x236: {  	v55 =	vld [tilespmem:s1+$0x18A0];
	[tilespmem:s3+$0x0] =	vst v54  }
0x237: {  	v39 =	vpop (erf);
	v48 =	vld [tilespmem:s24+$0xB0]  }
0x238: {  	v57 =	vmul.f32 v39, v57;
	v56 =	vld [tilespmem:s24+$0x18B0];
	[tilespmem:s29+$0x10] =	vst v37  }
0x239: {  	v50 =	vld [tilespmem:s8+$0xC0];
	v37 =	vpop (erf)  }
0x23a: {  	v58 =	vld [tilespmem:s8+$0x18C0];
	[tilespmem:s17+$0x20] =	vst v57;
	v44 =	vmul.f32 v37, v44  }
0x23b: {  	v42 =	vld [tilespmem:s11+$0xD0]  }
0x23c: {  	v45 =	vadd.f32 v53, v40;
	v59 =	vld [tilespmem:s11+$0x18D0];
	[tilespmem:s31+$0xFFFFFFF0] =	vst v44  }
0x23d: {  	v60 =	vadd.f32 v55, v46;
	v52 =	vld [tilespmem:s30+$0xA0]  }
0x23e: {  	v61 =	vmul.f32 $2.000000030e-01, v45;
	v62 =	vld [tilespmem:s30+$0x18A0]  }
0x23f: {  	v49 =	vadd.f32 v56, v48;
	v54 =	vmul.f32 $2.000000030e-01, v60  }
0x240: {  	v45 =	vmax.f32 v45, v61;
	v43 =	vadd.f32 v58, v50  }
0x241: {  	v45 =	vmul.f32 v45, v7;
	v63 =	vmul.f32 $2.000000030e-01, v49;
	v44 =	vmax.f32 v60, v54  }
0x242: {  	v55 =	vadd.f32 v59, v42;
	v44 =	vmul.f32 v44, v4;
	v57 =	vmul.f32 $2.000000030e-01, v43  }
0x243: {  	(xrf2) =	vadd.scan.msk.f32 $0xffff, v45;
	v47 =	vmax.f32 v49, v63;
	v58 =	vadd.f32 v62, v52  }
0x244: {  	v59 =	vmul.f32 $2.000000030e-01, v55;
	v56 =	vmul.f32 v47, v5;
	(xrf2) =	vadd.scan.msk.f32 $0xffff, v44;
	v43 =	vmax.f32 v43, v57  }
0x245: {  	v43 =	vmul.f32 v43, v6;
	v60 =	vmul.f32 $2.000000030e-01, v58  }
0x246: {  	v44 =	vmax.f32 v55, v59;
	(xrf2) =	vadd.scan.msk.f32 $0xffff, v56  }
0x247: {  	v44 =	vmul.f32 v44, v7;
	(xrf2) =	vadd.scan.msk.f32 $0xffff, v43;
	v45 =	vmax.f32 v58, v60  }
0x248: {  	v61 =	vmul.f32 v45, v4  }
0x249: {  	(xrf2) =	vadd.scan.msk.f32 $0xffff, v44  }
0x24a: {  	(xrf2) =	vadd.scan.msk.f32 $0xffff, v61;
	_ =	sdelay $0x2  }
0x24b: {  	v62, _, _ =	vpop (xrf2)  }
0x24c: {  	v43 =	vmul.f32 $1.442695020e+00, v62;
	v63, _, _ =	vpop (xrf2)  }
0x24d: {  	v44 =	vmul.f32 $1.442695020e+00, v63  }
0x24e: {  	v43 =	vbroadcast v43, $0xF;
	v49, _, _ =	vpop (xrf2)  }
0x24f: {  	v45 =	vmul.f32 $1.442695020e+00, v49;
	v44 =	vbroadcast v44, $0xF;
	v53, _, _ =	vpop (xrf2)  }
0x250: {  	(erf) = vpow2.f32 v43;
	v54 =	vmul.f32 $1.442695020e+00, v53  }
0x251: {  	v55, _, _ =	vpop (xrf2);
	v51 =	vbroadcast v45, $0xF;
	(erf) = vpow2.f32 v44  }
0x252: {  	v56 =	vmul.f32 $1.442695020e+00, v55;
	v44 =	vbroadcast v54, $0xF;
	v57, _, _ =	vpop (xrf2)  }
0x253: {  	(erf) = vpow2.f32 v51;
	v45 =	vmul.f32 $1.442695020e+00, v57  }
0x254: {  	v43 =	vbroadcast v56, $0xF  }
0x255: {  	(erf) = vpow2.f32 v44;
	v58 =	vbroadcast v45, $0xF  }
0x256: {  	(erf) = vpow2.f32 v43  }
0x257: {  	(erf) = vpow2.f32 v58;
	_ =	sdelay $0x1  }
0x258: {  	v47 =	vpop (erf)  }
0x259: {  	v43 =	vpop (erf)  }
0x25a: {  	v59 =	vmul.f32 v43, v46  }
0x25b: {  	v45 =	vpop (erf)  }
0x25c: {  	[tilespmem:s15+$0x0] =	vst v59;
	v60 =	vmul.f32 v45, v48  }
0x25d: {  	v46 =	vpop (erf);
	v51 =	vld [tilespmem:s1+$0xB0]  }
0x25e: {  	v61 =	vld [tilespmem:s1+$0x18B0];
	v62 =	vmul.f32 v46, v50;
	v48 =	vpop (erf);
	[tilespmem:s3+$0x10] =	vst v60  }
0x25f: {  	v50 =	vld [tilespmem:s24+$0xC0];
	v44 =	vpop (erf)  }
0x260: {  	v63 =	vld [tilespmem:s24+$0x18C0];
	[tilespmem:s29+$0x20] =	vst v62;
	v52 =	vmul.f32 v44, v52  }
0x261: {  	v49 =	vld [tilespmem:s8+$0xD0]  }
0x262: {  	v55 =	vld [tilespmem:s8+$0x18D0];
	[tilespmem:s31+$0x0] =	vst v52  }
0x263: {  	v53 =	vadd.f32 v61, v51;
	v52 =	vld [tilespmem:s30+$0xB0]  }
0x264: {  	v56 =	vld [tilespmem:s30+$0x18B0]  }
0x265: {  	v57 =	vmul.f32 $2.000000030e-01, v53;
	_ =	sdelay $0x1  }
0x266: {  	v54 =	vadd.f32 v63, v50;
	v53 =	vmax.f32 v53, v57  }
0x267: {  	v55 =	vadd.f32 v55, v49;
	v53 =	vmul.f32 v53, v5  }
0x268: {  	v60 =	vmul.f32 $2.000000030e-01, v54;
	v56 =	vadd.f32 v56, v52  }
0x269: {  	v58 =	vmul.f32 $2.000000030e-01, v55;
	(xrf2) =	vadd.scan.msk.f32 $0xffff, v53  }
0x26a: {  	v61 =	vmax.f32 v54, v60;
	v62 =	vmul.f32 $2.000000030e-01, v56  }
0x26b: {  	v53 =	vmul.f32 v61, v6;
	v55 =	vmax.f32 v55, v58  }
0x26c: {  	v55 =	vmul.f32 v55, v7;
	v54 =	vmax.f32 v56, v62  }
0x26d: {  	(xrf2) =	vadd.scan.msk.f32 $0xffff, v53;
	v63 =	vmul.f32 v54, v5  }
0x26e: {  	(xrf2) =	vadd.scan.msk.f32 $0xffff, v55  }
0x26f: {  	(xrf2) =	vadd.scan.msk.f32 $0xffff, v63;
	_ =	sdelay $0x3  }
0x270: {  	v56, _, _ =	vpop (xrf2)  }
0x271: {  	v53 =	vmul.f32 $1.442695020e+00, v56;
	_ =	sdelay $0x1  }
0x272: {  	v53 =	vbroadcast v53, $0xF  }
0x273: {  	v57, _, _ =	vpop (xrf2)  }
0x274: {  	v54 =	vmul.f32 $1.442695020e+00, v57;
	v55, _, _ =	vpop (xrf2);
	(erf) = vpow2.f32 v53  }
0x275: {  	v58 =	vmul.f32 $1.442695020e+00, v55;
	v59, _, _ =	vpop (xrf2)  }
0x276: {  	v54 =	vbroadcast v54, $0xF;
	v55 =	vmul.f32 $1.442695020e+00, v59  }
0x277: {  	v53 =	vbroadcast v58, $0xF  }
0x278: {  	(erf) = vpow2.f32 v54;
	v60 =	vbroadcast v55, $0xF  }
0x279: {  	(erf) = vpow2.f32 v53  }
0x27a: {  	(erf) = vpow2.f32 v60;
	_ =	sdelay $0x2  }
0x27b: {  	v53 =	vpop (erf)  }
0x27c: {  	v51 =	vmul.f32 v53, v51;
	_ =	sdelay $0x2  }
0x27d: {  	v54 =	vpop (erf)  }
0x27e: {  	[tilespmem:s15+$0x10] =	vst v51;
	v50 =	vmul.f32 v54, v50;
	v51 =	vpop (erf)  }
0x27f: {  	v55 =	vld [tilespmem:s1+$0xC0];
	v56 =	vpop (erf)  }
0x280: {  	v61 =	vld [tilespmem:s1+$0x18C0];
	[tilespmem:s3+$0x20] =	vst v50;
	v62 =	vmul.f32 v56, v52  }
0x281: {  	v63 =	vld [tilespmem:s24+$0x18D0]  }
0x282: {  	v52 =	vld [tilespmem:s24+$0xD0];
	[tilespmem:s31+$0x10] =	vst v62  }
0x283: {  	v50 =	vld [tilespmem:s30+$0xC0]  }
0x284: {  	v59 =	vld [tilespmem:s30+$0x18C0];
	_ =	sdelay $0x2  }
0x285: {  	v57 =	vadd.f32 v61, v55  }
0x286: {  	v58 =	vadd.f32 v63, v52  }
0x287: {  	v60 =	vmul.f32 $2.000000030e-01, v57;
	v59 =	vadd.f32 v59, v50  }
0x288: {  	v61 =	vmul.f32 $2.000000030e-01, v58  }
0x289: {  	v57 =	vmax.f32 v57, v60;
	v60 =	vmul.f32 $2.000000030e-01, v59  }
0x28a: {  	v57 =	vmul.f32 v57, v6;
	v58 =	vmax.f32 v58, v61  }
0x28b: {  	v58 =	vmul.f32 v58, v7;
	v59 =	vmax.f32 v59, v60  }
0x28c: {  	(xrf2) =	vadd.scan.msk.f32 $0xffff, v57;
	v60 =	vmul.f32 v59, v6  }
0x28d: {  	(xrf2) =	vadd.scan.msk.f32 $0xffff, v58  }
0x28e: {  	(xrf2) =	vadd.scan.msk.f32 $0xffff, v60;
	_ =	sdelay $0x7  }
0x28f: {  	v61, _, _ =	vpop (xrf2)  }
0x290: {  	v57 =	vmul.f32 $1.442695020e+00, v61;
	v58, _, _ =	vpop (xrf2)  }
0x291: {  	v58 =	vmul.f32 $1.442695020e+00, v58;
	v62, _, _ =	vpop (xrf2)  }
0x292: {  	v57 =	vbroadcast v57, $0xF;
	v59 =	vmul.f32 $1.442695020e+00, v62  }
0x293: {  	v58 =	vbroadcast v58, $0xF  }
0x294: {  	(erf) = vpow2.f32 v57;
	v63 =	vbroadcast v59, $0xF  }
0x295: {  	(erf) = vpow2.f32 v58  }
0x296: {  	(erf) = vpow2.f32 v63;
	_ =	sdelay $0x6  }
0x297: {  	v57 =	vpop (erf)  }
0x298: {  	v55 =	vmul.f32 v57, v55;
	v58 =	vpop (erf)  }
0x299: {  	v59 =	vpop (erf)  }
0x29a: {  	[tilespmem:s15+$0x20] =	vst v55;
	v50 =	vmul.f32 v59, v50  }
0x29b: {  	v55 =	vld [tilespmem:s1+$0xD0]  }
0x29c: {  	v60 =	vld [tilespmem:s1+$0x18D0];
	[tilespmem:s31+$0x20] =	vst v50  }
0x29d: {  	v50 =	vld [tilespmem:s30+$0xD0]  }
0x29e: {  	v61 =	vld [tilespmem:s30+$0x18D0];
	_ =	sdelay $0x2  }
0x29f: {  	v60 =	vadd.f32 v60, v55;
	_ =	sdelay $0x1  }
0x2a0: {  	v62 =	vmul.f32 $2.000000030e-01, v60;
	v61 =	vadd.f32 v61, v50;
	_ =	sdelay $0x1  }
0x2a1: {  	v60 =	vmax.f32 v60, v62;
	v62 =	vmul.f32 $2.000000030e-01, v61  }
0x2a2: {  	v60 =	vmul.f32 v60, v7  }
0x2a3: {  	v61 =	vmax.f32 v61, v62  }
0x2a4: {  	(xrf2) =	vadd.scan.msk.f32 $0xffff, v60;
	v60 =	vmul.f32 v61, v7;
	_ =	sdelay $0x1  }
0x2a5: {  	(xrf2) =	vadd.scan.msk.f32 $0xffff, v60;
	_ =	sdelay $0x5  }
0x2a6: {  	v8 =	vsel vm4, v8, v14  }
0x2a7: {  	v11 =	vsel vm1, v11, v15;
	v16 =	vnsel vm0, $0x0, v16;
	v9 =	vsel vm2, v9, v17  }
0x2a8: {  	v10 =	vsel vm3, v10, v22;
	v13 =	vsel vm4, v13, v23;
	v12 =	vsel vm1, v12, v24;
	v14, _, _ =	vpop (xrf2)  }
0x2a9: {  	v8 =	vsel vm5, v8, v25;
	v11 =	vsel vm2, v11, v26;
	v14 =	vmul.f32 $1.442695020e+00, v14  }
0x2aa: {  	v9 =	vsel vm3, v9, v27;
	v10 =	vsel vm4, v10, v28;
	v13 =	vsel vm5, v13, v30;
	v15, _, _ =	vpop (xrf2)  }
0x2ab: {  	v12 =	vsel vm2, v12, v31;
	v14 =	vbroadcast v14, $0xF;
	v15 =	vmul.f32 $1.442695020e+00, v15  }
0x2ac: {  	v8 =	vsel vm6, v8, v32;
	v11 =	vsel vm3, v11, v33;
	v17 =	vmul.f32 v41, v34  }
0x2ad: {  	v8 =	vsel vm7, v8, v41;
	(erf) = vpow2.f32 v14;
	v14 =	vbroadcast v15, $0xF  }
0x2ae: {  	v9 =	vsel vm4, v9, v18;
	v13 =	vsel vm6, v13, v36;
	[tilespmem:s16+$0x40] =	vst v8;
	v8 =	vsel vm5, v10, v20  }
0x2af: {  	[tilespmem:s16+$0x30] =	vst v17;
	v8 =	vsel vm6, v8, v39;
	v10 =	vsel vm7, v13, v47;
	(erf) = vpow2.f32 v14  }
0x2b0: {  	v9 =	vsel vm5, v9, v38;
	[tilespmem:s19+$0x40] =	vst v10;
	v13 =	vmul.f32 v48, v42;
	v8 =	vsel vm7, v8, v48  }
0x2b1: {  	v12 =	vsel vm3, v12, v21;
	v11 =	vsel vm4, v11, v35;
	v9 =	vsel vm6, v9, v46;
	[tilespmem:s17+$0x40] =	vst v8  }
0x2b2: {  	v8 =	vsel vm5, v11, v45;
	[tilespmem:s17+$0x30] =	vst v13;
	v10 =	vmul.f32 v51, v49;
	v9 =	vsel vm7, v9, v51  }
0x2b3: {  	v16 =	vsel vm1, v16, v29;
	v12 =	vsel vm4, v12, v43;
	v8 =	vsel vm6, v8, v54;
	[tilespmem:s29+$0x40] =	vst v9  }
0x2b4: {  	[tilespmem:s29+$0x30] =	vst v10;
	v10 =	vmul.f32 v58, v52;
	v8 =	vsel vm7, v8, v58;
	v14 =	vsel vm2, v16, v19  }
0x2b5: {  	v12 =	vsel vm5, v12, v53;
	[tilespmem:s3+$0x40] =	vst v8;
	v15 =	vmul.f32 v47, v40;
	v11 =	vsel vm3, v14, v37  }
0x2b6: {  	v12 =	vsel vm6, v12, v57;
	[tilespmem:s3+$0x30] =	vst v10;
	v9 =	vpop (erf);
	v11 =	vsel vm4, v11, v44  }
0x2b7: {  	[tilespmem:s19+$0x30] =	vst v15;
	v10 =	vmul.f32 v9, v55;
	v9 =	vsel vm7, v12, v9;
	v11 =	vsel vm5, v11, v56  }
0x2b8: {  	[tilespmem:s15+$0x40] =	vst v9;
	v11 =	vsel vm6, v11, v59;
	v8 =	vpop (erf)  }
0x2b9: {  	[tilespmem:s15+$0x30] =	vst v10;
	v10 =	vmul.f32 v8, v50;
	v8 =	vsel vm7, v11, v8  }
0x2ba: {  	[tilespmem:s31+$0x40] =	vst v8  }
0x2bb: {  	s0 =	simm.s32 $0x96C0;
	s23 =	simm.s32 $0x60C0;
	[tilespmem:s31+$0x30] =	vst v10;
	s31 =	rddreg [dreg:$0x1]  }
0x2bc: {  	[spmem:s31] =	stream.indirect.scatter.add.f32 [tilespmem:s23], [sflag:$0x5], $0x90, s0, s22, $0xb8;
	[tilespmem:$0x1FB20] =	vst v63  }
0x2bd: {  	_ =	swait.ge [sflag:s9], $0x1800  }
0x2be: {  	[sflag:s9] =	ssyncset.done $0x0  }
0x2bf: {  	[sflag:s9] =	ssyncadd.s32 $0xFFFFE800  }
0x2c0: {  	_ =	swait.ge [sflag:s10], $0x1800  }
0x2c1: {  	p0 =	seq.s32 s25, $0x6B;
	[sflag:s10] =	ssyncset.done $0x0  }
0x2c2: {  	s0 =	simm.s32 @p0 $0x6;
	[sflag:s10] =	ssyncadd.s32 $0xFFFFE800  }
0x2c3: {  	_ =	swait.ge @p0 [sflag:s0], $0x1B00  }
0x2c4: {  	[sflag:s0] =	ssyncset.done @p0 $0x0  }
0x2c5: {  	[sflag:s0] =	ssyncadd.s32 @p0 $0xFFFFE500  }
0x2c6: {  	v8 =	vld @p0 [tilespmem:$0x3090]  }
0x2c7: {  	v9 =	vld @p0 [tilespmem:$0x30A0]  }
0x2c8: {  	v10 =	vld @p0 [tilespmem:$0x30B0];
	_ =	sdelay $0x2  }
0x2c9: {  	[tilespmem:$0x96F0] =	vst @p0 v8  }
0x2ca: {  	[tilespmem:$0x9700] =	vst @p0 v9  }
0x2cb: {  	s0 =	simm.s32 @!p0 $0x7;
	[tilespmem:$0x9710] =	vst @p0 v10  }
0x2cc: {  	_ =	swait.ge @!p0 [sflag:s0], $0x30  }
0x2cd: {  	[sflag:s0] =	ssyncset.done @!p0 $0x0  }
0x2ce: {  	[sflag:s0] =	ssyncadd.s32 @!p0 $0xFFFFFFD0;
	s0 =	simm.s32 @!p0 $0x8  }
0x2cf: {  	_ =	swait.ge @!p0 [sflag:s0], $0x30  }
0x2d0: {  	p1 =	seq.s32 @!p0 s25, $0x0;
	s1 =	simm.s32 @!p0 $0x0;
	[sflag:s0] =	ssyncset.done @!p0 $0x0  }
0x2d1: {  	s3 =	simm.s32 @!p0 $0x60;
	[sflag:s0] =	ssyncadd.s32 @!p0 $0xFFFFFFD0;
	s0 =	simm.s32 @!p0 $0x30  }
0x2d2: {  	[tilespmem:s3], [sflag:$0x1] =	stream.indirect.gather @!p0 [hbm4b:s4+s0], $0x80, s1, s0, $0xb8;
	[tilespmem:$0x1FB20] =	vst v63  }
0x2d3: {  	p1 =	por p1, p0;
	s3 =	simm.s32 @!p0 $0x1860  }
0x2d4: {  	[tilespmem:s3], [sflag:$0x2] =	stream.indirect.gather @!p0 [hbm4b:s5+s0], $0x80, s0, s0, $0xb8;
	[tilespmem:$0x1FB20] =	vst v63  }
0x2d5: {  	s0 =	simm.s32 @!p1 $0x6  }
0x2d6: {  	_ =	swait.ge @!p1 [sflag:s0], $0x1B00  }
0x2d7: {  	[sflag:s0] =	ssyncset.done @!p1 $0x0  }
0x2d8: {  	[sflag:s0] =	ssyncadd.s32 @!p1 $0xFFFFE500  }
0x2d9: {  	v8 =	vld @!p0 [tilespmem:$0x3090]  }
0x2da: {  	v9 =	vld @!p0 [tilespmem:$0x30A0]  }
0x2db: {  	v10 =	vld @!p0 [tilespmem:$0x30B0]  }
0x2dc: {  	s0 =	smul.u32 @!p0 $0x60, s25  }
0x2dd: {  	s3 =	rddreg [dreg:$0xa]  }
0x2de: {  	s0 =	sadd.s32 @!p0 s0, s3;
	[tilespmem:$0x96F0] =	vst @!p0 v8  }
0x2df: {  	s0 =	sshrl.u32 @!p0 s0, $0x3;
	[tilespmem:$0x9700] =	vst @!p0 v9  }
0x2e0: {  	s8 =	simm.s32 @!p0 $0x3060;
	s3 =	sadd.s32 @!p0 s6, s0;
	[tilespmem:$0x9710] =	vst @!p0 v10  }
0x2e1: {  	[tilespmem:s8], [sflag:$0x9] =	stream.linear.gather @!p0 [hbm4b:s3+s1], $0x30, $0x38;
	[tilespmem:$0x1FB20] =	vst v63  }
0x2e2: {  	s24 =	simm.s32 $0x0;
	s0 =	sadd.s32 @!p0 s7, s0;
	s3 =	simm.s32 @!p0 $0x3090  }
0x2e3: {  	[tilespmem:s3], [sflag:$0xA] =	stream.linear.gather @!p0 [hbm4b:s0+s1], $0x30, $0x38;
	[tilespmem:$0x1FB20] =	vst v63  }
0x2e4: {  	v9 =	vld [tilespmem:s24+$0x30C0]  }
0x2e5: {  	v8 =	vld [tilespmem:s24+$0x48C0];
	_ =	sdelay $0x4  }
0x2e6: {  	v8 =	vadd.f32 v8, v9;
	_ =	sdelay $0x1  }
0x2e7: {  	v10 =	vmul.f32 $2.000000030e-01, v8;
	_ =	sdelay $0x1  }
0x2e8: {  	v8 =	vmax.f32 v8, v10  }
0x2e9: {  	v8 =	vmul.f32 v8, v0;
	_ =	sdelay $0x1  }
0x2ea: {  	(xrf2) =	vadd.scan.msk.f32 $0xffff, v8;
	_ =	sdelay $0x9  }
0x2eb: {  	v8, _, _ =	vpop (xrf2)  }
0x2ec: {  	v8 =	vmul.f32 $1.442695020e+00, v8;
	_ =	sdelay $0x1  }
0x2ed: {  	v8 =	vbroadcast v8, $0xF;
	_ =	sdelay $0x1  }
0x2ee: {  	(erf) = vpow2.f32 v8  }
0x2ef: {  	s30 =	simm.s32 $0x80  }
0x2f0: {  	v10 =	vld [tilespmem:s30+$0x30C0]  }
0x2f1: {  	v8 =	vld [tilespmem:s30+$0x48C0];
	_ =	sdelay $0x4  }
0x2f2: {  	v11 =	vadd.f32 v8, v10  }
0x2f3: {  	v8 =	vpop (erf)  }
0x2f4: {  	v12 =	vmul.f32 $2.000000030e-01, v11;
	v9 =	vmul.f32 v8, v9  }
0x2f5: {  	s25 =	simm.s32 $0x7C00  }
0x2f6: {  	[tilespmem:s25+$0xFFFFFFC0] =	vst v9;
	v9 =	vmax.f32 v11, v12  }
0x2f7: {  	v11 =	vld [tilespmem:s24+$0x30D0];
	v9 =	vmul.f32 v9, v0  }
0x2f8: {  	v12 =	vld [tilespmem:s24+$0x48D0]  }
0x2f9: {  	(xrf2) =	vadd.scan.msk.f32 $0xffff, v9;
	_ =	sdelay $0x3  }
0x2fa: {  	v9 =	vadd.f32 v12, v11;
	_ =	sdelay $0x1  }
0x2fb: {  	v12 =	vmul.f32 $2.000000030e-01, v9;
	_ =	sdelay $0x1  }
0x2fc: {  	v9 =	vmax.f32 v9, v12  }
0x2fd: {  	v9 =	vmul.f32 v9, v1  }
0x2fe: {  	v12, _, _ =	vpop (xrf2)  }
0x2ff: {  	(xrf2) =	vadd.scan.msk.f32 $0xffff, v9;
	v9 =	vmul.f32 $1.442695020e+00, v12;
	_ =	sdelay $0x1  }
0x300: {  	v9 =	vbroadcast v9, $0xF;
	_ =	sdelay $0x1  }
0x301: {  	(erf) = vpow2.f32 v9;
	_ =	sdelay $0x1  }
0x302: {  	s13 =	simm.s32 $0x100  }
0x303: {  	v12 =	vld [tilespmem:s13+$0x30C0]  }
0x304: {  	v9 =	vld [tilespmem:s13+$0x48C0];
	_ =	sdelay $0x1  }
0x305: {  	v13, _, _ =	vpop (xrf2)  }
0x306: {  	v13 =	vmul.f32 $1.442695020e+00, v13;
	_ =	sdelay $0x1  }
0x307: {  	v14 =	vadd.f32 v9, v12;
	v13 =	vbroadcast v13, $0xF;
	v9 =	vpop (erf)  }
0x308: {  	v10 =	vmul.f32 v9, v10  }
0x309: {  	s16 =	simm.s32 $0x7C90;
	(erf) = vpow2.f32 v13;
	v13 =	vmul.f32 $2.000000030e-01, v14  }
0x30a: {  	[tilespmem:s16+$0xFFFFFFC0] =	vst v10  }
0x30b: {  	v10 =	vmax.f32 v14, v13;
	v14 =	vld [tilespmem:s30+$0x30D0]  }
0x30c: {  	v13 =	vld [tilespmem:s30+$0x48D0]  }
0x30d: {  	v10 =	vmul.f32 v10, v0;
	_ =	sdelay $0x1  }
0x30e: {  	(xrf2) =	vadd.scan.msk.f32 $0xffff, v10;
	_ =	sdelay $0x1  }
0x30f: {  	s14 =	simm.s32 $0x180;
	v13 =	vadd.f32 v13, v14  }
0x310: {  	v16 =	vld [tilespmem:s14+$0x30C0];
	v10 =	vpop (erf)  }
0x311: {  	v17 =	vld [tilespmem:s14+$0x48C0];
	v11 =	vmul.f32 v10, v11;
	v15 =	vmul.f32 $2.000000030e-01, v13;
	_ =	sdelay $0x1  }
0x312: {  	[tilespmem:s25+$0xFFFFFFD0] =	vst v11;
	v11 =	vmax.f32 v13, v15  }
0x313: {  	v15 =	vld [tilespmem:s24+$0x30E0];
	v11 =	vmul.f32 v11, v1  }
0x314: {  	v13 =	vld [tilespmem:s24+$0x48E0]  }
0x315: {  	v17 =	vadd.f32 v17, v16;
	(xrf2) =	vadd.scan.msk.f32 $0xffff, v11  }
0x316: {  	v18, _, _ =	vpop (xrf2)  }
0x317: {  	v11 =	vmul.f32 $1.442695020e+00, v18;
	v18 =	vmul.f32 $2.000000030e-01, v17;
	_ =	sdelay $0x1  }
0x318: {  	v11 =	vbroadcast v11, $0xF;
	v13 =	vadd.f32 v13, v15;
	v17 =	vmax.f32 v17, v18  }
0x319: {  	v17 =	vmul.f32 v17, v0  }
0x31a: {  	(erf) = vpow2.f32 v11;
	v11 =	vmul.f32 $2.000000030e-01, v13;
	_ =	sdelay $0x1  }
0x31b: {  	(xrf2) =	vadd.scan.msk.f32 $0xffff, v17;
	v11 =	vmax.f32 v13, v11  }
0x31c: {  	v11 =	vmul.f32 v11, v2  }
0x31d: {  	v13, _, _ =	vpop (xrf2)  }
0x31e: {  	(xrf2) =	vadd.scan.msk.f32 $0xffff, v11;
	v11 =	vmul.f32 $1.442695020e+00, v13;
	_ =	sdelay $0x2  }
0x31f: {  	v13 =	vbroadcast v11, $0xF  }
0x320: {  	v11 =	vpop (erf)  }
0x321: {  	(erf) = vpow2.f32 v13;
	v12 =	vmul.f32 v11, v12  }
0x322: {  	s20 =	simm.s32 $0x7D20  }
0x323: {  	v13, _, _ =	vpop (xrf2);
	[tilespmem:s20+$0xFFFFFFC0] =	vst v12  }
0x324: {  	v13 =	vmul.f32 $1.442695020e+00, v13;
	v17 =	vld [tilespmem:s13+$0x30D0]  }
0x325: {  	v12 =	vld [tilespmem:s13+$0x48D0]  }
0x326: {  	v18, _, _ =	vpop (xrf2);
	v13 =	vbroadcast v13, $0xF  }
0x327: {  	v18 =	vmul.f32 $1.442695020e+00, v18;
	_ =	sdelay $0x1  }
0x328: {  	v18 =	vbroadcast v18, $0xF  }
0x329: {  	(erf) = vpow2.f32 v13;
	v12 =	vadd.f32 v12, v17;
	v13 =	vpop (erf)  }
0x32a: {  	s11 =	simm.s32 $0x200;
	v14 =	vmul.f32 v13, v14;
	(erf) = vpow2.f32 v18  }
0x32b: {  	v19 =	vld [tilespmem:s11+$0x30C0];
	v18 =	vmul.f32 $2.000000030e-01, v12  }
0x32c: {  	v20 =	vld [tilespmem:s11+$0x48C0];
	[tilespmem:s16+$0xFFFFFFD0] =	vst v14  }
0x32d: {  	v12 =	vmax.f32 v12, v18;
	v18 =	vld [tilespmem:s30+$0x30E0]  }
0x32e: {  	v14 =	vld [tilespmem:s30+$0x48E0];
	v12 =	vmul.f32 v12, v1;
	_ =	sdelay $0x1  }
0x32f: {  	(xrf2) =	vadd.scan.msk.f32 $0xffff, v12  }
0x330: {  	v20 =	vadd.f32 v20, v19  }
0x331: {  	v12 =	vpop (erf)  }
0x332: {  	v22 =	vmul.f32 $2.000000030e-01, v20;
	v21 =	vadd.f32 v14, v18;
	v14 =	vpop (erf)  }
0x333: {  	v15 =	vmul.f32 v14, v15  }
0x334: {  	v20 =	vmax.f32 v20, v22;
	v23 =	vmul.f32 $2.000000030e-01, v21  }
0x335: {  	[tilespmem:s25+$0xFFFFFFE0] =	vst v15;
	v15 =	vmul.f32 v20, v0  }
0x336: {  	v20 =	vmax.f32 v21, v23;
	v21 =	vld [tilespmem:s24+$0x30F0]  }
0x337: {  	v22 =	vld [tilespmem:s24+$0x48F0]  }
0x338: {  	(xrf2) =	vadd.scan.msk.f32 $0xffff, v15  }
0x339: {  	v20 =	vmul.f32 v20, v2;
	v15, _, _ =	vpop (xrf2)  }
0x33a: {  	v15 =	vmul.f32 $1.442695020e+00, v15  }
0x33b: {  	(xrf2) =	vadd.scan.msk.f32 $0xffff, v20  }
0x33c: {  	v20 =	vadd.f32 v22, v21;
	v15 =	vbroadcast v15, $0xF  }
0x33d: {  	v16 =	vmul.f32 v12, v16  }
0x33e: {  	(erf) = vpow2.f32 v15;
	v15 =	vmul.f32 $2.000000030e-01, v20;
	_ =	sdelay $0x1  }
0x33f: {  	v15 =	vmax.f32 v20, v15  }
0x340: {  	s21 =	simm.s32 $0x7DB0;
	v15 =	vmul.f32 v15, v3  }
0x341: {  	[tilespmem:s21+$0xFFFFFFC0] =	vst v16;
	v16, _, _ =	vpop (xrf2)  }
0x342: {  	v22 =	vld [tilespmem:s14+$0x30D0];
	v16 =	vmul.f32 $1.442695020e+00, v16  }
0x343: {  	v20 =	vld [tilespmem:s14+$0x48D0]  }
0x344: {  	(xrf2) =	vadd.scan.msk.f32 $0xffff, v15;
	v16 =	vbroadcast v16, $0xF;
	v15, _, _ =	vpop (xrf2)  }
0x345: {  	v15 =	vmul.f32 $1.442695020e+00, v15;
	_ =	sdelay $0x1  }
0x346: {  	v15 =	vbroadcast v15, $0xF  }
0x347: {  	v20 =	vadd.f32 v20, v22;
	(erf) = vpow2.f32 v16;
	v16 =	vpop (erf)  }
0x348: {  	s28 =	simm.s32 $0x280;
	v17 =	vmul.f32 v16, v17;
	(erf) = vpow2.f32 v15  }
0x349: {  	v24 =	vld [tilespmem:s28+$0x48C0];
	v15 =	vmul.f32 $2.000000030e-01, v20  }
0x34a: {  	v23 =	vld [tilespmem:s28+$0x30C0];
	[tilespmem:s20+$0xFFFFFFD0] =	vst v17  }
0x34b: {  	v25 =	vld [tilespmem:s13+$0x30E0];
	v15 =	vmax.f32 v20, v15  }
0x34c: {  	v17 =	vld [tilespmem:s13+$0x48E0];
	v15 =	vmul.f32 v15, v1;
	_ =	sdelay $0x1  }
0x34d: {  	v20, _, _ =	vpop (xrf2)  }
0x34e: {  	v20 =	vmul.f32 $1.442695020e+00, v20;
	(xrf2) =	vadd.scan.msk.f32 $0xffff, v15  }
0x34f: {  	v24 =	vadd.f32 v24, v23;
	v15 =	vpop (erf)  }
0x350: {  	v20 =	vbroadcast v20, $0xF;
	v27 =	vadd.f32 v17, v25;
	v17 =	vpop (erf)  }
0x351: {  	v26 =	vmul.f32 $2.000000030e-01, v24;
	v18 =	vmul.f32 v17, v18  }
0x352: {  	(erf) = vpow2.f32 v20  }
0x353: {  	v24 =	vmax.f32 v24, v26;
	[tilespmem:s16+$0xFFFFFFE0] =	vst v18  }
0x354: {  	v20 =	vmul.f32 $2.000000030e-01, v27;
	v18 =	vmul.f32 v24, v0;
	v26 =	vld [tilespmem:s30+$0x30F0]  }
0x355: {  	v24 =	vld [tilespmem:s30+$0x48F0]  }
0x356: {  	v20 =	vmax.f32 v27, v20  }
0x357: {  	v20 =	vmul.f32 v20, v2  }
0x358: {  	(xrf2) =	vadd.scan.msk.f32 $0xffff, v18;
	v18, _, _ =	vpop (xrf2)  }
0x359: {  	v19 =	vmul.f32 v15, v19;
	(xrf2) =	vadd.scan.msk.f32 $0xffff, v20;
	v20 =	vmul.f32 $1.442695020e+00, v18  }
0x35a: {  	s19 =	simm.s32 $0x7E40;
	v24 =	vadd.f32 v24, v26  }
0x35b: {  	[tilespmem:s19+$0xFFFFFFC0] =	vst v19;
	v18 =	vpop (erf);
	v19 =	vbroadcast v20, $0xF  }
0x35c: {  	v20 =	vmul.f32 v18, v21;
	v21 =	vmul.f32 $2.000000030e-01, v24;
	_ =	sdelay $0x1  }
0x35d: {  	v29 =	vld [tilespmem:s11+$0x30D0];
	(erf) = vpow2.f32 v19;
	v19 =	vmax.f32 v24, v21  }
0x35e: {  	v27 =	vld [tilespmem:s11+$0x48D0];
	[tilespmem:s25+$0xFFFFFFF0] =	vst v20;
	v19 =	vmul.f32 v19, v3  }
0x35f: {  	v30 =	vld [tilespmem:s24+$0x3100]  }
0x360: {  	v20 =	vld [tilespmem:s24+$0x4900]  }
0x361: {  	v21, _, _ =	vpop (xrf2)  }
0x362: {  	v21 =	vmul.f32 $1.442695020e+00, v21;
	(xrf2) =	vadd.scan.msk.f32 $0xffff, v19;
	v19, _, _ =	vpop (xrf2)  }
0x363: {  	v24 =	vadd.f32 v27, v29;
	v19 =	vmul.f32 $1.442695020e+00, v19  }
0x364: {  	v21 =	vbroadcast v21, $0xF  }
0x365: {  	v28 =	vmul.f32 $2.000000030e-01, v24;
	v27 =	vadd.f32 v20, v30;
	v19 =	vbroadcast v19, $0xF  }
0x366: {  	(erf) = vpow2.f32 v21  }
0x367: {  	v21 =	vmul.f32 $2.000000030e-01, v27;
	v20 =	vpop (erf);
	(erf) = vpow2.f32 v19;
	v19 =	vmax.f32 v24, v28  }
0x368: {  	s12 =	simm.s32 $0x300;
	v22 =	vmul.f32 v20, v22;
	v19 =	vmul.f32 v19, v1  }
0x369: {  	v31 =	vld [tilespmem:s12+$0x30C0];
	v21 =	vmax.f32 v27, v21  }
0x36a: {  	v24 =	vld [tilespmem:s12+$0x48C0];
	v21 =	vmul.f32 v21, v4;
	[tilespmem:s21+$0xFFFFFFD0] =	vst v22  }
0x36b: {  	v22 =	vld [tilespmem:s14+$0x30E0];
	(xrf2) =	vadd.scan.msk.f32 $0xffff, v19  }
0x36c: {  	v27 =	vld [tilespmem:s14+$0x48E0];
	(xrf2) =	vadd.scan.msk.f32 $0xffff, v21;
	v19, _, _ =	vpop (xrf2)  }
0x36d: {  	v21 =	vmul.f32 $1.442695020e+00, v19;
	_ =	sdelay $0x1  }
0x36e: {  	v24 =	vadd.f32 v24, v31;
	v28 =	vbroadcast v21, $0xF  }
0x36f: {  	v19 =	vpop (erf)  }
0x370: {  	v27 =	vadd.f32 v27, v22;
	v21 =	vpop (erf);
	(erf) = vpow2.f32 v28;
	v28 =	vmul.f32 $2.000000030e-01, v24  }
0x371: {  	v25 =	vmul.f32 v21, v25  }
0x372: {  	v48 =	vmul.f32 $2.000000030e-01, v27  }
0x373: {  	v24 =	vmax.f32 v24, v28;
	[tilespmem:s20+$0xFFFFFFE0] =	vst v25  }
0x374: {  	v27 =	vmax.f32 v27, v48;
	v24 =	vmul.f32 v24, v0;
	v25 =	vld [tilespmem:s13+$0x30F0];
	v28, _, _ =	vpop (xrf2)  }
0x375: {  	v27 =	vmul.f32 v27, v2;
	v49 =	vld [tilespmem:s13+$0x48F0];
	v50, _, _ =	vpop (xrf2)  }
0x376: {  	(xrf2) =	vadd.scan.msk.f32 $0xffff, v24;
	v24 =	vmul.f32 $1.442695020e+00, v50  }
0x377: {  	v23 =	vmul.f32 v19, v23;
	(xrf2) =	vadd.scan.msk.f32 $0xffff, v27  }
0x378: {  	v28 =	vmul.f32 $1.442695020e+00, v28;
	v27 =	vbroadcast v24, $0xF  }
0x379: {  	s17 =	simm.s32 $0x7ED0  }
0x37a: {  	[tilespmem:s17+$0xFFFFFFC0] =	vst v23;
	v28 =	vbroadcast v28, $0xF;
	v32 =	vadd.f32 v49, v25;
	v24 =	vpop (erf);
	(erf) = vpow2.f32 v27  }
0x37b: {  	v35 =	vld [tilespmem:s28+$0x30D0];
	v23 =	vmul.f32 v24, v26  }
0x37c: {  	v27 =	vld [tilespmem:s28+$0x48D0];
	(erf) = vpow2.f32 v28;
	v26 =	vmul.f32 $2.000000030e-01, v32;
	_ =	sdelay $0x1  }
0x37d: {  	[tilespmem:s16+$0xFFFFFFF0] =	vst v23;
	v23 =	vmax.f32 v32, v26  }
0x37e: {  	v23 =	vmul.f32 v23, v3  }
0x37f: {  	v51 =	vld [tilespmem:s30+$0x3100];
	v28, _, _ =	vpop (xrf2)  }
0x380: {  	v26 =	vld [tilespmem:s30+$0x4900];
	v52 =	vadd.f32 v27, v35;
	(xrf2) =	vadd.scan.msk.f32 $0xffff, v23;
	v23 =	vmul.f32 $1.442695020e+00, v28;
	v27, _, _ =	vpop (xrf2)  }
0x381: {  	v53 =	vmul.f32 $1.442695020e+00, v27  }
0x382: {  	v23 =	vbroadcast v23, $0xF;
	v27 =	vpop (erf)  }
0x383: {  	s8 =	simm.s32 $0x380;
	v34 =	vbroadcast v53, $0xF;
	v30 =	vmul.f32 v27, v30  }
0x384: {  	v55 =	vld [tilespmem:s8+$0x48C0];
	v54 =	vmul.f32 $2.000000030e-01, v52;
	v28 =	vpop (erf);
	(erf) = vpow2.f32 v23  }
0x385: {  	v26 =	vadd.f32 v26, v51;
	v23 =	vld [tilespmem:s8+$0x30C0];
	v29 =	vmul.f32 v28, v29;
	(erf) = vpow2.f32 v34;
	[tilespmem:s25+$0x0] =	vst v30  }
0x386: {  	v30 =	vmax.f32 v52, v54;
	v36 =	vld [tilespmem:s24+$0x3110]  }
0x387: {  	v56 =	vmul.f32 $2.000000030e-01, v26;
	v30 =	vmul.f32 v30, v1;
	[tilespmem:s19+$0xFFFFFFD0] =	vst v29;
	v29 =	vld [tilespmem:s24+$0x4910]  }
0x388: {  	v38 =	vld [tilespmem:s11+$0x30E0]  }
0x389: {  	v26 =	vmax.f32 v26, v56;
	(xrf2) =	vadd.scan.msk.f32 $0xffff, v30;
	v30 =	vld [tilespmem:s11+$0x48E0]  }
0x38a: {  	v26 =	vmul.f32 v26, v4  }
0x38b: {  	v57, _, _ =	vpop (xrf2)  }
0x38c: {  	v58 =	vadd.f32 v55, v23;
	(xrf2) =	vadd.scan.msk.f32 $0xffff, v26;
	v26 =	vmul.f32 $1.442695020e+00, v57  }
0x38d: {  	v59 =	vadd.f32 v29, v36;
	v29 =	vpop (erf)  }
0x38e: {  	v37 =	vmul.f32 $2.000000030e-01, v58;
	v26 =	vbroadcast v26, $0xF;
	v60 =	vadd.f32 v30, v38;
	v30 =	vpop (erf)  }
0x38f: {  	v22 =	vmul.f32 v30, v22  }
0x390: {  	v61 =	vmul.f32 $2.000000030e-01, v59;
	(erf) = vpow2.f32 v26;
	v26 =	vmax.f32 v58, v37  }
0x391: {  	v26 =	vmul.f32 v26, v0;
	v62 =	vmul.f32 $2.000000030e-01, v60;
	[tilespmem:s21+$0xFFFFFFE0] =	vst v22  }
0x392: {  	v34 =	vmax.f32 v59, v61;
	v37 =	vld [tilespmem:s14+$0x30F0]  }
0x393: {  	v34 =	vmul.f32 v34, v5;
	v22 =	vmax.f32 v60, v62;
	v63 =	vld [tilespmem:s14+$0x48F0]  }
0x394: {  	(xrf2) =	vadd.scan.msk.f32 $0xffff, v26;
	v22 =	vmul.f32 v22, v2  }
0x395: {  	v26, _, _ =	vpop (xrf2);
	(xrf2) =	vadd.scan.msk.f32 $0xffff, v34  }
0x396: {  	v41, _, _ =	vpop (xrf2);
	(xrf2) =	vadd.scan.msk.f32 $0xffff, v22;
	v22 =	vmul.f32 v29, v31  }
0x397: {  	s18 =	simm.s32 $0x7F60;
	v34 =	vmul.f32 $1.442695020e+00, v41  }
0x398: {  	[tilespmem:s18+$0xFFFFFFC0] =	vst v22;
	v22 =	vadd.f32 v63, v37  }
0x399: {  	v42 =	vmul.f32 $1.442695020e+00, v26;
	v34 =	vbroadcast v34, $0xF;
	v31 =	vpop (erf)  }
0x39a: {  	v25 =	vmul.f32 v31, v25;
	v45 =	vmul.f32 $2.000000030e-01, v22  }
0x39b: {  	v43 =	vbroadcast v42, $0xF;
	v26 =	vld [tilespmem:s12+$0x30D0]  }
0x39c: {  	v44 =	vld [tilespmem:s12+$0x48D0];
	(erf) = vpow2.f32 v34;
	v22 =	vmax.f32 v22, v45  }
0x39d: {  	(erf) = vpow2.f32 v43;
	v22 =	vmul.f32 v22, v3  }
0x39e: {  	[tilespmem:s20+$0xFFFFFFF0] =	vst v25;
	v25, _, _ =	vpop (xrf2)  }
0x39f: {  	v40 =	vld [tilespmem:s13+$0x3100];
	v47, _, _ =	vpop (xrf2);
	v25 =	vmul.f32 $1.442695020e+00, v25  }
0x3a0: {  	v46 =	vld [tilespmem:s13+$0x4900];
	v39 =	vmul.f32 $1.442695020e+00, v47  }
0x3a1: {  	v34 =	vadd.f32 v44, v26;
	(xrf2) =	vadd.scan.msk.f32 $0xffff, v22;
	v25 =	vbroadcast v25, $0xF;
	v22, _, _ =	vpop (xrf2)  }
0x3a2: {  	v39 =	vbroadcast v39, $0xF;
	v22 =	vmul.f32 $1.442695020e+00, v22  }
0x3a3: {  	v48 =	vmul.f32 $2.000000030e-01, v34;
	(erf) = vpow2.f32 v25  }
0x3a4: {  	(erf) = vpow2.f32 v39;
	v49 =	vbroadcast v22, $0xF  }
0x3a5: {  	s23 =	simm.s32 $0x400;
	v25 =	vadd.f32 v46, v40;
	v33 =	vpop (erf)  }
0x3a6: {  	v41 =	vmax.f32 v34, v48;
	v22 =	vld [tilespmem:s23+$0x30C0];
	v32 =	vmul.f32 v33, v51;
	v34 =	vpop (erf);
	(erf) = vpow2.f32 v49  }
0x3a7: {  	v50 =	vmul.f32 $2.000000030e-01, v25;
	v51 =	vld [tilespmem:s23+$0x48C0]  }
0x3a8: {  	v35 =	vmul.f32 v34, v35;
	[tilespmem:s16+$0x0] =	vst v32  }
0x3a9: {  	v52 =	vmul.f32 v41, v1;
	v25 =	vmax.f32 v25, v50;
	v42 =	vld [tilespmem:s30+$0x3110]  }
0x3aa: {  	v25 =	vmul.f32 v25, v4;
	[tilespmem:s17+$0xFFFFFFD0] =	vst v35;
	v53 =	vld [tilespmem:s30+$0x4910]  }
0x3ab: {  	(xrf2) =	vadd.scan.msk.f32 $0xffff, v52;
	v44 =	vld [tilespmem:s28+$0x30E0];
	v55, _, _ =	vpop (xrf2)  }
0x3ac: {  	v54 =	vld [tilespmem:s28+$0x48E0];
	(xrf2) =	vadd.scan.msk.f32 $0xffff, v25;
	v25 =	vadd.f32 v51, v22;
	v32 =	vpop (erf)  }
0x3ad: {  	v56 =	vmul.f32 $1.442695020e+00, v55;
	v35 =	vpop (erf)  }
0x3ae: {  	v43 =	vmul.f32 $2.000000030e-01, v25;
	v57 =	vmul.f32 v35, v36  }
0x3af: {  	v58 =	vbroadcast v56, $0xF;
	v39 =	vadd.f32 v53, v42;
	v36 =	vpop (erf)  }
0x3b0: {  	v25 =	vmax.f32 v25, v43;
	[tilespmem:s25+$0x10] =	vst v57;
	v38 =	vmul.f32 v36, v38  }
0x3b1: {  	v41 =	vadd.f32 v54, v44;
	(erf) = vpow2.f32 v58;
	v59 =	vmul.f32 $2.000000030e-01, v39;
	v43 =	vld [tilespmem:s24+$0x3120]  }
0x3b2: {  	v25 =	vmul.f32 v25, v0;
	v61 =	vld [tilespmem:s24+$0x4920];
	[tilespmem:s19+$0xFFFFFFE0] =	vst v38  }
0x3b3: {  	v60 =	vmul.f32 $2.000000030e-01, v41;
	v39 =	vmax.f32 v39, v59;
	v51 =	vld [tilespmem:s11+$0x30F0]  }
0x3b4: {  	(xrf2) =	vadd.scan.msk.f32 $0xffff, v25;
	v25 =	vmul.f32 v39, v5;
	v48 =	vld [tilespmem:s11+$0x48F0]  }
0x3b5: {  	v62, _, _ =	vpop (xrf2);
	v63 =	vmax.f32 v41, v60  }
0x3b6: {  	v38 =	vmul.f32 $1.442695020e+00, v62;
	v49, _, _ =	vpop (xrf2);
	(xrf2) =	vadd.scan.msk.f32 $0xffff, v25;
	v25 =	vmul.f32 v63, v2;
	_ =	sdelay $0x1  }
0x3b7: {  	v50 =	vmul.f32 $1.442695020e+00, v49;
	v45 =	vadd.f32 v61, v43;
	(xrf2) =	vadd.scan.msk.f32 $0xffff, v25  }
0x3b8: {  	v23 =	vmul.f32 v32, v23;
	v53 =	vbroadcast v38, $0xF;
	v41 =	vadd.f32 v48, v51  }
0x3b9: {  	s29 =	simm.s32 $0x7FF0;
	v25 =	vbroadcast v50, $0xF;
	v38 =	vpop (erf);
	v52 =	vmul.f32 $2.000000030e-01, v45  }
0x3ba: {  	[tilespmem:s29+$0xFFFFFFC0] =	vst v23;
	v23 =	vmul.f32 v38, v37;
	v55 =	vmul.f32 $2.000000030e-01, v41  }
0x3bb: {  	(erf) = vpow2.f32 v25;
	v54 =	vmax.f32 v45, v52  }
0x3bc: {  	v56 =	vld [tilespmem:s8+$0x48D0];
	[tilespmem:s21+$0xFFFFFFF0] =	vst v23;
	v37 =	vmul.f32 v54, v6;
	v23 =	vmax.f32 v41, v55  }
0x3bd: {  	v25 =	vld [tilespmem:s8+$0x30D0];
	(erf) = vpow2.f32 v53;
	v23 =	vmul.f32 v23, v3  }
0x3be: {  	v57, _, _ =	vpop (xrf2);
	v49 =	vld [tilespmem:s14+$0x3100];
	(xrf2) =	vadd.scan.msk.f32 $0xffff, v37  }
0x3bf: {  	v59 =	vld [tilespmem:s14+$0x4900];
	v58 =	vmul.f32 $1.442695020e+00, v57;
	v60, _, _ =	vpop (xrf2)  }
0x3c0: {  	v39 =	vmul.f32 $1.442695020e+00, v60;
	(xrf2) =	vadd.scan.msk.f32 $0xffff, v23  }
0x3c1: {  	v37 =	vbroadcast v58, $0xF;
	v23, _, _ =	vpop (xrf2)  }
0x3c2: {  	v61 =	vbroadcast v39, $0xF;
	v23 =	vmul.f32 $1.442695020e+00, v23  }
0x3c3: {  	s1 =	simm.s32 $0x480;
	v62 =	vadd.f32 v56, v25;
	(erf) = vpow2.f32 v37  }
0x3c4: {  	v54 =	vld [tilespmem:s1+$0x48C0];
	v52 =	vadd.f32 v59, v49;
	v39 =	vpop (erf);
	(erf) = vpow2.f32 v61;
	v23 =	vbroadcast v23, $0xF  }
0x3c5: {  	v53 =	vmul.f32 $2.000000030e-01, v62;
	v63 =	vmul.f32 v39, v40;
	v40 =	vld [tilespmem:s1+$0x30C0]  }
0x3c6: {  	v55 =	vmul.f32 $2.000000030e-01, v52;
	v41 =	vpop (erf);
	(erf) = vpow2.f32 v23  }
0x3c7: {  	v37 =	vmax.f32 v62, v53;
	[tilespmem:s20+$0x0] =	vst v63  }
0x3c8: {  	v37 =	vmul.f32 v37, v1;
	v45 =	vmax.f32 v52, v55;
	v26 =	vmul.f32 v41, v26;
	v46 =	vld [tilespmem:s13+$0x3110];
	v56, _, _ =	vpop (xrf2)  }
0x3c9: {  	v45 =	vmul.f32 v45, v4;
	v23 =	vld [tilespmem:s13+$0x4910];
	v57 =	vmul.f32 $1.442695020e+00, v56  }
0x3ca: {  	(xrf2) =	vadd.scan.msk.f32 $0xffff, v37;
	[tilespmem:s18+$0xFFFFFFD0] =	vst v26;
	v26 =	vadd.f32 v54, v40;
	v58, _, _ =	vpop (xrf2)  }
0x3cb: {  	v47 =	vld [tilespmem:s12+$0x30E0];
	(xrf2) =	vadd.scan.msk.f32 $0xffff, v45;
	v59 =	vbroadcast v57, $0xF;
	v60 =	vmul.f32 $1.442695020e+00, v58  }
0x3cc: {  	v61 =	vld [tilespmem:s12+$0x48E0];
	v37 =	vpop (erf);
	v62 =	vmul.f32 $2.000000030e-01, v26  }
0x3cd: {  	v45 =	vpop (erf);
	(erf) = vpow2.f32 v59;
	v50 =	vbroadcast v60, $0xF  }
0x3ce: {  	v23 =	vadd.f32 v23, v46;
	v42 =	vmul.f32 v45, v42;
	v26 =	vmax.f32 v26, v62  }
0x3cf: {  	v26 =	vmul.f32 v26, v0;
	v48 =	vpop (erf);
	(erf) = vpow2.f32 v50  }
0x3d0: {  	v63 =	vmul.f32 $2.000000030e-01, v23;
	[tilespmem:s16+$0x10] =	vst v42  }
0x3d1: {  	v22 =	vmul.f32 v37, v22;
	v56 =	vadd.f32 v61, v47;
	v57 =	vmul.f32 v48, v44;
	v44 =	vld [tilespmem:s30+$0x3120];
	(xrf2) =	vadd.scan.msk.f32 $0xffff, v26  }
0x3d2: {  	s3 =	simm.s32 $0x8080;
	v23 =	vmax.f32 v23, v63;
	v26 =	vld [tilespmem:s30+$0x4920]  }
0x3d3: {  	v8 =	vnsel vm0, $0x0, v8;
	[tilespmem:s3+$0xFFFFFFC0] =	vst v22;
	v52 =	vmul.f32 $2.000000030e-01, v56;
	v23 =	vmul.f32 v23, v5  }
0x3d4: {  	v8 =	vsel vm1, v8, v10;
	v10 =	vld [tilespmem:s23+$0x48D0];
	v58, _, _ =	vpop (xrf2);
	[tilespmem:s17+$0xFFFFFFE0] =	vst v57  }
0x3d5: {  	v60, _, _ =	vpop (xrf2);
	(xrf2) =	vadd.scan.msk.f32 $0xffff, v23;
	v42 =	vld [tilespmem:s28+$0x30F0];
	v23 =	vmax.f32 v56, v52  }
0x3d6: {  	v59 =	vld [tilespmem:s28+$0x48F0];
	v62 =	vmul.f32 $1.442695020e+00, v60;
	v61 =	vmul.f32 v23, v2;
	v50 =	vpop (erf)  }
0x3d7: {  	v9 =	vnsel vm0, $0x0, v9;
	v23 =	vld [tilespmem:s23+$0x30D0];
	v22 =	vadd.f32 v26, v44;
	v26 =	vmul.f32 v50, v43  }
0x3d8: {  	v9 =	vsel vm1, v9, v13;
	v53 =	vmul.f32 $1.442695020e+00, v58;
	v63 =	vbroadcast v62, $0xF;
	(xrf2) =	vadd.scan.msk.f32 $0xffff, v61;
	v13 =	vpop (erf)  }
0x3d9: {  	v57 =	vmul.f32 $2.000000030e-01, v22;
	[tilespmem:s25+$0x20] =	vst v26;
	v51 =	vmul.f32 v13, v51  }
0x3da: {  	v11 =	vnsel vm0, $0x0, v11;
	v8 =	vsel vm2, v8, v14;
	(erf) = vpow2.f32 v63;
	v43 =	vld [tilespmem:s24+$0x3130]  }
0x3db: {  	v58 =	vbroadcast v53, $0xF;
	v26 =	vadd.f32 v59, v42;
	v22 =	vmax.f32 v22, v57;
	v59 =	vld [tilespmem:s24+$0x4930];
	v14, _, _ =	vpop (xrf2);
	[tilespmem:s19+$0xFFFFFFF0] =	vst v51  }
0x3dc: {  	v10 =	vadd.f32 v10, v23;
	v61 =	vmul.f32 v22, v6;
	v14 =	vmul.f32 $1.442695020e+00, v14;
	v22 =	vld [tilespmem:s11+$0x3100]  }
0x3dd: {  	v11 =	vsel vm1, v11, v16;
	(erf) = vpow2.f32 v58;
	v60 =	vmul.f32 $2.000000030e-01, v26;
	v16 =	vld [tilespmem:s11+$0x4900]  }
0x3de: {  	v63 =	vmul.f32 $2.000000030e-01, v10;
	(xrf2) =	vadd.scan.msk.f32 $0xffff, v61;
	v14 =	vbroadcast v14, $0xF  }
0x3df: {  	v9 =	vsel vm2, v9, v17;
	v26 =	vmax.f32 v26, v60  }
0x3e0: {  	v62, _, _ =	vpop (xrf2);
	v26 =	vmul.f32 v26, v3;
	v10 =	vmax.f32 v10, v63;
	v53 =	vadd.f32 v59, v43  }
0x3e1: {  	v8 =	vsel vm3, v8, v18;
	v51 =	vmul.f32 $1.442695020e+00, v62;
	v10 =	vmul.f32 v10, v1  }
0x3e2: {  	(erf) = vpow2.f32 v14;
	v17 =	vmul.f32 $2.000000030e-01, v53;
	v14, _, _ =	vpop (xrf2);
	v16 =	vadd.f32 v16, v22  }
0x3e3: {  	v11 =	vsel vm2, v11, v21;
	v51 =	vbroadcast v51, $0xF;
	v18 =	vpop (erf);
	v14 =	vmul.f32 $1.442695020e+00, v14  }
0x3e4: {  	s24 =	simm.s32 $0x500;
	(xrf2) =	vadd.scan.msk.f32 $0xffff, v26;
	v49 =	vmul.f32 v18, v49;
	v17 =	vmax.f32 v53, v17;
	v21 =	vmul.f32 $2.000000030e-01, v16  }
0x3e5: {  	v12 =	vnsel vm0, $0x0, v12;
	v26 =	vld [tilespmem:s24+$0x30C0];
	v17 =	vmul.f32 v17, v7;
	v14 =	vbroadcast v14, $0xF  }
0x3e6: {  	v12 =	vsel vm1, v12, v20;
	(xrf2) =	vadd.scan.msk.f32 $0xffff, v10;
	v10 =	vld [tilespmem:s24+$0x48C0];
	v20 =	vpop (erf);
	(erf) = vpow2.f32 v51;
	[tilespmem:s21+$0x0] =	vst v49  }
0x3e7: {  	(xrf2) =	vadd.scan.msk.f32 $0xffff, v17;
	v17 =	vld [tilespmem:s14+$0x4910];
	(erf) = vpow2.f32 v14;
	v14 =	vnsel vm0, $0x0, v15;
	v15 =	vmul.f32 v20, v25  }
0x3e8: {  	v16 =	vmax.f32 v16, v21;
	v25 =	vld [tilespmem:s14+$0x3110];
	v21, _, _ =	vpop (xrf2)  }
0x3e9: {  	[tilespmem:s29+$0xFFFFFFD0] =	vst v15;
	v15 =	vmul.f32 v16, v4;
	v16 =	vmul.f32 $1.442695020e+00, v21  }
0x3ea: {  	v8 =	vsel vm4, v8, v27;
	v27 =	vld [tilespmem:s8+$0x30E0]  }
0x3eb: {  	v10 =	vadd.f32 v10, v26;
	v21 =	vld [tilespmem:s8+$0x48E0];
	v16 =	vbroadcast v16, $0xF  }
0x3ec: {  	v19 =	vnsel vm0, $0x0, v19;
	v9 =	vsel vm3, v9, v24;
	v12 =	vsel vm2, v12, v30  }
0x3ed: {  	v11 =	vsel vm3, v11, v31;
	v24 =	vmul.f32 $2.000000030e-01, v10;
	v31 =	vpop (erf);
	(xrf2) =	vadd.scan.msk.f32 $0xffff, v15;
	v17 =	vadd.f32 v17, v25  }
0x3ee: {  	v14 =	vsel vm1, v14, v28;
	v28 =	vnsel vm0, $0x0, v29;
	v15, _, _ =	vpop (xrf2);
	(erf) = vpow2.f32 v16  }
0x3ef: {  	v10 =	vmax.f32 v10, v24;
	v15 =	vmul.f32 $1.442695020e+00, v15;
	v30 =	vmul.f32 $2.000000030e-01, v17;
	v16 =	vpop (erf)  }
0x3f0: {  	v10 =	vmul.f32 v10, v0;
	v21 =	vadd.f32 v21, v27;
	v29 =	vmul.f32 v16, v46  }
0x3f1: {  	v9 =	vsel vm4, v9, v33;
	v19 =	vsel vm1, v19, v34;
	v24, _, _ =	vpop (xrf2);
	v15 =	vbroadcast v15, $0xF  }
0x3f2: {  	v40 =	vmul.f32 v31, v40;
	(xrf2) =	vadd.scan.msk.f32 $0xffff, v10;
	v46 =	vpop (erf);
	v10 =	vmul.f32 $2.000000030e-01, v21;
	[tilespmem:s20+$0x10] =	vst v29  }
0x3f3: {  	s15 =	simm.s32 $0x8110;
	v17 =	vmax.f32 v17, v30;
	(erf) = vpow2.f32 v15;
	v15 =	vmul.f32 v46, v47;
	v30, _, _ =	vpop (xrf2);
	v29 =	vld [tilespmem:s13+$0x3120]  }
0x3f4: {  	v8 =	vsel vm5, v8, v35;
	v12 =	vsel vm3, v12, v38;
	[tilespmem:s15+$0xFFFFFFC0] =	vst v40;
	v49 =	vld [tilespmem:s13+$0x4920];
	v51 =	vmul.f32 $1.442695020e+00, v30  }
0x3f5: {  	v52 =	vsel vm4, v11, v39;
	v54 =	vsel vm6, v8, v50;
	v17 =	vmul.f32 v17, v5;
	v30 =	vld [tilespmem:s1+$0x30D0];
	[tilespmem:s18+$0xFFFFFFE0] =	vst v15  }
0x3f6: {  	v53 =	vsel vm2, v19, v48;
	v47 =	vsel vm1, v28, v41;
	v28 =	vld [tilespmem:s12+$0x30F0];
	v11 =	vbroadcast v51, $0xF  }
0x3f7: {  	v14 =	vsel vm2, v14, v36;
	(xrf2) =	vadd.scan.msk.f32 $0xffff, v17;
	v17 =	vnsel vm0, $0x0, v32;
	v8 =	vmax.f32 v21, v10;
	v19 =	vld [tilespmem:s12+$0x48F0];
	v10, _, _ =	vpop (xrf2)  }
0x3f8: {  	v21 =	vld [tilespmem:s1+$0x48D0];
	v15 =	vsel vm5, v9, v45;
	v9 =	vsel vm3, v14, v13;
	v55 =	vpop (erf);
	(erf) = vpow2.f32 v11  }
0x3f9: {  	v11 =	vsel vm1, v17, v20;
	v17 =	vmul.f32 $1.442695020e+00, v10;
	v20 =	vmul.f32 v55, v44  }
0x3fa: {  	v13 =	vmul.f32 v8, v2;
	v8 =	vsel vm5, v52, v16;
	v16 =	vmul.f32 $1.442695020e+00, v24  }
0x3fb: {  	v14 =	vsel vm4, v12, v18;
	v18 =	vadd.f32 v49, v29;
	v17 =	vbroadcast v17, $0xF  }
0x3fc: {  	(xrf2) =	vadd.scan.msk.f32 $0xffff, v13;
	v16 =	vbroadcast v16, $0xF;
	v19 =	vadd.f32 v19, v28  }
0x3fd: {  	v21 =	vadd.f32 v21, v30;
	[tilespmem:s16+$0x20] =	vst v20;
	v24 =	vmul.f32 $2.000000030e-01, v18;
	v20 =	vpop (erf);
	(erf) = vpow2.f32 v17  }
0x3fe: {  	v13 =	vld [tilespmem:s30+$0x3130];
	v56 =	vmul.f32 v20, v42;
	v17 =	vmul.f32 $2.000000030e-01, v19  }
0x3ff: {  	v57 =	vld [tilespmem:s30+$0x4930];
	(erf) = vpow2.f32 v16;
	v18 =	vmax.f32 v18, v24;
	v24 =	vmul.f32 $2.000000030e-01, v21  }
0x400: {  	v18 =	vmul.f32 v18, v6;
	[tilespmem:s17+$0xFFFFFFF0] =	vst v56  }
0x401: {  	v58, _, _ =	vpop (xrf2);
	v16 =	vnsel vm0, $0x0, v31;
	v17 =	vmax.f32 v19, v17;
	v24 =	vmax.f32 v21, v24;
	v31 =	vld [tilespmem:s28+$0x3100]  }
0x402: {  	v19, _, _ =	vpop (xrf2);
	v60 =	vmul.f32 v17, v3;
	(xrf2) =	vadd.scan.msk.f32 $0xffff, v18;
	v17 =	vsel vm3, v53, v20;
	v20 =	vmul.f32 v24, v1;
	v24 =	vld [tilespmem:s28+$0x4900]  }
0x403: {  	v10 =	vsel vm2, v47, v46;
	v59 =	vmul.f32 $1.442695020e+00, v58;
	v61 =	vpop (erf)  }
0x404: {  	v62 =	vmul.f32 $1.442695020e+00, v19;
	v19 =	vadd.f32 v57, v13;
	v63 =	vmul.f32 v61, v43  }
0x405: {  	v12 =	vsel vm6, v15, v55;
	v15 =	vnsel vm0, $0x0, v37;
	v21 =	vbroadcast v59, $0xF;
	(xrf2) =	vadd.scan.msk.f32 $0xffff, v60  }
0x406: {  	s30 =	simm.s32 $0x1600;
	v34, _, _ =	vpop (xrf2);
	v18 =	vsel vm7, v54, v61;
	v33 =	vbroadcast v62, $0xF;
	v32 =	vmul.f32 $2.000000030e-01, v19;
	[tilespmem:s25+$0x30] =	vst v63  }
.LBB2_9:
0x407: {  	s0 =	sshra.s32 s30, $0x2;
	p0 =	sne.s32 s30, $0x5E00;
	(erf) = vpow2.f32 v21;
	v21 =	vmul.f32 $1.442695020e+00, v34;
	v24 =	vadd.f32 v24, v31;
	v34 =	vpop (erf);
	[tilespmem:s25+$0x40] =	vst v18;
	s25 =	smov.u32 s16  }
0x408: {  	s16 =	smov.u32 s20;
	s20 =	smov.u32 s21;
	s21 =	smov.u32 s19;
	v18 =	vld [tilespmem:s0+$0x30C0];
	(xrf2) =	vadd.scan.msk.f32 $0xffff, v20;
	v20 =	vpop (erf);
	v35 =	vmul.f32 v34, v22;
	(erf) = vpow2.f32 v33;
	v19 =	vmax.f32 v19, v32  }
0x409: {  	s19 =	smov.u32 s17;
	s17 =	smov.u32 s18;
	s18 =	smov.u32 s29;
	v22 =	vmovc v31;
	v32 =	vld [tilespmem:s0+$0x48C0];
	v33 =	vsel vm1, v15, v20;
	v21 =	vbroadcast v21, $0xF;
	v36 =	vmul.f32 v19, v7;
	v15 =	vmovc v16  }
0x40a: {  	s29 =	smov.u32 s3;
	s3 =	smov.u32 s15;
	v31 =	vsel vm4, v9, v34;
	v16 =	vmul.f32 v20, v23;
	v20 =	vmul.f32 $2.000000030e-01, v24;
	v23 =	vmovc v30;
	[tilespmem:s21+$0x0] =	vst v35  }
0x40b: {  	v9 =	vmov v17;
	(erf) = vpow2.f32 v21;
	v21 =	vld [tilespmem:s11+$0x3110];
	(xrf2) =	vadd.scan.msk.f32 $0xffff, v36  }
0x40c: {  	[tilespmem:s29+$0xFFFFFFD0] =	vst v16;
	v16 =	vmax.f32 v24, v20;
	v17 =	vld [tilespmem:s11+$0x4910];
	v19, _, _ =	vpop (xrf2)  }
0x40d: {  	v20 =	vld [tilespmem:s23+$0x30E0];
	v16 =	vmul.f32 v16, v4;
	v19 =	vmul.f32 $1.442695020e+00, v19  }
0x40e: {  	v24 =	vadd.f32 v32, v18;
	v30 =	vld [tilespmem:s23+$0x48E0]  }
0x40f: {  	v32, _, _ =	vpop (xrf2);
	(xrf2) =	vadd.scan.msk.f32 $0xffff, v16;
	v19 =	vbroadcast v19, $0xF  }
0x410: {  	v34 =	vmul.f32 $2.000000030e-01, v24;
	v35 =	vpop (erf);
	v32 =	vmul.f32 $1.442695020e+00, v32  }
0x411: {  	v16 =	vnsel vm0, $0x0, v35;
	v17 =	vadd.f32 v17, v21;
	v36 =	vpop (erf);
	(erf) = vpow2.f32 v19  }
0x412: {  	v19 =	vmax.f32 v24, v34;
	v24, _, _ =	vpop (xrf2);
	v32 =	vbroadcast v32, $0xF;
	v34 =	vmul.f32 v36, v25  }
0x413: {  	v25 =	vmovc v21;
	v19 =	vmul.f32 v19, v0;
	v37 =	vadd.f32 v30, v20;
	v30 =	vmul.f32 $2.000000030e-01, v17  }
0x414: {  	v21 =	vmul.f32 v35, v26;
	v26 =	vpop (erf);
	(erf) = vpow2.f32 v32;
	[tilespmem:s20+$0x10] =	vst v34;
	v32 =	vsel vm5, v14, v36  }
0x415: {  	s15 =	sadd.s32 $0x90, s15;
	(xrf2) =	vadd.scan.msk.f32 $0xffff, v19;
	v19 =	vmul.f32 $2.000000030e-01, v37;
	v38 =	vmul.f32 v26, v27;
	v17 =	vmax.f32 v17, v30;
	v34 =	vld [tilespmem:s14+$0x3120];
	v27, _, _ =	vpop (xrf2)  }
0x416: {  	[tilespmem:s15+$0xFFFFFFC0] =	vst v21;
	v21 =	vsel vm2, v11, v26;
	v17 =	vmul.f32 v17, v5;
	v35 =	vld [tilespmem:s14+$0x4920];
	v36 =	vmul.f32 $1.442695020e+00, v27;
	v26 =	vmovc v18  }
0x417: {  	v14 =	vmov v31;
	v11 =	vmov v33;
	v27 =	vmov v20;
	v30 =	vld [tilespmem:s24+$0x30D0];
	[tilespmem:s18+$0xFFFFFFE0] =	vst v38  }
0x418: {  	v18 =	vmax.f32 v37, v19;
	v19 =	vld [tilespmem:s8+$0x30F0];
	(xrf2) =	vadd.scan.msk.f32 $0xffff, v17;
	v17 =	vbroadcast v36, $0xF  }
0x419: {  	v18 =	vmul.f32 v18, v2;
	v20 =	vld [tilespmem:s8+$0x48F0];
	v31, _, _ =	vpop (xrf2)  }
0x41a: {  	v33 =	vld [tilespmem:s24+$0x48D0];
	v37 =	vmul.f32 $1.442695020e+00, v31;
	v36 =	vpop (erf);
	(erf) = vpow2.f32 v17  }
0x41b: {  	v17 =	vmul.f32 $1.442695020e+00, v24;
	v24 =	vadd.f32 v35, v34;
	v35 =	vmul.f32 v36, v29;
	v29 =	vmovc v34  }
0x41c: {  	v34 =	vsel vm6, v8, v36;
	v8 =	vmovc v32;
	(xrf2) =	vadd.scan.msk.f32 $0xffff, v18;
	v18 =	vbroadcast v37, $0xF  }
0x41d: {  	v17 =	vbroadcast v17, $0xF;
	v31 =	vpop (erf);
	v32 =	vmul.f32 $2.000000030e-01, v24;
	[tilespmem:s16+$0x20] =	vst v35  }
0x41e: {  	v20 =	vadd.f32 v20, v19;
	v35 =	vmul.f32 v31, v28;
	(erf) = vpow2.f32 v18;
	v18 =	vld [tilespmem:s13+$0x3130];
	v28 =	vmovc v19  }
0x41f: {  	v19, _, _ =	vpop (xrf2);
	v33 =	vadd.f32 v33, v30;
	(erf) = vpow2.f32 v17;
	v24 =	vmax.f32 v24, v32;
	v32 =	vld [tilespmem:s13+$0x4930];
	s13 =	smov.u32 s14;
	s14 =	smov.u32 s11;
	s11 =	smov.u32 s28  }
0x420: {  	v17 =	vsel vm3, v10, v31;
	v10 =	vmovc v21;
	s28 =	smov.u32 s12;
	s12 =	smov.u32 s8;
	s8 =	smov.u32 s23;
	v37 =	vmul.f32 $2.000000030e-01, v20;
	[tilespmem:s17+$0xFFFFFFF0] =	vst v35;
	v35 =	vmul.f32 v24, v6  }
0x421: {  	s23 =	smov.u32 s1;
	s1 =	smov.u32 s24;
	s24 =	smov.u32 s0;
	v21 =	vmul.f32 $2.000000030e-01, v33;
	v31 =	vld [tilespmem:s28+$0x3100]  }
.Ltmp4:
0x422: {  	v20 =	vmax.f32 v20, v37;
	v24 =	vld [tilespmem:s28+$0x4900];
	v36, _, _ =	vpop (xrf2);
	(xrf2) =	vadd.scan.msk.f32 $0xffff, v35;
	(pc) =	sbr.rel @p0 .LBB2_9-.Ltmp4, $4  }
0x423: {  	v35 =	vmul.f32 $1.442695020e+00, v19;
	v33 =	vmax.f32 v33, v21;
	v37 =	vmul.f32 v20, v3;
	v38 =	vpop (erf)  }
0x424: {  	v36 =	vmul.f32 $1.442695020e+00, v36;
	v19 =	vadd.f32 v32, v18;
	v39 =	vmul.f32 v38, v13;
	v13 =	vmovc v18  }
0x425: {  	v21 =	vbroadcast v35, $0xF;
	v20 =	vmul.f32 v33, v1;
	v18 =	vsel vm7, v12, v38;
	v12 =	vmovc v34;
	(xrf2) =	vadd.scan.msk.f32 $0xffff, v37  }
0x426: {  	s30 =	sadd.s32 $0x200, s30;
	v33 =	vbroadcast v36, $0xF;
	v34, _, _ =	vpop (xrf2);
	v32 =	vmul.f32 $2.000000030e-01, v19;
	[tilespmem:s25+$0x30] =	vst v39  }
0x427: {  	_ =	sdelay $0x4  }
0x428: {  	v34 =	vmul.f32 $1.442695020e+00, v34;
	v35, _, _ =	vpop (xrf2)  }
0x429: {  	v35 =	vmul.f32 $1.442695020e+00, v35  }
0x42a: {  	(erf) = vpow2.f32 v21;
	v55 =	vbroadcast v34, $0xF  }
0x42b: {  	(erf) = vpow2.f32 v33;
	v56 =	vbroadcast v35, $0xF  }
0x42c: {  	(erf) = vpow2.f32 v55  }
0x42d: {  	(erf) = vpow2.f32 v56;
	_ =	sdelay $0x2  }
0x42e: {  	v58 =	vpop (erf)  }
0x42f: {  	v36 =	vpop (erf)  }
0x430: {  	[tilespmem:$0x1FF50] =	vst v58;
	v57, _, _ =	vpop (xrf2)  }
0x431: {  	[tilespmem:$0x1FF40] =	vst v36;
	v60 =	vpop (erf)  }
0x432: {  	v34 =	vmul.f32 v58, v22;
	[tilespmem:$0x1FFF0] =	vst v60;
	v62 =	vpop (erf)  }
0x433: {  	v59 =	vmul.f32 $1.442695020e+00, v57;
	[tilespmem:$0x1FF60] =	vst v62;
	v63 =	vpop (erf)  }
0x434: {  	[tilespmem:s19+$0x0] =	vst v34;
	v40 =	vpop (erf)  }
0x435: {  	v33 =	vbroadcast v59, $0xF;
	[tilespmem:$0x1FF70] =	vst v63;
	v29 =	vmul.f32 v40, v29  }
0x436: {  	v61 =	vadd.f32 v24, v31;
	v34 =	vld [tilespmem:s11+$0x3110];
	[tilespmem:$0x1FF80] =	vst v40  }
0x437: {  	(erf) = vpow2.f32 v33;
	[tilespmem:s20+$0x20] =	vst v29  }
0x438: {  	v19 =	vmax.f32 v19, v32;
	v39 =	vmul.f32 $2.000000030e-01, v61;
	v45 =	vld [tilespmem:s13+$0x3130]  }
0x439: {  	v36 =	vmul.f32 v36, v23;
	v19 =	vmul.f32 v19, v7  }
0x43a: {  	(xrf2) =	vadd.scan.msk.f32 $0xffff, v20;
	v33 =	vmax.f32 v61, v39  }
0x43b: {  	(xrf2) =	vadd.scan.msk.f32 $0xffff, v19;
	v42 =	vmul.f32 v33, v4;
	[tilespmem:s3+$0xFFFFFFD0] =	vst v36;
	v41 =	vld [tilespmem:s11+$0x4910]  }
0x43c: {  	v44 =	vmul.f32 v62, v25;
	v35 =	vld [tilespmem:s23+$0x30E0]  }
0x43d: {  	v46 =	vmul.f32 v60, v26;
	(xrf2) =	vadd.scan.msk.f32 $0xffff, v42;
	v43 =	vld [tilespmem:s23+$0x48E0];
	[tilespmem:$0x1FFE0] =	vst v45  }
0x43e: {  	s0 =	sadd.s32 $0x90, s15;
	v48 =	vmul.f32 v63, v27;
	[tilespmem:s21+$0x10] =	vst v44;
	v47 =	vld [tilespmem:s13+$0x4930]  }
0x43f: {  	[tilespmem:s0+$0xFFFFFFC0] =	vst v46;
	v36 =	vld [tilespmem:s14+$0x3120]  }
0x440: {  	v50 =	vpop (erf);
	[tilespmem:s29+$0xFFFFFFE0] =	vst v48;
	v49 =	vld [tilespmem:s14+$0x4920]  }
0x441: {  	v38 =	vld [tilespmem:s24+$0x30D0];
	[tilespmem:$0x1FF90] =	vst v50  }
0x442: {  	v28 =	vmul.f32 v50, v28;
	v51 =	vadd.f32 v41, v34;
	v37 =	vld [tilespmem:s8+$0x30F0]  }
0x443: {  	v53 =	vld [tilespmem:s8+$0x48F0]  }
0x444: {  	v41, _, _ =	vpop (xrf2);
	v54 =	vmul.f32 $2.000000030e-01, v51;
	v39 =	vld [tilespmem:s24+$0x48D0];
	[tilespmem:s18+$0xFFFFFFF0] =	vst v28  }
0x445: {  	v52 =	vadd.f32 v43, v35;
	v42, _, _ =	vpop (xrf2);
	v40 =	vld [tilespmem:s12+$0x3100]  }
0x446: {  	v42 =	vmul.f32 $1.442695020e+00, v42;
	v27 =	vmax.f32 v51, v54;
	v56 =	vld [tilespmem:s12+$0x4900]  }
0x447: {  	v43, _, _ =	vpop (xrf2);
	v55 =	vmul.f32 $2.000000030e-01, v52;
	v27 =	vmul.f32 v27, v5;
	v19 =	vadd.f32 v49, v36  }
0x448: {  	v58 =	vmul.f32 $1.442695020e+00, v43;
	v32 =	vadd.f32 v53, v37  }
0x449: {  	v42 =	vbroadcast v42, $0xF;
	v28 =	vmax.f32 v52, v55;
	(xrf2) =	vadd.scan.msk.f32 $0xffff, v27;
	v57 =	vmul.f32 $2.000000030e-01, v19  }
0x44a: {  	v28 =	vmul.f32 v28, v2;
	v39 =	vadd.f32 v39, v38;
	v59 =	vmul.f32 $2.000000030e-01, v32  }
0x44b: {  	v20 =	vadd.f32 v47, v45;
	v33 =	vadd.f32 v56, v40;
	v19 =	vmax.f32 v19, v57  }
0x44c: {  	(xrf2) =	vadd.scan.msk.f32 $0xffff, v28;
	v60 =	vmul.f32 $2.000000030e-01, v39;
	v19 =	vmul.f32 v19, v6;
	v29 =	vmax.f32 v32, v59  }
0x44d: {  	v61 =	vmul.f32 $2.000000030e-01, v20;
	v29 =	vmul.f32 v29, v3  }
0x44e: {  	(erf) = vpow2.f32 v42;
	v62 =	vmul.f32 $2.000000030e-01, v33;
	v28 =	vmax.f32 v39, v60;
	(xrf2) =	vadd.scan.msk.f32 $0xffff, v19  }
0x44f: {  	v27 =	vbroadcast v58, $0xF;
	v28 =	vmul.f32 v28, v1;
	v19 =	vmax.f32 v20, v61;
	(xrf2) =	vadd.scan.msk.f32 $0xffff, v29  }
0x450: {  	v63 =	vmax.f32 v33, v62;
	v19 =	vmul.f32 v19, v7  }
0x451: {  	(erf) = vpow2.f32 v27;
	v20 =	vmul.f32 v63, v4;
	(xrf2) =	vadd.scan.msk.f32 $0xffff, v28  }
0x452: {  	v23 =	vmul.f32 $1.442695020e+00, v41;
	(xrf2) =	vadd.scan.msk.f32 $0xffff, v19  }
0x453: {  	v32, _, _ =	vpop (xrf2);
	(xrf2) =	vadd.scan.msk.f32 $0xffff, v20  }
0x454: {  	v33 =	vbroadcast v23, $0xF;
	v19 =	vmul.f32 $1.442695020e+00, v32;
	_ =	sdelay $0x1  }
0x455: {  	(erf) = vpow2.f32 v33;
	v39, _, _ =	vpop (xrf2);
	v19 =	vbroadcast v19, $0xF  }
0x456: {  	v42 =	vpop (erf);
	v20 =	vmul.f32 $1.442695020e+00, v39  }
0x457: {  	(erf) = vpow2.f32 v19;
	v41, _, _ =	vpop (xrf2)  }
0x458: {  	v45 =	vbroadcast v20, $0xF;
	v43 =	vmul.f32 $1.442695020e+00, v41;
	v46, _, _ =	vpop (xrf2)  }
0x459: {  	v44 =	vpop (erf);
	v47 =	vmul.f32 $1.442695020e+00, v46  }
0x45a: {  	(erf) = vpow2.f32 v45;
	v48, _, _ =	vpop (xrf2);
	v29 =	vbroadcast v43, $0xF  }
0x45b: {  	v49, _, _ =	vpop (xrf2);
	v19 =	vbroadcast v47, $0xF  }
0x45c: {  	v50, _, _ =	vpop (xrf2);
	(erf) = vpow2.f32 v29;
	v29 =	vmul.f32 $1.442695020e+00, v49  }
0x45d: {  	[tilespmem:$0x1FFA0] =	vst v42;
	v51 =	vmul.f32 v44, v31;
	v32 =	vmul.f32 $1.442695020e+00, v50  }
0x45e: {  	[tilespmem:$0x1FFC0] =	vst v44;
	v53 =	vpop (erf);
	(erf) = vpow2.f32 v19;
	v52 =	vbroadcast v29, $0xF  }
0x45f: {  	[tilespmem:$0x1FFB0] =	vst v53;
	v20 =	vmul.f32 $1.442695020e+00, v48;
	v32 =	vbroadcast v32, $0xF  }
0x460: {  	v54 =	vmul.f32 v53, v30;
	[tilespmem:s17+$0x0] =	vst v51;
	v55 =	vpop (erf);
	(erf) = vpow2.f32 v52  }
0x461: {  	v20 =	vbroadcast v20, $0xF;
	v19 =	vld [tilespmem:s28+$0x3110];
	[tilespmem:$0x1FFD0] =	vst v55;
	(erf) = vpow2.f32 v32  }
0x462: {  	v57 =	vmul.f32 v55, v34;
	[tilespmem:s15+$0xFFFFFFD0] =	vst v54;
	v56 =	vld [tilespmem:s28+$0x4910]  }
0x463: {  	v31 =	vpop (erf);
	v41 =	vld [tilespmem:s1+$0x30E0];
	(erf) = vpow2.f32 v20  }
0x464: {  	v59 =	vmul.f32 v31, v35;
	v58 =	vld [tilespmem:s1+$0x48E0];
	[tilespmem:s19+$0x10] =	vst v57  }
0x465: {  	v43 =	vld [tilespmem:s11+$0x3120];
	v34 =	vpop (erf)  }
0x466: {  	v60 =	vld [tilespmem:s11+$0x4920];
	[tilespmem:s3+$0xFFFFFFE0] =	vst v59;
	v61 =	vmul.f32 v34, v36  }
0x467: {  	v44 =	vld [tilespmem:s23+$0x30F0];
	v32 =	vpop (erf)  }
0x468: {  	v62 =	vld [tilespmem:s23+$0x48F0];
	v37 =	vmul.f32 v32, v37;
	[tilespmem:s21+$0x20] =	vst v61  }
0x469: {  	v45 =	vadd.f32 v56, v19;
	v35 =	vld [tilespmem:s14+$0x3130];
	v36 =	vpop (erf)  }
0x46a: {  	v20 =	vadd.f32 v58, v41;
	v46 =	vld [tilespmem:s14+$0x4930];
	[tilespmem:s29+$0xFFFFFFF0] =	vst v37;
	v33 =	vpop (erf)  }
0x46b: {  	v47 =	vmul.f32 $2.000000030e-01, v45;
	v48 =	vld [tilespmem:s8+$0x3100];
	v40 =	vmul.f32 v33, v40  }
0x46c: {  	v39 =	vadd.f32 v60, v43;
	v50 =	vmul.f32 $2.000000030e-01, v20;
	v49 =	vld [tilespmem:s8+$0x4900];
	v37 =	vpop (erf)  }
0x46d: {  	v42 =	vadd.f32 v62, v44;
	v45 =	vmax.f32 v45, v47;
	v38 =	vmul.f32 v37, v38;
	[tilespmem:s18+$0x0] =	vst v40  }
0x46e: {  	v24 =	vmul.f32 $2.000000030e-01, v39;
	v63 =	vmul.f32 v45, v5;
	v47 =	vld [tilespmem:s12+$0x3110]  }
0x46f: {  	v20 =	vmax.f32 v20, v50;
	v27 =	vmul.f32 $2.000000030e-01, v42;
	[tilespmem:s0+$0xFFFFFFD0] =	vst v38;
	v25 =	vld [tilespmem:s12+$0x4910]  }
0x470: {  	v20 =	vmul.f32 v20, v2;
	v39 =	vmax.f32 v39, v24;
	(xrf2) =	vadd.scan.msk.f32 $0xffff, v63;
	v26 =	vadd.f32 v46, v35;
	v50 =	vld [tilespmem:s24+$0x30E0]  }
0x471: {  	v39 =	vmul.f32 v39, v6;
	v28 =	vadd.f32 v49, v48;
	v29 =	vld [tilespmem:s24+$0x48E0]  }
0x472: {  	v42 =	vmax.f32 v42, v27;
	(xrf2) =	vadd.scan.msk.f32 $0xffff, v20;
	v30 =	vmul.f32 $2.000000030e-01, v26  }
0x473: {  	v42 =	vmul.f32 v42, v3;
	(xrf2) =	vadd.scan.msk.f32 $0xffff, v39;
	v45 =	vmul.f32 $2.000000030e-01, v28  }
0x474: {  	v20 =	vmax.f32 v26, v30;
	v38 =	vadd.f32 v25, v47  }
0x475: {  	(xrf2) =	vadd.scan.msk.f32 $0xffff, v42;
	v20 =	vmul.f32 v20, v7;
	v39 =	vmax.f32 v28, v45  }
0x476: {  	v39 =	vmul.f32 v39, v4;
	v46 =	vadd.f32 v29, v50;
	v49 =	vmul.f32 $2.000000030e-01, v38  }
0x477: {  	(xrf2) =	vadd.scan.msk.f32 $0xffff, v20  }
0x478: {  	(xrf2) =	vadd.scan.msk.f32 $0xffff, v39;
	v51 =	vmul.f32 $2.000000030e-01, v46;
	v38 =	vmax.f32 v38, v49  }
0x479: {  	v38 =	vmul.f32 v38, v5  }
0x47a: {  	v52, _, _ =	vpop (xrf2);
	v20 =	vmax.f32 v46, v51  }
0x47b: {  	v39 =	vmul.f32 $1.442695020e+00, v52;
	v20 =	vmul.f32 v20, v2;
	(xrf2) =	vadd.scan.msk.f32 $0xffff, v38  }
0x47c: {  	v53, _, _ =	vpop (xrf2)  }
0x47d: {  	v54, _, _ =	vpop (xrf2);
	v39 =	vbroadcast v39, $0xF;
	v38 =	vmul.f32 $1.442695020e+00, v53;
	(xrf2) =	vadd.scan.msk.f32 $0xffff, v20  }
0x47e: {  	v55 =	vmul.f32 $1.442695020e+00, v54  }
0x47f: {  	v56, _, _ =	vpop (xrf2);
	(erf) = vpow2.f32 v39;
	v38 =	vbroadcast v38, $0xF  }
0x480: {  	v57 =	vmul.f32 $1.442695020e+00, v56  }
0x481: {  	v20 =	vbroadcast v55, $0xF;
	(erf) = vpow2.f32 v38;
	v58, _, _ =	vpop (xrf2)  }
0x482: {  	v38 =	vbroadcast v57, $0xF;
	v59 =	vmul.f32 $1.442695020e+00, v58;
	v60, _, _ =	vpop (xrf2)  }
0x483: {  	(erf) = vpow2.f32 v20;
	v39 =	vmul.f32 $1.442695020e+00, v60  }
0x484: {  	v20 =	vbroadcast v59, $0xF  }
0x485: {  	(erf) = vpow2.f32 v38;
	v61 =	vbroadcast v39, $0xF;
	v62, _, _ =	vpop (xrf2)  }
0x486: {  	(erf) = vpow2.f32 v20;
	v63 =	vmul.f32 $1.442695020e+00, v62  }
0x487: {  	(erf) = vpow2.f32 v61;
	v24, _, _ =	vpop (xrf2)  }
0x488: {  	v39 =	vpop (erf);
	v25 =	vmul.f32 $1.442695020e+00, v24;
	v20 =	vbroadcast v63, $0xF  }
0x489: {  	v19 =	vmul.f32 v39, v19  }
0x48a: {  	v38 =	vpop (erf);
	v26 =	vbroadcast v25, $0xF;
	(erf) = vpow2.f32 v20  }
0x48b: {  	[tilespmem:s17+$0x10] =	vst v19;
	v27 =	vmul.f32 v38, v41  }
0x48c: {  	v42 =	vpop (erf);
	v51 =	vld [tilespmem:s28+$0x3120];
	(erf) = vpow2.f32 v26  }
0x48d: {  	v28 =	vld [tilespmem:s28+$0x4920];
	v29 =	vmul.f32 v42, v43;
	[tilespmem:s15+$0xFFFFFFE0] =	vst v27  }
0x48e: {  	v41 =	vpop (erf);
	v52 =	vld [tilespmem:s1+$0x30F0]  }
0x48f: {  	v60 =	vmul.f32 v41, v44;
	v30 =	vld [tilespmem:s1+$0x48F0];
	[tilespmem:s19+$0x20] =	vst v29;
	v46 =	vpop (erf)  }
0x490: {  	v45 =	vld [tilespmem:s11+$0x3130];
	v40 =	vpop (erf)  }
0x491: {  	v53 =	vld [tilespmem:s11+$0x4930];
	[tilespmem:s3+$0xFFFFFFF0] =	vst v60;
	v61 =	vmul.f32 v40, v48  }
0x492: {  	v55 =	vld [tilespmem:s23+$0x3100]  }
0x493: {  	v62 =	vld [tilespmem:s23+$0x4900];
	[tilespmem:s29+$0x0] =	vst v61;
	v43 =	vpop (erf)  }
0x494: {  	v63 =	vadd.f32 v28, v51;
	v20 =	vld [tilespmem:s8+$0x3110];
	v47 =	vmul.f32 v43, v47  }
0x495: {  	v54 =	vld [tilespmem:s8+$0x4910];
	v44 =	vpop (erf)  }
0x496: {  	v56 =	vmul.f32 $2.000000030e-01, v63;
	v21 =	vmul.f32 v44, v50;
	[tilespmem:s18+$0x10] =	vst v47  }
0x497: {  	v49 =	vadd.f32 v30, v52;
	v50 =	vld [tilespmem:s12+$0x3120]  }
0x498: {  	v53 =	vadd.f32 v53, v45;
	v19 =	vmax.f32 v63, v56;
	v22 =	vld [tilespmem:s12+$0x4920];
	[tilespmem:s0+$0xFFFFFFE0] =	vst v21  }
0x499: {  	v23 =	vmul.f32 $2.000000030e-01, v49;
	v48 =	vadd.f32 v62, v55;
	v19 =	vmul.f32 v19, v6;
	v57 =	vld [tilespmem:s24+$0x30F0]  }
0x49a: {  	v58 =	vmul.f32 $2.000000030e-01, v53;
	v54 =	vadd.f32 v54, v20;
	v59 =	vld [tilespmem:s24+$0x48F0]  }
0x49b: {  	v24 =	vmul.f32 $2.000000030e-01, v48;
	v47 =	vmax.f32 v49, v23;
	(xrf2) =	vadd.scan.msk.f32 $0xffff, v19  }
0x49c: {  	v25 =	vmax.f32 v53, v58;
	v47 =	vmul.f32 v47, v3;
	v26 =	vmul.f32 $2.000000030e-01, v54  }
0x49d: {  	v49 =	vmul.f32 v25, v7;
	v19 =	vmax.f32 v48, v24;
	v27 =	vadd.f32 v22, v50  }
0x49e: {  	v19 =	vmul.f32 v19, v4;
	(xrf2) =	vadd.scan.msk.f32 $0xffff, v47;
	v28 =	vmax.f32 v54, v26  }
0x49f: {  	(xrf2) =	vadd.scan.msk.f32 $0xffff, v49;
	v47 =	vmul.f32 v28, v5;
	v30 =	vadd.f32 v59, v57;
	v29 =	vmul.f32 $2.000000030e-01, v27  }
0x4a0: {  	(xrf2) =	vadd.scan.msk.f32 $0xffff, v19  }
0x4a1: {  	(xrf2) =	vadd.scan.msk.f32 $0xffff, v47;
	v49 =	vmul.f32 $2.000000030e-01, v30;
	v48 =	vmax.f32 v27, v29  }
0x4a2: {  	v19 =	vmul.f32 v48, v6  }
0x4a3: {  	v47 =	vmax.f32 v30, v49  }
0x4a4: {  	v53 =	vmul.f32 v47, v3;
	(xrf2) =	vadd.scan.msk.f32 $0xffff, v19  }
0x4a5: {  	v54, _, _ =	vpop (xrf2)  }
0x4a6: {  	v47 =	vmul.f32 $1.442695020e+00, v54;
	(xrf2) =	vadd.scan.msk.f32 $0xffff, v53;
	_ =	sdelay $0x1  }
0x4a7: {  	v56, _, _ =	vpop (xrf2);
	v47 =	vbroadcast v47, $0xF  }
0x4a8: {  	v19 =	vmul.f32 $1.442695020e+00, v56;
	v58, _, _ =	vpop (xrf2)  }
0x4a9: {  	v59 =	vmul.f32 $1.442695020e+00, v58;
	v60, _, _ =	vpop (xrf2);
	(erf) = vpow2.f32 v47  }
0x4aa: {  	v19 =	vbroadcast v19, $0xF;
	v48 =	vmul.f32 $1.442695020e+00, v60;
	v61, _, _ =	vpop (xrf2)  }
0x4ab: {  	v47 =	vbroadcast v59, $0xF;
	v49 =	vmul.f32 $1.442695020e+00, v61  }
0x4ac: {  	(erf) = vpow2.f32 v19;
	v62 =	vbroadcast v48, $0xF  }
0x4ad: {  	(erf) = vpow2.f32 v47;
	v63 =	vbroadcast v49, $0xF;
	v21, _, _ =	vpop (xrf2)  }
0x4ae: {  	(erf) = vpow2.f32 v62;
	v22 =	vmul.f32 $1.442695020e+00, v21  }
0x4af: {  	(erf) = vpow2.f32 v63;
	v23, _, _ =	vpop (xrf2)  }
0x4b0: {  	v47 =	vmul.f32 $1.442695020e+00, v23;
	v19 =	vbroadcast v22, $0xF;
	_ =	sdelay $0x1  }
0x4b1: {  	v24 =	vbroadcast v47, $0xF;
	(erf) = vpow2.f32 v19  }
0x4b2: {  	v49 =	vpop (erf)  }
0x4b3: {  	v25 =	vmul.f32 v49, v51;
	(erf) = vpow2.f32 v24  }
0x4b4: {  	v47 =	vpop (erf)  }
0x4b5: {  	[tilespmem:s17+$0x20] =	vst v25;
	v26 =	vmul.f32 v47, v52;
	v54 =	vpop (erf)  }
0x4b6: {  	v53 =	vld [tilespmem:s28+$0x3130];
	v48 =	vpop (erf)  }
0x4b7: {  	v27 =	vld [tilespmem:s28+$0x4930];
	[tilespmem:s15+$0xFFFFFFF0] =	vst v26;
	v28 =	vmul.f32 v48, v55  }
0x4b8: {  	v58 =	vld [tilespmem:s1+$0x3100];
	v51 =	vpop (erf)  }
0x4b9: {  	v29 =	vld [tilespmem:s1+$0x4900];
	[tilespmem:s3+$0x0] =	vst v28;
	v30 =	vmul.f32 v51, v20  }
0x4ba: {  	v22 =	vld [tilespmem:s23+$0x3110];
	v52 =	vpop (erf)  }
0x4bb: {  	v60 =	vld [tilespmem:s23+$0x4910];
	[tilespmem:s29+$0x10] =	vst v30;
	v23 =	vmul.f32 v52, v50  }
0x4bc: {  	v61 =	vld [tilespmem:s8+$0x3120];
	v50 =	vpop (erf)  }
0x4bd: {  	v62 =	vld [tilespmem:s8+$0x4920];
	v24 =	vmul.f32 v50, v57;
	[tilespmem:s18+$0x20] =	vst v23  }
0x4be: {  	v55 =	vld [tilespmem:s12+$0x3130]  }
0x4bf: {  	v56 =	vadd.f32 v27, v53;
	v25 =	vld [tilespmem:s12+$0x4930];
	[tilespmem:s0+$0xFFFFFFF0] =	vst v24  }
0x4c0: {  	v26 =	vadd.f32 v29, v58;
	v63 =	vld [tilespmem:s24+$0x3100]  }
0x4c1: {  	v27 =	vmul.f32 $2.000000030e-01, v56;
	v60 =	vadd.f32 v60, v22;
	v28 =	vld [tilespmem:s24+$0x4900]  }
0x4c2: {  	v29 =	vmul.f32 $2.000000030e-01, v26  }
0x4c3: {  	v56 =	vmax.f32 v56, v27;
	v30 =	vmul.f32 $2.000000030e-01, v60  }
0x4c4: {  	v56 =	vmul.f32 v56, v7;
	v19 =	vmax.f32 v26, v29;
	v62 =	vadd.f32 v62, v61  }
0x4c5: {  	v19 =	vmul.f32 v19, v4;
	v59 =	vmax.f32 v60, v30;
	v57 =	vadd.f32 v25, v55  }
0x4c6: {  	(xrf2) =	vadd.scan.msk.f32 $0xffff, v56;
	v24 =	vmul.f32 v59, v5;
	v25 =	vmul.f32 $2.000000030e-01, v62;
	v21 =	vadd.f32 v28, v63  }
0x4c7: {  	(xrf2) =	vadd.scan.msk.f32 $0xffff, v19;
	v26 =	vmul.f32 $2.000000030e-01, v57  }
0x4c8: {  	(xrf2) =	vadd.scan.msk.f32 $0xffff, v24;
	v20 =	vmax.f32 v62, v25;
	v27 =	vmul.f32 $2.000000030e-01, v21  }
0x4c9: {  	v20 =	vmul.f32 v20, v6;
	v19 =	vmax.f32 v57, v26  }
0x4ca: {  	v19 =	vmul.f32 v19, v7;
	v21 =	vmax.f32 v21, v27  }
0x4cb: {  	(xrf2) =	vadd.scan.msk.f32 $0xffff, v20;
	v28 =	vmul.f32 v21, v4  }
0x4cc: {  	(xrf2) =	vadd.scan.msk.f32 $0xffff, v19  }
0x4cd: {  	(xrf2) =	vadd.scan.msk.f32 $0xffff, v28;
	_ =	sdelay $0x2  }
0x4ce: {  	v29, _, _ =	vpop (xrf2)  }
0x4cf: {  	v19 =	vmul.f32 $1.442695020e+00, v29;
	v30, _, _ =	vpop (xrf2)  }
0x4d0: {  	v20 =	vmul.f32 $1.442695020e+00, v30;
	v56, _, _ =	vpop (xrf2)  }
0x4d1: {  	v19 =	vbroadcast v19, $0xF;
	v21 =	vmul.f32 $1.442695020e+00, v56  }
0x4d2: {  	v20 =	vbroadcast v20, $0xF  }
0x4d3: {  	(erf) = vpow2.f32 v19;
	v57 =	vbroadcast v21, $0xF;
	v59, _, _ =	vpop (xrf2)  }
0x4d4: {  	(erf) = vpow2.f32 v20;
	v60 =	vmul.f32 $1.442695020e+00, v59;
	v62, _, _ =	vpop (xrf2)  }
0x4d5: {  	(erf) = vpow2.f32 v57;
	v24 =	vmul.f32 $1.442695020e+00, v62;
	v25, _, _ =	vpop (xrf2)  }
0x4d6: {  	v20 =	vbroadcast v60, $0xF;
	v21 =	vmul.f32 $1.442695020e+00, v25  }
0x4d7: {  	v19 =	vbroadcast v24, $0xF  }
0x4d8: {  	(erf) = vpow2.f32 v20;
	v26 =	vbroadcast v21, $0xF  }
0x4d9: {  	(erf) = vpow2.f32 v19  }
0x4da: {  	(erf) = vpow2.f32 v26;
	_ =	sdelay $0x1  }
0x4db: {  	v60 =	vpop (erf)  }
0x4dc: {  	v56 =	vpop (erf)  }
0x4dd: {  	v27 =	vmul.f32 v56, v58  }
0x4de: {  	v58 =	vpop (erf)  }
0x4df: {  	[tilespmem:s15+$0x0] =	vst v27;
	v28 =	vmul.f32 v58, v22  }
0x4e0: {  	v26 =	vld [tilespmem:s1+$0x3110];
	v59 =	vpop (erf)  }
0x4e1: {  	v29 =	vld [tilespmem:s1+$0x4910];
	[tilespmem:s3+$0x10] =	vst v28;
	v30 =	vmul.f32 v59, v61;
	v61 =	vpop (erf)  }
0x4e2: {  	v25 =	vld [tilespmem:s23+$0x3120];
	v57 =	vpop (erf)  }
0x4e3: {  	v22 =	vld [tilespmem:s23+$0x4920];
	[tilespmem:s29+$0x20] =	vst v30;
	v27 =	vmul.f32 v57, v63  }
0x4e4: {  	v62 =	vld [tilespmem:s8+$0x3130]  }
0x4e5: {  	v28 =	vld [tilespmem:s8+$0x4930];
	[tilespmem:s0+$0x0] =	vst v27  }
0x4e6: {  	v24 =	vld [tilespmem:s24+$0x3110]  }
0x4e7: {  	v21 =	vadd.f32 v29, v26;
	v29 =	vld [tilespmem:s24+$0x4910];
	_ =	sdelay $0x1  }
0x4e8: {  	v30 =	vmul.f32 $2.000000030e-01, v21  }
0x4e9: {  	v22 =	vadd.f32 v22, v25  }
0x4ea: {  	v19 =	vmax.f32 v21, v30;
	v27 =	vadd.f32 v28, v62  }
0x4eb: {  	v19 =	vmul.f32 v19, v5;
	v28 =	vmul.f32 $2.000000030e-01, v22;
	v20 =	vadd.f32 v29, v24  }
0x4ec: {  	v29 =	vmul.f32 $2.000000030e-01, v27  }
0x4ed: {  	(xrf2) =	vadd.scan.msk.f32 $0xffff, v19;
	v30 =	vmax.f32 v22, v28;
	v63 =	vmul.f32 $2.000000030e-01, v20  }
0x4ee: {  	v19 =	vmul.f32 v30, v6;
	v21 =	vmax.f32 v27, v29  }
0x4ef: {  	v21 =	vmul.f32 v21, v7;
	v20 =	vmax.f32 v20, v63  }
0x4f0: {  	(xrf2) =	vadd.scan.msk.f32 $0xffff, v19;
	v23 =	vmul.f32 v20, v5  }
0x4f1: {  	(xrf2) =	vadd.scan.msk.f32 $0xffff, v21  }
0x4f2: {  	(xrf2) =	vadd.scan.msk.f32 $0xffff, v23;
	_ =	sdelay $0x4  }
0x4f3: {  	v27, _, _ =	vpop (xrf2)  }
0x4f4: {  	v19 =	vmul.f32 $1.442695020e+00, v27;
	_ =	sdelay $0x1  }
0x4f5: {  	v19 =	vbroadcast v19, $0xF;
	v28, _, _ =	vpop (xrf2)  }
0x4f6: {  	v20 =	vmul.f32 $1.442695020e+00, v28;
	v21, _, _ =	vpop (xrf2)  }
0x4f7: {  	(erf) = vpow2.f32 v19;
	v29 =	vmul.f32 $1.442695020e+00, v21;
	v30, _, _ =	vpop (xrf2)  }
0x4f8: {  	v20 =	vbroadcast v20, $0xF;
	v21 =	vmul.f32 $1.442695020e+00, v30  }
0x4f9: {  	v19 =	vbroadcast v29, $0xF  }
0x4fa: {  	(erf) = vpow2.f32 v20;
	v63 =	vbroadcast v21, $0xF  }
0x4fb: {  	(erf) = vpow2.f32 v19  }
0x4fc: {  	(erf) = vpow2.f32 v63;
	_ =	sdelay $0x4  }
0x4fd: {  	v30 =	vpop (erf)  }
0x4fe: {  	v21 =	vmul.f32 v30, v26  }
0x4ff: {  	v29 =	vpop (erf)  }
0x500: {  	[tilespmem:s15+$0x10] =	vst v21;
	v19 =	vmul.f32 v29, v25;
	v28 =	vpop (erf)  }
0x501: {  	v23 =	vld [tilespmem:s1+$0x3120];
	v63 =	vpop (erf)  }
0x502: {  	v25 =	vld [tilespmem:s1+$0x4920];
	[tilespmem:s3+$0x20] =	vst v19;
	v22 =	vmul.f32 v63, v24  }
0x503: {  	v27 =	vld [tilespmem:s23+$0x3130]  }
0x504: {  	v26 =	vld [tilespmem:s23+$0x4930];
	[tilespmem:s0+$0x10] =	vst v22  }
0x505: {  	v22 =	vld [tilespmem:s24+$0x3120]  }
0x506: {  	v20 =	vld [tilespmem:s24+$0x4920];
	_ =	sdelay $0x1  }
0x507: {  	v25 =	vadd.f32 v25, v23;
	_ =	sdelay $0x1  }
0x508: {  	v24 =	vmul.f32 $2.000000030e-01, v25;
	v26 =	vadd.f32 v26, v27  }
0x509: {  	v20 =	vadd.f32 v20, v22  }
0x50a: {  	v19 =	vmax.f32 v25, v24;
	v25 =	vmul.f32 $2.000000030e-01, v26  }
0x50b: {  	v21 =	vmul.f32 $2.000000030e-01, v20  }
0x50c: {  	v19 =	vmul.f32 v19, v6;
	v25 =	vmax.f32 v26, v25  }
0x50d: {  	v24 =	vmul.f32 v25, v7;
	v26 =	vmax.f32 v20, v21  }
0x50e: {  	(xrf2) =	vadd.scan.msk.f32 $0xffff, v19;
	v19 =	vmul.f32 v26, v6  }
0x50f: {  	(xrf2) =	vadd.scan.msk.f32 $0xffff, v24  }
0x510: {  	(xrf2) =	vadd.scan.msk.f32 $0xffff, v19;
	_ =	sdelay $0x7  }
0x511: {  	v25, _, _ =	vpop (xrf2)  }
0x512: {  	v19 =	vmul.f32 $1.442695020e+00, v25;
	v20, _, _ =	vpop (xrf2)  }
0x513: {  	v20 =	vmul.f32 $1.442695020e+00, v20;
	v26, _, _ =	vpop (xrf2)  }
0x514: {  	v19 =	vbroadcast v19, $0xF;
	v21 =	vmul.f32 $1.442695020e+00, v26  }
0x515: {  	v24 =	vbroadcast v20, $0xF  }
0x516: {  	(erf) = vpow2.f32 v19;
	v25 =	vbroadcast v21, $0xF  }
0x517: {  	(erf) = vpow2.f32 v24  }
0x518: {  	(erf) = vpow2.f32 v25;
	_ =	sdelay $0x6  }
0x519: {  	v24 =	vpop (erf)  }
0x51a: {  	v26 =	vmul.f32 v24, v23;
	v21 =	vpop (erf)  }
0x51b: {  	v20 =	vpop (erf)  }
0x51c: {  	[tilespmem:s15+$0x20] =	vst v26;
	v22 =	vmul.f32 v20, v22  }
0x51d: {  	v23 =	vld [tilespmem:s1+$0x3130]  }
0x51e: {  	v19 =	vld [tilespmem:s1+$0x4930];
	[tilespmem:s0+$0x20] =	vst v22  }
0x51f: {  	v22 =	vld [tilespmem:s24+$0x3130]  }
0x520: {  	v26 =	vld [tilespmem:s24+$0x4930];
	_ =	sdelay $0x2  }
0x521: {  	v25 =	vadd.f32 v19, v23;
	_ =	sdelay $0x1  }
0x522: {  	v19 =	vmul.f32 $2.000000030e-01, v25;
	v26 =	vadd.f32 v26, v22;
	_ =	sdelay $0x1  }
0x523: {  	v19 =	vmax.f32 v25, v19;
	v25 =	vmul.f32 $2.000000030e-01, v26;
	_ =	sdelay $0x1  }
0x524: {  	v26 =	vmax.f32 v26, v25;
	v25 =	vld [tilespmem:$0x1FF40];
	_ =	sdelay $0x4  }
0x525: {  	v15 =	vsel vm1, v15, v25;
	v25 =	vld [tilespmem:$0x1FF60];
	_ =	sdelay $0x1  }
0x526: {  	v19 =	vmul.f32 v19, v7;
	_ =	sdelay $0x1  }
0x527: {  	(xrf2) =	vadd.scan.msk.f32 $0xffff, v19;
	v19 =	vmul.f32 v26, v7;
	v26 =	vld [tilespmem:$0x1FF50]  }
0x528: {  	v14 =	vsel vm5, v14, v25;
	v25 =	vld [tilespmem:$0x1FF80];
	_ =	sdelay $0x3  }
0x529: {  	v9 =	vsel vm4, v9, v26;
	v26 =	vld [tilespmem:$0x1FF70]  }
0x52a: {  	v8 =	vsel vm6, v8, v25;
	v25 =	vld [tilespmem:$0x1FFA0];
	_ =	sdelay $0x4  }
0x52b: {  	v11 =	vsel vm2, v11, v26;
	v26 =	vld [tilespmem:$0x1FF90];
	[tilespmem:s25+$0x40] =	vst v18;
	v13 =	vmul.f32 v25, v13  }
0x52c: {  	(xrf2) =	vadd.scan.msk.f32 $0xffff, v19;
	v18 =	vld [tilespmem:$0x1FFB0]  }
0x52d: {  	v12 =	vsel vm7, v12, v25;
	v25 =	vld [tilespmem:$0x1FFC0];
	[tilespmem:s16+$0x30] =	vst v13  }
0x52e: {  	v13 =	vld [tilespmem:$0x1FFD0]  }
0x52f: {  	v19 =	vld [tilespmem:$0x1FFE0]  }
0x530: {  	v10 =	vsel vm3, v10, v26;
	v26, _, _ =	vpop (xrf2)  }
0x531: {  	v26 =	vmul.f32 $1.442695020e+00, v26  }
0x532: {  	v11 =	vsel vm3, v11, v32  }
0x533: {  	v11 =	vsel vm4, v11, v40;
	v26 =	vbroadcast v26, $0xF  }
0x534: {  	v9 =	vsel vm5, v9, v13;
	v13 =	vsel vm2, v15, v31;
	v15 =	vmul.f32 v36, v19  }
0x535: {  	v8 =	vsel vm7, v8, v36;
	v10 =	vsel vm4, v10, v33;
	(erf) = vpow2.f32 v26;
	[tilespmem:s16+$0x40] =	vst v12  }
0x536: {  	v17 =	vsel vm4, v17, v25;
	v25 =	vsel vm6, v14, v34;
	v34 =	vmul.f32 v46, v35;
	v31, _, _ =	vpop (xrf2);
	[tilespmem:s20+$0x30] =	vst v15  }
0x537: {  	v16 =	vsel vm1, v16, v18;
	v35 =	vmul.f32 v54, v45;
	v18 =	vmul.f32 $1.442695020e+00, v31;
	v15 =	vld [tilespmem:$0x1FFF0];
	[tilespmem:s20+$0x40] =	vst v8  }
0x538: {  	v45 =	vsel vm5, v10, v43;
	v12 =	vsel vm7, v25, v46;
	v17 =	vsel vm5, v17, v39;
	[tilespmem:s21+$0x30] =	vst v34  }
0x539: {  	v9 =	vsel vm6, v9, v42;
	v42 =	vsel vm6, v17, v49;
	v36 =	vbroadcast v18, $0xF;
	[tilespmem:s21+$0x40] =	vst v12  }
0x53a: {  	v13 =	vsel vm3, v13, v41;
	v9 =	vsel vm7, v9, v54;
	v46 =	vsel vm7, v42, v60;
	[tilespmem:s19+$0x30] =	vst v35  }
0x53b: {  	v13 =	vsel vm4, v13, v48;
	[tilespmem:s19+$0x40] =	vst v9;
	v9 =	vsel vm6, v45, v52;
	(erf) = vpow2.f32 v36  }
0x53c: {  	v49 =	vmul.f32 v61, v55;
	[tilespmem:s17+$0x40] =	vst v46;
	v58 =	vsel vm5, v13, v58;
	v9 =	vsel vm7, v9, v61  }
0x53d: {  	v39 =	vsel vm2, v16, v38;
	v54 =	vmul.f32 v28, v62;
	[tilespmem:s18+$0x40] =	vst v9;
	v9 =	vsel vm6, v58, v29  }
0x53e: {  	v55 =	vsel vm3, v39, v47;
	[tilespmem:s18+$0x30] =	vst v49;
	v9 =	vsel vm7, v9, v21;
	v15 =	vnsel vm0, $0x0, v15  }
0x53f: {  	[tilespmem:s29+$0x30] =	vst v54;
	v8 =	vsel vm1, v15, v37;
	v37 =	vmul.f32 v60, v53;
	v53 =	vsel vm5, v11, v51  }
0x540: {  	v12 =	vsel vm4, v55, v56;
	[tilespmem:s3+$0x40] =	vst v9;
	v8 =	vsel vm2, v8, v44;
	v10 =	vsel vm6, v53, v59  }
0x541: {  	v60 =	vpop (erf);
	v59 =	vmul.f32 v21, v27;
	[tilespmem:s17+$0x30] =	vst v37;
	v10 =	vsel vm7, v10, v28;
	v8 =	vsel vm3, v8, v50  }
0x542: {  	v12 =	vsel vm5, v12, v30;
	v61 =	vmul.f32 v60, v23;
	[tilespmem:s29+$0x40] =	vst v10;
	v8 =	vsel vm4, v8, v57  }
0x543: {  	p0 =	sne.s32 s26, $0x6C;
	v12 =	vsel vm6, v12, v24;
	[tilespmem:s3+$0x30] =	vst v59;
	v8 =	vsel vm5, v8, v63  }
.Ltmp5:
0x544: {  	v10 =	vsel vm7, v12, v60;
	[tilespmem:s15+$0x30] =	vst v61;
	v62 =	vpop (erf);
	v8 =	vsel vm6, v8, v20;
	(pc) =	sbr.rel @p0 .LBB2_2-.Ltmp5, $4  }
0x545: {  	[tilespmem:s15+$0x40] =	vst v10;
	v63 =	vmul.f32 v62, v22;
	v8 =	vsel vm7, v8, v62  }
0x546: {  	[tilespmem:s0+$0x40] =	vst v8  }
0x547: {  	s30 =	simm.s32 $0x7BC0;
	s25 =	smov.u32 s26;
	[tilespmem:s0+$0x30] =	vst v63;
	s0 =	simm.s32 $0x96F0  }
0x548: {  	[spmem:s31] =	stream.indirect.scatter.add.f32 [tilespmem:s30], [sflag:$0x6], $0x90, s0, s22, $0xb8;
	[tilespmem:$0x1FB20] =	vst v63  }
0x549: {  	s0 =	simm.s32 $0x5  }
0x54a: {  	_ =	swait.ge [sflag:s0], $0x1B00  }
0x54b: {  	[sflag:s0] =	ssyncset.done $0x0  }
0x54c: {  	s29 =	simm.s32 $0x6;
	[sflag:s0] =	ssyncadd.s32 $0xFFFFE500  }
0x54d: {  	_ =	swait.ge [sflag:s29], $0x1B00  }
0x54e: {  	[sflag:s29] =	ssyncset.done $0x0  }
0x54f: {  	[sflag:s29] =	ssyncadd.s32 $0xFFFFE500  }
0x550: {  	[bflag:$0x0] =	sbarrier.arrive $0xFFFF  }
0x551: {  	s30 =	rddreg [dreg:$0xb]  }
0x552: {  	s11 =	rddreg [dreg:$0xd]  }
0x553: {  	s8 =	simm.s32 $0xB;
	s12 =	rddreg [dreg:$0xe]  }
0x554: {  	[hbm:s30], [sflag:s11] =	dma.local [spmem:s12], $0x2C70  }
0x555: {  	_ =	swait.ge [sflag:s8], $0x2C70  }
0x556: {  	s1 =	rddreg [dreg:$0xf]  }
0x557: {  	s31 =	rddreg [dreg:$0xc];
	s1 =	sadd.s32 $0x1, s1  }
0x558: {  	p0 =	sne.s32 s1, s31  }
.Ltmp6:
0x559: {  	_ = 	snop;
	(pc) =	sbr.rel @p0 .LBB2_1-.Ltmp6, $3  }
0x55a: {  	_ =	sdelay $0x1  }
0x55b: {  	[sflag:s8] =	ssyncset.done $0x0  }
0x55c: {  	[sflag:s8] =	ssyncadd.s32 $0xFFFFD390  }
0x55d: {  	_ =	sfence.sel $0x180000  }
0x55e: {  	[bflag:$0x0] =	sbarrier.arrive $0xFFFF  }
0x55f: {  	_ =	strace $0x9000004A  }
0x560: {  	s0 =	stileid.u32;
	[bflag:$0x2] =	sbarrier.arrive $0xFFFF  }
0x561: {  	p0 =	sne.s32 s0, $0x0;
	s0 =	rddreg [dreg:$0x2]  }
0x562: {  	s0 =	sadd.s32 @!p0 $0x100000, s0  }
0x563: {  	[sflag:s0] =	ssyncadd.tile.s32 @!p0 $0x1;
	_ =	shalt  }
.Lfunc_end2:
_tile_overlayer_lowered:
.L_overlay_start_2:
0x564: {  	(tag) =	ssettag $0x2  }
0x565: {  	s0 =	rddreg [dreg:$0x0];
	s2 =	stileid.u32  }
0x566: {  	s1 =	rddreg [dreg:$0x1];
	p0 =	sne.s32 s2, $0x0  }
0x567: {  	s3 =	rddreg [dreg:$0x2];
	[bflag:$0x3] =	sbarrier.arrive $0xFFFF;
	s2 =	simm.s32 @!p0 $0x1C0B  }
0x568: {  	[timem:s3], [sflag:s2] =	dma.local @!p0 [hbm:s0], s1  }
0x569: {  	s0 =	simm.s32 @!p0 $0xB  }
0x56a: {  	_ =	swait.ge @!p0 [sflag:s0], s1  }
0x56b: {  	s1 =	ssub.s32 @!p0 $0x0, s1;
	[sflag:s0] =	ssyncset.done @!p0 $0x0  }
0x56c: {  	[sflag:s0] =	ssyncadd.s32 @!p0 s1  }
0x56d: {  	[bflag:$0x3] =	sbarrier.arrive $0xFFFF  }
0x56e: {  	_ =	shalt  }

// kernel: kernel.7.cloned.1.call-start
scs
__scs_entry_jumppad:
0x0: {  	(pc) =	sbr.rel $0x88, $3  }
0x1: {  	(tag) =	ssettag $0x0;
	lr =	simm.s32 $0x1  }
0x2: {  	[smem:$0x3F92] =	sst lr;
	_ =	strace $0xD0000000  }
0x3: {  	_ = 	snop  }
0x4: {  	_ = 	snop  }
0x5: {  	_ = 	snop  }
0x6: {  	_ = 	snop  }
0x7: {  	_ = 	snop  }
__scs_overlays_trampoline_lowered:
0x8: {  	[smem:$0x3FA1] =	sst s0  }
0x9: {  	[smem:$0x3FA2] =	sst s1  }
0xa: {  	[smem:$0x3FA3] =	sst s2  }
0xb: {  	[smem:$0x3FA4] =	sst s3  }
0xc: {  	[smem:$0x3FA5] =	sst s4  }
0xd: {  	[smem:$0x3FA6] =	sst s5  }
0xe: {  	[smem:$0x3FA7] =	sst s6  }
0xf: {  	[smem:$0x3FA8] =	sst s7  }
0x10: {  	[smem:$0x3FA9] =	sst s8  }
0x11: {  	[smem:$0x3FAA] =	sst s9;
	s0 =	simm.s32 @!p0 $0x0  }
0x12: {  	s1 =	sld [smem:$0x3F90];
	s0 =	simm.s32 @p0 $0x1  }
0x13: {  	[smem:$0x3FAB] =	sst s0;
	s0 =	simm.s32 @!p1 $0x0  }
0x14: {  	s2 =	sld [smem:$0x3F8F];
	s0 =	simm.s32 @p1 $0x1  }
0x15: {  	[smem:$0x3FAC] =	sst s0;
	s0 =	simm.s32 @!p2 $0x0  }
0x16: {  	s3 =	sld [smem:$0x3FDB];
	s0 =	simm.s32 @p2 $0x1  }
0x17: {  	s4 =	simm.s32 $0x1BF5;
	[smem:$0x3FAE] =	sst s0  }
0x18: {  	s0 =	sld [smem:$0x3F91];
	_ =	swait.ge [sflag:s4], $0x0  }
0x19: {  	s7 =	sld [smem:$0x3F92]  }
0x1a: {  	s8 =	sadd.s32 $0xFFFFE003, lr  }
0x1b: {  	s9 =	sadd.s32 $0xFFFFFEF7, lr;
	s5 =	simm.s32 $0xFFFFFFFF;
	p2 =	slt.u32 s8, $0xFFFFF086  }
0x1c: {  	p1 =	slt.u32 s9, $0xF7A;
	s5 =	simm.s32 @!p2 $0x0  }
0x1d: {  	s5 =	simm.s32 @p1 $0x1;
	p0 =	seq.s32 s7, s2  }
0x1e: {  	s7 =	smul.u32 @!p0 $0xF7A, s2;
	p2 =	seq.s32 @!p0 s5, $0x0  }
0x1f: {  	s9 =	smul.u32 $0xF7A, s1;
	s8 =	simm.s32 @!p0 $0x1BF5;
	p2 =	por !p2, p0  }
0x20: {  	[sflag:s8] =	ssyncset.s32 @!p0 $0xFFFFF086;
	s6 =	sadd.s32 @!p0 s3, s7;
	s7 =	simm.s32 @!p0 $0x108  }
0x21: {  	s3 =	sadd.s32 s3, s9;
	s6 =	sadd.s32 @!p0 $0x88, s6;
	s7 =	simm.s32 @p2 $0x1082  }
0x22: {  	[simem:s7], [sflag:s8] =	dma.local @!p0 [hbm:s6], $0xF7A  }
0x23: {  	s9 =	sor.u32 $0xD0000000, s2;
	s6 =	simm.s32 $0x108;
	_ =	swait.ge @!p0 [sflag:s8], $0x0  }
0x24: {  	s3 =	sadd.s32 $0x88, s3;
	s6 =	simm.s32 @!p1 $0x1082;
	[sflag:s4] =	ssyncset.s32 $0xFFFFF086  }
0x25: {  	[simem:s6], [sflag:s4] =	dma.local [hbm:s3], $0xF7A  }
0x26: {  	[smem:$0x3F92] =	sst s1;
	(tag) =	ssettag s2;
	_ =	strace s9  }
0x27: {  	s1 =	sld [smem:$0x3FA2]  }
0x28: {  	s2 =	sld [smem:$0x3FA3]  }
0x29: {  	s4 =	sld [smem:$0x3FA5]  }
0x2a: {  	p0 =	seq.s32 s5, $0x0;
	s5 =	sld [smem:$0x3FA6]  }
0x2b: {  	s6 =	sld [smem:$0x3FA7]  }
0x2c: {  	s7 =	sld [smem:$0x3FA8]  }
0x2d: {  	s3 =	simm.s32 $0x108;
	s8 =	sld [smem:$0x3FA9]  }
0x2e: {  	s3 =	simm.s32 @!p0 $0x1082;
	s9 =	sld [smem:$0x3FAA]  }
0x2f: {  	lr =	sadd.s32 s0, s3;
	s0 =	sld [smem:$0x3FA1]  }
0x30: {  	s3 =	sld [smem:$0x3FA4]  }
0x31: {  	[smem:$0x3FAD] =	sst s10  }
0x32: {  	s10 =	sld [smem:$0x3FAB];
	_ =	sdelay $0x3  }
0x33: {  	p0 =	seq.s32 s10, $0x1;
	s10 =	sld [smem:$0x3FAD];
	_ =	sdelay $0x3  }
0x34: {  	[smem:$0x3FAD] =	sst s10  }
0x35: {  	s10 =	sld [smem:$0x3FAC];
	_ =	sdelay $0x3  }
0x36: {  	p1 =	seq.s32 s10, $0x1;
	s10 =	sld [smem:$0x3FAD];
	_ =	sdelay $0x3  }
0x37: {  	[smem:$0x3FAD] =	sst s10  }
0x38: {  	s10 =	sld [smem:$0x3FAE]  }
0x39: {  	_ = 	snop;
	(pc) =	sbr.ind lr, $3  }
0x3a: {  	_ = 	snop  }
0x3b: {  	_ = 	snop  }
0x3c: {  	p2 =	seq.s32 s10, $0x1;
	s10 =	sld [smem:$0x3FAD]  }
0x3d: {  	_ =	shalt  }
0x3e: {  	_ =	shalt  }
0x3f: {  	_ =	shalt  }
0x40: {  	_ =	shalt  }
0x41: {  	_ =	shalt  }
0x42: {  	_ =	shalt  }
0x43: {  	_ =	shalt  }
0x44: {  	_ =	shalt  }
0x45: {  	_ =	shalt  }
0x46: {  	_ =	shalt  }
0x47: {  	_ =	shalt  }
0x48: {  	_ =	shalt  }
0x49: {  	_ =	shalt  }
0x4a: {  	_ =	shalt  }
0x4b: {  	_ =	shalt  }
0x4c: {  	_ =	shalt  }
0x4d: {  	_ =	shalt  }
0x4e: {  	_ =	shalt  }
0x4f: {  	_ =	shalt  }
0x50: {  	_ =	shalt  }
0x51: {  	_ =	shalt  }
0x52: {  	_ =	shalt  }
0x53: {  	_ =	shalt  }
0x54: {  	_ =	shalt  }
0x55: {  	_ =	shalt  }
0x56: {  	_ =	shalt  }
0x57: {  	_ =	shalt  }
0x58: {  	_ =	shalt  }
0x59: {  	_ =	shalt  }
0x5a: {  	_ =	shalt  }
0x5b: {  	_ =	shalt  }
0x5c: {  	_ =	shalt  }
0x5d: {  	_ =	shalt  }
0x5e: {  	_ =	shalt  }
0x5f: {  	_ =	shalt  }
0x60: {  	_ =	shalt  }
0x61: {  	_ =	shalt  }
0x62: {  	_ =	shalt  }
0x63: {  	_ =	shalt  }
0x64: {  	_ =	shalt  }
0x65: {  	_ =	shalt  }
0x66: {  	_ =	shalt  }
0x67: {  	_ =	shalt  }
0x68: {  	_ =	shalt  }
0x69: {  	_ =	shalt  }
0x6a: {  	_ =	shalt  }
0x6b: {  	_ =	shalt  }
0x6c: {  	_ =	shalt  }
0x6d: {  	_ =	shalt  }
0x6e: {  	_ =	shalt  }
0x6f: {  	_ =	shalt  }
0x70: {  	_ =	shalt  }
0x71: {  	_ =	shalt  }
0x72: {  	_ =	shalt  }
0x73: {  	_ =	shalt  }
0x74: {  	_ =	shalt  }
0x75: {  	_ =	shalt  }
0x76: {  	_ =	shalt  }
0x77: {  	_ =	shalt  }
0x78: {  	_ =	shalt  }
0x79: {  	_ =	shalt  }
0x7a: {  	_ =	shalt  }
0x7b: {  	_ =	shalt  }
0x7c: {  	_ =	shalt  }
0x7d: {  	_ =	shalt  }
0x7e: {  	_ =	shalt  }
0x7f: {  	_ =	shalt  }
0x80: {  	_ =	shalt  }
0x81: {  	_ =	shalt  }
0x82: {  	_ =	shalt  }
0x83: {  	_ =	shalt  }
0x84: {  	_ =	shalt  }
0x85: {  	_ =	shalt  }
0x86: {  	_ =	shalt  }
0x87: {  	_ =	shalt  }
.Lfunc_end0:
.L_simem_size_0:
called_computation_lowered:
.L_overlay_start_0:
0x88: {  	s2 =	sld [smem:$0x3FD9]  }
0x89: {  	s3 =	sld [smem:$0x3FFE];
	_ =	sdelay $0x1  }
0x8a: {  	s1 =	srdreg.scid  }
0x8b: {  	s0 =	sand.u32 $0x1, s1  }
0x8c: {  	s17 =	sshll.u32 s0, $0xA;
	s2 =	sadd.s32 s3, s2  }
0x8d: {  	s2 =	sadd.s32 s2, s17  }
0x8e: {  	[smem:$0x3FB9] =	sst s2  }
0x8f: {  	_ = 	snop  }
0x90: {  	s2 =	sld [smem:$0x3FD0];
	(tm) =	ssettm $0x1  }
0x91: {  	s18 =	sld [smem:$0x3FFB];
	_ =	sdelay $0x3  }
0x92: {  	_ =	strace s18  }
0x93: {  	s3 =	sld [smem:$0x3FFC];
	_ =	sdelay $0x3  }
0x94: {  	_ =	strace s3  }
0x95: {  	s3 =	sld [smem:$0x3FFD];
	_ =	sdelay $0x3  }
0x96: {  	_ =	strace s3  }
0x97: {  	_ =	strace $0x8FFFFFFF  }
0x98: {  	s19 =	sld [smem:$0x3FDB];
	_ =	sdelay $0x1  }
0x99: {  	s4 =	simm.s32 $_scs_section_size  }
0x9a: {  	s5 =	simm.s32 $_size__tile_overlayer_lowered;
	s6 =	simm.s32 $_tile_overlayer_lowered  }
0x9b: {  	s22 =	simm.s32 $0x1BFF;
	s21 =	sshll.u32 s6, $0x1;
	s3 =	sadd.s32 s4, s19  }
0x9c: {  	s7 =	simm.s32 $0x0;
	s20 =	sshll.u32 s5, $0x1;
	s5 =	sadd.s32 s21, s3  }
0x9d: {  	[timem:s7], [sflag:s22] =	dma.local [hbm:s5], s20  }
0x9e: {  	_ =	swait.ge [sflag:s22], s20  }
0x9f: {  	s4 =	ssub.s32 $0x0, s20;
	[sflag:s22] =	ssyncset.done $0x0  }
0xa0: {  	[sflag:s22] =	ssyncadd.s32 s4;
	_ =	sdelay $0x1  }
0xa1: {  	s23 =	simm.s32 $0x1B8B  }
0xa2: {  	_ =	swait.ge [sflag:s23], $0x1  }
0xa3: {  	[sflag:s23] =	ssyncset.done $0x0  }
0xa4: {  	s25 =	simm.s32 $0x1B8E;
	s24 =	sld [smem:$0x3FFE];
	[sflag:s23] =	ssyncadd.s32 $0xFFFFFFFF  }
0xa5: {  	s26 =	simm.s32 $execute0_lowered;
	[smem:$0x3FD2] =	sst s25  }
0xa6: {  	s5 =	sshll.u32 s26, $0x1;
	_ =	strace $0x80000046;
	[dreg:$0x1] =	wrdreg $0xFFFFFFFF  }
0xa7: {  	s28 =	simm.s32 $_size_execute0_lowered;
	s3 =	sadd.s32 s3, s5;
	[dreg:$0x0] =	wrdreg $0x0  }
0xa8: {  	s5 =	sshll.u32 s28, $0x1;
	[dreg:$0x2] =	wrdreg s3  }
0xa9: {  	[dreg:$0x3] =	wrdreg s5  }
0xaa: {  	[dreg:$0x4] =	wrdreg $0xC0  }
0xab: {  	_ =	task [dreg:s7], $0x5FFFF  }
0xac: {  	[dreg:$0x1] =	wrdreg $0xFFFFFFFF  }
0xad: {  	[dreg:$0x0] =	wrdreg $0x60  }
0xae: {  	[dreg:$0x2] =	wrdreg s24  }
0xaf: {  	[dreg:$0x3] =	wrdreg s2  }
0xb0: {  	[dreg:$0x4] =	wrdreg $0x97A00  }
0xb1: {  	[dreg:$0x5] =	wrdreg $0x9  }
0xb2: {  	_ =	task.clear_ibuf [dreg:s7], $0x6FFFF;
	_ =	strace $0x90000046  }
0xb3: {  	s29 =	simm.s32 $0x9;
	_ =	strace $0x80000048  }
0xb4: {  	_ =	swait.ge [sflag:s29], $0x1  }
0xb5: {  	[sflag:s29] =	ssyncadd.s32 $0xFFFFFFFF  }
0xb6: {  	_ =	strace $0x90000048  }
0xb7: {  	_ =	sfence  }
0xb8: {  	s30 =	sld [smem:$0x0];
	_ =	sdelay $0x2  }
0xb9: {  	s31 =	sshll.u32 s1, $0xD;
	s1 =	sshrl.u32 s1, $0x2  }
0xba: {  	s3 =	sand.u32 $0x4000, s31;
	s1 =	sadd.s32 s1, s30  }
0xbb: {  	s0 =	sor.u32 s3, s0;
	s1 =	sshll.u32 s1, $0x11  }
0xbc: {  	s0 =	sor.u32 s1, s0  }
0xbd: {  	s0 =	sadd.s32 $0x8F2B, s0  }
0xbe: {  	[sflag:s0] =	ssyncadd.remote.s32 $0x1  }
0xbf: {  	_ =	sfence.sel $0xFFFF  }
0xc0: {  	[dreg:$0x0] =	wrdreg $0xFFFFFFFF;
	(pc) =	sbr.abs _section_cstart, $3  }
0xc1: {  	[dreg:$0x1] =	wrdreg $0xFFFFFFFF  }
0xc2: {  	_ =	task.clear_ibuf [dreg:s7], $0x2FFFF;
	_ =	strace $0x9FFFFFFF  }
0xc3: {  	(tm) =	ssettm $0x7FFFFFFF  }
tec
execute0_lowered:
.L_overlay_start_1:
0x0: {  	(tag) =	ssettag $0x1  }
0x1: {  	s0 =	rddreg [dreg:$0x0]  }
0x2: {  	s9 =	rddreg [dreg:$0x2];
	s1 =	simm.s32 $0x0;
	s21 =	srdreg.scid  }
0x3: {  	s10 =	stileid.u32;
	[smem:$0x7FF] =	sst s1;
	s1 =	sand.u32 $0x1, s21  }
0x4: {  	s2 =	smul.u32 $0x16380, s10;
	s5 =	sadd.s32 $0x16800, s0;
	s6 =	sadd.s32 $0x3DA00, s0  }
0x5: {  	s7 =	sadd.s32 $0xC600, s0;
	s8 =	sadd.s32 $0x2400, s0;
	s11 =	sadd.s32 $0x64C00, s0  }
0x6: {  	s31 =	sshll.u32 s10, $0x6;
	_ =	strace $0x80000047;
	s3 =	smul.u32 $0x163800, s1  }
0x7: {  	s4 =	sshll.u32 s1, $0x4;
	s1 =	ssub.s32 $0x2, s1;
	[dreg:$0x4] =	wrdreg s11  }
0x8: {  	s11 =	sor.u32 $0x1C0B, s31;
	s4 =	sor.u32 s10, s4;
	s22 =	sshrl.u32 s1, $0x1  }
0x9: {  	[dreg:$0xd] =	wrdreg s11;
	s3 =	sadd.s32 s2, s3;
	s1 =	ssub.s32 s1, s22  }
0xa: {  	s4 =	smul.u32 $0x2880, s4;
	s2 =	sadd.s32 s2, s9;
	s30 =	smax.u32 s1, $0x1  }
0xb: {  	s10 =	simm.s32 $0x4;
	s12 =	sshrl.u32 s2, $0x3;
	[dreg:$0xc] =	wrdreg s30  }
0xc: {  	s22 =	simm.s32 $0x30;
	s28 =	sor.u32 $0x60, s4;
	[dreg:$0xe] =	wrdreg s12  }
0xd: {  	s23 =	sshrl.u32 s4, $0x3;
	s29 =	sadd.s32 $0x90, s4;
	[dreg:$0x9] =	wrdreg s28  }
0xe: {  	s3 =	sshrl.u32 s3, $0x3;
	s24 =	sadd.s32 s7, s23;
	[dreg:$0xa] =	wrdreg s29  }
0xf: {  	s0 =	sadd.s32 s3, s0;
	s25 =	sadd.s32 s8, s23;
	[dreg:$0x5] =	wrdreg s24  }
0x10: {  	s3 =	sor.u32 $0x6, s23;
	s0 =	sadd.s32 $0x67A00, s0;
	[dreg:$0x6] =	wrdreg s25  }
0x11: {  	vm0 =	vmmov $0x1;
	vm1 =	vcmask $0x320;
	s9 =	simm.s32 $0x3;
	s26 =	sadd.s32 s7, s3;
	[dreg:$0xb] =	wrdreg s0  }
0x12: {  	vm2 =	vcmask $0x720;
	vm3 =	vcmask $0xB20;
	vm4 =	vcmask $0xF20;
	s1 =	simm.s32 $0x0;
	s3 =	sadd.s32 s8, s3;
	[dreg:$0x7] =	wrdreg s26  }
0x13: {  	vm5 =	vcmask $0x1320;
	vm6 =	vcmask $0x1720;
	vm7 =	vcmask $0x1B20;
	s4 =	simm.s32 $0xB;
	[dreg:$0x8] =	wrdreg s3;
	s3 =	simm.s32 $0xA  }
.LBB2_1:
0x14: {  	[dreg:$0xf] =	wrdreg s1  }
0x15: {  	s0 =	rddreg [dreg:$0x1];
	s18 =	simm.s32 $0x0;
	s2 =	simm.s32 $0x9720  }
0x16: {  	[tilespmem:s2], [sflag:$0xB] =	stream.linear.gather [hbm4b:s0+s18], $0x80, $0x38;
	[tilespmem:$0x1FB20] =	vst v63  }
0x17: {  	_ =	swait.ge [sflag:s4], $0x80  }
0x18: {  	[sflag:s4] =	ssyncset.done $0x0  }
0x19: {  	s19 =	rddreg [dreg:$0x4];
	[sflag:s4] =	ssyncadd.s32 $0xFFFFFF80  }
0x1a: {  	[spmem:s12], [sflag:s11] =	dma.local [hbm:s19], $0x2C70  }
0x1b: {  	_ =	swait.ge [sflag:s4], $0x2C70  }
0x1c: {  	[sflag:s4] =	ssyncset.done $0x0  }
0x1d: {  	[sflag:s4] =	ssyncadd.s32 $0xFFFFD390  }
0x1e: {  	[bflag:$0x0] =	sbarrier.arrive $0xFFFF  }
0x1f: {  	v0 =	vld [tilespmem:$0x9720]  }
0x20: {  	v1 =	vld [tilespmem:$0x9730]  }
0x21: {  	v2 =	vld [tilespmem:$0x9740]  }
0x22: {  	v3 =	vld [tilespmem:$0x9750]  }
0x23: {  	v4 =	vld [tilespmem:$0x9760]  }
0x24: {  	v5 =	vld [tilespmem:$0x9770]  }
0x25: {  	v6 =	vld [tilespmem:$0x9780];
	s20 =	rddreg [dreg:$0x5]  }
0x26: {  	v7 =	vld [tilespmem:$0x9790];
	[tilespmem:s18], [sflag:$0x7] =	stream.linear.gather [hbm4b:s20+s18], $0x30, $0x38  }
0x27: {  	s21 =	rddreg [dreg:$0x6]  }
0x28: {  	[tilespmem:s22], [sflag:$0x8] =	stream.linear.gather [hbm4b:s21+s18], $0x30, $0x38;
	[tilespmem:$0x1FB20] =	vst v63  }
0x29: {  	s24 =	simm.s32 $0x3060;
	s23 =	rddreg [dreg:$0x7]  }
0x2a: {  	[tilespmem:s24], [sflag:$0x9] =	stream.linear.gather [hbm4b:s23+s18], $0x30, $0x38;
	[tilespmem:$0x1FB20] =	vst v63  }
0x2b: {  	s26 =	simm.s32 $0x3090;
	s28 =	simm.s32 $0x7;
	s25 =	rddreg [dreg:$0x8]  }
0x2c: {  	[tilespmem:s26], [sflag:$0xA] =	stream.linear.gather [hbm4b:s25+s18], $0x30, $0x38;
	[tilespmem:$0x1FB20] =	vst v63  }
0x2d: {  	_ =	swait.ge [sflag:s28], $0x30  }
0x2e: {  	[sflag:s28] =	ssyncset.done $0x0  }
0x2f: {  	s29 =	simm.s32 $0x8;
	[sflag:s28] =	ssyncadd.s32 $0xFFFFFFD0  }
0x30: {  	_ =	swait.ge [sflag:s29], $0x30  }
0x31: {  	[sflag:s29] =	ssyncset.done $0x0  }
0x32: {  	s30 =	simm.s32 $0x60;
	[sflag:s29] =	ssyncadd.s32 $0xFFFFFFD0  }
0x33: {  	[tilespmem:s30], [sflag:$0x1] =	stream.indirect.gather [hbm4b:s5+s22], $0x80, s18, s22, $0xb8;
	[tilespmem:$0x1FB20] =	vst v63  }
0x34: {  	s31 =	simm.s32 $0x1860;
	s25 =	simm.s32 $0x0  }
0x35: {  	[tilespmem:s31], [sflag:$0x2] =	stream.indirect.gather [hbm4b:s6+s22], $0x80, s22, s22, $0xb8;
	[tilespmem:$0x1FB20] =	vst v63  }
.LBB2_2:
0x36: {  	s0 =	simm.s32 $0x1  }
0x37: {  	_ =	swait.ge [sflag:s0], $0x1800  }
0x38: {  	[sflag:s0] =	ssyncset.done $0x0  }
0x39: {  	s26 =	simm.s32 $0x2;
	[sflag:s0] =	ssyncadd.s32 $0xFFFFE800  }
0x3a: {  	_ =	swait.ge [sflag:s26], $0x1800  }
0x3b: {  	[sflag:s26] =	ssyncset.done $0x0  }
0x3c: {  	s28 =	simm.s32 $0x9;
	[sflag:s26] =	ssyncadd.s32 $0xFFFFE800  }
0x3d: {  	_ =	swait.ge [sflag:s28], $0x30  }
0x3e: {  	[sflag:s28] =	ssyncset.done $0x0  }
0x3f: {  	[sflag:s28] =	ssyncadd.s32 $0xFFFFFFD0  }
0x40: {  	p0 =	sne.s32 s25, $0x0;
	_ =	swait.ge [sflag:s3], $0x30  }
.Ltmp0:
0x41: {  	[sflag:s3] =	ssyncset.done $0x0;
	(pc) =	sbr.rel @!p0 .LBB2_3-.Ltmp0, $4  }
0x42: {  	s29 =	simm.s32 $0x3060;
	s1 =	simm.s32 $0x30C0;
	[sflag:s3] =	ssyncadd.s32 $0xFFFFFFD0  }
0x43: {  	[tilespmem:s1], [sflag:$0x3] =	stream.indirect.gather [hbm4b:s5+s22], $0x80, s29, s22, $0xb8;
	[tilespmem:$0x1FB20] =	vst v63  }
0x44: {  	s30 =	simm.s32 $0x3090;
	s31 =	simm.s32 $0x48C0  }
0x45: {  	[tilespmem:s31], [sflag:$0x4] =	stream.indirect.gather [hbm4b:s6+s22], $0x80, s30, s22, $0xb8;
	[tilespmem:$0x1FB20] =	vst v63  }
0x46: {  	s0 =	simm.s32 $0x5  }
0x47: {  	_ =	swait.ge [sflag:s0], $0x1B00  }
0x48: {  	[sflag:s0] =	ssyncset.done $0x0  }
0x49: {  	[sflag:s0] =	ssyncadd.s32 $0xFFFFE500  }
0x4a: {  	v8 =	vld [tilespmem:$0x30]  }
0x4b: {  	v9 =	vld [tilespmem:$0x40]  }
0x4c: {  	p0 =	seq.s32 s25, $0x6B;
	v10 =	vld [tilespmem:$0x50]  }
.Ltmp1:
0x4d: {  	_ = 	snop;
	(pc) =	sbr.rel @p0 .LBB2_6-.Ltmp1, $4  }
.Ltmp2:
0x4e: {  	_ = 	snop;
	(pc) =	sbr.rel @!p0 .LBB2_5-.Ltmp2, $4  }
0x4f: {  	[tilespmem:$0x96C0] =	vst v8  }
0x50: {  	[tilespmem:$0x96D0] =	vst v9  }
0x51: {  	[tilespmem:$0x96E0] =	vst v10  }
0x52: {  	_ = 	snop  }
.LBB2_3:
0x53: {  	v8 =	vld [tilespmem:$0x30]  }
0x54: {  	v9 =	vld [tilespmem:$0x40]  }
0x55: {  	v10 =	vld [tilespmem:$0x50];
	_ =	sdelay $0x2  }
0x56: {  	[tilespmem:$0x96C0] =	vst v8  }
0x57: {  	[tilespmem:$0x96D0] =	vst v9  }
0x58: {  	[tilespmem:$0x96E0] =	vst v10  }
.LBB2_5:
0x59: {  	s0 =	smul.u32 $0x60, s25  }
0x5a: {  	s1 =	rddreg [dreg:$0x9]  }
0x5b: {  	s0 =	sadd.s32 s0, s1  }
0x5c: {  	s0 =	sshrl.u32 s0, $0x3  }
0x5d: {  	s2 =	simm.s32 $0x0;
	s31 =	sadd.s32 s7, s0  }
0x5e: {  	[tilespmem:s2], [sflag:$0x7] =	stream.linear.gather [hbm4b:s31+s2], $0x30, $0x38;
	[tilespmem:$0x1FB20] =	vst v63  }
0x5f: {  	s0 =	sadd.s32 s8, s0  }
0x60: {  	[tilespmem:s22], [sflag:$0x8] =	stream.linear.gather [hbm4b:s0+s2], $0x30, $0x38;
	[tilespmem:$0x1FB20] =	vst v63  }
.LBB2_6:
0x61: {  	s15 =	simm.s32 $0x0  }
0x62: {  	v9 =	vld [tilespmem:s15+$0x60]  }
0x63: {  	v8 =	vld [tilespmem:s15+$0x1860];
	_ =	sdelay $0x4  }
0x64: {  	v8 =	vadd.f32 v8, v9;
	_ =	sdelay $0x1  }
0x65: {  	v10 =	vmul.f32 $2.000000030e-01, v8;
	_ =	sdelay $0x1  }
0x66: {  	v8 =	vmax.f32 v8, v10  }
0x67: {  	v8 =	vmul.f32 v8, v0;
	_ =	sdelay $0x1  }
0x68: {  	(xrf2) =	vadd.scan.msk.f32 $0xffff, v8;
	_ =	sdelay $0x9  }
0x69: {  	v8, _, _ =	vpop (xrf2)  }
0x6a: {  	v8 =	vmul.f32 $1.442695020e+00, v8;
	_ =	sdelay $0x1  }
0x6b: {  	v8 =	vbroadcast v8, $0xF;
	_ =	sdelay $0x1  }
0x6c: {  	(erf) = vpow2.f32 v8  }
0x6d: {  	s26 =	simm.s32 $0x80  }
0x6e: {  	v10 =	vld [tilespmem:s26+$0x60]  }
0x6f: {  	v8 =	vld [tilespmem:s26+$0x1860];
	_ =	sdelay $0x4  }
0x70: {  	v11 =	vadd.f32 v8, v10  }
0x71: {  	v8 =	vpop (erf)  }
0x72: {  	v12 =	vmul.f32 $2.000000030e-01, v11;
	v9 =	vmul.f32 v8, v9  }
0x73: {  	s1 =	simm.s32 $0x6100  }
0x74: {  	[tilespmem:s1+$0xFFFFFFC0] =	vst v9;
	v9 =	vmax.f32 v11, v12  }
0x75: {  	v11 =	vld [tilespmem:s15+$0x70];
	v9 =	vmul.f32 v9, v0  }
0x76: {  	v12 =	vld [tilespmem:s15+$0x1870]  }
0x77: {  	(xrf2) =	vadd.scan.msk.f32 $0xffff, v9;
	_ =	sdelay $0x3  }
0x78: {  	v9 =	vadd.f32 v12, v11;
	_ =	sdelay $0x1  }
0x79: {  	v12 =	vmul.f32 $2.000000030e-01, v9;
	_ =	sdelay $0x1  }
0x7a: {  	v9 =	vmax.f32 v9, v12  }
0x7b: {  	v9 =	vmul.f32 v9, v1  }
0x7c: {  	v12, _, _ =	vpop (xrf2)  }
0x7d: {  	(xrf2) =	vadd.scan.msk.f32 $0xffff, v9;
	v9 =	vmul.f32 $1.442695020e+00, v12;
	_ =	sdelay $0x1  }
0x7e: {  	v9 =	vbroadcast v9, $0xF;
	_ =	sdelay $0x1  }
0x7f: {  	(erf) = vpow2.f32 v9;
	_ =	sdelay $0x1  }
0x80: {  	s13 =	simm.s32 $0x100  }
0x81: {  	v12 =	vld [tilespmem:s13+$0x60]  }
0x82: {  	v9 =	vld [tilespmem:s13+$0x1860];
	_ =	sdelay $0x1  }
0x83: {  	v13, _, _ =	vpop (xrf2)  }
0x84: {  	v13 =	vmul.f32 $1.442695020e+00, v13;
	_ =	sdelay $0x1  }
0x85: {  	v14 =	vadd.f32 v9, v12;
	v13 =	vbroadcast v13, $0xF;
	v9 =	vpop (erf)  }
0x86: {  	v10 =	vmul.f32 v9, v10  }
0x87: {  	s20 =	simm.s32 $0x6190;
	(erf) = vpow2.f32 v13;
	v13 =	vmul.f32 $2.000000030e-01, v14  }
0x88: {  	[tilespmem:s20+$0xFFFFFFC0] =	vst v10  }
0x89: {  	v10 =	vmax.f32 v14, v13;
	v14 =	vld [tilespmem:s26+$0x70]  }
0x8a: {  	v13 =	vld [tilespmem:s26+$0x1870]  }
0x8b: {  	v10 =	vmul.f32 v10, v0;
	_ =	sdelay $0x1  }
0x8c: {  	(xrf2) =	vadd.scan.msk.f32 $0xffff, v10;
	_ =	sdelay $0x1  }
0x8d: {  	s14 =	simm.s32 $0x180;
	v13 =	vadd.f32 v13, v14  }
0x8e: {  	v16 =	vld [tilespmem:s14+$0x60];
	v10 =	vpop (erf)  }
0x8f: {  	v17 =	vld [tilespmem:s14+$0x1860];
	v11 =	vmul.f32 v10, v11;
	v15 =	vmul.f32 $2.000000030e-01, v13;
	_ =	sdelay $0x1  }
0x90: {  	[tilespmem:s1+$0xFFFFFFD0] =	vst v11;
	v11 =	vmax.f32 v13, v15  }
0x91: {  	v15 =	vld [tilespmem:s15+$0x80];
	v11 =	vmul.f32 v11, v1  }
0x92: {  	v13 =	vld [tilespmem:s15+$0x1880]  }
0x93: {  	v17 =	vadd.f32 v17, v16;
	(xrf2) =	vadd.scan.msk.f32 $0xffff, v11  }
0x94: {  	v18, _, _ =	vpop (xrf2)  }
0x95: {  	v11 =	vmul.f32 $1.442695020e+00, v18;
	v18 =	vmul.f32 $2.000000030e-01, v17;
	_ =	sdelay $0x1  }
0x96: {  	v11 =	vbroadcast v11, $0xF;
	v13 =	vadd.f32 v13, v15;
	v17 =	vmax.f32 v17, v18  }
0x97: {  	v17 =	vmul.f32 v17, v0  }
0x98: {  	(erf) = vpow2.f32 v11;
	v11 =	vmul.f32 $2.000000030e-01, v13;
	_ =	sdelay $0x1  }
0x99: {  	(xrf2) =	vadd.scan.msk.f32 $0xffff, v17;
	v11 =	vmax.f32 v13, v11  }
0x9a: {  	v11 =	vmul.f32 v11, v2  }
0x9b: {  	v13, _, _ =	vpop (xrf2)  }
0x9c: {  	(xrf2) =	vadd.scan.msk.f32 $0xffff, v11;
	v11 =	vmul.f32 $1.442695020e+00, v13;
	_ =	sdelay $0x2  }
0x9d: {  	v13 =	vbroadcast v11, $0xF  }
0x9e: {  	v11 =	vpop (erf)  }
0x9f: {  	(erf) = vpow2.f32 v13;
	v12 =	vmul.f32 v11, v12  }
0xa0: {  	s18 =	simm.s32 $0x6220  }
0xa1: {  	v13, _, _ =	vpop (xrf2);
	[tilespmem:s18+$0xFFFFFFC0] =	vst v12  }
0xa2: {  	v13 =	vmul.f32 $1.442695020e+00, v13;
	v17 =	vld [tilespmem:s13+$0x70]  }
0xa3: {  	v12 =	vld [tilespmem:s13+$0x1870]  }
0xa4: {  	v18, _, _ =	vpop (xrf2);
	v13 =	vbroadcast v13, $0xF  }
0xa5: {  	v18 =	vmul.f32 $1.442695020e+00, v18;
	_ =	sdelay $0x1  }
0xa6: {  	v18 =	vbroadcast v18, $0xF  }
0xa7: {  	(erf) = vpow2.f32 v13;
	v12 =	vadd.f32 v12, v17;
	v13 =	vpop (erf)  }
0xa8: {  	s23 =	simm.s32 $0x200;
	v14 =	vmul.f32 v13, v14;
	(erf) = vpow2.f32 v18  }
0xa9: {  	v19 =	vld [tilespmem:s23+$0x60];
	v18 =	vmul.f32 $2.000000030e-01, v12  }
0xaa: {  	v20 =	vld [tilespmem:s23+$0x1860];
	[tilespmem:s20+$0xFFFFFFD0] =	vst v14  }
0xab: {  	v12 =	vmax.f32 v12, v18;
	v21 =	vld [tilespmem:s26+$0x80]  }
0xac: {  	v14 =	vld [tilespmem:s26+$0x1880];
	v12 =	vmul.f32 v12, v1;
	_ =	sdelay $0x1  }
0xad: {  	(xrf2) =	vadd.scan.msk.f32 $0xffff, v12  }
0xae: {  	v18 =	vadd.f32 v20, v19  }
0xaf: {  	v12 =	vpop (erf)  }
0xb0: {  	v22 =	vmul.f32 $2.000000030e-01, v18;
	v20 =	vadd.f32 v14, v21;
	v14 =	vpop (erf)  }
0xb1: {  	v15 =	vmul.f32 v14, v15  }
0xb2: {  	v18 =	vmax.f32 v18, v22;
	v23 =	vmul.f32 $2.000000030e-01, v20  }
0xb3: {  	[tilespmem:s1+$0xFFFFFFE0] =	vst v15;
	v15 =	vmul.f32 v18, v0  }
0xb4: {  	v18 =	vmax.f32 v20, v23;
	v20 =	vld [tilespmem:s15+$0x90]  }
0xb5: {  	v22 =	vld [tilespmem:s15+$0x1890]  }
0xb6: {  	(xrf2) =	vadd.scan.msk.f32 $0xffff, v15  }
0xb7: {  	v18 =	vmul.f32 v18, v2;
	v15, _, _ =	vpop (xrf2)  }
0xb8: {  	v15 =	vmul.f32 $1.442695020e+00, v15  }
0xb9: {  	(xrf2) =	vadd.scan.msk.f32 $0xffff, v18  }
0xba: {  	v18 =	vadd.f32 v22, v20;
	v15 =	vbroadcast v15, $0xF  }
0xbb: {  	v16 =	vmul.f32 v12, v16  }
0xbc: {  	(erf) = vpow2.f32 v15;
	v15 =	vmul.f32 $2.000000030e-01, v18;
	_ =	sdelay $0x1  }
0xbd: {  	v15 =	vmax.f32 v18, v15  }
0xbe: {  	s12 =	simm.s32 $0x62B0;
	v15 =	vmul.f32 v15, v3  }
0xbf: {  	[tilespmem:s12+$0xFFFFFFC0] =	vst v16;
	v16, _, _ =	vpop (xrf2)  }
0xc0: {  	v22 =	vld [tilespmem:s14+$0x70];
	v16 =	vmul.f32 $1.442695020e+00, v16  }
0xc1: {  	v18 =	vld [tilespmem:s14+$0x1870]  }
0xc2: {  	(xrf2) =	vadd.scan.msk.f32 $0xffff, v15;
	v16 =	vbroadcast v16, $0xF;
	v15, _, _ =	vpop (xrf2)  }
0xc3: {  	v15 =	vmul.f32 $1.442695020e+00, v15;
	_ =	sdelay $0x1  }
0xc4: {  	v15 =	vbroadcast v15, $0xF  }
0xc5: {  	v18 =	vadd.f32 v18, v22;
	(erf) = vpow2.f32 v16;
	v16 =	vpop (erf)  }
0xc6: {  	s21 =	simm.s32 $0x280;
	v17 =	vmul.f32 v16, v17;
	(erf) = vpow2.f32 v15  }
0xc7: {  	v24 =	vld [tilespmem:s21+$0x1860];
	v15 =	vmul.f32 $2.000000030e-01, v18  }
0xc8: {  	v23 =	vld [tilespmem:s21+$0x60];
	[tilespmem:s18+$0xFFFFFFD0] =	vst v17  }
0xc9: {  	v17 =	vld [tilespmem:s13+$0x80];
	v15 =	vmax.f32 v18, v15  }
0xca: {  	v18 =	vld [tilespmem:s13+$0x1880];
	v15 =	vmul.f32 v15, v1;
	_ =	sdelay $0x1  }
0xcb: {  	v25, _, _ =	vpop (xrf2)  }
0xcc: {  	v25 =	vmul.f32 $1.442695020e+00, v25  }
0xcd: {  	(xrf2) =	vadd.scan.msk.f32 $0xffff, v15;
	v15 =	vpop (erf)  }
0xce: {  	v24 =	vadd.f32 v24, v23;
	v25 =	vbroadcast v25, $0xF;
	v27 =	vadd.f32 v18, v17;
	v18 =	vpop (erf)  }
0xcf: {  	v21 =	vmul.f32 v18, v21  }
0xd0: {  	v26 =	vmul.f32 $2.000000030e-01, v24;
	(erf) = vpow2.f32 v25  }
0xd1: {  	v25 =	vmul.f32 $2.000000030e-01, v27;
	[tilespmem:s20+$0xFFFFFFE0] =	vst v21  }
0xd2: {  	v24 =	vmax.f32 v24, v26;
	v26 =	vld [tilespmem:s26+$0x90]  }
0xd3: {  	v21 =	vmul.f32 v24, v0;
	v24 =	vmax.f32 v27, v25;
	v25 =	vld [tilespmem:s26+$0x1890];
	_ =	sdelay $0x1  }
0xd4: {  	v24 =	vmul.f32 v24, v2  }
0xd5: {  	(xrf2) =	vadd.scan.msk.f32 $0xffff, v21  }
0xd6: {  	(xrf2) =	vadd.scan.msk.f32 $0xffff, v24  }
0xd7: {  	v24 =	vmul.f32 v15, v19;
	v21, _, _ =	vpop (xrf2);
	v25 =	vadd.f32 v25, v26  }
0xd8: {  	s16 =	simm.s32 $0x6340;
	v21 =	vmul.f32 $1.442695020e+00, v21;
	v19 =	vpop (erf)  }
0xd9: {  	[tilespmem:s16+$0xFFFFFFC0] =	vst v24;
	v20 =	vmul.f32 v19, v20;
	v24 =	vmul.f32 $2.000000030e-01, v25  }
0xda: {  	v21 =	vbroadcast v21, $0xF  }
0xdb: {  	v28 =	vld [tilespmem:s23+$0x70];
	[tilespmem:s1+$0xFFFFFFF0] =	vst v20;
	v20 =	vmax.f32 v25, v24  }
0xdc: {  	v27 =	vld [tilespmem:s23+$0x1870];
	(erf) = vpow2.f32 v21;
	v20 =	vmul.f32 v20, v3  }
0xdd: {  	v29 =	vld [tilespmem:s15+$0xA0]  }
0xde: {  	v21 =	vld [tilespmem:s15+$0x18A0]  }
0xdf: {  	v24, _, _ =	vpop (xrf2)  }
0xe0: {  	v24 =	vmul.f32 $1.442695020e+00, v24;
	(xrf2) =	vadd.scan.msk.f32 $0xffff, v20;
	v20, _, _ =	vpop (xrf2)  }
0xe1: {  	v25 =	vadd.f32 v27, v28;
	v20 =	vmul.f32 $1.442695020e+00, v20  }
0xe2: {  	v24 =	vbroadcast v24, $0xF  }
0xe3: {  	v30 =	vmul.f32 $2.000000030e-01, v25;
	v27 =	vadd.f32 v21, v29;
	v20 =	vbroadcast v20, $0xF  }
0xe4: {  	(erf) = vpow2.f32 v24  }
0xe5: {  	v24 =	vmul.f32 $2.000000030e-01, v27;
	v21 =	vpop (erf);
	(erf) = vpow2.f32 v20;
	v20 =	vmax.f32 v25, v30  }
0xe6: {  	s11 =	simm.s32 $0x300;
	v22 =	vmul.f32 v21, v22;
	v20 =	vmul.f32 v20, v1  }
0xe7: {  	v24 =	vmax.f32 v27, v24;
	v30 =	vld [tilespmem:s11+$0x60]  }
0xe8: {  	v25 =	vld [tilespmem:s11+$0x1860];
	[tilespmem:s12+$0xFFFFFFD0] =	vst v22;
	v22 =	vmul.f32 v24, v4  }
0xe9: {  	v31 =	vld [tilespmem:s14+$0x80];
	(xrf2) =	vadd.scan.msk.f32 $0xffff, v20  }
0xea: {  	v27 =	vld [tilespmem:s14+$0x1880];
	(xrf2) =	vadd.scan.msk.f32 $0xffff, v22;
	v20, _, _ =	vpop (xrf2)  }
0xeb: {  	v22 =	vmul.f32 $1.442695020e+00, v20;
	_ =	sdelay $0x1  }
0xec: {  	v25 =	vadd.f32 v25, v30;
	v22 =	vbroadcast v22, $0xF  }
0xed: {  	v20 =	vpop (erf)  }
0xee: {  	v27 =	vadd.f32 v27, v31;
	v24 =	vpop (erf);
	(erf) = vpow2.f32 v22;
	v22 =	vmul.f32 $2.000000030e-01, v25  }
0xef: {  	v17 =	vmul.f32 v24, v17  }
0xf0: {  	v32 =	vmul.f32 $2.000000030e-01, v27  }
0xf1: {  	[tilespmem:s18+$0xFFFFFFE0] =	vst v17;
	v17 =	vmax.f32 v25, v22  }
0xf2: {  	v25 =	vmax.f32 v27, v32;
	v33 =	vld [tilespmem:s13+$0x90];
	v17 =	vmul.f32 v17, v0;
	v22, _, _ =	vpop (xrf2)  }
0xf3: {  	v27 =	vld [tilespmem:s13+$0x1890];
	v25 =	vmul.f32 v25, v2;
	v53, _, _ =	vpop (xrf2)  }
0xf4: {  	(xrf2) =	vadd.scan.msk.f32 $0xffff, v17;
	v17 =	vmul.f32 $1.442695020e+00, v53  }
0xf5: {  	v23 =	vmul.f32 v20, v23;
	(xrf2) =	vadd.scan.msk.f32 $0xffff, v25  }
0xf6: {  	v22 =	vmul.f32 $1.442695020e+00, v22;
	v17 =	vbroadcast v17, $0xF  }
0xf7: {  	s19 =	simm.s32 $0x63D0  }
0xf8: {  	[tilespmem:s19+$0xFFFFFFC0] =	vst v23;
	v22 =	vbroadcast v22, $0xF;
	v27 =	vadd.f32 v27, v33;
	v25 =	vpop (erf);
	(erf) = vpow2.f32 v17  }
0xf9: {  	v34 =	vld [tilespmem:s21+$0x70];
	v23 =	vmul.f32 v25, v26  }
0xfa: {  	v17 =	vmul.f32 $2.000000030e-01, v27;
	(erf) = vpow2.f32 v22;
	v22 =	vld [tilespmem:s21+$0x1870];
	_ =	sdelay $0x1  }
0xfb: {  	[tilespmem:s20+$0xFFFFFFF0] =	vst v23;
	v17 =	vmax.f32 v27, v17  }
0xfc: {  	v35 =	vld [tilespmem:s26+$0xA0];
	v17 =	vmul.f32 v17, v3  }
0xfd: {  	v23 =	vld [tilespmem:s26+$0x18A0];
	v26, _, _ =	vpop (xrf2)  }
0xfe: {  	(xrf2) =	vadd.scan.msk.f32 $0xffff, v17;
	v17 =	vadd.f32 v22, v34;
	v22 =	vmul.f32 $1.442695020e+00, v26;
	v26, _, _ =	vpop (xrf2)  }
0xff: {  	v54 =	vmul.f32 $1.442695020e+00, v26  }
0x100: {  	v22 =	vbroadcast v22, $0xF;
	v26 =	vpop (erf)  }
0x101: {  	s29 =	simm.s32 $0x380;
	v32 =	vbroadcast v54, $0xF;
	v29 =	vmul.f32 v26, v29  }
0x102: {  	v37 =	vld [tilespmem:s29+$0x1860];
	v36 =	vmul.f32 $2.000000030e-01, v17;
	v23 =	vadd.f32 v23, v35;
	v27 =	vpop (erf);
	(erf) = vpow2.f32 v22  }
0x103: {  	v22 =	vld [tilespmem:s29+$0x60];
	v28 =	vmul.f32 v27, v28;
	(erf) = vpow2.f32 v32;
	[tilespmem:s1+$0x0] =	vst v29  }
0x104: {  	v38 =	vmul.f32 $2.000000030e-01, v23;
	v17 =	vmax.f32 v17, v36;
	v36 =	vld [tilespmem:s15+$0xB0]  }
0x105: {  	v17 =	vmul.f32 v17, v1;
	[tilespmem:s16+$0xFFFFFFD0] =	vst v28;
	v28 =	vld [tilespmem:s15+$0x18B0]  }
0x106: {  	v23 =	vmax.f32 v23, v38;
	v38 =	vld [tilespmem:s23+$0x80]  }
0x107: {  	v23 =	vmul.f32 v23, v4;
	(xrf2) =	vadd.scan.msk.f32 $0xffff, v17;
	v17 =	vld [tilespmem:s23+$0x1880]  }
0x108: {  	v29, _, _ =	vpop (xrf2)  }
0x109: {  	(xrf2) =	vadd.scan.msk.f32 $0xffff, v23;
	v55 =	vadd.f32 v37, v22;
	v23 =	vmul.f32 $1.442695020e+00, v29  }
0x10a: {  	v56 =	vadd.f32 v28, v36  }
0x10b: {  	v39 =	vmul.f32 $2.000000030e-01, v55;
	v23 =	vbroadcast v23, $0xF;
	v28 =	vpop (erf)  }
0x10c: {  	v17 =	vadd.f32 v17, v38;
	v40 =	vmul.f32 $2.000000030e-01, v56;
	v29 =	vpop (erf)  }
0x10d: {  	(erf) = vpow2.f32 v23;
	v23 =	vmax.f32 v55, v39;
	v31 =	vmul.f32 v29, v31  }
0x10e: {  	v23 =	vmul.f32 v23, v0  }
0x10f: {  	v57 =	vmul.f32 $2.000000030e-01, v17;
	v37 =	vmax.f32 v56, v40;
	[tilespmem:s12+$0xFFFFFFE0] =	vst v31  }
0x110: {  	v37 =	vmul.f32 v37, v5;
	v39 =	vld [tilespmem:s14+$0x90]  }
0x111: {  	(xrf2) =	vadd.scan.msk.f32 $0xffff, v23;
	v17 =	vmax.f32 v17, v57;
	v31 =	vld [tilespmem:s14+$0x1890]  }
0x112: {  	v17 =	vmul.f32 v17, v2;
	v23, _, _ =	vpop (xrf2);
	(xrf2) =	vadd.scan.msk.f32 $0xffff, v37  }
0x113: {  	v58, _, _ =	vpop (xrf2)  }
0x114: {  	(xrf2) =	vadd.scan.msk.f32 $0xffff, v17;
	v17 =	vmul.f32 v28, v30;
	v32 =	vmul.f32 $1.442695020e+00, v58  }
0x115: {  	s17 =	simm.s32 $0x6460  }
0x116: {  	[tilespmem:s17+$0xFFFFFFC0] =	vst v17;
	v32 =	vbroadcast v32, $0xF;
	v30 =	vpop (erf);
	v17 =	vadd.f32 v31, v39  }
0x117: {  	v59 =	vmul.f32 $1.442695020e+00, v23;
	v31 =	vmul.f32 v30, v33  }
0x118: {  	(erf) = vpow2.f32 v32;
	v62 =	vmul.f32 $2.000000030e-01, v17  }
0x119: {  	v60 =	vbroadcast v59, $0xF;
	v23 =	vld [tilespmem:s11+$0x70]  }
0x11a: {  	v61 =	vld [tilespmem:s11+$0x1870];
	[tilespmem:s18+$0xFFFFFFF0] =	vst v31;
	v17 =	vmax.f32 v17, v62  }
0x11b: {  	(erf) = vpow2.f32 v60;
	v40 =	vld [tilespmem:s13+$0xA0];
	v31, _, _ =	vpop (xrf2);
	v17 =	vmul.f32 v17, v3  }
0x11c: {  	v63 =	vld [tilespmem:s13+$0x18A0];
	v45, _, _ =	vpop (xrf2);
	v31 =	vmul.f32 $1.442695020e+00, v31  }
0x11d: {  	v37 =	vmul.f32 $1.442695020e+00, v45  }
0x11e: {  	v31 =	vbroadcast v31, $0xF  }
0x11f: {  	v41 =	vadd.f32 v61, v23;
	(xrf2) =	vadd.scan.msk.f32 $0xffff, v17;
	v17, _, _ =	vpop (xrf2);
	v37 =	vbroadcast v37, $0xF  }
0x120: {  	v17 =	vmul.f32 $1.442695020e+00, v17;
	(erf) = vpow2.f32 v31  }
0x121: {  	v42 =	vmul.f32 $2.000000030e-01, v41;
	v31 =	vadd.f32 v63, v40;
	v32 =	vpop (erf);
	(erf) = vpow2.f32 v37  }
0x122: {  	s24 =	simm.s32 $0x400;
	v46 =	vbroadcast v17, $0xF;
	v35 =	vmul.f32 v32, v35  }
0x123: {  	v47 =	vld [tilespmem:s24+$0x1860];
	v43 =	vmul.f32 $2.000000030e-01, v31  }
0x124: {  	v41 =	vmax.f32 v41, v42;
	v17 =	vld [tilespmem:s24+$0x60];
	v33 =	vpop (erf);
	(erf) = vpow2.f32 v46;
	[tilespmem:s20+$0x0] =	vst v35  }
0x125: {  	v51 =	vmul.f32 v41, v1;
	v34 =	vmul.f32 v33, v34;
	v31 =	vmax.f32 v31, v43;
	v41 =	vld [tilespmem:s26+$0xB0]  }
0x126: {  	v31 =	vmul.f32 v31, v4;
	v35 =	vld [tilespmem:s26+$0x18B0]  }
0x127: {  	(xrf2) =	vadd.scan.msk.f32 $0xffff, v51;
	[tilespmem:s19+$0xFFFFFFD0] =	vst v34  }
0x128: {  	v49 =	vld [tilespmem:s21+$0x80];
	(xrf2) =	vadd.scan.msk.f32 $0xffff, v31  }
0x129: {  	v53 =	vld [tilespmem:s21+$0x1880];
	v54, _, _ =	vpop (xrf2)  }
0x12a: {  	v52 =	vadd.f32 v47, v17;
	v31 =	vpop (erf)  }
0x12b: {  	v44 =	vmul.f32 $1.442695020e+00, v54;
	v34 =	vpop (erf);
	v45 =	vadd.f32 v35, v41  }
0x12c: {  	v55 =	vmul.f32 $2.000000030e-01, v52;
	v36 =	vmul.f32 v34, v36  }
0x12d: {  	v56 =	vbroadcast v44, $0xF;
	v57 =	vmul.f32 $2.000000030e-01, v45;
	v35 =	vpop (erf)  }
0x12e: {  	v37 =	vmax.f32 v52, v55;
	v42 =	vadd.f32 v53, v49;
	[tilespmem:s1+$0x10] =	vst v36;
	v58 =	vmul.f32 v35, v38  }
0x12f: {  	v37 =	vmul.f32 v37, v0;
	(erf) = vpow2.f32 v56;
	v50 =	vld [tilespmem:s15+$0xC0];
	v60 =	vmax.f32 v45, v57  }
0x130: {  	v61 =	vld [tilespmem:s15+$0x18C0];
	v63 =	vmul.f32 v60, v5;
	[tilespmem:s16+$0xFFFFFFE0] =	vst v58  }
0x131: {  	v62, _, _ =	vpop (xrf2);
	v59 =	vmul.f32 $2.000000030e-01, v42;
	(xrf2) =	vadd.scan.msk.f32 $0xffff, v37;
	v51 =	vld [tilespmem:s23+$0x90]  }
0x132: {  	v45 =	vld [tilespmem:s23+$0x1890];
	v46, _, _ =	vpop (xrf2);
	(xrf2) =	vadd.scan.msk.f32 $0xffff, v63  }
0x133: {  	v38 =	vmax.f32 v42, v59  }
0x134: {  	v47 =	vmul.f32 v38, v2;
	v48 =	vmul.f32 $1.442695020e+00, v46;
	_ =	sdelay $0x1  }
0x135: {  	(xrf2) =	vadd.scan.msk.f32 $0xffff, v47;
	v52 =	vadd.f32 v61, v50;
	v53 =	vbroadcast v48, $0xF  }
0x136: {  	v22 =	vmul.f32 v31, v22;
	v36 =	vmul.f32 $1.442695020e+00, v62;
	v42 =	vadd.f32 v45, v51  }
0x137: {  	s28 =	simm.s32 $0x64F0;
	v54 =	vmul.f32 $2.000000030e-01, v52;
	v37 =	vpop (erf);
	(erf) = vpow2.f32 v53  }
0x138: {  	[tilespmem:s28+$0xFFFFFFC0] =	vst v22;
	v22 =	vmul.f32 v37, v39;
	v55 =	vmul.f32 $2.000000030e-01, v42  }
0x139: {  	v36 =	vbroadcast v36, $0xF;
	v38 =	vmax.f32 v52, v54  }
0x13a: {  	v44 =	vld [tilespmem:s29+$0x70];
	v38 =	vmul.f32 v38, v6;
	v57, _, _ =	vpop (xrf2);
	[tilespmem:s12+$0xFFFFFFF0] =	vst v22;
	v22 =	vmax.f32 v42, v55  }
0x13b: {  	v56 =	vld [tilespmem:s29+$0x1870];
	(erf) = vpow2.f32 v36;
	v22 =	vmul.f32 v22, v3;
	v60, _, _ =	vpop (xrf2)  }
0x13c: {  	v58 =	vmul.f32 $1.442695020e+00, v57;
	(xrf2) =	vadd.scan.msk.f32 $0xffff, v38;
	v38 =	vmul.f32 $1.442695020e+00, v60;
	_ =	sdelay $0x1  }
0x13d: {  	v48 =	vld [tilespmem:s14+$0xA0];
	v36 =	vbroadcast v58, $0xF  }
0x13e: {  	v59 =	vld [tilespmem:s14+$0x18A0];
	(xrf2) =	vadd.scan.msk.f32 $0xffff, v22;
	v22, _, _ =	vpop (xrf2)  }
0x13f: {  	v62 =	vadd.f32 v56, v44;
	(erf) = vpow2.f32 v36;
	v61 =	vbroadcast v38, $0xF;
	v38 =	vpop (erf)  }
0x140: {  	v22 =	vmul.f32 $1.442695020e+00, v22;
	v40 =	vmul.f32 v38, v40  }
0x141: {  	s2 =	simm.s32 $0x480;
	v52 =	vmul.f32 $2.000000030e-01, v62;
	(erf) = vpow2.f32 v61  }
0x142: {  	v46 =	vld [tilespmem:s2+$0x1860];
	v22 =	vbroadcast v22, $0xF  }
0x143: {  	v39 =	vld [tilespmem:s2+$0x60];
	v36 =	vmax.f32 v62, v52;
	v63 =	vadd.f32 v59, v48;
	[tilespmem:s18+$0x0] =	vst v40  }
0x144: {  	v36 =	vmul.f32 v36, v1;
	v45 =	vld [tilespmem:s13+$0xB0];
	v40 =	vpop (erf);
	(erf) = vpow2.f32 v22  }
0x145: {  	v47 =	vmul.f32 $2.000000030e-01, v63;
	v54, _, _ =	vpop (xrf2);
	v22 =	vld [tilespmem:s13+$0x18B0];
	v23 =	vmul.f32 v40, v23  }
0x146: {  	v43 =	vmul.f32 $1.442695020e+00, v54  }
0x147: {  	v53 =	vmax.f32 v63, v47;
	[tilespmem:s17+$0xFFFFFFD0] =	vst v23  }
0x148: {  	v42 =	vmul.f32 v53, v4;
	v55, _, _ =	vpop (xrf2);
	v23 =	vadd.f32 v46, v39;
	v46 =	vld [tilespmem:s11+$0x80]  }
0x149: {  	(xrf2) =	vadd.scan.msk.f32 $0xffff, v36;
	v36 =	vpop (erf);
	v57 =	vmul.f32 $1.442695020e+00, v55;
	v52 =	vld [tilespmem:s11+$0x1880]  }
0x14a: {  	(xrf2) =	vadd.scan.msk.f32 $0xffff, v42;
	v56 =	vbroadcast v43, $0xF;
	v43 =	vpop (erf);
	v53 =	vmul.f32 $2.000000030e-01, v23;
	v22 =	vadd.f32 v22, v45  }
0x14b: {  	v58 =	vbroadcast v57, $0xF;
	v41 =	vmul.f32 v43, v41  }
0x14c: {  	(erf) = vpow2.f32 v56;
	v54 =	vmul.f32 $2.000000030e-01, v22;
	v23 =	vmax.f32 v23, v53  }
0x14d: {  	[tilespmem:s20+$0x10] =	vst v41;
	v23 =	vmul.f32 v23, v0;
	v47 =	vpop (erf);
	(erf) = vpow2.f32 v58  }
0x14e: {  	v42 =	vld [tilespmem:s26+$0xC0];
	v22 =	vmax.f32 v22, v54;
	v52 =	vadd.f32 v52, v46  }
0x14f: {  	v22 =	vmul.f32 v22, v5;
	(xrf2) =	vadd.scan.msk.f32 $0xffff, v23;
	v23 =	vld [tilespmem:s26+$0x18C0]  }
0x150: {  	v60 =	vmul.f32 $2.000000030e-01, v52;
	_ =	sdelay $0x1  }
0x151: {  	v59 =	vmul.f32 v47, v49;
	v49 =	vmax.f32 v52, v60  }
0x152: {  	(xrf2) =	vadd.scan.msk.f32 $0xffff, v22;
	v22, _, _ =	vpop (xrf2)  }
0x153: {  	v17 =	vmul.f32 v36, v17;
	[tilespmem:s19+$0xFFFFFFE0] =	vst v59;
	v63 =	vmul.f32 v49, v2;
	v62, _, _ =	vpop (xrf2);
	v23 =	vadd.f32 v23, v42  }
0x154: {  	s4 =	simm.s32 $0x6580;
	v8 =	vnsel vm0, $0x0, v8;
	v41 =	vld [tilespmem:s21+$0x90];
	v53 =	vmul.f32 $1.442695020e+00, v62;
	v49 =	vpop (erf)  }
0x155: {  	[tilespmem:s4+$0xFFFFFFC0] =	vst v17;
	v61 =	vld [tilespmem:s21+$0x1890];
	v22 =	vmul.f32 $1.442695020e+00, v22;
	(xrf2) =	vadd.scan.msk.f32 $0xffff, v63;
	v57 =	vmul.f32 $2.000000030e-01, v23;
	v58 =	vpop (erf)  }
0x156: {  	v8 =	vsel vm1, v8, v10;
	v17 =	vld [tilespmem:s24+$0x70];
	v53 =	vbroadcast v53, $0xF;
	v51 =	vmul.f32 v58, v51  }
0x157: {  	v9 =	vnsel vm0, $0x0, v9;
	v8 =	vsel vm2, v8, v14;
	v10 =	vld [tilespmem:s24+$0x1870];
	v50 =	vmul.f32 v49, v50  }
0x158: {  	v22 =	vbroadcast v22, $0xF;
	v23 =	vmax.f32 v23, v57;
	(erf) = vpow2.f32 v53;
	v14, _, _ =	vpop (xrf2);
	[tilespmem:s16+$0xFFFFFFF0] =	vst v51  }
0x159: {  	v11 =	vnsel vm0, $0x0, v11;
	v55 =	vmul.f32 v23, v6;
	v14 =	vmul.f32 $1.442695020e+00, v14;
	v23 =	vld [tilespmem:s23+$0xA0]  }
0x15a: {  	v11 =	vsel vm1, v11, v16;
	v52 =	vadd.f32 v61, v41;
	[tilespmem:s1+$0x20] =	vst v50;
	(erf) = vpow2.f32 v22;
	v16 =	vld [tilespmem:s23+$0x18A0]  }
0x15b: {  	v9 =	vsel vm1, v9, v13;
	v13 =	vld [tilespmem:s15+$0xD0];
	(xrf2) =	vadd.scan.msk.f32 $0xffff, v55;
	v14 =	vbroadcast v14, $0xF  }
0x15c: {  	v10 =	vadd.f32 v10, v17;
	v59 =	vld [tilespmem:s15+$0x18D0];
	v60 =	vmul.f32 $2.000000030e-01, v52  }
0x15d: {  	v12 =	vnsel vm0, $0x0, v12  }
0x15e: {  	v9 =	vsel vm2, v9, v18;
	v62 =	vmul.f32 $2.000000030e-01, v10;
	v22, _, _ =	vpop (xrf2);
	v61 =	vmax.f32 v52, v60  }
0x15f: {  	v22 =	vmul.f32 $1.442695020e+00, v22;
	(erf) = vpow2.f32 v14;
	v14, _, _ =	vpop (xrf2);
	v16 =	vadd.f32 v16, v23  }
0x160: {  	v9 =	vsel vm3, v9, v25;
	v51 =	vmul.f32 v61, v3;
	v14 =	vmul.f32 $1.442695020e+00, v14  }
0x161: {  	v53 =	vadd.f32 v59, v13;
	v22 =	vbroadcast v22, $0xF;
	v25 =	vmul.f32 $2.000000030e-01, v16  }
0x162: {  	v8 =	vsel vm3, v8, v19;
	v12 =	vsel vm1, v12, v21;
	v19 =	vpop (erf);
	v14 =	vbroadcast v14, $0xF  }
0x163: {  	v10 =	vmax.f32 v10, v62;
	(xrf2) =	vadd.scan.msk.f32 $0xffff, v51;
	v18 =	vmul.f32 $2.000000030e-01, v53;
	(erf) = vpow2.f32 v22;
	v21 =	vpop (erf)  }
0x164: {  	(erf) = vpow2.f32 v14;
	v14 =	vnsel vm0, $0x0, v15;
	v15 =	vmul.f32 v21, v44  }
0x165: {  	s30 =	simm.s32 $0x500;
	v10 =	vmul.f32 v10, v1;
	v48 =	vmul.f32 v19, v48;
	v16 =	vmax.f32 v16, v25;
	v25, _, _ =	vpop (xrf2)  }
0x166: {  	v22 =	vld [tilespmem:s30+$0x60];
	v18 =	vmax.f32 v53, v18;
	[tilespmem:s28+$0xFFFFFFD0] =	vst v15;
	v15 =	vmul.f32 v16, v4;
	v16 =	vmul.f32 $1.442695020e+00, v25  }
0x167: {  	(xrf2) =	vadd.scan.msk.f32 $0xffff, v10;
	v10 =	vld [tilespmem:s30+$0x1860];
	v18 =	vmul.f32 v18, v7;
	[tilespmem:s12+$0x0] =	vst v48  }
0x168: {  	v11 =	vsel vm2, v11, v24;
	v24 =	vld [tilespmem:s14+$0xB0];
	v16 =	vbroadcast v16, $0xF  }
0x169: {  	(xrf2) =	vadd.scan.msk.f32 $0xffff, v18;
	v18 =	vld [tilespmem:s14+$0x18B0]  }
0x16a: {  	v20 =	vnsel vm0, $0x0, v20  }
0x16b: {  	v8 =	vsel vm4, v8, v26;
	v12 =	vsel vm2, v12, v29;
	v28 =	vnsel vm0, $0x0, v28;
	v29 =	vpop (erf)  }
0x16c: {  	v11 =	vsel vm3, v11, v30;
	v10 =	vadd.f32 v10, v22;
	v26 =	vld [tilespmem:s29+$0x80];
	(erf) = vpow2.f32 v16;
	v16 =	vpop (erf)  }
0x16d: {  	v9 =	vsel vm4, v9, v32;
	v14 =	vsel vm1, v14, v27;
	v25 =	vld [tilespmem:s29+$0x1880];
	(xrf2) =	vadd.scan.msk.f32 $0xffff, v15;
	v15, _, _ =	vpop (xrf2);
	v30 =	vmul.f32 v16, v45  }
0x16e: {  	v27 =	vmul.f32 $2.000000030e-01, v10;
	v18 =	vadd.f32 v18, v24;
	v15 =	vmul.f32 $1.442695020e+00, v15  }
0x16f: {  	v20 =	vsel vm1, v20, v33;
	v8 =	vsel vm5, v8, v34;
	v12 =	vsel vm3, v12, v37  }
0x170: {  	v10 =	vmax.f32 v10, v27;
	v27 =	vmul.f32 $2.000000030e-01, v18;
	v15 =	vbroadcast v15, $0xF  }
0x171: {  	v11 =	vsel vm4, v11, v38;
	v54 =	vsel vm6, v8, v49;
	v10 =	vmul.f32 v10, v0;
	[tilespmem:s18+$0x10] =	vst v30;
	v30 =	vpop (erf)  }
0x172: {  	v44 =	vadd.f32 v25, v26;
	(erf) = vpow2.f32 v15;
	v15 =	vmul.f32 v30, v46  }
0x173: {  	v53 =	vsel vm2, v20, v47;
	v63, _, _ =	vpop (xrf2);
	v45 =	vmul.f32 v29, v39;
	v18 =	vmax.f32 v18, v27;
	v25 =	vld [tilespmem:s13+$0xC0]  }
0x174: {  	(xrf2) =	vadd.scan.msk.f32 $0xffff, v10;
	v10 =	vmul.f32 $2.000000030e-01, v44;
	v18 =	vmul.f32 v18, v5;
	v27, _, _ =	vpop (xrf2);
	v51 =	vld [tilespmem:s13+$0x18C0];
	[tilespmem:s17+$0xFFFFFFE0] =	vst v15  }
0x175: {  	s15 =	simm.s32 $0x6610;
	v48 =	vsel vm1, v28, v40;
	v14 =	vsel vm2, v14, v35;
	v52 =	vmul.f32 $1.442695020e+00, v27;
	v27 =	vld [tilespmem:s11+$0x90]  }
0x176: {  	[tilespmem:s15+$0xFFFFFFC0] =	vst v45;
	v10 =	vmax.f32 v44, v10;
	(xrf2) =	vadd.scan.msk.f32 $0xffff, v18;
	v18 =	vnsel vm0, $0x0, v31;
	v31 =	vld [tilespmem:s11+$0x1890]  }
0x177: {  	v28 =	vld [tilespmem:s2+$0x70];
	v10 =	vmul.f32 v10, v2;
	v20, _, _ =	vpop (xrf2);
	v15 =	vsel vm5, v9, v43;
	v9 =	vbroadcast v52, $0xF  }
0x178: {  	v19 =	vsel vm4, v12, v19;
	v8 =	vsel vm3, v14, v58;
	v14 =	vld [tilespmem:s2+$0x1870];
	v20 =	vmul.f32 $1.442695020e+00, v20  }
0x179: {  	(xrf2) =	vadd.scan.msk.f32 $0xffff, v10;
	v10 =	vsel vm2, v48, v30;
	v12 =	vadd.f32 v51, v25;
	(erf) = vpow2.f32 v9  }
0x17a: {  	v55 =	vpop (erf);
	v9 =	vsel vm1, v18, v21;
	v18 =	vsel vm5, v11, v16;
	v11 =	vmul.f32 $1.442695020e+00, v63  }
0x17b: {  	v21 =	vmul.f32 v55, v42;
	v16 =	vbroadcast v20, $0xF;
	v31 =	vadd.f32 v31, v27  }
0x17c: {  	v20 =	vsel vm6, v15, v55;
	v56 =	vmul.f32 $2.000000030e-01, v12;
	v15 =	vbroadcast v11, $0xF  }
0x17d: {  	v14 =	vadd.f32 v14, v28;
	[tilespmem:s20+$0x20] =	vst v21;
	v30 =	vpop (erf);
	(erf) = vpow2.f32 v16;
	v16 =	vmul.f32 $2.000000030e-01, v31  }
0x17e: {  	v21 =	vld [tilespmem:s26+$0xD0];
	v57 =	vmul.f32 v30, v41;
	v32 =	vmax.f32 v12, v56;
	v12 =	vnsel vm0, $0x0, v29  }
0x17f: {  	v58 =	vld [tilespmem:s26+$0x18D0];
	(erf) = vpow2.f32 v15;
	v29 =	vmul.f32 v32, v6;
	v16 =	vmax.f32 v31, v16  }
0x180: {  	[tilespmem:s19+$0xFFFFFFF0] =	vst v57;
	v16 =	vmul.f32 v16, v3  }
0x181: {  	v59 =	vmul.f32 $2.000000030e-01, v14;
	v15, _, _ =	vpop (xrf2);
	(xrf2) =	vadd.scan.msk.f32 $0xffff, v29;
	v29 =	vld [tilespmem:s21+$0xA0]  }
0x182: {  	v31, _, _ =	vpop (xrf2);
	(xrf2) =	vadd.scan.msk.f32 $0xffff, v16;
	v16 =	vld [tilespmem:s21+$0x18A0]  }
0x183: {  	v11 =	vnsel vm0, $0x0, v36;
	v14 =	vmax.f32 v14, v59;
	v60 =	vmul.f32 $1.442695020e+00, v15;
	v61 =	vpop (erf)  }
0x184: {  	v15 =	vadd.f32 v58, v21;
	v62 =	vmul.f32 $1.442695020e+00, v31;
	v63 =	vmul.f32 v61, v13  }
0x185: {  	v31 =	vbroadcast v60, $0xF;
	v13 =	vsel vm3, v53, v30;
	v30 =	vmul.f32 v14, v1  }
0x186: {  	s31 =	simm.s32 $0x1600;
	s26 =	sadd.s32 $0x1, s25;
	v35 =	vsel vm7, v54, v61;
	v14, _, _ =	vpop (xrf2);
	v33 =	vmul.f32 $2.000000030e-01, v15;
	v32 =	vbroadcast v62, $0xF;
	[tilespmem:s1+$0x30] =	vst v63  }
.LBB2_7:
0x187: {  	s0 =	sshra.s32 s31, $0x2;
	p0 =	sne.s32 s31, $0x5E00;
	(erf) = vpow2.f32 v31;
	v14 =	vmul.f32 $1.442695020e+00, v14;
	v16 =	vadd.f32 v16, v29;
	v31 =	vpop (erf);
	[tilespmem:s1+$0x40] =	vst v35;
	s1 =	smov.u32 s20  }
0x188: {  	s20 =	smov.u32 s18;
	s18 =	smov.u32 s12;
	s12 =	smov.u32 s16;
	v34 =	vld [tilespmem:s0+$0x60];
	(xrf2) =	vadd.scan.msk.f32 $0xffff, v30;
	v30 =	vpop (erf);
	v35 =	vmul.f32 v31, v23;
	(erf) = vpow2.f32 v32;
	v15 =	vmax.f32 v15, v33  }
0x189: {  	s16 =	smov.u32 s19;
	s19 =	smov.u32 s17;
	s17 =	smov.u32 s28;
	v23 =	vmovc v29;
	v32 =	vld [tilespmem:s0+$0x1860];
	v33 =	vsel vm1, v11, v30;
	v14 =	vbroadcast v14, $0xF;
	v36 =	vmul.f32 v15, v7;
	v11 =	vmovc v12  }
0x18a: {  	s28 =	smov.u32 s4;
	s4 =	smov.u32 s15;
	v12 =	vmul.f32 v30, v17;
	v29 =	vmul.f32 $2.000000030e-01, v16;
	v30 =	vsel vm4, v8, v31;
	v17 =	vmovc v28;
	[tilespmem:s12+$0x0] =	vst v35  }
0x18b: {  	v8 =	vmov v13;
	(erf) = vpow2.f32 v14;
	v14 =	vld [tilespmem:s23+$0xB0];
	(xrf2) =	vadd.scan.msk.f32 $0xffff, v36  }
0x18c: {  	[tilespmem:s28+$0xFFFFFFD0] =	vst v12;
	v12 =	vmax.f32 v16, v29;
	v13 =	vld [tilespmem:s23+$0x18B0];
	v15, _, _ =	vpop (xrf2)  }
0x18d: {  	v16 =	vld [tilespmem:s24+$0x80];
	v12 =	vmul.f32 v12, v4;
	v15 =	vmul.f32 $1.442695020e+00, v15  }
0x18e: {  	v28 =	vadd.f32 v32, v34;
	v29 =	vld [tilespmem:s24+$0x1880]  }
0x18f: {  	v31, _, _ =	vpop (xrf2);
	(xrf2) =	vadd.scan.msk.f32 $0xffff, v12;
	v15 =	vbroadcast v15, $0xF  }
0x190: {  	v37 =	vmul.f32 $2.000000030e-01, v28;
	v35 =	vpop (erf);
	v31 =	vmul.f32 $1.442695020e+00, v31  }
0x191: {  	v12 =	vnsel vm0, $0x0, v35;
	v13 =	vadd.f32 v13, v14;
	v36 =	vpop (erf);
	(erf) = vpow2.f32 v15  }
0x192: {  	v15 =	vmax.f32 v28, v37;
	v32, _, _ =	vpop (xrf2);
	v28 =	vbroadcast v31, $0xF;
	v31 =	vmul.f32 v36, v24  }
0x193: {  	v24 =	vmovc v14;
	v15 =	vmul.f32 v15, v0;
	v29 =	vadd.f32 v29, v16;
	v37 =	vmul.f32 $2.000000030e-01, v13  }
0x194: {  	v14 =	vmul.f32 v35, v22;
	v22 =	vpop (erf);
	(erf) = vpow2.f32 v28;
	[tilespmem:s18+$0x10] =	vst v31;
	v31 =	vsel vm5, v19, v36  }
0x195: {  	s15 =	sadd.s32 $0x90, s15;
	(xrf2) =	vadd.scan.msk.f32 $0xffff, v15;
	v15 =	vmul.f32 $2.000000030e-01, v29;
	v38 =	vmul.f32 v22, v26;
	v13 =	vmax.f32 v13, v37;
	v35 =	vld [tilespmem:s14+$0xC0];
	v26, _, _ =	vpop (xrf2)  }
0x196: {  	[tilespmem:s15+$0xFFFFFFC0] =	vst v14;
	v14 =	vsel vm2, v9, v22;
	v13 =	vmul.f32 v13, v5;
	v36 =	vld [tilespmem:s14+$0x18C0];
	v37 =	vmul.f32 $1.442695020e+00, v26;
	v22 =	vmovc v34  }
0x197: {  	v19 =	vmov v30;
	v9 =	vmov v33;
	v26 =	vmov v16;
	v28 =	vld [tilespmem:s30+$0x70];
	[tilespmem:s17+$0xFFFFFFE0] =	vst v38  }
0x198: {  	v15 =	vmax.f32 v29, v15;
	v16 =	vld [tilespmem:s29+$0x90];
	(xrf2) =	vadd.scan.msk.f32 $0xffff, v13;
	v13 =	vbroadcast v37, $0xF  }
0x199: {  	v15 =	vmul.f32 v15, v2;
	v29 =	vld [tilespmem:s29+$0x1890];
	v30, _, _ =	vpop (xrf2)  }
0x19a: {  	v33 =	vld [tilespmem:s30+$0x1870];
	v37 =	vmul.f32 $1.442695020e+00, v30;
	v34 =	vpop (erf);
	(erf) = vpow2.f32 v13  }
0x19b: {  	v13 =	vmul.f32 $1.442695020e+00, v32;
	v32 =	vadd.f32 v36, v35;
	v36 =	vmul.f32 v34, v25;
	v25 =	vmovc v35  }
0x19c: {  	v34 =	vsel vm6, v18, v34;
	v18 =	vmovc v31;
	(xrf2) =	vadd.scan.msk.f32 $0xffff, v15;
	v37 =	vbroadcast v37, $0xF  }
0x19d: {  	v13 =	vbroadcast v13, $0xF;
	v30 =	vpop (erf);
	v31 =	vmul.f32 $2.000000030e-01, v32;
	[tilespmem:s20+$0x20] =	vst v36  }
0x19e: {  	v35 =	vadd.f32 v29, v16;
	v29 =	vmul.f32 v30, v27;
	(erf) = vpow2.f32 v37;
	v36 =	vld [tilespmem:s13+$0xD0];
	v27 =	vmovc v16  }
0x19f: {  	v15, _, _ =	vpop (xrf2);
	v33 =	vadd.f32 v33, v28;
	(erf) = vpow2.f32 v13;
	v16 =	vmax.f32 v32, v31;
	v31 =	vld [tilespmem:s13+$0x18D0];
	s13 =	smov.u32 s14;
	s14 =	smov.u32 s23;
	s23 =	smov.u32 s21  }
0x1a0: {  	v13 =	vsel vm3, v10, v30;
	v10 =	vmovc v14;
	s21 =	smov.u32 s11;
	s11 =	smov.u32 s29;
	s29 =	smov.u32 s24;
	v32 =	vmul.f32 $2.000000030e-01, v35;
	[tilespmem:s19+$0xFFFFFFF0] =	vst v29;
	v30 =	vmul.f32 v16, v6  }
0x1a1: {  	s24 =	smov.u32 s2;
	s2 =	smov.u32 s30;
	s30 =	smov.u32 s0;
	v14 =	vmul.f32 $2.000000030e-01, v33;
	v29 =	vld [tilespmem:s21+$0xA0]  }
.Ltmp3:
0x1a2: {  	v32 =	vmax.f32 v35, v32;
	v16 =	vld [tilespmem:s21+$0x18A0];
	v35, _, _ =	vpop (xrf2);
	(xrf2) =	vadd.scan.msk.f32 $0xffff, v30;
	(pc) =	sbr.rel @p0 .LBB2_7-.Ltmp3, $4  }
0x1a3: {  	v30 =	vmul.f32 $1.442695020e+00, v15;
	v14 =	vmax.f32 v33, v14;
	v32 =	vmul.f32 v32, v3;
	v33 =	vpop (erf)  }
0x1a4: {  	v37 =	vmul.f32 $1.442695020e+00, v35;
	v15 =	vadd.f32 v31, v36;
	v38 =	vmul.f32 v33, v21;
	v21 =	vmovc v36  }
0x1a5: {  	v31 =	vbroadcast v30, $0xF;
	v30 =	vmul.f32 v14, v1;
	v35 =	vsel vm7, v20, v33;
	v20 =	vmovc v34;
	(xrf2) =	vadd.scan.msk.f32 $0xffff, v32  }
0x1a6: {  	s31 =	sadd.s32 $0x200, s31;
	v32 =	vbroadcast v37, $0xF;
	v14, _, _ =	vpop (xrf2);
	v33 =	vmul.f32 $2.000000030e-01, v15;
	[tilespmem:s1+$0x30] =	vst v38  }
0x1a7: {  	v34 =	vmul.f32 $1.442695020e+00, v14;
	v14 =	vpop (erf)  }
0x1a8: {  	(erf) = vpow2.f32 v31;
	v16 =	vadd.f32 v16, v29;
	v23 =	vmul.f32 v14, v23  }
0x1a9: {  	(erf) = vpow2.f32 v32;
	v31 =	vmax.f32 v15, v33;
	v57 =	vbroadcast v34, $0xF  }
0x1aa: {  	(xrf2) =	vadd.scan.msk.f32 $0xffff, v30;
	v15 =	vpop (erf);
	v30 =	vmul.f32 v31, v7;
	v31 =	vmul.f32 $2.000000030e-01, v16  }
0x1ab: {  	v17 =	vmul.f32 v15, v17;
	[tilespmem:s16+$0x0] =	vst v23  }
0x1ac: {  	(erf) = vpow2.f32 v57;
	v58 =	vld [tilespmem:s23+$0xB0];
	v16 =	vmax.f32 v16, v31  }
0x1ad: {  	[tilespmem:s4+$0xFFFFFFD0] =	vst v17;
	v17 =	vld [tilespmem:s23+$0x18B0];
	v16 =	vmul.f32 v16, v4  }
0x1ae: {  	(xrf2) =	vadd.scan.msk.f32 $0xffff, v30;
	v23, _, _ =	vpop (xrf2)  }
0x1af: {  	v23 =	vmul.f32 $1.442695020e+00, v23;
	_ =	sdelay $0x1  }
0x1b0: {  	v31 =	vld [tilespmem:s24+$0x80];
	(xrf2) =	vadd.scan.msk.f32 $0xffff, v16;
	v23 =	vbroadcast v23, $0xF;
	v16, _, _ =	vpop (xrf2)  }
0x1b1: {  	v30 =	vld [tilespmem:s24+$0x1880];
	v60 =	vadd.f32 v17, v58;
	v59 =	vmul.f32 $1.442695020e+00, v16;
	v16 =	vpop (erf)  }
0x1b2: {  	(erf) = vpow2.f32 v23;
	v36 =	vpop (erf)  }
0x1b3: {  	v37 =	vmul.f32 $2.000000030e-01, v60;
	v24 =	vmul.f32 v36, v24  }
0x1b4: {  	v23 =	vbroadcast v59, $0xF;
	v17 =	vpop (erf)  }
0x1b5: {  	[tilespmem:s12+$0x10] =	vst v24;
	v24 =	vmul.f32 v17, v26;
	v26 =	vmax.f32 v60, v37  }
0x1b6: {  	v61, _, _ =	vpop (xrf2);
	v30 =	vadd.f32 v30, v31;
	(erf) = vpow2.f32 v23;
	v26 =	vmul.f32 v26, v5  }
0x1b7: {  	v62, _, _ =	vpop (xrf2)  }
0x1b8: {  	v23 =	vmul.f32 $2.000000030e-01, v30;
	v41 =	vld [tilespmem:s14+$0xC0];
	v34 =	vmul.f32 $1.442695020e+00, v62  }
0x1b9: {  	v22 =	vmul.f32 v16, v22;
	v38 =	vld [tilespmem:s14+$0x18C0]  }
0x1ba: {  	[tilespmem:s28+$0xFFFFFFE0] =	vst v24;
	v23 =	vmax.f32 v30, v23;
	(xrf2) =	vadd.scan.msk.f32 $0xffff, v26;
	v24 =	vbroadcast v34, $0xF;
	v26, _, _ =	vpop (xrf2)  }
0x1bb: {  	v63 =	vld [tilespmem:s29+$0x90];
	v23 =	vmul.f32 v23, v2;
	v26 =	vmul.f32 $1.442695020e+00, v26  }
0x1bc: {  	s31 =	sadd.s32 $0x90, s15;
	v39 =	vld [tilespmem:s29+$0x1890];
	v37 =	vpop (erf);
	(erf) = vpow2.f32 v24;
	v24 =	vmul.f32 $1.442695020e+00, v61  }
0x1bd: {  	[tilespmem:s31+$0xFFFFFFC0] =	vst v22;
	(xrf2) =	vadd.scan.msk.f32 $0xffff, v23;
	v25 =	vmul.f32 v37, v25;
	v23 =	vbroadcast v26, $0xF  }
0x1be: {  	v46 =	vld [tilespmem:s30+$0x1870];
	v26 =	vadd.f32 v38, v41  }
0x1bf: {  	v30 =	vld [tilespmem:s30+$0x70];
	v24 =	vbroadcast v24, $0xF;
	[tilespmem:s18+$0x20] =	vst v25;
	v22 =	vpop (erf);
	(erf) = vpow2.f32 v23  }
0x1c0: {  	v38 =	vld [tilespmem:s13+$0xD0];
	v23 =	vmul.f32 $2.000000030e-01, v26;
	v25 =	vmul.f32 v22, v27  }
0x1c1: {  	v39 =	vadd.f32 v39, v63;
	v27 =	vld [tilespmem:s13+$0x18D0]  }
0x1c2: {  	(erf) = vpow2.f32 v24;
	v23 =	vmax.f32 v26, v23;
	[tilespmem:s17+$0xFFFFFFF0] =	vst v25  }
0x1c3: {  	v24 =	vmul.f32 $2.000000030e-01, v39;
	v23 =	vmul.f32 v23, v6;
	v42 =	vld [tilespmem:s11+$0xA0]  }
0x1c4: {  	v25 =	vadd.f32 v46, v30;
	v26 =	vld [tilespmem:s11+$0x18A0];
	v47, _, _ =	vpop (xrf2)  }
0x1c5: {  	v24 =	vmax.f32 v39, v24;
	(xrf2) =	vadd.scan.msk.f32 $0xffff, v23;
	v23 =	vmul.f32 $1.442695020e+00, v47  }
0x1c6: {  	v48 =	vmul.f32 $2.000000030e-01, v25;
	v24 =	vmul.f32 v24, v3;
	v27 =	vadd.f32 v27, v38  }
0x1c7: {  	v40, _, _ =	vpop (xrf2)  }
0x1c8: {  	v39 =	vpop (erf);
	v25 =	vmax.f32 v25, v48;
	(xrf2) =	vadd.scan.msk.f32 $0xffff, v24;
	v49 =	vmul.f32 $1.442695020e+00, v40;
	v24 =	vmul.f32 $2.000000030e-01, v27  }
0x1c9: {  	v43 =	vbroadcast v23, $0xF;
	v25 =	vmul.f32 v25, v1;
	v26 =	vadd.f32 v26, v42;
	v23 =	vpop (erf)  }
0x1ca: {  	v33 =	vbroadcast v49, $0xF;
	v27 =	vmax.f32 v27, v24;
	v29 =	vmul.f32 v23, v29  }
0x1cb: {  	(xrf2) =	vadd.scan.msk.f32 $0xffff, v25;
	v25 =	vmul.f32 v27, v7;
	v27 =	vmul.f32 $2.000000030e-01, v26  }
0x1cc: {  	(erf) = vpow2.f32 v43  }
0x1cd: {  	(erf) = vpow2.f32 v33;
	v24 =	vpop (erf);
	[tilespmem:s19+$0x0] =	vst v29;
	(xrf2) =	vadd.scan.msk.f32 $0xffff, v25;
	v25 =	vmax.f32 v26, v27  }
0x1ce: {  	v28 =	vmul.f32 v24, v28;
	v33 =	vld [tilespmem:s21+$0xB0];
	v25 =	vmul.f32 v25, v4  }
0x1cf: {  	v26 =	vld [tilespmem:s21+$0x18B0]  }
0x1d0: {  	[tilespmem:s15+$0xFFFFFFD0] =	vst v28;
	v27, _, _ =	vpop (xrf2)  }
0x1d1: {  	v43 =	vld [tilespmem:s2+$0x80];
	(xrf2) =	vadd.scan.msk.f32 $0xffff, v25;
	v27 =	vmul.f32 $1.442695020e+00, v27  }
0x1d2: {  	v28 =	vld [tilespmem:s2+$0x1880];
	v25, _, _ =	vpop (xrf2)  }
0x1d3: {  	v27 =	vbroadcast v27, $0xF;
	v29 =	vmul.f32 $1.442695020e+00, v25  }
0x1d4: {  	v50 =	vadd.f32 v26, v33  }
0x1d5: {  	v25 =	vpop (erf);
	(erf) = vpow2.f32 v27;
	v29 =	vbroadcast v29, $0xF  }
0x1d6: {  	v32 =	vmul.f32 v25, v58;
	v26 =	vpop (erf);
	v44 =	vmul.f32 $2.000000030e-01, v50  }
0x1d7: {  	v28 =	vadd.f32 v28, v43;
	v31 =	vmul.f32 v26, v31;
	(erf) = vpow2.f32 v29  }
0x1d8: {  	[tilespmem:s16+$0x10] =	vst v32;
	v40 =	vmax.f32 v50, v44  }
0x1d9: {  	v27, _, _ =	vpop (xrf2);
	v29 =	vmul.f32 $2.000000030e-01, v28;
	v44 =	vld [tilespmem:s23+$0xC0];
	v40 =	vmul.f32 v40, v5  }
0x1da: {  	v45 =	vld [tilespmem:s23+$0x18C0];
	[tilespmem:s4+$0xFFFFFFE0] =	vst v31;
	v51, _, _ =	vpop (xrf2)  }
0x1db: {  	v46 =	vld [tilespmem:s24+$0x90];
	v27 =	vmul.f32 $1.442695020e+00, v27;
	v32 =	vmul.f32 $1.442695020e+00, v51;
	v28 =	vmax.f32 v28, v29;
	v31, _, _ =	vpop (xrf2);
	(xrf2) =	vadd.scan.msk.f32 $0xffff, v40  }
0x1dc: {  	v52 =	vld [tilespmem:s24+$0x1890];
	v28 =	vmul.f32 v28, v2;
	v31 =	vmul.f32 $1.442695020e+00, v31  }
0x1dd: {  	v29 =	vbroadcast v32, $0xF  }
0x1de: {  	(xrf2) =	vadd.scan.msk.f32 $0xffff, v28;
	v28 =	vbroadcast v31, $0xF;
	v40 =	vpop (erf)  }
0x1df: {  	(erf) = vpow2.f32 v29;
	v29 =	vadd.f32 v45, v44;
	v31 =	vmul.f32 v40, v41  }
0x1e0: {  	(erf) = vpow2.f32 v28;
	v28 =	vbroadcast v27, $0xF;
	v27 =	vpop (erf)  }
0x1e1: {  	v32 =	vadd.f32 v52, v46;
	v53 =	vmul.f32 $2.000000030e-01, v29;
	[tilespmem:s12+$0x20] =	vst v31;
	v31 =	vmul.f32 v27, v63;
	_ =	sdelay $0x1  }
0x1e2: {  	(erf) = vpow2.f32 v28;
	v28 =	vmax.f32 v29, v53;
	v29 =	vmul.f32 $2.000000030e-01, v32  }
0x1e3: {  	v45 =	vld [tilespmem:s14+$0xD0];
	v28 =	vmul.f32 v28, v6  }
0x1e4: {  	v54 =	vld [tilespmem:s14+$0x18D0];
	[tilespmem:s28+$0xFFFFFFF0] =	vst v31;
	v29 =	vmax.f32 v32, v29;
	v31, _, _ =	vpop (xrf2)  }
0x1e5: {  	(xrf2) =	vadd.scan.msk.f32 $0xffff, v28;
	v47 =	vld [tilespmem:s29+$0xA0];
	v28 =	vmul.f32 v29, v3;
	v29 =	vmul.f32 $1.442695020e+00, v31  }
0x1e6: {  	v31 =	vld [tilespmem:s29+$0x18A0]  }
0x1e7: {  	v55, _, _ =	vpop (xrf2);
	(xrf2) =	vadd.scan.msk.f32 $0xffff, v28;
	v29 =	vbroadcast v29, $0xF  }
0x1e8: {  	v48 =	vpop (erf);
	v32 =	vmul.f32 $1.442695020e+00, v55  }
0x1e9: {  	v34 =	vadd.f32 v54, v45;
	v28 =	vpop (erf)  }
0x1ea: {  	v56 =	vmul.f32 v28, v42;
	v32 =	vbroadcast v32, $0xF  }
0x1eb: {  	v57 =	vmul.f32 $2.000000030e-01, v34;
	(erf) = vpow2.f32 v29;
	v31 =	vadd.f32 v31, v47;
	v29 =	vpop (erf)  }
0x1ec: {  	[tilespmem:s17+$0x0] =	vst v56;
	v30 =	vmul.f32 v29, v30  }
0x1ed: {  	(erf) = vpow2.f32 v32;
	v58 =	vmax.f32 v34, v57;
	v49 =	vld [tilespmem:s11+$0xB0];
	v59 =	vmul.f32 $2.000000030e-01, v31  }
0x1ee: {  	v32 =	vmul.f32 v58, v7;
	[tilespmem:s31+$0xFFFFFFD0] =	vst v30;
	v30 =	vld [tilespmem:s11+$0x18B0]  }
0x1ef: {  	v31 =	vmax.f32 v31, v59;
	v50 =	vld [tilespmem:s30+$0x80]  }
0x1f0: {  	v60, _, _ =	vpop (xrf2);
	(xrf2) =	vadd.scan.msk.f32 $0xffff, v32;
	v62 =	vld [tilespmem:s30+$0x1880];
	v31 =	vmul.f32 v31, v4  }
0x1f1: {  	v63, _, _ =	vpop (xrf2)  }
0x1f2: {  	v61 =	vmul.f32 $1.442695020e+00, v60;
	(xrf2) =	vadd.scan.msk.f32 $0xffff, v31;
	v31 =	vmul.f32 $1.442695020e+00, v63  }
0x1f3: {  	v51 =	vadd.f32 v30, v49  }
0x1f4: {  	v32 =	vbroadcast v61, $0xF;
	v30 =	vpop (erf)  }
0x1f5: {  	v52 =	vmul.f32 v30, v33;
	v34 =	vadd.f32 v62, v50;
	v54 =	vmul.f32 $2.000000030e-01, v51  }
0x1f6: {  	(erf) = vpow2.f32 v32;
	v53 =	vbroadcast v31, $0xF;
	v31 =	vpop (erf)  }
0x1f7: {  	[tilespmem:s19+$0x10] =	vst v52;
	v55 =	vmul.f32 v31, v43;
	v56 =	vmul.f32 $2.000000030e-01, v34;
	v42 =	vmax.f32 v51, v54  }
0x1f8: {  	(erf) = vpow2.f32 v53;
	v41 =	vld [tilespmem:s21+$0xC0];
	v57 =	vmul.f32 v42, v5  }
0x1f9: {  	v51 =	vld [tilespmem:s21+$0x18C0];
	[tilespmem:s15+$0xFFFFFFE0] =	vst v55;
	v58 =	vmax.f32 v34, v56  }
0x1fa: {  	v59, _, _ =	vpop (xrf2);
	v42 =	vld [tilespmem:s2+$0x90];
	v32 =	vmul.f32 v58, v2;
	(xrf2) =	vadd.scan.msk.f32 $0xffff, v57  }
0x1fb: {  	v33 =	vmul.f32 $1.442695020e+00, v59;
	v60 =	vld [tilespmem:s2+$0x1890]  }
0x1fc: {  	(xrf2) =	vadd.scan.msk.f32 $0xffff, v32  }
0x1fd: {  	v33 =	vbroadcast v33, $0xF  }
0x1fe: {  	v61, _, _ =	vpop (xrf2)  }
0x1ff: {  	v62 =	vmul.f32 $1.442695020e+00, v61;
	v51 =	vadd.f32 v51, v41;
	v32 =	vpop (erf)  }
0x200: {  	(erf) = vpow2.f32 v33;
	v44 =	vmul.f32 v32, v44;
	v52 =	vadd.f32 v60, v42  }
0x201: {  	v63 =	vbroadcast v62, $0xF;
	v33 =	vpop (erf);
	v53 =	vmul.f32 $2.000000030e-01, v51  }
0x202: {  	v54 =	vmul.f32 v33, v46;
	[tilespmem:s16+$0x20] =	vst v44;
	v55 =	vmul.f32 $2.000000030e-01, v52  }
0x203: {  	v43 =	vmax.f32 v51, v53;
	v34 =	vld [tilespmem:s23+$0xD0]  }
0x204: {  	(erf) = vpow2.f32 v63;
	v56 =	vld [tilespmem:s23+$0x18D0];
	[tilespmem:s4+$0xFFFFFFF0] =	vst v54;
	v43 =	vmul.f32 v43, v6;
	v57 =	vmax.f32 v52, v55;
	v58, _, _ =	vpop (xrf2)  }
0x205: {  	v46 =	vld [tilespmem:s24+$0xA0];
	v44 =	vmul.f32 v57, v3;
	v59 =	vmul.f32 $1.442695020e+00, v58  }
0x206: {  	v53 =	vld [tilespmem:s24+$0x18A0];
	(xrf2) =	vadd.scan.msk.f32 $0xffff, v43;
	v60, _, _ =	vpop (xrf2)  }
0x207: {  	(xrf2) =	vadd.scan.msk.f32 $0xffff, v44;
	v44 =	vmul.f32 $1.442695020e+00, v60;
	v43 =	vbroadcast v59, $0xF;
	_ =	sdelay $0x1  }
0x208: {  	v61 =	vadd.f32 v56, v34;
	v62 =	vbroadcast v44, $0xF;
	(erf) = vpow2.f32 v43  }
0x209: {  	v21 =	vmul.f32 v39, v21;
	v20 =	vsel vm7, v20, v39  }
0x20a: {  	[tilespmem:s20+$0x40] =	vst v20;
	v51 =	vadd.f32 v53, v46;
	v20 =	vmul.f32 $2.000000030e-01, v61;
	(erf) = vpow2.f32 v62  }
0x20b: {  	[tilespmem:s20+$0x30] =	vst v21;
	v21 =	vmul.f32 v48, v38;
	v63 =	vpop (erf)  }
0x20c: {  	v37 =	vsel vm6, v18, v37;
	v18 =	vpop (erf);
	v52 =	vmul.f32 $2.000000030e-01, v51;
	v20 =	vmax.f32 v61, v20  }
0x20d: {  	[tilespmem:s18+$0x30] =	vst v21;
	v21 =	vmul.f32 v18, v47;
	v20 =	vmul.f32 v20, v7  }
0x20e: {  	[tilespmem:s1+$0x40] =	vst v35;
	v19 =	vsel vm5, v19, v36  }
0x20f: {  	v19 =	vsel vm6, v19, v40;
	v37 =	vsel vm7, v37, v48;
	[tilespmem:s28+$0x0] =	vst v21;
	v21 =	vmax.f32 v51, v52  }
0x210: {  	[tilespmem:s18+$0x40] =	vst v37;
	v19 =	vsel vm7, v19, v63;
	v53 =	vmul.f32 v63, v45;
	v37 =	vld [tilespmem:s29+$0xB0];
	v54, _, _ =	vpop (xrf2);
	v21 =	vmul.f32 v21, v4  }
0x211: {  	[tilespmem:s12+$0x40] =	vst v19;
	(xrf2) =	vadd.scan.msk.f32 $0xffff, v20;
	v55 =	vld [tilespmem:s29+$0x18B0];
	v20 =	vpop (erf)  }
0x212: {  	[tilespmem:s12+$0x30] =	vst v53;
	v56, _, _ =	vpop (xrf2);
	(xrf2) =	vadd.scan.msk.f32 $0xffff, v21;
	v21 =	vmul.f32 v20, v49  }
0x213: {  	v19 =	vpop (erf)  }
0x214: {  	[tilespmem:s17+$0x10] =	vst v21;
	v21 =	vmul.f32 v19, v50  }
0x215: {  	v57 =	vld [tilespmem:s11+$0xC0]  }
0x216: {  	v58 =	vld [tilespmem:s11+$0x18C0];
	[tilespmem:s31+$0xFFFFFFE0] =	vst v21;
	v21 =	vadd.f32 v55, v37  }
0x217: {  	v44 =	vld [tilespmem:s30+$0x90]  }
0x218: {  	v59 =	vld [tilespmem:s30+$0x1890];
	v60 =	vmul.f32 $2.000000030e-01, v21;
	_ =	sdelay $0x1  }
0x219: {  	v21 =	vmax.f32 v21, v60  }
0x21a: {  	v39 =	vadd.f32 v58, v57;
	v21 =	vmul.f32 v21, v5;
	_ =	sdelay $0x1  }
0x21b: {  	v61 =	vmul.f32 $2.000000030e-01, v39;
	v36 =	vadd.f32 v59, v44;
	(xrf2) =	vadd.scan.msk.f32 $0xffff, v21;
	_ =	sdelay $0x1  }
0x21c: {  	v21 =	vmax.f32 v39, v61;
	v62 =	vmul.f32 $2.000000030e-01, v36  }
0x21d: {  	v21 =	vmul.f32 v21, v6  }
0x21e: {  	v36 =	vmax.f32 v36, v62  }
0x21f: {  	v35 =	vmul.f32 $1.442695020e+00, v54;
	(xrf2) =	vadd.scan.msk.f32 $0xffff, v21;
	v21 =	vmul.f32 v36, v3;
	_ =	sdelay $0x1  }
0x220: {  	(xrf2) =	vadd.scan.msk.f32 $0xffff, v21;
	v21 =	vbroadcast v35, $0xF  }
0x221: {  	v63 =	vmul.f32 $1.442695020e+00, v56;
	v40, _, _ =	vpop (xrf2)  }
0x222: {  	v45, _, _ =	vpop (xrf2);
	(erf) = vpow2.f32 v21;
	v21 =	vmul.f32 $1.442695020e+00, v40  }
0x223: {  	v35 =	vbroadcast v63, $0xF;
	v47, _, _ =	vpop (xrf2)  }
0x224: {  	v21 =	vbroadcast v21, $0xF;
	v38 =	vmul.f32 $1.442695020e+00, v47  }
0x225: {  	v36 =	vmul.f32 $1.442695020e+00, v45;
	(erf) = vpow2.f32 v35  }
0x226: {  	(erf) = vpow2.f32 v21;
	v21 =	vbroadcast v38, $0xF  }
0x227: {  	v48 =	vbroadcast v36, $0xF;
	_ =	sdelay $0x1  }
0x228: {  	(erf) = vpow2.f32 v48;
	v49, _, _ =	vpop (xrf2)  }
0x229: {  	v50 =	vmul.f32 $1.442695020e+00, v49;
	(erf) = vpow2.f32 v21;
	v21, _, _ =	vpop (xrf2)  }
0x22a: {  	v21 =	vmul.f32 $1.442695020e+00, v21  }
0x22b: {  	v35 =	vbroadcast v50, $0xF  }
0x22c: {  	v21 =	vbroadcast v21, $0xF  }
0x22d: {  	(erf) = vpow2.f32 v35  }
0x22e: {  	v36 =	vpop (erf)  }
0x22f: {  	v51 =	vmul.f32 v36, v41;
	(erf) = vpow2.f32 v21  }
0x230: {  	v21 =	vpop (erf)  }
0x231: {  	[tilespmem:s19+$0x20] =	vst v51;
	v52 =	vmul.f32 v21, v42;
	v41 =	vpop (erf)  }
0x232: {  	v40 =	vld [tilespmem:s21+$0xD0];
	v35 =	vpop (erf)  }
0x233: {  	v53 =	vld [tilespmem:s21+$0x18D0];
	[tilespmem:s15+$0xFFFFFFF0] =	vst v52;
	v54 =	vmul.f32 v35, v46;
	v38 =	vpop (erf)  }
0x234: {  	v46 =	vld [tilespmem:s2+$0xA0];
	v37 =	vmul.f32 v38, v37  }
0x235: {  	v55 =	vld [tilespmem:s2+$0x18A0];
	[tilespmem:s4+$0x0] =	vst v54  }
0x236: {  	v39 =	vpop (erf);
	v48 =	vld [tilespmem:s24+$0xB0]  }
0x237: {  	v57 =	vmul.f32 v39, v57;
	v56 =	vld [tilespmem:s24+$0x18B0];
	[tilespmem:s28+$0x10] =	vst v37  }
0x238: {  	v50 =	vld [tilespmem:s29+$0xC0];
	v37 =	vpop (erf)  }
0x239: {  	v58 =	vld [tilespmem:s29+$0x18C0];
	[tilespmem:s17+$0x20] =	vst v57;
	v44 =	vmul.f32 v37, v44  }
0x23a: {  	v42 =	vld [tilespmem:s11+$0xD0]  }
0x23b: {  	v45 =	vadd.f32 v53, v40;
	v59 =	vld [tilespmem:s11+$0x18D0];
	[tilespmem:s31+$0xFFFFFFF0] =	vst v44  }
0x23c: {  	v60 =	vadd.f32 v55, v46;
	v52 =	vld [tilespmem:s30+$0xA0]  }
0x23d: {  	v61 =	vmul.f32 $2.000000030e-01, v45;
	v62 =	vld [tilespmem:s30+$0x18A0]  }
0x23e: {  	v49 =	vadd.f32 v56, v48;
	v54 =	vmul.f32 $2.000000030e-01, v60  }
0x23f: {  	v45 =	vmax.f32 v45, v61;
	v43 =	vadd.f32 v58, v50  }
0x240: {  	v45 =	vmul.f32 v45, v7;
	v63 =	vmul.f32 $2.000000030e-01, v49;
	v44 =	vmax.f32 v60, v54  }
0x241: {  	v55 =	vadd.f32 v59, v42;
	v44 =	vmul.f32 v44, v4;
	v57 =	vmul.f32 $2.000000030e-01, v43  }
0x242: {  	(xrf2) =	vadd.scan.msk.f32 $0xffff, v45;
	v47 =	vmax.f32 v49, v63;
	v58 =	vadd.f32 v62, v52  }
0x243: {  	v59 =	vmul.f32 $2.000000030e-01, v55;
	v56 =	vmul.f32 v47, v5;
	(xrf2) =	vadd.scan.msk.f32 $0xffff, v44;
	v43 =	vmax.f32 v43, v57  }
0x244: {  	v43 =	vmul.f32 v43, v6;
	v60 =	vmul.f32 $2.000000030e-01, v58  }
0x245: {  	v44 =	vmax.f32 v55, v59;
	(xrf2) =	vadd.scan.msk.f32 $0xffff, v56  }
0x246: {  	v44 =	vmul.f32 v44, v7;
	(xrf2) =	vadd.scan.msk.f32 $0xffff, v43;
	v45 =	vmax.f32 v58, v60  }
0x247: {  	v61 =	vmul.f32 v45, v4  }
0x248: {  	(xrf2) =	vadd.scan.msk.f32 $0xffff, v44  }
0x249: {  	(xrf2) =	vadd.scan.msk.f32 $0xffff, v61;
	_ =	sdelay $0x2  }
0x24a: {  	v62, _, _ =	vpop (xrf2)  }
0x24b: {  	v43 =	vmul.f32 $1.442695020e+00, v62;
	v63, _, _ =	vpop (xrf2)  }
0x24c: {  	v44 =	vmul.f32 $1.442695020e+00, v63  }
0x24d: {  	v43 =	vbroadcast v43, $0xF;
	v49, _, _ =	vpop (xrf2)  }
0x24e: {  	v45 =	vmul.f32 $1.442695020e+00, v49;
	v44 =	vbroadcast v44, $0xF;
	v53, _, _ =	vpop (xrf2)  }
0x24f: {  	(erf) = vpow2.f32 v43;
	v54 =	vmul.f32 $1.442695020e+00, v53  }
0x250: {  	v55, _, _ =	vpop (xrf2);
	v51 =	vbroadcast v45, $0xF;
	(erf) = vpow2.f32 v44  }
0x251: {  	v56 =	vmul.f32 $1.442695020e+00, v55;
	v44 =	vbroadcast v54, $0xF;
	v57, _, _ =	vpop (xrf2)  }
0x252: {  	(erf) = vpow2.f32 v51;
	v45 =	vmul.f32 $1.442695020e+00, v57  }
0x253: {  	v43 =	vbroadcast v56, $0xF  }
0x254: {  	(erf) = vpow2.f32 v44;
	v58 =	vbroadcast v45, $0xF  }
0x255: {  	(erf) = vpow2.f32 v43  }
0x256: {  	(erf) = vpow2.f32 v58;
	_ =	sdelay $0x1  }
0x257: {  	v47 =	vpop (erf)  }
0x258: {  	v43 =	vpop (erf)  }
0x259: {  	v59 =	vmul.f32 v43, v46  }
0x25a: {  	v45 =	vpop (erf)  }
0x25b: {  	[tilespmem:s15+$0x0] =	vst v59;
	v60 =	vmul.f32 v45, v48  }
0x25c: {  	v46 =	vpop (erf);
	v51 =	vld [tilespmem:s2+$0xB0]  }
0x25d: {  	v61 =	vld [tilespmem:s2+$0x18B0];
	v62 =	vmul.f32 v46, v50;
	v48 =	vpop (erf);
	[tilespmem:s4+$0x10] =	vst v60  }
0x25e: {  	v50 =	vld [tilespmem:s24+$0xC0];
	v44 =	vpop (erf)  }
0x25f: {  	v63 =	vld [tilespmem:s24+$0x18C0];
	[tilespmem:s28+$0x20] =	vst v62;
	v52 =	vmul.f32 v44, v52  }
0x260: {  	v49 =	vld [tilespmem:s29+$0xD0]  }
0x261: {  	v55 =	vld [tilespmem:s29+$0x18D0];
	[tilespmem:s31+$0x0] =	vst v52  }
0x262: {  	v53 =	vadd.f32 v61, v51;
	v52 =	vld [tilespmem:s30+$0xB0]  }
0x263: {  	v56 =	vld [tilespmem:s30+$0x18B0]  }
0x264: {  	v57 =	vmul.f32 $2.000000030e-01, v53;
	_ =	sdelay $0x1  }
0x265: {  	v54 =	vadd.f32 v63, v50;
	v53 =	vmax.f32 v53, v57  }
0x266: {  	v55 =	vadd.f32 v55, v49;
	v53 =	vmul.f32 v53, v5  }
0x267: {  	v60 =	vmul.f32 $2.000000030e-01, v54;
	v56 =	vadd.f32 v56, v52  }
0x268: {  	v58 =	vmul.f32 $2.000000030e-01, v55;
	(xrf2) =	vadd.scan.msk.f32 $0xffff, v53  }
0x269: {  	v61 =	vmax.f32 v54, v60;
	v62 =	vmul.f32 $2.000000030e-01, v56  }
0x26a: {  	v53 =	vmul.f32 v61, v6;
	v55 =	vmax.f32 v55, v58  }
0x26b: {  	v55 =	vmul.f32 v55, v7;
	v54 =	vmax.f32 v56, v62  }
0x26c: {  	(xrf2) =	vadd.scan.msk.f32 $0xffff, v53;
	v63 =	vmul.f32 v54, v5  }
0x26d: {  	(xrf2) =	vadd.scan.msk.f32 $0xffff, v55  }
0x26e: {  	(xrf2) =	vadd.scan.msk.f32 $0xffff, v63;
	_ =	sdelay $0x3  }
0x26f: {  	v56, _, _ =	vpop (xrf2)  }
0x270: {  	v53 =	vmul.f32 $1.442695020e+00, v56;
	_ =	sdelay $0x1  }
0x271: {  	v53 =	vbroadcast v53, $0xF  }
0x272: {  	v57, _, _ =	vpop (xrf2)  }
0x273: {  	v54 =	vmul.f32 $1.442695020e+00, v57;
	v55, _, _ =	vpop (xrf2);
	(erf) = vpow2.f32 v53  }
0x274: {  	v58 =	vmul.f32 $1.442695020e+00, v55;
	v59, _, _ =	vpop (xrf2)  }
0x275: {  	v54 =	vbroadcast v54, $0xF;
	v55 =	vmul.f32 $1.442695020e+00, v59  }
0x276: {  	v53 =	vbroadcast v58, $0xF  }
0x277: {  	(erf) = vpow2.f32 v54;
	v60 =	vbroadcast v55, $0xF  }
0x278: {  	(erf) = vpow2.f32 v53  }
0x279: {  	(erf) = vpow2.f32 v60;
	_ =	sdelay $0x2  }
0x27a: {  	v53 =	vpop (erf)  }
0x27b: {  	v51 =	vmul.f32 v53, v51;
	_ =	sdelay $0x2  }
0x27c: {  	v54 =	vpop (erf)  }
0x27d: {  	[tilespmem:s15+$0x10] =	vst v51;
	v50 =	vmul.f32 v54, v50;
	v51 =	vpop (erf)  }
0x27e: {  	v55 =	vld [tilespmem:s2+$0xC0];
	v56 =	vpop (erf)  }
0x27f: {  	v61 =	vld [tilespmem:s2+$0x18C0];
	[tilespmem:s4+$0x20] =	vst v50;
	v62 =	vmul.f32 v56, v52  }
0x280: {  	v63 =	vld [tilespmem:s24+$0x18D0]  }
0x281: {  	v52 =	vld [tilespmem:s24+$0xD0];
	[tilespmem:s31+$0x10] =	vst v62  }
0x282: {  	v50 =	vld [tilespmem:s30+$0xC0]  }
0x283: {  	v59 =	vld [tilespmem:s30+$0x18C0];
	_ =	sdelay $0x2  }
0x284: {  	v57 =	vadd.f32 v61, v55  }
0x285: {  	v58 =	vadd.f32 v63, v52  }
0x286: {  	v60 =	vmul.f32 $2.000000030e-01, v57;
	v59 =	vadd.f32 v59, v50  }
0x287: {  	v61 =	vmul.f32 $2.000000030e-01, v58  }
0x288: {  	v57 =	vmax.f32 v57, v60;
	v60 =	vmul.f32 $2.000000030e-01, v59  }
0x289: {  	v57 =	vmul.f32 v57, v6;
	v58 =	vmax.f32 v58, v61  }
0x28a: {  	v58 =	vmul.f32 v58, v7;
	v59 =	vmax.f32 v59, v60  }
0x28b: {  	(xrf2) =	vadd.scan.msk.f32 $0xffff, v57;
	v60 =	vmul.f32 v59, v6  }
0x28c: {  	(xrf2) =	vadd.scan.msk.f32 $0xffff, v58  }
0x28d: {  	(xrf2) =	vadd.scan.msk.f32 $0xffff, v60;
	_ =	sdelay $0x7  }
0x28e: {  	v61, _, _ =	vpop (xrf2)  }
0x28f: {  	v57 =	vmul.f32 $1.442695020e+00, v61;
	v58, _, _ =	vpop (xrf2)  }
0x290: {  	v58 =	vmul.f32 $1.442695020e+00, v58;
	v62, _, _ =	vpop (xrf2)  }
0x291: {  	v57 =	vbroadcast v57, $0xF;
	v59 =	vmul.f32 $1.442695020e+00, v62  }
0x292: {  	v58 =	vbroadcast v58, $0xF  }
0x293: {  	(erf) = vpow2.f32 v57;
	v63 =	vbroadcast v59, $0xF  }
0x294: {  	(erf) = vpow2.f32 v58  }
0x295: {  	(erf) = vpow2.f32 v63;
	_ =	sdelay $0x6  }
0x296: {  	v57 =	vpop (erf)  }
0x297: {  	v55 =	vmul.f32 v57, v55;
	v58 =	vpop (erf)  }
0x298: {  	v59 =	vpop (erf)  }
0x299: {  	[tilespmem:s15+$0x20] =	vst v55;
	v50 =	vmul.f32 v59, v50  }
0x29a: {  	v55 =	vld [tilespmem:s2+$0xD0]  }
0x29b: {  	v60 =	vld [tilespmem:s2+$0x18D0];
	[tilespmem:s31+$0x20] =	vst v50  }
0x29c: {  	v50 =	vld [tilespmem:s30+$0xD0]  }
0x29d: {  	v61 =	vld [tilespmem:s30+$0x18D0];
	_ =	sdelay $0x2  }
0x29e: {  	v60 =	vadd.f32 v60, v55;
	_ =	sdelay $0x1  }
0x29f: {  	v62 =	vmul.f32 $2.000000030e-01, v60;
	v61 =	vadd.f32 v61, v50;
	_ =	sdelay $0x1  }
0x2a0: {  	v60 =	vmax.f32 v60, v62;
	v62 =	vmul.f32 $2.000000030e-01, v61  }
0x2a1: {  	v60 =	vmul.f32 v60, v7  }
0x2a2: {  	v61 =	vmax.f32 v61, v62  }
0x2a3: {  	(xrf2) =	vadd.scan.msk.f32 $0xffff, v60;
	v60 =	vmul.f32 v61, v7;
	_ =	sdelay $0x1  }
0x2a4: {  	(xrf2) =	vadd.scan.msk.f32 $0xffff, v60;
	_ =	sdelay $0x5  }
0x2a5: {  	v8 =	vsel vm4, v8, v14  }
0x2a6: {  	v11 =	vsel vm1, v11, v15;
	v16 =	vnsel vm0, $0x0, v16;
	v9 =	vsel vm2, v9, v17  }
0x2a7: {  	v10 =	vsel vm3, v10, v22;
	v13 =	vsel vm4, v13, v23;
	v12 =	vsel vm1, v12, v24;
	v14, _, _ =	vpop (xrf2)  }
0x2a8: {  	v8 =	vsel vm5, v8, v25;
	v11 =	vsel vm2, v11, v26;
	v14 =	vmul.f32 $1.442695020e+00, v14  }
0x2a9: {  	v9 =	vsel vm3, v9, v27;
	v10 =	vsel vm4, v10, v28;
	v13 =	vsel vm5, v13, v30;
	v15, _, _ =	vpop (xrf2)  }
0x2aa: {  	v12 =	vsel vm2, v12, v31;
	v14 =	vbroadcast v14, $0xF;
	v15 =	vmul.f32 $1.442695020e+00, v15  }
0x2ab: {  	v8 =	vsel vm6, v8, v32;
	v11 =	vsel vm3, v11, v33;
	v17 =	vmul.f32 v41, v34  }
0x2ac: {  	v8 =	vsel vm7, v8, v41;
	(erf) = vpow2.f32 v14;
	v14 =	vbroadcast v15, $0xF  }
0x2ad: {  	v9 =	vsel vm4, v9, v18;
	v13 =	vsel vm6, v13, v36;
	[tilespmem:s16+$0x40] =	vst v8;
	v8 =	vsel vm5, v10, v20  }
0x2ae: {  	[tilespmem:s16+$0x30] =	vst v17;
	v8 =	vsel vm6, v8, v39;
	v10 =	vsel vm7, v13, v47;
	(erf) = vpow2.f32 v14  }
0x2af: {  	v9 =	vsel vm5, v9, v38;
	[tilespmem:s19+$0x40] =	vst v10;
	v13 =	vmul.f32 v48, v42;
	v8 =	vsel vm7, v8, v48  }
0x2b0: {  	v12 =	vsel vm3, v12, v21;
	v11 =	vsel vm4, v11, v35;
	v9 =	vsel vm6, v9, v46;
	[tilespmem:s17+$0x40] =	vst v8  }
0x2b1: {  	v8 =	vsel vm5, v11, v45;
	[tilespmem:s17+$0x30] =	vst v13;
	v10 =	vmul.f32 v51, v49;
	v9 =	vsel vm7, v9, v51  }
0x2b2: {  	v16 =	vsel vm1, v16, v29;
	v12 =	vsel vm4, v12, v43;
	v8 =	vsel vm6, v8, v54;
	[tilespmem:s28+$0x40] =	vst v9  }
0x2b3: {  	[tilespmem:s28+$0x30] =	vst v10;
	v10 =	vmul.f32 v58, v52;
	v8 =	vsel vm7, v8, v58;
	v14 =	vsel vm2, v16, v19  }
0x2b4: {  	v12 =	vsel vm5, v12, v53;
	[tilespmem:s4+$0x40] =	vst v8;
	v15 =	vmul.f32 v47, v40;
	v11 =	vsel vm3, v14, v37  }
0x2b5: {  	v12 =	vsel vm6, v12, v57;
	[tilespmem:s4+$0x30] =	vst v10;
	v9 =	vpop (erf);
	v11 =	vsel vm4, v11, v44  }
0x2b6: {  	[tilespmem:s19+$0x30] =	vst v15;
	v10 =	vmul.f32 v9, v55;
	v9 =	vsel vm7, v12, v9;
	v11 =	vsel vm5, v11, v56  }
0x2b7: {  	[tilespmem:s15+$0x40] =	vst v9;
	v11 =	vsel vm6, v11, v59;
	v8 =	vpop (erf)  }
0x2b8: {  	[tilespmem:s15+$0x30] =	vst v10;
	v10 =	vmul.f32 v8, v50;
	v8 =	vsel vm7, v11, v8  }
0x2b9: {  	[tilespmem:s31+$0x40] =	vst v8  }
0x2ba: {  	s0 =	simm.s32 $0x96C0;
	s24 =	simm.s32 $0x60C0;
	[tilespmem:s31+$0x30] =	vst v10;
	s31 =	rddreg [dreg:$0x2]  }
0x2bb: {  	[spmem:s31] =	stream.indirect.scatter.add.f32 [tilespmem:s24], [sflag:$0x5], $0x90, s0, s22, $0xb8;
	[tilespmem:$0x1FB20] =	vst v63  }
0x2bc: {  	_ =	swait.ge [sflag:s9], $0x1800  }
0x2bd: {  	[sflag:s9] =	ssyncset.done $0x0  }
0x2be: {  	[sflag:s9] =	ssyncadd.s32 $0xFFFFE800  }
0x2bf: {  	_ =	swait.ge [sflag:s10], $0x1800  }
0x2c0: {  	p0 =	seq.s32 s25, $0x6B;
	[sflag:s10] =	ssyncset.done $0x0  }
0x2c1: {  	s0 =	simm.s32 @p0 $0x6;
	[sflag:s10] =	ssyncadd.s32 $0xFFFFE800  }
0x2c2: {  	_ =	swait.ge @p0 [sflag:s0], $0x1B00  }
0x2c3: {  	[sflag:s0] =	ssyncset.done @p0 $0x0  }
0x2c4: {  	[sflag:s0] =	ssyncadd.s32 @p0 $0xFFFFE500  }
0x2c5: {  	v8 =	vld @p0 [tilespmem:$0x3090]  }
0x2c6: {  	v9 =	vld @p0 [tilespmem:$0x30A0]  }
0x2c7: {  	v10 =	vld @p0 [tilespmem:$0x30B0];
	_ =	sdelay $0x2  }
0x2c8: {  	[tilespmem:$0x96F0] =	vst @p0 v8  }
0x2c9: {  	[tilespmem:$0x9700] =	vst @p0 v9  }
0x2ca: {  	s0 =	simm.s32 @!p0 $0x7;
	[tilespmem:$0x9710] =	vst @p0 v10  }
0x2cb: {  	_ =	swait.ge @!p0 [sflag:s0], $0x30  }
0x2cc: {  	[sflag:s0] =	ssyncset.done @!p0 $0x0  }
0x2cd: {  	[sflag:s0] =	ssyncadd.s32 @!p0 $0xFFFFFFD0;
	s0 =	simm.s32 @!p0 $0x8  }
0x2ce: {  	_ =	swait.ge @!p0 [sflag:s0], $0x30  }
0x2cf: {  	s1 =	simm.s32 @!p0 $0x0;
	p1 =	seq.s32 @!p0 s25, $0x0;
	[sflag:s0] =	ssyncset.done @!p0 $0x0  }
0x2d0: {  	s2 =	simm.s32 @!p0 $0x60;
	[sflag:s0] =	ssyncadd.s32 @!p0 $0xFFFFFFD0;
	s0 =	simm.s32 @!p0 $0x30  }
0x2d1: {  	[tilespmem:s2], [sflag:$0x1] =	stream.indirect.gather @!p0 [hbm4b:s5+s0], $0x80, s1, s0, $0xb8;
	[tilespmem:$0x1FB20] =	vst v63  }
0x2d2: {  	p1 =	por p1, p0;
	s2 =	simm.s32 @!p0 $0x1860  }
0x2d3: {  	[tilespmem:s2], [sflag:$0x2] =	stream.indirect.gather @!p0 [hbm4b:s6+s0], $0x80, s0, s0, $0xb8;
	[tilespmem:$0x1FB20] =	vst v63  }
0x2d4: {  	s0 =	simm.s32 @!p1 $0x6  }
0x2d5: {  	_ =	swait.ge @!p1 [sflag:s0], $0x1B00  }
0x2d6: {  	[sflag:s0] =	ssyncset.done @!p1 $0x0  }
0x2d7: {  	[sflag:s0] =	ssyncadd.s32 @!p1 $0xFFFFE500  }
0x2d8: {  	v8 =	vld @!p0 [tilespmem:$0x3090]  }
0x2d9: {  	v9 =	vld @!p0 [tilespmem:$0x30A0]  }
0x2da: {  	v10 =	vld @!p0 [tilespmem:$0x30B0]  }
0x2db: {  	s0 =	smul.u32 @!p0 $0x60, s25  }
0x2dc: {  	s2 =	rddreg [dreg:$0xa]  }
0x2dd: {  	s0 =	sadd.s32 @!p0 s0, s2;
	[tilespmem:$0x96F0] =	vst @!p0 v8  }
0x2de: {  	s0 =	sshrl.u32 @!p0 s0, $0x3;
	[tilespmem:$0x9700] =	vst @!p0 v9  }
0x2df: {  	s4 =	simm.s32 @!p0 $0x3060;
	s2 =	sadd.s32 @!p0 s7, s0;
	[tilespmem:$0x9710] =	vst @!p0 v10  }
0x2e0: {  	[tilespmem:s4], [sflag:$0x9] =	stream.linear.gather @!p0 [hbm4b:s2+s1], $0x30, $0x38;
	[tilespmem:$0x1FB20] =	vst v63  }
0x2e1: {  	s0 =	sadd.s32 @!p0 s8, s0;
	s2 =	simm.s32 @!p0 $0x3090  }
0x2e2: {  	[tilespmem:s2], [sflag:$0xA] =	stream.linear.gather @!p0 [hbm4b:s0+s1], $0x30, $0x38;
	[tilespmem:$0x1FB20] =	vst v63  }
0x2e3: {  	s0 =	simm.s32 $0x0  }
0x2e4: {  	v9 =	vld [tilespmem:s0+$0x30C0]  }
0x2e5: {  	v8 =	vld [tilespmem:s0+$0x48C0];
	_ =	sdelay $0x4  }
0x2e6: {  	v8 =	vadd.f32 v8, v9;
	_ =	sdelay $0x1  }
0x2e7: {  	v10 =	vmul.f32 $2.000000030e-01, v8;
	_ =	sdelay $0x1  }
0x2e8: {  	v8 =	vmax.f32 v8, v10  }
0x2e9: {  	v8 =	vmul.f32 v8, v0;
	_ =	sdelay $0x1  }
0x2ea: {  	(xrf2) =	vadd.scan.msk.f32 $0xffff, v8;
	_ =	sdelay $0x9  }
0x2eb: {  	v8, _, _ =	vpop (xrf2)  }
0x2ec: {  	v8 =	vmul.f32 $1.442695020e+00, v8;
	_ =	sdelay $0x1  }
0x2ed: {  	v8 =	vbroadcast v8, $0xF;
	_ =	sdelay $0x1  }
0x2ee: {  	(erf) = vpow2.f32 v8  }
0x2ef: {  	s30 =	simm.s32 $0x80  }
0x2f0: {  	v10 =	vld [tilespmem:s30+$0x30C0]  }
0x2f1: {  	v8 =	vld [tilespmem:s30+$0x48C0];
	_ =	sdelay $0x4  }
0x2f2: {  	v11 =	vadd.f32 v8, v10  }
0x2f3: {  	v8 =	vpop (erf)  }
0x2f4: {  	v12 =	vmul.f32 $2.000000030e-01, v11;
	v9 =	vmul.f32 v8, v9  }
0x2f5: {  	s25 =	simm.s32 $0x7C00  }
0x2f6: {  	[tilespmem:s25+$0xFFFFFFC0] =	vst v9;
	v9 =	vmax.f32 v11, v12  }
0x2f7: {  	v11 =	vld [tilespmem:s0+$0x30D0];
	v9 =	vmul.f32 v9, v0  }
0x2f8: {  	v12 =	vld [tilespmem:s0+$0x48D0]  }
0x2f9: {  	(xrf2) =	vadd.scan.msk.f32 $0xffff, v9;
	_ =	sdelay $0x3  }
0x2fa: {  	v9 =	vadd.f32 v12, v11;
	_ =	sdelay $0x1  }
0x2fb: {  	v12 =	vmul.f32 $2.000000030e-01, v9;
	_ =	sdelay $0x1  }
0x2fc: {  	v9 =	vmax.f32 v9, v12  }
0x2fd: {  	v9 =	vmul.f32 v9, v1  }
0x2fe: {  	v12, _, _ =	vpop (xrf2)  }
0x2ff: {  	(xrf2) =	vadd.scan.msk.f32 $0xffff, v9;
	v9 =	vmul.f32 $1.442695020e+00, v12;
	_ =	sdelay $0x1  }
0x300: {  	v9 =	vbroadcast v9, $0xF;
	_ =	sdelay $0x1  }
0x301: {  	(erf) = vpow2.f32 v9;
	_ =	sdelay $0x1  }
0x302: {  	s13 =	simm.s32 $0x100  }
0x303: {  	v12 =	vld [tilespmem:s13+$0x30C0]  }
0x304: {  	v9 =	vld [tilespmem:s13+$0x48C0];
	_ =	sdelay $0x1  }
0x305: {  	v13, _, _ =	vpop (xrf2)  }
0x306: {  	v13 =	vmul.f32 $1.442695020e+00, v13;
	_ =	sdelay $0x1  }
0x307: {  	v14 =	vadd.f32 v9, v12;
	v13 =	vbroadcast v13, $0xF;
	v9 =	vpop (erf)  }
0x308: {  	v10 =	vmul.f32 v9, v10  }
0x309: {  	s16 =	simm.s32 $0x7C90;
	(erf) = vpow2.f32 v13;
	v13 =	vmul.f32 $2.000000030e-01, v14  }
0x30a: {  	[tilespmem:s16+$0xFFFFFFC0] =	vst v10  }
0x30b: {  	v10 =	vmax.f32 v14, v13;
	v14 =	vld [tilespmem:s30+$0x30D0]  }
0x30c: {  	v13 =	vld [tilespmem:s30+$0x48D0]  }
0x30d: {  	v10 =	vmul.f32 v10, v0;
	_ =	sdelay $0x1  }
0x30e: {  	(xrf2) =	vadd.scan.msk.f32 $0xffff, v10;
	_ =	sdelay $0x1  }
0x30f: {  	s14 =	simm.s32 $0x180;
	v13 =	vadd.f32 v13, v14  }
0x310: {  	v16 =	vld [tilespmem:s14+$0x30C0];
	v10 =	vpop (erf)  }
0x311: {  	v17 =	vld [tilespmem:s14+$0x48C0];
	v11 =	vmul.f32 v10, v11;
	v15 =	vmul.f32 $2.000000030e-01, v13;
	_ =	sdelay $0x1  }
0x312: {  	[tilespmem:s25+$0xFFFFFFD0] =	vst v11;
	v11 =	vmax.f32 v13, v15  }
0x313: {  	v15 =	vld [tilespmem:s0+$0x30E0];
	v11 =	vmul.f32 v11, v1  }
0x314: {  	v13 =	vld [tilespmem:s0+$0x48E0]  }
0x315: {  	v17 =	vadd.f32 v17, v16;
	(xrf2) =	vadd.scan.msk.f32 $0xffff, v11  }
0x316: {  	v18, _, _ =	vpop (xrf2)  }
0x317: {  	v11 =	vmul.f32 $1.442695020e+00, v18;
	v18 =	vmul.f32 $2.000000030e-01, v17;
	_ =	sdelay $0x1  }
0x318: {  	v11 =	vbroadcast v11, $0xF;
	v13 =	vadd.f32 v13, v15;
	v17 =	vmax.f32 v17, v18  }
0x319: {  	v17 =	vmul.f32 v17, v0  }
0x31a: {  	(erf) = vpow2.f32 v11;
	v11 =	vmul.f32 $2.000000030e-01, v13;
	_ =	sdelay $0x1  }
0x31b: {  	(xrf2) =	vadd.scan.msk.f32 $0xffff, v17;
	v11 =	vmax.f32 v13, v11  }
0x31c: {  	v11 =	vmul.f32 v11, v2  }
0x31d: {  	v13, _, _ =	vpop (xrf2)  }
0x31e: {  	(xrf2) =	vadd.scan.msk.f32 $0xffff, v11;
	v11 =	vmul.f32 $1.442695020e+00, v13;
	_ =	sdelay $0x2  }
0x31f: {  	v13 =	vbroadcast v11, $0xF  }
0x320: {  	v11 =	vpop (erf)  }
0x321: {  	(erf) = vpow2.f32 v13;
	v12 =	vmul.f32 v11, v12  }
0x322: {  	s20 =	simm.s32 $0x7D20  }
0x323: {  	v13, _, _ =	vpop (xrf2);
	[tilespmem:s20+$0xFFFFFFC0] =	vst v12  }
0x324: {  	v13 =	vmul.f32 $1.442695020e+00, v13;
	v17 =	vld [tilespmem:s13+$0x30D0]  }
0x325: {  	v12 =	vld [tilespmem:s13+$0x48D0]  }
0x326: {  	v18, _, _ =	vpop (xrf2);
	v13 =	vbroadcast v13, $0xF  }
0x327: {  	v18 =	vmul.f32 $1.442695020e+00, v18;
	_ =	sdelay $0x1  }
0x328: {  	v18 =	vbroadcast v18, $0xF  }
0x329: {  	(erf) = vpow2.f32 v13;
	v12 =	vadd.f32 v12, v17;
	v13 =	vpop (erf)  }
0x32a: {  	s12 =	simm.s32 $0x200;
	v14 =	vmul.f32 v13, v14;
	(erf) = vpow2.f32 v18  }
0x32b: {  	v19 =	vld [tilespmem:s12+$0x30C0];
	v18 =	vmul.f32 $2.000000030e-01, v12  }
0x32c: {  	v20 =	vld [tilespmem:s12+$0x48C0];
	[tilespmem:s16+$0xFFFFFFD0] =	vst v14  }
0x32d: {  	v12 =	vmax.f32 v12, v18;
	v18 =	vld [tilespmem:s30+$0x30E0]  }
0x32e: {  	v14 =	vld [tilespmem:s30+$0x48E0];
	v12 =	vmul.f32 v12, v1;
	_ =	sdelay $0x1  }
0x32f: {  	(xrf2) =	vadd.scan.msk.f32 $0xffff, v12  }
0x330: {  	v20 =	vadd.f32 v20, v19  }
0x331: {  	v12 =	vpop (erf)  }
0x332: {  	v22 =	vmul.f32 $2.000000030e-01, v20;
	v21 =	vadd.f32 v14, v18;
	v14 =	vpop (erf)  }
0x333: {  	v15 =	vmul.f32 v14, v15  }
0x334: {  	v20 =	vmax.f32 v20, v22;
	v23 =	vmul.f32 $2.000000030e-01, v21  }
0x335: {  	[tilespmem:s25+$0xFFFFFFE0] =	vst v15;
	v15 =	vmul.f32 v20, v0  }
0x336: {  	v20 =	vmax.f32 v21, v23;
	v21 =	vld [tilespmem:s0+$0x30F0]  }
0x337: {  	v22 =	vld [tilespmem:s0+$0x48F0]  }
0x338: {  	(xrf2) =	vadd.scan.msk.f32 $0xffff, v15  }
0x339: {  	v20 =	vmul.f32 v20, v2;
	v15, _, _ =	vpop (xrf2)  }
0x33a: {  	v15 =	vmul.f32 $1.442695020e+00, v15  }
0x33b: {  	(xrf2) =	vadd.scan.msk.f32 $0xffff, v20  }
0x33c: {  	v20 =	vadd.f32 v22, v21;
	v15 =	vbroadcast v15, $0xF  }
0x33d: {  	v16 =	vmul.f32 v12, v16  }
0x33e: {  	(erf) = vpow2.f32 v15;
	v15 =	vmul.f32 $2.000000030e-01, v20;
	_ =	sdelay $0x1  }
0x33f: {  	v15 =	vmax.f32 v20, v15  }
0x340: {  	s21 =	simm.s32 $0x7DB0;
	v15 =	vmul.f32 v15, v3  }
0x341: {  	[tilespmem:s21+$0xFFFFFFC0] =	vst v16;
	v16, _, _ =	vpop (xrf2)  }
0x342: {  	v22 =	vld [tilespmem:s14+$0x30D0];
	v16 =	vmul.f32 $1.442695020e+00, v16  }
0x343: {  	v20 =	vld [tilespmem:s14+$0x48D0]  }
0x344: {  	(xrf2) =	vadd.scan.msk.f32 $0xffff, v15;
	v16 =	vbroadcast v16, $0xF;
	v15, _, _ =	vpop (xrf2)  }
0x345: {  	v15 =	vmul.f32 $1.442695020e+00, v15;
	_ =	sdelay $0x1  }
0x346: {  	v15 =	vbroadcast v15, $0xF  }
0x347: {  	v20 =	vadd.f32 v20, v22;
	(erf) = vpow2.f32 v16;
	v16 =	vpop (erf)  }
0x348: {  	s18 =	simm.s32 $0x280;
	v17 =	vmul.f32 v16, v17;
	(erf) = vpow2.f32 v15  }
0x349: {  	v24 =	vld [tilespmem:s18+$0x48C0];
	v15 =	vmul.f32 $2.000000030e-01, v20  }
0x34a: {  	v23 =	vld [tilespmem:s18+$0x30C0];
	[tilespmem:s20+$0xFFFFFFD0] =	vst v17  }
0x34b: {  	v25 =	vld [tilespmem:s13+$0x30E0];
	v15 =	vmax.f32 v20, v15  }
0x34c: {  	v17 =	vld [tilespmem:s13+$0x48E0];
	v15 =	vmul.f32 v15, v1;
	_ =	sdelay $0x1  }
0x34d: {  	v20, _, _ =	vpop (xrf2)  }
0x34e: {  	v20 =	vmul.f32 $1.442695020e+00, v20;
	(xrf2) =	vadd.scan.msk.f32 $0xffff, v15  }
0x34f: {  	v24 =	vadd.f32 v24, v23;
	v15 =	vpop (erf)  }
0x350: {  	v20 =	vbroadcast v20, $0xF;
	v27 =	vadd.f32 v17, v25;
	v17 =	vpop (erf)  }
0x351: {  	v26 =	vmul.f32 $2.000000030e-01, v24;
	v18 =	vmul.f32 v17, v18  }
0x352: {  	(erf) = vpow2.f32 v20  }
0x353: {  	v24 =	vmax.f32 v24, v26;
	[tilespmem:s16+$0xFFFFFFE0] =	vst v18  }
0x354: {  	v20 =	vmul.f32 $2.000000030e-01, v27;
	v18 =	vmul.f32 v24, v0;
	v26 =	vld [tilespmem:s30+$0x30F0]  }
0x355: {  	v24 =	vld [tilespmem:s30+$0x48F0]  }
0x356: {  	v20 =	vmax.f32 v27, v20  }
0x357: {  	v20 =	vmul.f32 v20, v2  }
0x358: {  	(xrf2) =	vadd.scan.msk.f32 $0xffff, v18;
	v18, _, _ =	vpop (xrf2)  }
0x359: {  	v19 =	vmul.f32 v15, v19;
	(xrf2) =	vadd.scan.msk.f32 $0xffff, v20;
	v20 =	vmul.f32 $1.442695020e+00, v18  }
0x35a: {  	s19 =	simm.s32 $0x7E40;
	v24 =	vadd.f32 v24, v26  }
0x35b: {  	[tilespmem:s19+$0xFFFFFFC0] =	vst v19;
	v18 =	vpop (erf);
	v19 =	vbroadcast v20, $0xF  }
0x35c: {  	v20 =	vmul.f32 v18, v21;
	v21 =	vmul.f32 $2.000000030e-01, v24;
	_ =	sdelay $0x1  }
0x35d: {  	v29 =	vld [tilespmem:s12+$0x30D0];
	(erf) = vpow2.f32 v19;
	v19 =	vmax.f32 v24, v21  }
0x35e: {  	v27 =	vld [tilespmem:s12+$0x48D0];
	[tilespmem:s25+$0xFFFFFFF0] =	vst v20;
	v19 =	vmul.f32 v19, v3  }
0x35f: {  	v30 =	vld [tilespmem:s0+$0x3100]  }
0x360: {  	v20 =	vld [tilespmem:s0+$0x4900]  }
0x361: {  	v21, _, _ =	vpop (xrf2)  }
0x362: {  	v21 =	vmul.f32 $1.442695020e+00, v21;
	(xrf2) =	vadd.scan.msk.f32 $0xffff, v19;
	v19, _, _ =	vpop (xrf2)  }
0x363: {  	v24 =	vadd.f32 v27, v29;
	v19 =	vmul.f32 $1.442695020e+00, v19  }
0x364: {  	v21 =	vbroadcast v21, $0xF  }
0x365: {  	v28 =	vmul.f32 $2.000000030e-01, v24;
	v27 =	vadd.f32 v20, v30;
	v19 =	vbroadcast v19, $0xF  }
0x366: {  	(erf) = vpow2.f32 v21  }
0x367: {  	v21 =	vmul.f32 $2.000000030e-01, v27;
	v20 =	vpop (erf);
	(erf) = vpow2.f32 v19;
	v19 =	vmax.f32 v24, v28  }
0x368: {  	s23 =	simm.s32 $0x300;
	v22 =	vmul.f32 v20, v22;
	v19 =	vmul.f32 v19, v1  }
0x369: {  	v31 =	vld [tilespmem:s23+$0x30C0];
	v21 =	vmax.f32 v27, v21  }
0x36a: {  	v24 =	vld [tilespmem:s23+$0x48C0];
	v21 =	vmul.f32 v21, v4;
	[tilespmem:s21+$0xFFFFFFD0] =	vst v22  }
0x36b: {  	v22 =	vld [tilespmem:s14+$0x30E0];
	(xrf2) =	vadd.scan.msk.f32 $0xffff, v19  }
0x36c: {  	v27 =	vld [tilespmem:s14+$0x48E0];
	(xrf2) =	vadd.scan.msk.f32 $0xffff, v21;
	v19, _, _ =	vpop (xrf2)  }
0x36d: {  	v21 =	vmul.f32 $1.442695020e+00, v19;
	_ =	sdelay $0x1  }
0x36e: {  	v24 =	vadd.f32 v24, v31;
	v28 =	vbroadcast v21, $0xF  }
0x36f: {  	v19 =	vpop (erf)  }
0x370: {  	v27 =	vadd.f32 v27, v22;
	v21 =	vpop (erf);
	(erf) = vpow2.f32 v28;
	v28 =	vmul.f32 $2.000000030e-01, v24  }
0x371: {  	v25 =	vmul.f32 v21, v25  }
0x372: {  	v48 =	vmul.f32 $2.000000030e-01, v27  }
0x373: {  	v24 =	vmax.f32 v24, v28;
	[tilespmem:s20+$0xFFFFFFE0] =	vst v25  }
0x374: {  	v27 =	vmax.f32 v27, v48;
	v24 =	vmul.f32 v24, v0;
	v25 =	vld [tilespmem:s13+$0x30F0];
	v28, _, _ =	vpop (xrf2)  }
0x375: {  	v27 =	vmul.f32 v27, v2;
	v49 =	vld [tilespmem:s13+$0x48F0];
	v50, _, _ =	vpop (xrf2)  }
0x376: {  	(xrf2) =	vadd.scan.msk.f32 $0xffff, v24;
	v24 =	vmul.f32 $1.442695020e+00, v50  }
0x377: {  	v23 =	vmul.f32 v19, v23;
	(xrf2) =	vadd.scan.msk.f32 $0xffff, v27  }
0x378: {  	v28 =	vmul.f32 $1.442695020e+00, v28;
	v27 =	vbroadcast v24, $0xF  }
0x379: {  	s17 =	simm.s32 $0x7ED0  }
0x37a: {  	[tilespmem:s17+$0xFFFFFFC0] =	vst v23;
	v28 =	vbroadcast v28, $0xF;
	v32 =	vadd.f32 v49, v25;
	v24 =	vpop (erf);
	(erf) = vpow2.f32 v27  }
0x37b: {  	v35 =	vld [tilespmem:s18+$0x30D0];
	v23 =	vmul.f32 v24, v26  }
0x37c: {  	v27 =	vld [tilespmem:s18+$0x48D0];
	(erf) = vpow2.f32 v28;
	v26 =	vmul.f32 $2.000000030e-01, v32;
	_ =	sdelay $0x1  }
0x37d: {  	[tilespmem:s16+$0xFFFFFFF0] =	vst v23;
	v23 =	vmax.f32 v32, v26  }
0x37e: {  	v23 =	vmul.f32 v23, v3  }
0x37f: {  	v51 =	vld [tilespmem:s30+$0x3100];
	v28, _, _ =	vpop (xrf2)  }
0x380: {  	v26 =	vld [tilespmem:s30+$0x4900];
	v52 =	vadd.f32 v27, v35;
	(xrf2) =	vadd.scan.msk.f32 $0xffff, v23;
	v23 =	vmul.f32 $1.442695020e+00, v28;
	v27, _, _ =	vpop (xrf2)  }
0x381: {  	v53 =	vmul.f32 $1.442695020e+00, v27  }
0x382: {  	v23 =	vbroadcast v23, $0xF;
	v27 =	vpop (erf)  }
0x383: {  	s11 =	simm.s32 $0x380;
	v34 =	vbroadcast v53, $0xF;
	v30 =	vmul.f32 v27, v30  }
0x384: {  	v55 =	vld [tilespmem:s11+$0x48C0];
	v54 =	vmul.f32 $2.000000030e-01, v52;
	v28 =	vpop (erf);
	(erf) = vpow2.f32 v23  }
0x385: {  	v26 =	vadd.f32 v26, v51;
	v23 =	vld [tilespmem:s11+$0x30C0];
	v29 =	vmul.f32 v28, v29;
	(erf) = vpow2.f32 v34;
	[tilespmem:s25+$0x0] =	vst v30  }
0x386: {  	v30 =	vmax.f32 v52, v54;
	v36 =	vld [tilespmem:s0+$0x3110]  }
0x387: {  	v56 =	vmul.f32 $2.000000030e-01, v26;
	v30 =	vmul.f32 v30, v1;
	[tilespmem:s19+$0xFFFFFFD0] =	vst v29;
	v29 =	vld [tilespmem:s0+$0x4910]  }
0x388: {  	v38 =	vld [tilespmem:s12+$0x30E0]  }
0x389: {  	v26 =	vmax.f32 v26, v56;
	(xrf2) =	vadd.scan.msk.f32 $0xffff, v30;
	v30 =	vld [tilespmem:s12+$0x48E0]  }
0x38a: {  	v26 =	vmul.f32 v26, v4  }
0x38b: {  	v57, _, _ =	vpop (xrf2)  }
0x38c: {  	v58 =	vadd.f32 v55, v23;
	(xrf2) =	vadd.scan.msk.f32 $0xffff, v26;
	v26 =	vmul.f32 $1.442695020e+00, v57  }
0x38d: {  	v59 =	vadd.f32 v29, v36;
	v29 =	vpop (erf)  }
0x38e: {  	v37 =	vmul.f32 $2.000000030e-01, v58;
	v26 =	vbroadcast v26, $0xF;
	v60 =	vadd.f32 v30, v38;
	v30 =	vpop (erf)  }
0x38f: {  	v22 =	vmul.f32 v30, v22  }
0x390: {  	v61 =	vmul.f32 $2.000000030e-01, v59;
	(erf) = vpow2.f32 v26;
	v26 =	vmax.f32 v58, v37  }
0x391: {  	v26 =	vmul.f32 v26, v0;
	v62 =	vmul.f32 $2.000000030e-01, v60;
	[tilespmem:s21+$0xFFFFFFE0] =	vst v22  }
0x392: {  	v34 =	vmax.f32 v59, v61;
	v37 =	vld [tilespmem:s14+$0x30F0]  }
0x393: {  	v34 =	vmul.f32 v34, v5;
	v22 =	vmax.f32 v60, v62;
	v63 =	vld [tilespmem:s14+$0x48F0]  }
0x394: {  	(xrf2) =	vadd.scan.msk.f32 $0xffff, v26;
	v22 =	vmul.f32 v22, v2  }
0x395: {  	v26, _, _ =	vpop (xrf2);
	(xrf2) =	vadd.scan.msk.f32 $0xffff, v34  }
0x396: {  	v41, _, _ =	vpop (xrf2);
	(xrf2) =	vadd.scan.msk.f32 $0xffff, v22;
	v22 =	vmul.f32 v29, v31  }
0x397: {  	s1 =	simm.s32 $0x7F60;
	v34 =	vmul.f32 $1.442695020e+00, v41  }
0x398: {  	[tilespmem:s1+$0xFFFFFFC0] =	vst v22;
	v22 =	vadd.f32 v63, v37  }
0x399: {  	v42 =	vmul.f32 $1.442695020e+00, v26;
	v34 =	vbroadcast v34, $0xF;
	v31 =	vpop (erf)  }
0x39a: {  	v25 =	vmul.f32 v31, v25;
	v45 =	vmul.f32 $2.000000030e-01, v22  }
0x39b: {  	v43 =	vbroadcast v42, $0xF;
	v26 =	vld [tilespmem:s23+$0x30D0]  }
0x39c: {  	v44 =	vld [tilespmem:s23+$0x48D0];
	(erf) = vpow2.f32 v34;
	v22 =	vmax.f32 v22, v45  }
0x39d: {  	(erf) = vpow2.f32 v43;
	v22 =	vmul.f32 v22, v3  }
0x39e: {  	[tilespmem:s20+$0xFFFFFFF0] =	vst v25;
	v25, _, _ =	vpop (xrf2)  }
0x39f: {  	v40 =	vld [tilespmem:s13+$0x3100];
	v47, _, _ =	vpop (xrf2);
	v25 =	vmul.f32 $1.442695020e+00, v25  }
0x3a0: {  	v46 =	vld [tilespmem:s13+$0x4900];
	v39 =	vmul.f32 $1.442695020e+00, v47  }
0x3a1: {  	v34 =	vadd.f32 v44, v26;
	(xrf2) =	vadd.scan.msk.f32 $0xffff, v22;
	v25 =	vbroadcast v25, $0xF;
	v22, _, _ =	vpop (xrf2)  }
0x3a2: {  	v39 =	vbroadcast v39, $0xF;
	v22 =	vmul.f32 $1.442695020e+00, v22  }
0x3a3: {  	v48 =	vmul.f32 $2.000000030e-01, v34;
	(erf) = vpow2.f32 v25  }
0x3a4: {  	(erf) = vpow2.f32 v39;
	v49 =	vbroadcast v22, $0xF  }
0x3a5: {  	s24 =	simm.s32 $0x400;
	v25 =	vadd.f32 v46, v40;
	v33 =	vpop (erf)  }
0x3a6: {  	v41 =	vmax.f32 v34, v48;
	v22 =	vld [tilespmem:s24+$0x30C0];
	v32 =	vmul.f32 v33, v51;
	v34 =	vpop (erf);
	(erf) = vpow2.f32 v49  }
0x3a7: {  	v50 =	vmul.f32 $2.000000030e-01, v25;
	v51 =	vld [tilespmem:s24+$0x48C0]  }
0x3a8: {  	v35 =	vmul.f32 v34, v35;
	[tilespmem:s16+$0x0] =	vst v32  }
0x3a9: {  	v52 =	vmul.f32 v41, v1;
	v25 =	vmax.f32 v25, v50;
	v42 =	vld [tilespmem:s30+$0x3110]  }
0x3aa: {  	v25 =	vmul.f32 v25, v4;
	[tilespmem:s17+$0xFFFFFFD0] =	vst v35;
	v53 =	vld [tilespmem:s30+$0x4910]  }
0x3ab: {  	(xrf2) =	vadd.scan.msk.f32 $0xffff, v52;
	v44 =	vld [tilespmem:s18+$0x30E0];
	v55, _, _ =	vpop (xrf2)  }
0x3ac: {  	v54 =	vld [tilespmem:s18+$0x48E0];
	(xrf2) =	vadd.scan.msk.f32 $0xffff, v25;
	v25 =	vadd.f32 v51, v22;
	v32 =	vpop (erf)  }
0x3ad: {  	v56 =	vmul.f32 $1.442695020e+00, v55;
	v35 =	vpop (erf)  }
0x3ae: {  	v43 =	vmul.f32 $2.000000030e-01, v25;
	v57 =	vmul.f32 v35, v36  }
0x3af: {  	v58 =	vbroadcast v56, $0xF;
	v39 =	vadd.f32 v53, v42;
	v36 =	vpop (erf)  }
0x3b0: {  	v25 =	vmax.f32 v25, v43;
	[tilespmem:s25+$0x10] =	vst v57;
	v38 =	vmul.f32 v36, v38  }
0x3b1: {  	v41 =	vadd.f32 v54, v44;
	(erf) = vpow2.f32 v58;
	v59 =	vmul.f32 $2.000000030e-01, v39;
	v43 =	vld [tilespmem:s0+$0x3120]  }
0x3b2: {  	v25 =	vmul.f32 v25, v0;
	v61 =	vld [tilespmem:s0+$0x4920];
	[tilespmem:s19+$0xFFFFFFE0] =	vst v38  }
0x3b3: {  	v60 =	vmul.f32 $2.000000030e-01, v41;
	v39 =	vmax.f32 v39, v59;
	v51 =	vld [tilespmem:s12+$0x30F0]  }
0x3b4: {  	(xrf2) =	vadd.scan.msk.f32 $0xffff, v25;
	v25 =	vmul.f32 v39, v5;
	v48 =	vld [tilespmem:s12+$0x48F0]  }
0x3b5: {  	v62, _, _ =	vpop (xrf2);
	v63 =	vmax.f32 v41, v60  }
0x3b6: {  	v38 =	vmul.f32 $1.442695020e+00, v62;
	v49, _, _ =	vpop (xrf2);
	(xrf2) =	vadd.scan.msk.f32 $0xffff, v25;
	v25 =	vmul.f32 v63, v2;
	_ =	sdelay $0x1  }
0x3b7: {  	v50 =	vmul.f32 $1.442695020e+00, v49;
	v45 =	vadd.f32 v61, v43;
	(xrf2) =	vadd.scan.msk.f32 $0xffff, v25  }
0x3b8: {  	v23 =	vmul.f32 v32, v23;
	v53 =	vbroadcast v38, $0xF;
	v41 =	vadd.f32 v48, v51  }
0x3b9: {  	s28 =	simm.s32 $0x7FF0;
	v25 =	vbroadcast v50, $0xF;
	v38 =	vpop (erf);
	v52 =	vmul.f32 $2.000000030e-01, v45  }
0x3ba: {  	[tilespmem:s28+$0xFFFFFFC0] =	vst v23;
	v23 =	vmul.f32 v38, v37;
	v55 =	vmul.f32 $2.000000030e-01, v41  }
0x3bb: {  	(erf) = vpow2.f32 v25;
	v54 =	vmax.f32 v45, v52  }
0x3bc: {  	v56 =	vld [tilespmem:s11+$0x48D0];
	[tilespmem:s21+$0xFFFFFFF0] =	vst v23;
	v37 =	vmul.f32 v54, v6;
	v23 =	vmax.f32 v41, v55  }
0x3bd: {  	v25 =	vld [tilespmem:s11+$0x30D0];
	(erf) = vpow2.f32 v53;
	v23 =	vmul.f32 v23, v3  }
0x3be: {  	v57, _, _ =	vpop (xrf2);
	v49 =	vld [tilespmem:s14+$0x3100];
	(xrf2) =	vadd.scan.msk.f32 $0xffff, v37  }
0x3bf: {  	v59 =	vld [tilespmem:s14+$0x4900];
	v58 =	vmul.f32 $1.442695020e+00, v57;
	v60, _, _ =	vpop (xrf2)  }
0x3c0: {  	v39 =	vmul.f32 $1.442695020e+00, v60;
	(xrf2) =	vadd.scan.msk.f32 $0xffff, v23  }
0x3c1: {  	v37 =	vbroadcast v58, $0xF;
	v23, _, _ =	vpop (xrf2)  }
0x3c2: {  	v61 =	vbroadcast v39, $0xF;
	v23 =	vmul.f32 $1.442695020e+00, v23  }
0x3c3: {  	s2 =	simm.s32 $0x480;
	v62 =	vadd.f32 v56, v25;
	(erf) = vpow2.f32 v37  }
0x3c4: {  	v54 =	vld [tilespmem:s2+$0x48C0];
	v52 =	vadd.f32 v59, v49;
	v39 =	vpop (erf);
	(erf) = vpow2.f32 v61;
	v23 =	vbroadcast v23, $0xF  }
0x3c5: {  	v53 =	vmul.f32 $2.000000030e-01, v62;
	v63 =	vmul.f32 v39, v40;
	v40 =	vld [tilespmem:s2+$0x30C0]  }
0x3c6: {  	v55 =	vmul.f32 $2.000000030e-01, v52;
	v41 =	vpop (erf);
	(erf) = vpow2.f32 v23  }
0x3c7: {  	v37 =	vmax.f32 v62, v53;
	[tilespmem:s20+$0x0] =	vst v63  }
0x3c8: {  	v37 =	vmul.f32 v37, v1;
	v45 =	vmax.f32 v52, v55;
	v26 =	vmul.f32 v41, v26;
	v46 =	vld [tilespmem:s13+$0x3110];
	v56, _, _ =	vpop (xrf2)  }
0x3c9: {  	v45 =	vmul.f32 v45, v4;
	v23 =	vld [tilespmem:s13+$0x4910];
	v57 =	vmul.f32 $1.442695020e+00, v56  }
0x3ca: {  	(xrf2) =	vadd.scan.msk.f32 $0xffff, v37;
	[tilespmem:s1+$0xFFFFFFD0] =	vst v26;
	v26 =	vadd.f32 v54, v40;
	v58, _, _ =	vpop (xrf2)  }
0x3cb: {  	v47 =	vld [tilespmem:s23+$0x30E0];
	(xrf2) =	vadd.scan.msk.f32 $0xffff, v45;
	v59 =	vbroadcast v57, $0xF;
	v60 =	vmul.f32 $1.442695020e+00, v58  }
0x3cc: {  	v61 =	vld [tilespmem:s23+$0x48E0];
	v37 =	vpop (erf);
	v62 =	vmul.f32 $2.000000030e-01, v26  }
0x3cd: {  	v45 =	vpop (erf);
	(erf) = vpow2.f32 v59;
	v50 =	vbroadcast v60, $0xF  }
0x3ce: {  	v23 =	vadd.f32 v23, v46;
	v42 =	vmul.f32 v45, v42;
	v26 =	vmax.f32 v26, v62  }
0x3cf: {  	v26 =	vmul.f32 v26, v0;
	v48 =	vpop (erf);
	(erf) = vpow2.f32 v50  }
0x3d0: {  	v63 =	vmul.f32 $2.000000030e-01, v23;
	[tilespmem:s16+$0x10] =	vst v42  }
0x3d1: {  	v22 =	vmul.f32 v37, v22;
	v56 =	vadd.f32 v61, v47;
	v57 =	vmul.f32 v48, v44;
	v44 =	vld [tilespmem:s30+$0x3120];
	(xrf2) =	vadd.scan.msk.f32 $0xffff, v26  }
0x3d2: {  	s4 =	simm.s32 $0x8080;
	v23 =	vmax.f32 v23, v63;
	v26 =	vld [tilespmem:s30+$0x4920]  }
0x3d3: {  	v8 =	vnsel vm0, $0x0, v8;
	[tilespmem:s4+$0xFFFFFFC0] =	vst v22;
	v52 =	vmul.f32 $2.000000030e-01, v56;
	v23 =	vmul.f32 v23, v5  }
0x3d4: {  	v8 =	vsel vm1, v8, v10;
	v10 =	vld [tilespmem:s24+$0x48D0];
	v58, _, _ =	vpop (xrf2);
	[tilespmem:s17+$0xFFFFFFE0] =	vst v57  }
0x3d5: {  	v60, _, _ =	vpop (xrf2);
	(xrf2) =	vadd.scan.msk.f32 $0xffff, v23;
	v42 =	vld [tilespmem:s18+$0x30F0];
	v23 =	vmax.f32 v56, v52  }
0x3d6: {  	v59 =	vld [tilespmem:s18+$0x48F0];
	v62 =	vmul.f32 $1.442695020e+00, v60;
	v61 =	vmul.f32 v23, v2;
	v50 =	vpop (erf)  }
0x3d7: {  	v9 =	vnsel vm0, $0x0, v9;
	v23 =	vld [tilespmem:s24+$0x30D0];
	v22 =	vadd.f32 v26, v44;
	v26 =	vmul.f32 v50, v43  }
0x3d8: {  	v9 =	vsel vm1, v9, v13;
	v53 =	vmul.f32 $1.442695020e+00, v58;
	v63 =	vbroadcast v62, $0xF;
	(xrf2) =	vadd.scan.msk.f32 $0xffff, v61;
	v13 =	vpop (erf)  }
0x3d9: {  	v57 =	vmul.f32 $2.000000030e-01, v22;
	[tilespmem:s25+$0x20] =	vst v26;
	v51 =	vmul.f32 v13, v51  }
0x3da: {  	v11 =	vnsel vm0, $0x0, v11;
	v8 =	vsel vm2, v8, v14;
	(erf) = vpow2.f32 v63;
	v43 =	vld [tilespmem:s0+$0x3130]  }
0x3db: {  	v58 =	vbroadcast v53, $0xF;
	v26 =	vadd.f32 v59, v42;
	v22 =	vmax.f32 v22, v57;
	v59 =	vld [tilespmem:s0+$0x4930];
	v14, _, _ =	vpop (xrf2);
	[tilespmem:s19+$0xFFFFFFF0] =	vst v51  }
0x3dc: {  	v10 =	vadd.f32 v10, v23;
	v61 =	vmul.f32 v22, v6;
	v14 =	vmul.f32 $1.442695020e+00, v14;
	v22 =	vld [tilespmem:s12+$0x3100]  }
0x3dd: {  	v11 =	vsel vm1, v11, v16;
	(erf) = vpow2.f32 v58;
	v60 =	vmul.f32 $2.000000030e-01, v26;
	v16 =	vld [tilespmem:s12+$0x4900]  }
0x3de: {  	v63 =	vmul.f32 $2.000000030e-01, v10;
	(xrf2) =	vadd.scan.msk.f32 $0xffff, v61;
	v14 =	vbroadcast v14, $0xF  }
0x3df: {  	v9 =	vsel vm2, v9, v17;
	v26 =	vmax.f32 v26, v60  }
0x3e0: {  	v62, _, _ =	vpop (xrf2);
	v26 =	vmul.f32 v26, v3;
	v10 =	vmax.f32 v10, v63;
	v53 =	vadd.f32 v59, v43  }
0x3e1: {  	v8 =	vsel vm3, v8, v18;
	v51 =	vmul.f32 $1.442695020e+00, v62;
	v10 =	vmul.f32 v10, v1  }
0x3e2: {  	(erf) = vpow2.f32 v14;
	v17 =	vmul.f32 $2.000000030e-01, v53;
	v14, _, _ =	vpop (xrf2);
	v16 =	vadd.f32 v16, v22  }
0x3e3: {  	v11 =	vsel vm2, v11, v21;
	v51 =	vbroadcast v51, $0xF;
	v18 =	vpop (erf);
	v14 =	vmul.f32 $1.442695020e+00, v14  }
0x3e4: {  	s29 =	simm.s32 $0x500;
	(xrf2) =	vadd.scan.msk.f32 $0xffff, v26;
	v49 =	vmul.f32 v18, v49;
	v17 =	vmax.f32 v53, v17;
	v21 =	vmul.f32 $2.000000030e-01, v16  }
0x3e5: {  	v12 =	vnsel vm0, $0x0, v12;
	v26 =	vld [tilespmem:s29+$0x30C0];
	v17 =	vmul.f32 v17, v7;
	v14 =	vbroadcast v14, $0xF  }
0x3e6: {  	v12 =	vsel vm1, v12, v20;
	(xrf2) =	vadd.scan.msk.f32 $0xffff, v10;
	v10 =	vld [tilespmem:s29+$0x48C0];
	v20 =	vpop (erf);
	(erf) = vpow2.f32 v51;
	[tilespmem:s21+$0x0] =	vst v49  }
0x3e7: {  	(xrf2) =	vadd.scan.msk.f32 $0xffff, v17;
	v17 =	vld [tilespmem:s14+$0x4910];
	(erf) = vpow2.f32 v14;
	v14 =	vnsel vm0, $0x0, v15;
	v15 =	vmul.f32 v20, v25  }
0x3e8: {  	v16 =	vmax.f32 v16, v21;
	v25 =	vld [tilespmem:s14+$0x3110];
	v21, _, _ =	vpop (xrf2)  }
0x3e9: {  	[tilespmem:s28+$0xFFFFFFD0] =	vst v15;
	v15 =	vmul.f32 v16, v4;
	v16 =	vmul.f32 $1.442695020e+00, v21  }
0x3ea: {  	v8 =	vsel vm4, v8, v27;
	v27 =	vld [tilespmem:s11+$0x30E0]  }
0x3eb: {  	v10 =	vadd.f32 v10, v26;
	v21 =	vld [tilespmem:s11+$0x48E0];
	v16 =	vbroadcast v16, $0xF  }
0x3ec: {  	v19 =	vnsel vm0, $0x0, v19;
	v9 =	vsel vm3, v9, v24;
	v12 =	vsel vm2, v12, v30  }
0x3ed: {  	v11 =	vsel vm3, v11, v31;
	v24 =	vmul.f32 $2.000000030e-01, v10;
	v31 =	vpop (erf);
	(xrf2) =	vadd.scan.msk.f32 $0xffff, v15;
	v17 =	vadd.f32 v17, v25  }
0x3ee: {  	v14 =	vsel vm1, v14, v28;
	v28 =	vnsel vm0, $0x0, v29;
	v15, _, _ =	vpop (xrf2);
	(erf) = vpow2.f32 v16  }
0x3ef: {  	v10 =	vmax.f32 v10, v24;
	v15 =	vmul.f32 $1.442695020e+00, v15;
	v30 =	vmul.f32 $2.000000030e-01, v17;
	v16 =	vpop (erf)  }
0x3f0: {  	v10 =	vmul.f32 v10, v0;
	v21 =	vadd.f32 v21, v27;
	v29 =	vmul.f32 v16, v46  }
0x3f1: {  	v9 =	vsel vm4, v9, v33;
	v19 =	vsel vm1, v19, v34;
	v24, _, _ =	vpop (xrf2);
	v15 =	vbroadcast v15, $0xF  }
0x3f2: {  	v40 =	vmul.f32 v31, v40;
	(xrf2) =	vadd.scan.msk.f32 $0xffff, v10;
	v46 =	vpop (erf);
	v10 =	vmul.f32 $2.000000030e-01, v21;
	[tilespmem:s20+$0x10] =	vst v29  }
0x3f3: {  	s15 =	simm.s32 $0x8110;
	v17 =	vmax.f32 v17, v30;
	(erf) = vpow2.f32 v15;
	v15 =	vmul.f32 v46, v47;
	v30, _, _ =	vpop (xrf2);
	v29 =	vld [tilespmem:s13+$0x3120]  }
0x3f4: {  	v8 =	vsel vm5, v8, v35;
	v12 =	vsel vm3, v12, v38;
	[tilespmem:s15+$0xFFFFFFC0] =	vst v40;
	v49 =	vld [tilespmem:s13+$0x4920];
	v51 =	vmul.f32 $1.442695020e+00, v30  }
0x3f5: {  	v52 =	vsel vm4, v11, v39;
	v54 =	vsel vm6, v8, v50;
	v17 =	vmul.f32 v17, v5;
	v30 =	vld [tilespmem:s2+$0x30D0];
	[tilespmem:s1+$0xFFFFFFE0] =	vst v15  }
0x3f6: {  	v53 =	vsel vm2, v19, v48;
	v47 =	vsel vm1, v28, v41;
	v28 =	vld [tilespmem:s23+$0x30F0];
	v11 =	vbroadcast v51, $0xF  }
0x3f7: {  	v14 =	vsel vm2, v14, v36;
	(xrf2) =	vadd.scan.msk.f32 $0xffff, v17;
	v17 =	vnsel vm0, $0x0, v32;
	v8 =	vmax.f32 v21, v10;
	v19 =	vld [tilespmem:s23+$0x48F0];
	v10, _, _ =	vpop (xrf2)  }
0x3f8: {  	v21 =	vld [tilespmem:s2+$0x48D0];
	v15 =	vsel vm5, v9, v45;
	v9 =	vsel vm3, v14, v13;
	v55 =	vpop (erf);
	(erf) = vpow2.f32 v11  }
0x3f9: {  	v11 =	vsel vm1, v17, v20;
	v17 =	vmul.f32 $1.442695020e+00, v10;
	v20 =	vmul.f32 v55, v44  }
0x3fa: {  	v13 =	vmul.f32 v8, v2;
	v8 =	vsel vm5, v52, v16;
	v16 =	vmul.f32 $1.442695020e+00, v24  }
0x3fb: {  	v14 =	vsel vm4, v12, v18;
	v18 =	vadd.f32 v49, v29;
	v17 =	vbroadcast v17, $0xF  }
0x3fc: {  	(xrf2) =	vadd.scan.msk.f32 $0xffff, v13;
	v16 =	vbroadcast v16, $0xF;
	v19 =	vadd.f32 v19, v28  }
0x3fd: {  	v21 =	vadd.f32 v21, v30;
	[tilespmem:s16+$0x20] =	vst v20;
	v24 =	vmul.f32 $2.000000030e-01, v18;
	v20 =	vpop (erf);
	(erf) = vpow2.f32 v17  }
0x3fe: {  	v13 =	vld [tilespmem:s30+$0x3130];
	v56 =	vmul.f32 v20, v42;
	v17 =	vmul.f32 $2.000000030e-01, v19  }
0x3ff: {  	v57 =	vld [tilespmem:s30+$0x4930];
	(erf) = vpow2.f32 v16;
	v18 =	vmax.f32 v18, v24;
	v24 =	vmul.f32 $2.000000030e-01, v21  }
0x400: {  	v18 =	vmul.f32 v18, v6;
	[tilespmem:s17+$0xFFFFFFF0] =	vst v56  }
0x401: {  	v58, _, _ =	vpop (xrf2);
	v16 =	vnsel vm0, $0x0, v31;
	v17 =	vmax.f32 v19, v17;
	v24 =	vmax.f32 v21, v24;
	v31 =	vld [tilespmem:s18+$0x3100]  }
0x402: {  	v19, _, _ =	vpop (xrf2);
	v60 =	vmul.f32 v17, v3;
	(xrf2) =	vadd.scan.msk.f32 $0xffff, v18;
	v17 =	vsel vm3, v53, v20;
	v20 =	vmul.f32 v24, v1;
	v24 =	vld [tilespmem:s18+$0x4900]  }
0x403: {  	v10 =	vsel vm2, v47, v46;
	v59 =	vmul.f32 $1.442695020e+00, v58;
	v61 =	vpop (erf)  }
0x404: {  	v62 =	vmul.f32 $1.442695020e+00, v19;
	v19 =	vadd.f32 v57, v13;
	v63 =	vmul.f32 v61, v43  }
0x405: {  	v12 =	vsel vm6, v15, v55;
	v15 =	vnsel vm0, $0x0, v37;
	v21 =	vbroadcast v59, $0xF;
	(xrf2) =	vadd.scan.msk.f32 $0xffff, v60  }
0x406: {  	s30 =	simm.s32 $0x1600;
	v34, _, _ =	vpop (xrf2);
	v18 =	vsel vm7, v54, v61;
	v33 =	vbroadcast v62, $0xF;
	v32 =	vmul.f32 $2.000000030e-01, v19;
	[tilespmem:s25+$0x30] =	vst v63  }
.LBB2_9:
0x407: {  	s0 =	sshra.s32 s30, $0x2;
	p0 =	sne.s32 s30, $0x5E00;
	(erf) = vpow2.f32 v21;
	v21 =	vmul.f32 $1.442695020e+00, v34;
	v24 =	vadd.f32 v24, v31;
	v34 =	vpop (erf);
	[tilespmem:s25+$0x40] =	vst v18;
	s25 =	smov.u32 s16  }
0x408: {  	s16 =	smov.u32 s20;
	s20 =	smov.u32 s21;
	s21 =	smov.u32 s19;
	v18 =	vld [tilespmem:s0+$0x30C0];
	(xrf2) =	vadd.scan.msk.f32 $0xffff, v20;
	v20 =	vpop (erf);
	v35 =	vmul.f32 v34, v22;
	(erf) = vpow2.f32 v33;
	v19 =	vmax.f32 v19, v32  }
0x409: {  	s19 =	smov.u32 s17;
	s17 =	smov.u32 s1;
	s1 =	smov.u32 s28;
	v22 =	vmovc v31;
	v32 =	vld [tilespmem:s0+$0x48C0];
	v33 =	vsel vm1, v15, v20;
	v21 =	vbroadcast v21, $0xF;
	v36 =	vmul.f32 v19, v7;
	v15 =	vmovc v16  }
0x40a: {  	s28 =	smov.u32 s4;
	s4 =	smov.u32 s15;
	v31 =	vsel vm4, v9, v34;
	v16 =	vmul.f32 v20, v23;
	v20 =	vmul.f32 $2.000000030e-01, v24;
	v23 =	vmovc v30;
	[tilespmem:s21+$0x0] =	vst v35  }
0x40b: {  	v9 =	vmov v17;
	(erf) = vpow2.f32 v21;
	v21 =	vld [tilespmem:s12+$0x3110];
	(xrf2) =	vadd.scan.msk.f32 $0xffff, v36  }
0x40c: {  	[tilespmem:s28+$0xFFFFFFD0] =	vst v16;
	v16 =	vmax.f32 v24, v20;
	v17 =	vld [tilespmem:s12+$0x4910];
	v19, _, _ =	vpop (xrf2)  }
0x40d: {  	v20 =	vld [tilespmem:s24+$0x30E0];
	v16 =	vmul.f32 v16, v4;
	v19 =	vmul.f32 $1.442695020e+00, v19  }
0x40e: {  	v24 =	vadd.f32 v32, v18;
	v30 =	vld [tilespmem:s24+$0x48E0]  }
0x40f: {  	v32, _, _ =	vpop (xrf2);
	(xrf2) =	vadd.scan.msk.f32 $0xffff, v16;
	v19 =	vbroadcast v19, $0xF  }
0x410: {  	v34 =	vmul.f32 $2.000000030e-01, v24;
	v35 =	vpop (erf);
	v32 =	vmul.f32 $1.442695020e+00, v32  }
0x411: {  	v16 =	vnsel vm0, $0x0, v35;
	v17 =	vadd.f32 v17, v21;
	v36 =	vpop (erf);
	(erf) = vpow2.f32 v19  }
0x412: {  	v19 =	vmax.f32 v24, v34;
	v24, _, _ =	vpop (xrf2);
	v32 =	vbroadcast v32, $0xF;
	v34 =	vmul.f32 v36, v25  }
0x413: {  	v25 =	vmovc v21;
	v19 =	vmul.f32 v19, v0;
	v37 =	vadd.f32 v30, v20;
	v30 =	vmul.f32 $2.000000030e-01, v17  }
0x414: {  	v21 =	vmul.f32 v35, v26;
	v26 =	vpop (erf);
	(erf) = vpow2.f32 v32;
	[tilespmem:s20+$0x10] =	vst v34;
	v32 =	vsel vm5, v14, v36  }
0x415: {  	s15 =	sadd.s32 $0x90, s15;
	(xrf2) =	vadd.scan.msk.f32 $0xffff, v19;
	v19 =	vmul.f32 $2.000000030e-01, v37;
	v38 =	vmul.f32 v26, v27;
	v17 =	vmax.f32 v17, v30;
	v34 =	vld [tilespmem:s14+$0x3120];
	v27, _, _ =	vpop (xrf2)  }
0x416: {  	[tilespmem:s15+$0xFFFFFFC0] =	vst v21;
	v21 =	vsel vm2, v11, v26;
	v17 =	vmul.f32 v17, v5;
	v35 =	vld [tilespmem:s14+$0x4920];
	v36 =	vmul.f32 $1.442695020e+00, v27;
	v26 =	vmovc v18  }
0x417: {  	v14 =	vmov v31;
	v11 =	vmov v33;
	v27 =	vmov v20;
	v30 =	vld [tilespmem:s29+$0x30D0];
	[tilespmem:s1+$0xFFFFFFE0] =	vst v38  }
0x418: {  	v18 =	vmax.f32 v37, v19;
	v19 =	vld [tilespmem:s11+$0x30F0];
	(xrf2) =	vadd.scan.msk.f32 $0xffff, v17;
	v17 =	vbroadcast v36, $0xF  }
0x419: {  	v18 =	vmul.f32 v18, v2;
	v20 =	vld [tilespmem:s11+$0x48F0];
	v31, _, _ =	vpop (xrf2)  }
0x41a: {  	v33 =	vld [tilespmem:s29+$0x48D0];
	v37 =	vmul.f32 $1.442695020e+00, v31;
	v36 =	vpop (erf);
	(erf) = vpow2.f32 v17  }
0x41b: {  	v17 =	vmul.f32 $1.442695020e+00, v24;
	v24 =	vadd.f32 v35, v34;
	v35 =	vmul.f32 v36, v29;
	v29 =	vmovc v34  }
0x41c: {  	v34 =	vsel vm6, v8, v36;
	v8 =	vmovc v32;
	(xrf2) =	vadd.scan.msk.f32 $0xffff, v18;
	v18 =	vbroadcast v37, $0xF  }
0x41d: {  	v17 =	vbroadcast v17, $0xF;
	v31 =	vpop (erf);
	v32 =	vmul.f32 $2.000000030e-01, v24;
	[tilespmem:s16+$0x20] =	vst v35  }
0x41e: {  	v20 =	vadd.f32 v20, v19;
	v35 =	vmul.f32 v31, v28;
	(erf) = vpow2.f32 v18;
	v18 =	vld [tilespmem:s13+$0x3130];
	v28 =	vmovc v19  }
0x41f: {  	v19, _, _ =	vpop (xrf2);
	v33 =	vadd.f32 v33, v30;
	(erf) = vpow2.f32 v17;
	v24 =	vmax.f32 v24, v32;
	v32 =	vld [tilespmem:s13+$0x4930];
	s13 =	smov.u32 s14;
	s14 =	smov.u32 s12;
	s12 =	smov.u32 s18  }
0x420: {  	v17 =	vsel vm3, v10, v31;
	v10 =	vmovc v21;
	s18 =	smov.u32 s23;
	s23 =	smov.u32 s11;
	s11 =	smov.u32 s24;
	v37 =	vmul.f32 $2.000000030e-01, v20;
	[tilespmem:s17+$0xFFFFFFF0] =	vst v35;
	v35 =	vmul.f32 v24, v6  }
0x421: {  	s24 =	smov.u32 s2;
	s2 =	smov.u32 s29;
	s29 =	smov.u32 s0;
	v21 =	vmul.f32 $2.000000030e-01, v33;
	v31 =	vld [tilespmem:s18+$0x3100]  }
.Ltmp4:
0x422: {  	v20 =	vmax.f32 v20, v37;
	v24 =	vld [tilespmem:s18+$0x4900];
	v36, _, _ =	vpop (xrf2);
	(xrf2) =	vadd.scan.msk.f32 $0xffff, v35;
	(pc) =	sbr.rel @p0 .LBB2_9-.Ltmp4, $4  }
0x423: {  	v35 =	vmul.f32 $1.442695020e+00, v19;
	v33 =	vmax.f32 v33, v21;
	v37 =	vmul.f32 v20, v3;
	v38 =	vpop (erf)  }
0x424: {  	v36 =	vmul.f32 $1.442695020e+00, v36;
	v19 =	vadd.f32 v32, v18;
	v39 =	vmul.f32 v38, v13;
	v13 =	vmovc v18  }
0x425: {  	v21 =	vbroadcast v35, $0xF;
	v20 =	vmul.f32 v33, v1;
	v18 =	vsel vm7, v12, v38;
	v12 =	vmovc v34;
	(xrf2) =	vadd.scan.msk.f32 $0xffff, v37  }
0x426: {  	s30 =	sadd.s32 $0x200, s30;
	v33 =	vbroadcast v36, $0xF;
	v34, _, _ =	vpop (xrf2);
	v32 =	vmul.f32 $2.000000030e-01, v19;
	[tilespmem:s25+$0x30] =	vst v39  }
0x427: {  	_ =	sdelay $0x4  }
0x428: {  	v34 =	vmul.f32 $1.442695020e+00, v34;
	v35, _, _ =	vpop (xrf2)  }
0x429: {  	v35 =	vmul.f32 $1.442695020e+00, v35  }
0x42a: {  	(erf) = vpow2.f32 v21;
	v55 =	vbroadcast v34, $0xF  }
0x42b: {  	(erf) = vpow2.f32 v33;
	v56 =	vbroadcast v35, $0xF  }
0x42c: {  	(erf) = vpow2.f32 v55  }
0x42d: {  	(erf) = vpow2.f32 v56;
	_ =	sdelay $0x2  }
0x42e: {  	v58 =	vpop (erf)  }
0x42f: {  	v36 =	vpop (erf)  }
0x430: {  	[tilespmem:$0x1FF50] =	vst v58;
	v57, _, _ =	vpop (xrf2)  }
0x431: {  	[tilespmem:$0x1FF40] =	vst v36;
	v60 =	vpop (erf)  }
0x432: {  	v34 =	vmul.f32 v58, v22;
	[tilespmem:$0x1FFF0] =	vst v60;
	v62 =	vpop (erf)  }
0x433: {  	v59 =	vmul.f32 $1.442695020e+00, v57;
	[tilespmem:$0x1FF60] =	vst v62;
	v63 =	vpop (erf)  }
0x434: {  	[tilespmem:s19+$0x0] =	vst v34;
	v40 =	vpop (erf)  }
0x435: {  	v33 =	vbroadcast v59, $0xF;
	[tilespmem:$0x1FF70] =	vst v63;
	v29 =	vmul.f32 v40, v29  }
0x436: {  	v61 =	vadd.f32 v24, v31;
	v34 =	vld [tilespmem:s12+$0x3110];
	[tilespmem:$0x1FF80] =	vst v40  }
0x437: {  	(erf) = vpow2.f32 v33;
	[tilespmem:s20+$0x20] =	vst v29  }
0x438: {  	v19 =	vmax.f32 v19, v32;
	v39 =	vmul.f32 $2.000000030e-01, v61;
	v45 =	vld [tilespmem:s13+$0x3130]  }
0x439: {  	v36 =	vmul.f32 v36, v23;
	v19 =	vmul.f32 v19, v7  }
0x43a: {  	(xrf2) =	vadd.scan.msk.f32 $0xffff, v20;
	v33 =	vmax.f32 v61, v39  }
0x43b: {  	(xrf2) =	vadd.scan.msk.f32 $0xffff, v19;
	v42 =	vmul.f32 v33, v4;
	[tilespmem:s4+$0xFFFFFFD0] =	vst v36;
	v41 =	vld [tilespmem:s12+$0x4910]  }
0x43c: {  	v44 =	vmul.f32 v62, v25;
	v35 =	vld [tilespmem:s24+$0x30E0]  }
0x43d: {  	v46 =	vmul.f32 v60, v26;
	(xrf2) =	vadd.scan.msk.f32 $0xffff, v42;
	v43 =	vld [tilespmem:s24+$0x48E0];
	[tilespmem:$0x1FFE0] =	vst v45  }
0x43e: {  	s0 =	sadd.s32 $0x90, s15;
	v48 =	vmul.f32 v63, v27;
	[tilespmem:s21+$0x10] =	vst v44;
	v47 =	vld [tilespmem:s13+$0x4930]  }
0x43f: {  	[tilespmem:s0+$0xFFFFFFC0] =	vst v46;
	v36 =	vld [tilespmem:s14+$0x3120]  }
0x440: {  	v50 =	vpop (erf);
	[tilespmem:s28+$0xFFFFFFE0] =	vst v48;
	v49 =	vld [tilespmem:s14+$0x4920]  }
0x441: {  	v38 =	vld [tilespmem:s29+$0x30D0];
	[tilespmem:$0x1FF90] =	vst v50  }
0x442: {  	v28 =	vmul.f32 v50, v28;
	v51 =	vadd.f32 v41, v34;
	v37 =	vld [tilespmem:s11+$0x30F0]  }
0x443: {  	v53 =	vld [tilespmem:s11+$0x48F0]  }
0x444: {  	v41, _, _ =	vpop (xrf2);
	v54 =	vmul.f32 $2.000000030e-01, v51;
	v39 =	vld [tilespmem:s29+$0x48D0];
	[tilespmem:s1+$0xFFFFFFF0] =	vst v28  }
0x445: {  	v52 =	vadd.f32 v43, v35;
	v42, _, _ =	vpop (xrf2);
	v40 =	vld [tilespmem:s23+$0x3100]  }
0x446: {  	v42 =	vmul.f32 $1.442695020e+00, v42;
	v27 =	vmax.f32 v51, v54;
	v56 =	vld [tilespmem:s23+$0x4900]  }
0x447: {  	v43, _, _ =	vpop (xrf2);
	v55 =	vmul.f32 $2.000000030e-01, v52;
	v27 =	vmul.f32 v27, v5;
	v19 =	vadd.f32 v49, v36  }
0x448: {  	v58 =	vmul.f32 $1.442695020e+00, v43;
	v32 =	vadd.f32 v53, v37  }
0x449: {  	v42 =	vbroadcast v42, $0xF;
	v28 =	vmax.f32 v52, v55;
	(xrf2) =	vadd.scan.msk.f32 $0xffff, v27;
	v57 =	vmul.f32 $2.000000030e-01, v19  }
0x44a: {  	v28 =	vmul.f32 v28, v2;
	v39 =	vadd.f32 v39, v38;
	v59 =	vmul.f32 $2.000000030e-01, v32  }
0x44b: {  	v20 =	vadd.f32 v47, v45;
	v33 =	vadd.f32 v56, v40;
	v19 =	vmax.f32 v19, v57  }
0x44c: {  	(xrf2) =	vadd.scan.msk.f32 $0xffff, v28;
	v60 =	vmul.f32 $2.000000030e-01, v39;
	v19 =	vmul.f32 v19, v6;
	v29 =	vmax.f32 v32, v59  }
0x44d: {  	v61 =	vmul.f32 $2.000000030e-01, v20;
	v29 =	vmul.f32 v29, v3  }
0x44e: {  	(erf) = vpow2.f32 v42;
	v62 =	vmul.f32 $2.000000030e-01, v33;
	v28 =	vmax.f32 v39, v60;
	(xrf2) =	vadd.scan.msk.f32 $0xffff, v19  }
0x44f: {  	v27 =	vbroadcast v58, $0xF;
	v28 =	vmul.f32 v28, v1;
	v19 =	vmax.f32 v20, v61;
	(xrf2) =	vadd.scan.msk.f32 $0xffff, v29  }
0x450: {  	v63 =	vmax.f32 v33, v62;
	v19 =	vmul.f32 v19, v7  }
0x451: {  	(erf) = vpow2.f32 v27;
	v20 =	vmul.f32 v63, v4;
	(xrf2) =	vadd.scan.msk.f32 $0xffff, v28  }
0x452: {  	v23 =	vmul.f32 $1.442695020e+00, v41;
	(xrf2) =	vadd.scan.msk.f32 $0xffff, v19  }
0x453: {  	v32, _, _ =	vpop (xrf2);
	(xrf2) =	vadd.scan.msk.f32 $0xffff, v20  }
0x454: {  	v33 =	vbroadcast v23, $0xF;
	v19 =	vmul.f32 $1.442695020e+00, v32;
	_ =	sdelay $0x1  }
0x455: {  	(erf) = vpow2.f32 v33;
	v39, _, _ =	vpop (xrf2);
	v19 =	vbroadcast v19, $0xF  }
0x456: {  	v42 =	vpop (erf);
	v20 =	vmul.f32 $1.442695020e+00, v39  }
0x457: {  	(erf) = vpow2.f32 v19;
	v41, _, _ =	vpop (xrf2)  }
0x458: {  	v45 =	vbroadcast v20, $0xF;
	v43 =	vmul.f32 $1.442695020e+00, v41;
	v46, _, _ =	vpop (xrf2)  }
0x459: {  	v44 =	vpop (erf);
	v47 =	vmul.f32 $1.442695020e+00, v46  }
0x45a: {  	(erf) = vpow2.f32 v45;
	v48, _, _ =	vpop (xrf2);
	v29 =	vbroadcast v43, $0xF  }
0x45b: {  	v49, _, _ =	vpop (xrf2);
	v19 =	vbroadcast v47, $0xF  }
0x45c: {  	v50, _, _ =	vpop (xrf2);
	(erf) = vpow2.f32 v29;
	v29 =	vmul.f32 $1.442695020e+00, v49  }
0x45d: {  	[tilespmem:$0x1FFA0] =	vst v42;
	v51 =	vmul.f32 v44, v31;
	v32 =	vmul.f32 $1.442695020e+00, v50  }
0x45e: {  	[tilespmem:$0x1FFC0] =	vst v44;
	v53 =	vpop (erf);
	(erf) = vpow2.f32 v19;
	v52 =	vbroadcast v29, $0xF  }
0x45f: {  	[tilespmem:$0x1FFB0] =	vst v53;
	v20 =	vmul.f32 $1.442695020e+00, v48;
	v32 =	vbroadcast v32, $0xF  }
0x460: {  	v54 =	vmul.f32 v53, v30;
	[tilespmem:s17+$0x0] =	vst v51;
	v55 =	vpop (erf);
	(erf) = vpow2.f32 v52  }
0x461: {  	v20 =	vbroadcast v20, $0xF;
	v19 =	vld [tilespmem:s18+$0x3110];
	[tilespmem:$0x1FFD0] =	vst v55;
	(erf) = vpow2.f32 v32  }
0x462: {  	v57 =	vmul.f32 v55, v34;
	[tilespmem:s15+$0xFFFFFFD0] =	vst v54;
	v56 =	vld [tilespmem:s18+$0x4910]  }
0x463: {  	v31 =	vpop (erf);
	v41 =	vld [tilespmem:s2+$0x30E0];
	(erf) = vpow2.f32 v20  }
0x464: {  	v59 =	vmul.f32 v31, v35;
	v58 =	vld [tilespmem:s2+$0x48E0];
	[tilespmem:s19+$0x10] =	vst v57  }
0x465: {  	v43 =	vld [tilespmem:s12+$0x3120];
	v34 =	vpop (erf)  }
0x466: {  	v60 =	vld [tilespmem:s12+$0x4920];
	[tilespmem:s4+$0xFFFFFFE0] =	vst v59;
	v61 =	vmul.f32 v34, v36  }
0x467: {  	v44 =	vld [tilespmem:s24+$0x30F0];
	v32 =	vpop (erf)  }
0x468: {  	v62 =	vld [tilespmem:s24+$0x48F0];
	v37 =	vmul.f32 v32, v37;
	[tilespmem:s21+$0x20] =	vst v61  }
0x469: {  	v45 =	vadd.f32 v56, v19;
	v35 =	vld [tilespmem:s14+$0x3130];
	v36 =	vpop (erf)  }
0x46a: {  	v20 =	vadd.f32 v58, v41;
	v46 =	vld [tilespmem:s14+$0x4930];
	[tilespmem:s28+$0xFFFFFFF0] =	vst v37;
	v33 =	vpop (erf)  }
0x46b: {  	v47 =	vmul.f32 $2.000000030e-01, v45;
	v48 =	vld [tilespmem:s11+$0x3100];
	v40 =	vmul.f32 v33, v40  }
0x46c: {  	v39 =	vadd.f32 v60, v43;
	v50 =	vmul.f32 $2.000000030e-01, v20;
	v49 =	vld [tilespmem:s11+$0x4900];
	v37 =	vpop (erf)  }
0x46d: {  	v42 =	vadd.f32 v62, v44;
	v45 =	vmax.f32 v45, v47;
	v38 =	vmul.f32 v37, v38;
	[tilespmem:s1+$0x0] =	vst v40  }
0x46e: {  	v24 =	vmul.f32 $2.000000030e-01, v39;
	v63 =	vmul.f32 v45, v5;
	v47 =	vld [tilespmem:s23+$0x3110]  }
0x46f: {  	v20 =	vmax.f32 v20, v50;
	v27 =	vmul.f32 $2.000000030e-01, v42;
	[tilespmem:s0+$0xFFFFFFD0] =	vst v38;
	v25 =	vld [tilespmem:s23+$0x4910]  }
0x470: {  	v20 =	vmul.f32 v20, v2;
	v39 =	vmax.f32 v39, v24;
	(xrf2) =	vadd.scan.msk.f32 $0xffff, v63;
	v26 =	vadd.f32 v46, v35;
	v50 =	vld [tilespmem:s29+$0x30E0]  }
0x471: {  	v39 =	vmul.f32 v39, v6;
	v28 =	vadd.f32 v49, v48;
	v29 =	vld [tilespmem:s29+$0x48E0]  }
0x472: {  	v42 =	vmax.f32 v42, v27;
	(xrf2) =	vadd.scan.msk.f32 $0xffff, v20;
	v30 =	vmul.f32 $2.000000030e-01, v26  }
0x473: {  	v42 =	vmul.f32 v42, v3;
	(xrf2) =	vadd.scan.msk.f32 $0xffff, v39;
	v45 =	vmul.f32 $2.000000030e-01, v28  }
0x474: {  	v20 =	vmax.f32 v26, v30;
	v38 =	vadd.f32 v25, v47  }
0x475: {  	(xrf2) =	vadd.scan.msk.f32 $0xffff, v42;
	v20 =	vmul.f32 v20, v7;
	v39 =	vmax.f32 v28, v45  }
0x476: {  	v39 =	vmul.f32 v39, v4;
	v46 =	vadd.f32 v29, v50;
	v49 =	vmul.f32 $2.000000030e-01, v38  }
0x477: {  	(xrf2) =	vadd.scan.msk.f32 $0xffff, v20  }
0x478: {  	(xrf2) =	vadd.scan.msk.f32 $0xffff, v39;
	v51 =	vmul.f32 $2.000000030e-01, v46;
	v38 =	vmax.f32 v38, v49  }
0x479: {  	v38 =	vmul.f32 v38, v5  }
0x47a: {  	v52, _, _ =	vpop (xrf2);
	v20 =	vmax.f32 v46, v51  }
0x47b: {  	v39 =	vmul.f32 $1.442695020e+00, v52;
	v20 =	vmul.f32 v20, v2;
	(xrf2) =	vadd.scan.msk.f32 $0xffff, v38  }
0x47c: {  	v53, _, _ =	vpop (xrf2)  }
0x47d: {  	v54, _, _ =	vpop (xrf2);
	v39 =	vbroadcast v39, $0xF;
	v38 =	vmul.f32 $1.442695020e+00, v53;
	(xrf2) =	vadd.scan.msk.f32 $0xffff, v20  }
0x47e: {  	v55 =	vmul.f32 $1.442695020e+00, v54  }
0x47f: {  	v56, _, _ =	vpop (xrf2);
	(erf) = vpow2.f32 v39;
	v38 =	vbroadcast v38, $0xF  }
0x480: {  	v57 =	vmul.f32 $1.442695020e+00, v56  }
0x481: {  	v20 =	vbroadcast v55, $0xF;
	(erf) = vpow2.f32 v38;
	v58, _, _ =	vpop (xrf2)  }
0x482: {  	v38 =	vbroadcast v57, $0xF;
	v59 =	vmul.f32 $1.442695020e+00, v58;
	v60, _, _ =	vpop (xrf2)  }
0x483: {  	(erf) = vpow2.f32 v20;
	v39 =	vmul.f32 $1.442695020e+00, v60  }
0x484: {  	v20 =	vbroadcast v59, $0xF  }
0x485: {  	(erf) = vpow2.f32 v38;
	v61 =	vbroadcast v39, $0xF;
	v62, _, _ =	vpop (xrf2)  }
0x486: {  	(erf) = vpow2.f32 v20;
	v63 =	vmul.f32 $1.442695020e+00, v62  }
0x487: {  	(erf) = vpow2.f32 v61;
	v24, _, _ =	vpop (xrf2)  }
0x488: {  	v39 =	vpop (erf);
	v25 =	vmul.f32 $1.442695020e+00, v24;
	v20 =	vbroadcast v63, $0xF  }
0x489: {  	v19 =	vmul.f32 v39, v19  }
0x48a: {  	v38 =	vpop (erf);
	v26 =	vbroadcast v25, $0xF;
	(erf) = vpow2.f32 v20  }
0x48b: {  	[tilespmem:s17+$0x10] =	vst v19;
	v27 =	vmul.f32 v38, v41  }
0x48c: {  	v42 =	vpop (erf);
	v51 =	vld [tilespmem:s18+$0x3120];
	(erf) = vpow2.f32 v26  }
0x48d: {  	v28 =	vld [tilespmem:s18+$0x4920];
	v29 =	vmul.f32 v42, v43;
	[tilespmem:s15+$0xFFFFFFE0] =	vst v27  }
0x48e: {  	v41 =	vpop (erf);
	v52 =	vld [tilespmem:s2+$0x30F0]  }
0x48f: {  	v60 =	vmul.f32 v41, v44;
	v30 =	vld [tilespmem:s2+$0x48F0];
	[tilespmem:s19+$0x20] =	vst v29;
	v46 =	vpop (erf)  }
0x490: {  	v45 =	vld [tilespmem:s12+$0x3130];
	v40 =	vpop (erf)  }
0x491: {  	v53 =	vld [tilespmem:s12+$0x4930];
	[tilespmem:s4+$0xFFFFFFF0] =	vst v60;
	v61 =	vmul.f32 v40, v48  }
0x492: {  	v55 =	vld [tilespmem:s24+$0x3100]  }
0x493: {  	v62 =	vld [tilespmem:s24+$0x4900];
	[tilespmem:s28+$0x0] =	vst v61;
	v43 =	vpop (erf)  }
0x494: {  	v63 =	vadd.f32 v28, v51;
	v20 =	vld [tilespmem:s11+$0x3110];
	v47 =	vmul.f32 v43, v47  }
0x495: {  	v54 =	vld [tilespmem:s11+$0x4910];
	v44 =	vpop (erf)  }
0x496: {  	v56 =	vmul.f32 $2.000000030e-01, v63;
	v21 =	vmul.f32 v44, v50;
	[tilespmem:s1+$0x10] =	vst v47  }
0x497: {  	v49 =	vadd.f32 v30, v52;
	v50 =	vld [tilespmem:s23+$0x3120]  }
0x498: {  	v53 =	vadd.f32 v53, v45;
	v19 =	vmax.f32 v63, v56;
	v22 =	vld [tilespmem:s23+$0x4920];
	[tilespmem:s0+$0xFFFFFFE0] =	vst v21  }
0x499: {  	v23 =	vmul.f32 $2.000000030e-01, v49;
	v48 =	vadd.f32 v62, v55;
	v19 =	vmul.f32 v19, v6;
	v57 =	vld [tilespmem:s29+$0x30F0]  }
0x49a: {  	v58 =	vmul.f32 $2.000000030e-01, v53;
	v54 =	vadd.f32 v54, v20;
	v59 =	vld [tilespmem:s29+$0x48F0]  }
0x49b: {  	v24 =	vmul.f32 $2.000000030e-01, v48;
	v47 =	vmax.f32 v49, v23;
	(xrf2) =	vadd.scan.msk.f32 $0xffff, v19  }
0x49c: {  	v25 =	vmax.f32 v53, v58;
	v47 =	vmul.f32 v47, v3;
	v26 =	vmul.f32 $2.000000030e-01, v54  }
0x49d: {  	v49 =	vmul.f32 v25, v7;
	v19 =	vmax.f32 v48, v24;
	v27 =	vadd.f32 v22, v50  }
0x49e: {  	v19 =	vmul.f32 v19, v4;
	(xrf2) =	vadd.scan.msk.f32 $0xffff, v47;
	v28 =	vmax.f32 v54, v26  }
0x49f: {  	(xrf2) =	vadd.scan.msk.f32 $0xffff, v49;
	v47 =	vmul.f32 v28, v5;
	v30 =	vadd.f32 v59, v57;
	v29 =	vmul.f32 $2.000000030e-01, v27  }
0x4a0: {  	(xrf2) =	vadd.scan.msk.f32 $0xffff, v19  }
0x4a1: {  	(xrf2) =	vadd.scan.msk.f32 $0xffff, v47;
	v49 =	vmul.f32 $2.000000030e-01, v30;
	v48 =	vmax.f32 v27, v29  }
0x4a2: {  	v19 =	vmul.f32 v48, v6  }
0x4a3: {  	v47 =	vmax.f32 v30, v49  }
0x4a4: {  	v53 =	vmul.f32 v47, v3;
	(xrf2) =	vadd.scan.msk.f32 $0xffff, v19  }
0x4a5: {  	v54, _, _ =	vpop (xrf2)  }
0x4a6: {  	v47 =	vmul.f32 $1.442695020e+00, v54;
	(xrf2) =	vadd.scan.msk.f32 $0xffff, v53;
	_ =	sdelay $0x1  }
0x4a7: {  	v56, _, _ =	vpop (xrf2);
	v47 =	vbroadcast v47, $0xF  }
0x4a8: {  	v19 =	vmul.f32 $1.442695020e+00, v56;
	v58, _, _ =	vpop (xrf2)  }
0x4a9: {  	v59 =	vmul.f32 $1.442695020e+00, v58;
	v60, _, _ =	vpop (xrf2);
	(erf) = vpow2.f32 v47  }
0x4aa: {  	v19 =	vbroadcast v19, $0xF;
	v48 =	vmul.f32 $1.442695020e+00, v60;
	v61, _, _ =	vpop (xrf2)  }
0x4ab: {  	v47 =	vbroadcast v59, $0xF;
	v49 =	vmul.f32 $1.442695020e+00, v61  }
0x4ac: {  	(erf) = vpow2.f32 v19;
	v62 =	vbroadcast v48, $0xF  }
0x4ad: {  	(erf) = vpow2.f32 v47;
	v63 =	vbroadcast v49, $0xF;
	v21, _, _ =	vpop (xrf2)  }
0x4ae: {  	(erf) = vpow2.f32 v62;
	v22 =	vmul.f32 $1.442695020e+00, v21  }
0x4af: {  	(erf) = vpow2.f32 v63;
	v23, _, _ =	vpop (xrf2)  }
0x4b0: {  	v47 =	vmul.f32 $1.442695020e+00, v23;
	v19 =	vbroadcast v22, $0xF;
	_ =	sdelay $0x1  }
0x4b1: {  	v24 =	vbroadcast v47, $0xF;
	(erf) = vpow2.f32 v19  }
0x4b2: {  	v49 =	vpop (erf)  }
0x4b3: {  	v25 =	vmul.f32 v49, v51;
	(erf) = vpow2.f32 v24  }
0x4b4: {  	v47 =	vpop (erf)  }
0x4b5: {  	[tilespmem:s17+$0x20] =	vst v25;
	v26 =	vmul.f32 v47, v52;
	v54 =	vpop (erf)  }
0x4b6: {  	v53 =	vld [tilespmem:s18+$0x3130];
	v48 =	vpop (erf)  }
0x4b7: {  	v27 =	vld [tilespmem:s18+$0x4930];
	[tilespmem:s15+$0xFFFFFFF0] =	vst v26;
	v28 =	vmul.f32 v48, v55  }
0x4b8: {  	v58 =	vld [tilespmem:s2+$0x3100];
	v51 =	vpop (erf)  }
0x4b9: {  	v29 =	vld [tilespmem:s2+$0x4900];
	[tilespmem:s4+$0x0] =	vst v28;
	v30 =	vmul.f32 v51, v20  }
0x4ba: {  	v22 =	vld [tilespmem:s24+$0x3110];
	v52 =	vpop (erf)  }
0x4bb: {  	v60 =	vld [tilespmem:s24+$0x4910];
	[tilespmem:s28+$0x10] =	vst v30;
	v23 =	vmul.f32 v52, v50  }
0x4bc: {  	v61 =	vld [tilespmem:s11+$0x3120];
	v50 =	vpop (erf)  }
0x4bd: {  	v62 =	vld [tilespmem:s11+$0x4920];
	v24 =	vmul.f32 v50, v57;
	[tilespmem:s1+$0x20] =	vst v23  }
0x4be: {  	v55 =	vld [tilespmem:s23+$0x3130]  }
0x4bf: {  	v56 =	vadd.f32 v27, v53;
	v25 =	vld [tilespmem:s23+$0x4930];
	[tilespmem:s0+$0xFFFFFFF0] =	vst v24  }
0x4c0: {  	v26 =	vadd.f32 v29, v58;
	v63 =	vld [tilespmem:s29+$0x3100]  }
0x4c1: {  	v27 =	vmul.f32 $2.000000030e-01, v56;
	v60 =	vadd.f32 v60, v22;
	v28 =	vld [tilespmem:s29+$0x4900]  }
0x4c2: {  	v29 =	vmul.f32 $2.000000030e-01, v26  }
0x4c3: {  	v56 =	vmax.f32 v56, v27;
	v30 =	vmul.f32 $2.000000030e-01, v60  }
0x4c4: {  	v56 =	vmul.f32 v56, v7;
	v19 =	vmax.f32 v26, v29;
	v62 =	vadd.f32 v62, v61  }
0x4c5: {  	v19 =	vmul.f32 v19, v4;
	v59 =	vmax.f32 v60, v30;
	v57 =	vadd.f32 v25, v55  }
0x4c6: {  	(xrf2) =	vadd.scan.msk.f32 $0xffff, v56;
	v24 =	vmul.f32 v59, v5;
	v25 =	vmul.f32 $2.000000030e-01, v62;
	v21 =	vadd.f32 v28, v63  }
0x4c7: {  	(xrf2) =	vadd.scan.msk.f32 $0xffff, v19;
	v26 =	vmul.f32 $2.000000030e-01, v57  }
0x4c8: {  	(xrf2) =	vadd.scan.msk.f32 $0xffff, v24;
	v20 =	vmax.f32 v62, v25;
	v27 =	vmul.f32 $2.000000030e-01, v21  }
0x4c9: {  	v20 =	vmul.f32 v20, v6;
	v19 =	vmax.f32 v57, v26  }
0x4ca: {  	v19 =	vmul.f32 v19, v7;
	v21 =	vmax.f32 v21, v27  }
0x4cb: {  	(xrf2) =	vadd.scan.msk.f32 $0xffff, v20;
	v28 =	vmul.f32 v21, v4  }
0x4cc: {  	(xrf2) =	vadd.scan.msk.f32 $0xffff, v19  }
0x4cd: {  	(xrf2) =	vadd.scan.msk.f32 $0xffff, v28;
	_ =	sdelay $0x2  }
0x4ce: {  	v29, _, _ =	vpop (xrf2)  }
0x4cf: {  	v19 =	vmul.f32 $1.442695020e+00, v29;
	v30, _, _ =	vpop (xrf2)  }
0x4d0: {  	v20 =	vmul.f32 $1.442695020e+00, v30;
	v56, _, _ =	vpop (xrf2)  }
0x4d1: {  	v19 =	vbroadcast v19, $0xF;
	v21 =	vmul.f32 $1.442695020e+00, v56  }
0x4d2: {  	v20 =	vbroadcast v20, $0xF  }
0x4d3: {  	(erf) = vpow2.f32 v19;
	v57 =	vbroadcast v21, $0xF;
	v59, _, _ =	vpop (xrf2)  }
0x4d4: {  	(erf) = vpow2.f32 v20;
	v60 =	vmul.f32 $1.442695020e+00, v59;
	v62, _, _ =	vpop (xrf2)  }
0x4d5: {  	(erf) = vpow2.f32 v57;
	v24 =	vmul.f32 $1.442695020e+00, v62;
	v25, _, _ =	vpop (xrf2)  }
0x4d6: {  	v20 =	vbroadcast v60, $0xF;
	v21 =	vmul.f32 $1.442695020e+00, v25  }
0x4d7: {  	v19 =	vbroadcast v24, $0xF  }
0x4d8: {  	(erf) = vpow2.f32 v20;
	v26 =	vbroadcast v21, $0xF  }
0x4d9: {  	(erf) = vpow2.f32 v19  }
0x4da: {  	(erf) = vpow2.f32 v26;
	_ =	sdelay $0x1  }
0x4db: {  	v60 =	vpop (erf)  }
0x4dc: {  	v56 =	vpop (erf)  }
0x4dd: {  	v27 =	vmul.f32 v56, v58  }
0x4de: {  	v58 =	vpop (erf)  }
0x4df: {  	[tilespmem:s15+$0x0] =	vst v27;
	v28 =	vmul.f32 v58, v22  }
0x4e0: {  	v26 =	vld [tilespmem:s2+$0x3110];
	v59 =	vpop (erf)  }
0x4e1: {  	v29 =	vld [tilespmem:s2+$0x4910];
	[tilespmem:s4+$0x10] =	vst v28;
	v30 =	vmul.f32 v59, v61;
	v61 =	vpop (erf)  }
0x4e2: {  	v25 =	vld [tilespmem:s24+$0x3120];
	v57 =	vpop (erf)  }
0x4e3: {  	v22 =	vld [tilespmem:s24+$0x4920];
	[tilespmem:s28+$0x20] =	vst v30;
	v27 =	vmul.f32 v57, v63  }
0x4e4: {  	v62 =	vld [tilespmem:s11+$0x3130]  }
0x4e5: {  	v28 =	vld [tilespmem:s11+$0x4930];
	[tilespmem:s0+$0x0] =	vst v27  }
0x4e6: {  	v24 =	vld [tilespmem:s29+$0x3110]  }
0x4e7: {  	v21 =	vadd.f32 v29, v26;
	v29 =	vld [tilespmem:s29+$0x4910];
	_ =	sdelay $0x1  }
0x4e8: {  	v30 =	vmul.f32 $2.000000030e-01, v21  }
0x4e9: {  	v22 =	vadd.f32 v22, v25  }
0x4ea: {  	v19 =	vmax.f32 v21, v30;
	v27 =	vadd.f32 v28, v62  }
0x4eb: {  	v19 =	vmul.f32 v19, v5;
	v28 =	vmul.f32 $2.000000030e-01, v22;
	v20 =	vadd.f32 v29, v24  }
0x4ec: {  	v29 =	vmul.f32 $2.000000030e-01, v27  }
0x4ed: {  	(xrf2) =	vadd.scan.msk.f32 $0xffff, v19;
	v30 =	vmax.f32 v22, v28;
	v63 =	vmul.f32 $2.000000030e-01, v20  }
0x4ee: {  	v19 =	vmul.f32 v30, v6;
	v21 =	vmax.f32 v27, v29  }
0x4ef: {  	v21 =	vmul.f32 v21, v7;
	v20 =	vmax.f32 v20, v63  }
0x4f0: {  	(xrf2) =	vadd.scan.msk.f32 $0xffff, v19;
	v23 =	vmul.f32 v20, v5  }
0x4f1: {  	(xrf2) =	vadd.scan.msk.f32 $0xffff, v21  }
0x4f2: {  	(xrf2) =	vadd.scan.msk.f32 $0xffff, v23;
	_ =	sdelay $0x4  }
0x4f3: {  	v27, _, _ =	vpop (xrf2)  }
0x4f4: {  	v19 =	vmul.f32 $1.442695020e+00, v27;
	_ =	sdelay $0x1  }
0x4f5: {  	v19 =	vbroadcast v19, $0xF;
	v28, _, _ =	vpop (xrf2)  }
0x4f6: {  	v20 =	vmul.f32 $1.442695020e+00, v28;
	v21, _, _ =	vpop (xrf2)  }
0x4f7: {  	(erf) = vpow2.f32 v19;
	v29 =	vmul.f32 $1.442695020e+00, v21;
	v30, _, _ =	vpop (xrf2)  }
0x4f8: {  	v20 =	vbroadcast v20, $0xF;
	v21 =	vmul.f32 $1.442695020e+00, v30  }
0x4f9: {  	v19 =	vbroadcast v29, $0xF  }
0x4fa: {  	(erf) = vpow2.f32 v20;
	v63 =	vbroadcast v21, $0xF  }
0x4fb: {  	(erf) = vpow2.f32 v19  }
0x4fc: {  	(erf) = vpow2.f32 v63;
	_ =	sdelay $0x4  }
0x4fd: {  	v30 =	vpop (erf)  }
0x4fe: {  	v21 =	vmul.f32 v30, v26  }
0x4ff: {  	v29 =	vpop (erf)  }
0x500: {  	[tilespmem:s15+$0x10] =	vst v21;
	v19 =	vmul.f32 v29, v25;
	v28 =	vpop (erf)  }
0x501: {  	v23 =	vld [tilespmem:s2+$0x3120];
	v63 =	vpop (erf)  }
0x502: {  	v25 =	vld [tilespmem:s2+$0x4920];
	[tilespmem:s4+$0x20] =	vst v19;
	v22 =	vmul.f32 v63, v24  }
0x503: {  	v27 =	vld [tilespmem:s24+$0x3130]  }
0x504: {  	v26 =	vld [tilespmem:s24+$0x4930];
	[tilespmem:s0+$0x10] =	vst v22  }
0x505: {  	v22 =	vld [tilespmem:s29+$0x3120]  }
0x506: {  	v20 =	vld [tilespmem:s29+$0x4920];
	_ =	sdelay $0x1  }
0x507: {  	v25 =	vadd.f32 v25, v23;
	_ =	sdelay $0x1  }
0x508: {  	v24 =	vmul.f32 $2.000000030e-01, v25;
	v26 =	vadd.f32 v26, v27  }
0x509: {  	v20 =	vadd.f32 v20, v22  }
0x50a: {  	v19 =	vmax.f32 v25, v24;
	v25 =	vmul.f32 $2.000000030e-01, v26  }
0x50b: {  	v21 =	vmul.f32 $2.000000030e-01, v20  }
0x50c: {  	v19 =	vmul.f32 v19, v6;
	v25 =	vmax.f32 v26, v25  }
0x50d: {  	v24 =	vmul.f32 v25, v7;
	v26 =	vmax.f32 v20, v21  }
0x50e: {  	(xrf2) =	vadd.scan.msk.f32 $0xffff, v19;
	v19 =	vmul.f32 v26, v6  }
0x50f: {  	(xrf2) =	vadd.scan.msk.f32 $0xffff, v24  }
0x510: {  	(xrf2) =	vadd.scan.msk.f32 $0xffff, v19;
	_ =	sdelay $0x7  }
0x511: {  	v25, _, _ =	vpop (xrf2)  }
0x512: {  	v19 =	vmul.f32 $1.442695020e+00, v25;
	v20, _, _ =	vpop (xrf2)  }
0x513: {  	v20 =	vmul.f32 $1.442695020e+00, v20;
	v26, _, _ =	vpop (xrf2)  }
0x514: {  	v19 =	vbroadcast v19, $0xF;
	v21 =	vmul.f32 $1.442695020e+00, v26  }
0x515: {  	v24 =	vbroadcast v20, $0xF  }
0x516: {  	(erf) = vpow2.f32 v19;
	v25 =	vbroadcast v21, $0xF  }
0x517: {  	(erf) = vpow2.f32 v24  }
0x518: {  	(erf) = vpow2.f32 v25;
	_ =	sdelay $0x6  }
0x519: {  	v24 =	vpop (erf)  }
0x51a: {  	v26 =	vmul.f32 v24, v23;
	v21 =	vpop (erf)  }
0x51b: {  	v20 =	vpop (erf)  }
0x51c: {  	[tilespmem:s15+$0x20] =	vst v26;
	v22 =	vmul.f32 v20, v22  }
0x51d: {  	v23 =	vld [tilespmem:s2+$0x3130]  }
0x51e: {  	v19 =	vld [tilespmem:s2+$0x4930];
	[tilespmem:s0+$0x20] =	vst v22  }
0x51f: {  	v22 =	vld [tilespmem:s29+$0x3130]  }
0x520: {  	v26 =	vld [tilespmem:s29+$0x4930];
	_ =	sdelay $0x2  }
0x521: {  	v25 =	vadd.f32 v19, v23;
	_ =	sdelay $0x1  }
0x522: {  	v19 =	vmul.f32 $2.000000030e-01, v25;
	v26 =	vadd.f32 v26, v22;
	_ =	sdelay $0x1  }
0x523: {  	v19 =	vmax.f32 v25, v19;
	v25 =	vmul.f32 $2.000000030e-01, v26;
	_ =	sdelay $0x1  }
0x524: {  	v26 =	vmax.f32 v26, v25;
	v25 =	vld [tilespmem:$0x1FF40];
	_ =	sdelay $0x4  }
0x525: {  	v15 =	vsel vm1, v15, v25;
	v25 =	vld [tilespmem:$0x1FF60];
	_ =	sdelay $0x1  }
0x526: {  	v19 =	vmul.f32 v19, v7;
	_ =	sdelay $0x1  }
0x527: {  	(xrf2) =	vadd.scan.msk.f32 $0xffff, v19;
	v19 =	vmul.f32 v26, v7;
	v26 =	vld [tilespmem:$0x1FF50]  }
0x528: {  	v14 =	vsel vm5, v14, v25;
	v25 =	vld [tilespmem:$0x1FF80];
	_ =	sdelay $0x3  }
0x529: {  	v9 =	vsel vm4, v9, v26;
	v26 =	vld [tilespmem:$0x1FF70]  }
0x52a: {  	v8 =	vsel vm6, v8, v25;
	v25 =	vld [tilespmem:$0x1FFA0];
	_ =	sdelay $0x4  }
0x52b: {  	v11 =	vsel vm2, v11, v26;
	v26 =	vld [tilespmem:$0x1FF90];
	[tilespmem:s25+$0x40] =	vst v18;
	v13 =	vmul.f32 v25, v13  }
0x52c: {  	(xrf2) =	vadd.scan.msk.f32 $0xffff, v19;
	v18 =	vld [tilespmem:$0x1FFB0]  }
0x52d: {  	v12 =	vsel vm7, v12, v25;
	v25 =	vld [tilespmem:$0x1FFC0];
	[tilespmem:s16+$0x30] =	vst v13  }
0x52e: {  	v13 =	vld [tilespmem:$0x1FFD0]  }
0x52f: {  	v19 =	vld [tilespmem:$0x1FFE0]  }
0x530: {  	v10 =	vsel vm3, v10, v26;
	v26, _, _ =	vpop (xrf2)  }
0x531: {  	v26 =	vmul.f32 $1.442695020e+00, v26  }
0x532: {  	v11 =	vsel vm3, v11, v32  }
0x533: {  	v11 =	vsel vm4, v11, v40;
	v26 =	vbroadcast v26, $0xF  }
0x534: {  	v9 =	vsel vm5, v9, v13;
	v13 =	vsel vm2, v15, v31;
	v15 =	vmul.f32 v36, v19  }
0x535: {  	v8 =	vsel vm7, v8, v36;
	v10 =	vsel vm4, v10, v33;
	(erf) = vpow2.f32 v26;
	[tilespmem:s16+$0x40] =	vst v12  }
0x536: {  	v17 =	vsel vm4, v17, v25;
	v25 =	vsel vm6, v14, v34;
	v34 =	vmul.f32 v46, v35;
	v31, _, _ =	vpop (xrf2);
	[tilespmem:s20+$0x30] =	vst v15  }
0x537: {  	v16 =	vsel vm1, v16, v18;
	v35 =	vmul.f32 v54, v45;
	v18 =	vmul.f32 $1.442695020e+00, v31;
	v15 =	vld [tilespmem:$0x1FFF0];
	[tilespmem:s20+$0x40] =	vst v8  }
0x538: {  	v45 =	vsel vm5, v10, v43;
	v12 =	vsel vm7, v25, v46;
	v17 =	vsel vm5, v17, v39;
	[tilespmem:s21+$0x30] =	vst v34  }
0x539: {  	v9 =	vsel vm6, v9, v42;
	v42 =	vsel vm6, v17, v49;
	v36 =	vbroadcast v18, $0xF;
	[tilespmem:s21+$0x40] =	vst v12  }
0x53a: {  	v13 =	vsel vm3, v13, v41;
	v9 =	vsel vm7, v9, v54;
	v46 =	vsel vm7, v42, v60;
	[tilespmem:s19+$0x30] =	vst v35  }
0x53b: {  	v13 =	vsel vm4, v13, v48;
	[tilespmem:s19+$0x40] =	vst v9;
	v9 =	vsel vm6, v45, v52;
	(erf) = vpow2.f32 v36  }
0x53c: {  	v49 =	vmul.f32 v61, v55;
	[tilespmem:s17+$0x40] =	vst v46;
	v58 =	vsel vm5, v13, v58;
	v9 =	vsel vm7, v9, v61  }
0x53d: {  	v39 =	vsel vm2, v16, v38;
	v54 =	vmul.f32 v28, v62;
	[tilespmem:s1+$0x40] =	vst v9;
	v9 =	vsel vm6, v58, v29  }
0x53e: {  	v55 =	vsel vm3, v39, v47;
	[tilespmem:s1+$0x30] =	vst v49;
	v9 =	vsel vm7, v9, v21;
	v15 =	vnsel vm0, $0x0, v15  }
0x53f: {  	[tilespmem:s28+$0x30] =	vst v54;
	v8 =	vsel vm1, v15, v37;
	v37 =	vmul.f32 v60, v53;
	v53 =	vsel vm5, v11, v51  }
0x540: {  	v12 =	vsel vm4, v55, v56;
	[tilespmem:s4+$0x40] =	vst v9;
	v8 =	vsel vm2, v8, v44;
	v10 =	vsel vm6, v53, v59  }
0x541: {  	v60 =	vpop (erf);
	v59 =	vmul.f32 v21, v27;
	[tilespmem:s17+$0x30] =	vst v37;
	v10 =	vsel vm7, v10, v28;
	v8 =	vsel vm3, v8, v50  }
0x542: {  	v12 =	vsel vm5, v12, v30;
	v61 =	vmul.f32 v60, v23;
	[tilespmem:s28+$0x40] =	vst v10;
	v8 =	vsel vm4, v8, v57  }
0x543: {  	p0 =	sne.s32 s26, $0x6C;
	v12 =	vsel vm6, v12, v24;
	[tilespmem:s4+$0x30] =	vst v59;
	v8 =	vsel vm5, v8, v63  }
.Ltmp5:
0x544: {  	v10 =	vsel vm7, v12, v60;
	[tilespmem:s15+$0x30] =	vst v61;
	v62 =	vpop (erf);
	v8 =	vsel vm6, v8, v20;
	(pc) =	sbr.rel @p0 .LBB2_2-.Ltmp5, $4  }
0x545: {  	[tilespmem:s15+$0x40] =	vst v10;
	v63 =	vmul.f32 v62, v22;
	v8 =	vsel vm7, v8, v62  }
0x546: {  	[tilespmem:s0+$0x40] =	vst v8  }
0x547: {  	s30 =	simm.s32 $0x7BC0;
	s25 =	smov.u32 s26;
	[tilespmem:s0+$0x30] =	vst v63;
	s0 =	simm.s32 $0x96F0  }
0x548: {  	[spmem:s31] =	stream.indirect.scatter.add.f32 [tilespmem:s30], [sflag:$0x6], $0x90, s0, s22, $0xb8;
	[tilespmem:$0x1FB20] =	vst v63  }
0x549: {  	s0 =	simm.s32 $0x5  }
0x54a: {  	_ =	swait.ge [sflag:s0], $0x1B00  }
0x54b: {  	[sflag:s0] =	ssyncset.done $0x0  }
0x54c: {  	s29 =	simm.s32 $0x6;
	[sflag:s0] =	ssyncadd.s32 $0xFFFFE500  }
0x54d: {  	_ =	swait.ge [sflag:s29], $0x1B00  }
0x54e: {  	[sflag:s29] =	ssyncset.done $0x0  }
0x54f: {  	[sflag:s29] =	ssyncadd.s32 $0xFFFFE500  }
0x550: {  	[bflag:$0x0] =	sbarrier.arrive $0xFFFF  }
0x551: {  	s30 =	rddreg [dreg:$0xb]  }
0x552: {  	s11 =	rddreg [dreg:$0xd]  }
0x553: {  	s4 =	simm.s32 $0xB;
	s12 =	rddreg [dreg:$0xe]  }
0x554: {  	[hbm:s30], [sflag:s11] =	dma.local [spmem:s12], $0x2C70  }
0x555: {  	_ =	swait.ge [sflag:s4], $0x2C70  }
0x556: {  	s1 =	rddreg [dreg:$0xf]  }
0x557: {  	s31 =	rddreg [dreg:$0xc];
	s1 =	sadd.s32 $0x1, s1  }
0x558: {  	p0 =	sne.s32 s1, s31  }
.Ltmp6:
0x559: {  	_ = 	snop;
	(pc) =	sbr.rel @p0 .LBB2_1-.Ltmp6, $3  }
0x55a: {  	_ =	sdelay $0x1  }
0x55b: {  	[sflag:s4] =	ssyncset.done $0x0  }
0x55c: {  	[sflag:s4] =	ssyncadd.s32 $0xFFFFD390  }
0x55d: {  	_ =	sfence.sel $0x180000  }
0x55e: {  	[bflag:$0x0] =	sbarrier.arrive $0xFFFF  }
0x55f: {  	_ =	strace $0x90000047  }
0x560: {  	s0 =	stileid.u32;
	[bflag:$0x2] =	sbarrier.arrive $0xFFFF  }
0x561: {  	p0 =	sne.s32 s0, $0x0;
	s0 =	rddreg [dreg:$0x3]  }
0x562: {  	s0 =	sadd.s32 @!p0 $0x100000, s0  }
0x563: {  	[sflag:s0] =	ssyncadd.tile.s32 @!p0 $0x1;
	_ =	shalt  }
.Lfunc_end2:
_tile_overlayer_lowered:
.L_overlay_start_2:
0x564: {  	(tag) =	ssettag $0x2  }
0x565: {  	s0 =	rddreg [dreg:$0x0];
	s2 =	stileid.u32  }
0x566: {  	s1 =	rddreg [dreg:$0x1];
	p0 =	sne.s32 s2, $0x0  }
0x567: {  	s3 =	rddreg [dreg:$0x2];
	[bflag:$0x3] =	sbarrier.arrive $0xFFFF;
	s2 =	simm.s32 @!p0 $0x1C0B  }
0x568: {  	[timem:s3], [sflag:s2] =	dma.local @!p0 [hbm:s0], s1  }
0x569: {  	s0 =	simm.s32 @!p0 $0xB  }
0x56a: {  	_ =	swait.ge @!p0 [sflag:s0], s1  }
0x56b: {  	s1 =	ssub.s32 @!p0 $0x0, s1;
	[sflag:s0] =	ssyncset.done @!p0 $0x0  }
0x56c: {  	[sflag:s0] =	ssyncadd.s32 @!p0 s1  }
0x56d: {  	[bflag:$0x3] =	sbarrier.arrive $0xFFFF  }
0x56e: {  	_ =	shalt  }

</sc_bundles>
